<compile_context>
chip_gen: v7x
topology: tpu7x:2x2x1
jax: 0.10.2.dev20260603
libtpu: 0.0.44.dev20260713+nightly
codegen_flags: <defaults>
</compile_context>

<pallas_src>
import functools

import jax
import jax.numpy as jnp
from jax import lax
from jax.experimental import pallas as pl
from jax.experimental.pallas import tpu as pltpu
from jax.experimental.pallas import tpu_sc as plsc

NN = 10000
EE = 320000
DD = 128

NC = 2
NS = 16
LL = 16
NW = NC * NS
EPW = EE // NW
K = 40
C = EPW // K
NB = 4
ZBK = K


def _tc_atty(x, W, b):
    def body(x_ref, w_ref, b_ref, o_ref):
        o_ref[...] = jnp.tanh(
            jnp.dot(x_ref[...], w_ref[...], preferred_element_type=jnp.float32)
            + b_ref[...]
        )

    return pl.pallas_call(
        body,
        out_shape=jax.ShapeDtypeStruct((NN, DD), jnp.float32),
    )(x, W, b.reshape(1, DD))


def _tc_add(p0, p1):
    def body(a_ref, b_ref, o_ref):
        o_ref[...] = a_ref[...] + b_ref[...]

    return pl.pallas_call(
        body,
        out_shape=jax.ShapeDtypeStruct((NN, DD), jnp.float32),
    )(p0, p1)


@functools.partial(
    pl.kernel,
    out_type=jax.ShapeDtypeStruct((2 * NN, DD), jnp.float32),
    mesh=plsc.VectorSubcoreMesh(core_axis_name="c", subcore_axis_name="s"),
    scratch_types=[
        pltpu.VMEM((NB, K), jnp.int32),
        pltpu.VMEM((NB, K, DD), jnp.float32),
        pltpu.VMEM((NB, K, DD), jnp.float32),
        pltpu.VMEM_SHARED((NN, DD), jnp.float32),
        pltpu.SemaphoreType.DMA((NB,)),
        pltpu.SemaphoreType.DMA((NB,)),
        pltpu.SemaphoreType.DMA((NB,)),
        pltpu.SemaphoreType.DMA,
    ],
)
def _sc_attend(atty_hbm, dst2_hbm, msg_hbm, out_hbm,
               idxb, gbuf, mbuf, acc, sem_i, sem_d, sem_s, sem_z):
    c = lax.axis_index("c")
    s = lax.axis_index("s")
    wid = s * NC + c
    ebase = wid * EPW

    zv = jnp.zeros((LL,), jnp.float32)

    def zrow(i, carry):
        for j in range(DD // LL):
            gbuf[0, i, pl.ds(j * LL, LL)] = zv
        return carry

    lax.fori_loop(0, K, zrow, 0)

    NBLK = NN // ZBK

    def zacc(q, nz):
        blk = s + q * NS

        @pl.when(blk < NBLK)
        def _():
            pltpu.async_copy(gbuf.at[0],
                             acc.at[pl.ds(blk * ZBK, ZBK)], sem_z)

        return nz + jnp.where(blk < NBLK, 1, 0)

    nz = lax.fori_loop(0, (NBLK + NS - 1) // NS, zacc, 0)

    def zdrain(q, carry):
        pltpu.make_async_copy(gbuf.at[0], acc.at[pl.ds(0, ZBK)],
                              sem_z).wait()
        return carry

    lax.fori_loop(0, nz, zdrain, 0)
    plsc.subcore_barrier()

    def idx_start(ci, j):
        pltpu.async_copy(dst2_hbm.at[wid, ci], idxb.at[j], sem_i.at[j])

    def idx_wait(j):
        pltpu.make_async_copy(dst2_hbm.at[wid, 0], idxb.at[j],
                              sem_i.at[j]).wait()

    def data_start(ci, j):
        pltpu.async_copy(atty_hbm.at[idxb.at[j]], gbuf.at[j], sem_d.at[j])
        pltpu.async_copy(msg_hbm.at[pl.ds(ebase + ci * K, K)],
                         mbuf.at[j], sem_d.at[j])

    def data_wait(j):
        pltpu.make_async_copy(atty_hbm.at[pl.ds(0, K)], gbuf.at[j],
                              sem_d.at[j]).wait()
        pltpu.make_async_copy(msg_hbm.at[pl.ds(0, K)], mbuf.at[j],
                              sem_d.at[j]).wait()

    def scat_start(j):
        pltpu.async_copy(mbuf.at[j], acc.at[idxb.at[j]], sem_s.at[j],
                         add=True)

    def scat_wait(j):
        pltpu.make_async_copy(mbuf.at[j], acc.at[idxb.at[j]],
                              sem_s.at[j]).wait()

    def compute(j):
        @plsc.parallel_loop(0, K, unroll=2)
        def body(i):
            acc0 = jnp.zeros((LL,), jnp.float32)
            acc1 = jnp.zeros((LL,), jnp.float32)
            ms = []
            for q in range(DD // LL):
                gq = gbuf[j, i, pl.ds(q * LL, LL)]
                mq = mbuf[j, i, pl.ds(q * LL, LL)]
                ms.append(mq)
                if q % 2 == 0:
                    acc0 = acc0 + gq * mq
                else:
                    acc1 = acc1 + gq * mq
            accv = acc0 + acc1
            lanes = lax.iota(jnp.int32, LL)
            for sh in (8, 4, 2, 1):
                accv = accv + accv.at[lanes ^ sh].get(
                    mode="promise_in_bounds")
            sig = 1.0 / (1.0 + jnp.exp(-accv))
            for q in range(DD // LL):
                mbuf[j, i, pl.ds(q * LL, LL)] = sig * ms[q]

    idx_start(0, 0)
    idx_start(1, 1)
    idx_start(2, 2)
    idx_wait(0)
    data_start(0, 0)
    idx_wait(1)
    data_start(1, 1)

    def step(ci, j):
        @pl.when(ci >= 1)
        def _():
            scat_wait((j + NB - 1) % NB)

        @pl.when(ci + 3 < C)
        def _():
            idx_start(ci + 3, (j + 3) % NB)

        @pl.when(ci + 2 < C)
        def _():
            idx_wait((j + 2) % NB)
            data_start(ci + 2, (j + 2) % NB)

        data_wait(j)
        compute(j)
        scat_start(j)

    def group(g, carry):
        for j in range(NB):
            step(g * NB + j, j)
        return carry

    lax.fori_loop(0, C // NB, group, 0)
    for ci in range(C - C % NB, C):
        step(ci, ci % NB)
    scat_wait((C - 1) % NB)

    plsc.subcore_barrier()

    def flush(q, nf):
        blk = s + q * NS

        @pl.when(blk < NBLK)
        def _():
            pltpu.async_copy(acc.at[pl.ds(blk * ZBK, ZBK)],
                             out_hbm.at[pl.ds(c * NN + blk * ZBK, ZBK)],
                             sem_z)

        return nf + jnp.where(blk < NBLK, 1, 0)

    nf = lax.fori_loop(0, (NBLK + NS - 1) // NS, flush, 0)

    def fdrain(q, carry):
        pltpu.make_async_copy(acc.at[pl.ds(0, ZBK)],
                              out_hbm.at[pl.ds(0, ZBK)], sem_z).wait()
        return carry

    lax.fori_loop(0, nf, fdrain, 0)


def kernel(x, messages, dst, W, b):
    atty = _tc_atty(x, W, b)
    dst2 = dst.reshape(NW, C, K)
    partial = _sc_attend(atty, dst2, messages)
    return _tc_add(partial[:NN], partial[NN:])

# --- scband reference (transcript-rebuilt; emitter-appended) ---
"""Pipeline reference for scband-atten-75771813036289 (READ-ONLY COPY).

The authoritative reference and input builder live on the scoring server;
editing this copy changes nothing except your own understanding.
"""

import jax, jax.numpy as jnp
import numpy as np

N = 10000
E = 320000
D = 128

def setup_inputs(seed: int = 0) -> dict:
    key = jax.random.key(seed)
    k1, k2, k3, k4 = jax.random.split(key, 4)
    x = jax.random.normal(k1, (N, D), dtype=jnp.float32)
    messages = jax.random.normal(k2, (E, D), dtype=jnp.float32)
    dst = jax.random.randint(k3, (E,), 0, N, dtype=jnp.int32)
    W = jax.random.normal(k4, (D, D), dtype=jnp.float32) * (1.0 / np.sqrt(D))
    b = jnp.zeros((D,), dtype=jnp.float32)
    return {"x": x, "messages": messages, "dst": dst, "W": W, "b": b}

def reference(x, messages, dst, W, b):
    # Dense(tanh) projection of node representations (conrep -> atty)
    atty = jnp.tanh(x @ W + b)
    # gather destination-node attention vectors for each edge message
    g = jnp.take(atty, dst, axis=0)
    # per-message attention score: sigmoid(<atty[dst_e], msg_e>)
    scores = jax.nn.sigmoid(jnp.sum(g * messages, axis=1))
    # weighted messages scatter-added into per-node accumulator (tensor_scatter_nd_add)
    updates = messages * scores[:, None]
    out = jnp.zeros((x.shape[0], x.shape[1]), dtype=x.dtype).at[dst].add(updates)
    return out

if __name__ == "__main__":
    import jax
    _d = setup_inputs()
    print(jax.jit(kernel)(*tuple(_d.values())))

</pallas_src>

<mosaic_0001>
#map = affine_map<(d0, d1) -> (0, 0)>
#map1 = affine_map<(d0, d1) -> (0, 0, 0)>
module attributes {stable_mosaic.version = 14 : i64} {
  func.func @_sc_attend(%arg0: i32, %arg1: i32, %arg2: memref<10000x128xf32, #tpu.memory_space<hbm>>, %arg3: memref<32x250x40xi32, #tpu.memory_space<hbm>>, %arg4: memref<320000x128xf32, #tpu.memory_space<hbm>>, %arg5: memref<20000x128xf32, #tpu.memory_space<hbm>>, %arg6: memref<4x40xi32, #tpu.memory_space<vmem>>, %arg7: memref<4x40x128xf32, #tpu.memory_space<vmem>>, %arg8: memref<4x40x128xf32, #tpu.memory_space<vmem>>, %arg9: memref<10000x128xf32, #tpu.memory_space<vmem_shared>>, %arg10: memref<4x!tpu.dma_semaphore, #tpu.memory_space<semaphore_mem>>, %arg11: memref<4x!tpu.dma_semaphore, #tpu.memory_space<semaphore_mem>>, %arg12: memref<4x!tpu.dma_semaphore, #tpu.memory_space<semaphore_mem>>, %arg13: memref<!tpu.dma_semaphore, #tpu.memory_space<semaphore_mem>>) attributes {dimension_semantics = [#tpu.dimension_semantics<core_parallel>, #tpu.dimension_semantics<subcore_parallel>], iteration_bounds = array<i64: 2, 16>, scalar_prefetch = 0 : i64, scratch_operands = 8 : i64, tpu.core_type = #tpu.core_type<sc_vector_subcore>, window_params = [{transform_indices = #map}, {transform_indices = #map1}, {transform_indices = #map}, {transform_indices = #map}]} {
    %mul3A = arith.constant 2 : i32
    %mul3A_0 = arith.muli %arg1, %mul3A : i32
    %add3A = arith.addi %mul3A_0, %arg0 : i32
    %mul3A_1 = arith.constant 10000 : i32
    %mul3A_2 = arith.muli %add3A, %mul3A_1 : i32
    %broadcast_in_dim3A = arith.constant 0.000000e+00 : f32
    %broadcast_in_dim3A_3 = vector.broadcast %broadcast_in_dim3A : f32 to vector<16xf32>
    %scan3A = arith.constant 0 : i32
    %scan3A_4 = arith.constant 0 : i32
    %scan3A_5 = arith.constant 40 : i32
    %scan3A_6 = arith.addi %scan3A_4, %scan3A_5 : i32
    %scan3A_7 = arith.constant 1 : i32
    scf.for %scan3A_350 = %scan3A_4 to %scan3A_6 step %scan3A_7  : i32 {
      %swap3A = arith.constant 0 : i32
      %swap3A_351 = arith.index_cast %swap3A : i32 to index
      %swap3A_352 = arith.index_cast %scan3A_350 : i32 to index
      %swap3A_353 = arith.constant 0 : index
      %swap3A_354 = tpu.vector_load %arg7[%swap3A_351, %swap3A_352, %swap3A_353] {strides = array<i32>} : memref<4x40x128xf32, #tpu.memory_space<vmem>>, vector<1x1x16xf32>,
      %swap3A_355 = vector.shape_cast %swap3A_354 : vector<1x1x16xf32> to vector<16xf32>
      %swap3A_356 = vector.shape_cast %broadcast_in_dim3A_3 : vector<16xf32> to vector<1x1x16xf32>
      tpu.vector_store %arg7[%swap3A_351, %swap3A_352, %swap3A_353], %swap3A_356 {strides = array<i32>} : memref<4x40x128xf32, #tpu.memory_space<vmem>>, vector<1x1x16xf32>,
      %swap3A_357 = arith.constant 0 : i32
      %swap3A_358 = arith.index_cast %swap3A_357 : i32 to index
      %swap3A_359 = arith.index_cast %scan3A_350 : i32 to index
      %swap3A_360 = arith.constant 16 : index
      %swap3A_361 = tpu.vector_load %arg7[%swap3A_358, %swap3A_359, %swap3A_360] {strides = array<i32>} : memref<4x40x128xf32, #tpu.memory_space<vmem>>, vector<1x1x16xf32>,
      %swap3A_362 = vector.shape_cast %swap3A_361 : vector<1x1x16xf32> to vector<16xf32>
      %swap3A_363 = vector.shape_cast %broadcast_in_dim3A_3 : vector<16xf32> to vector<1x1x16xf32>
      tpu.vector_store %arg7[%swap3A_358, %swap3A_359, %swap3A_360], %swap3A_363 {strides = array<i32>} : memref<4x40x128xf32, #tpu.memory_space<vmem>>, vector<1x1x16xf32>,
      %swap3A_364 = arith.constant 0 : i32
      %swap3A_365 = arith.index_cast %swap3A_364 : i32 to index
      %swap3A_366 = arith.index_cast %scan3A_350 : i32 to index
      %swap3A_367 = arith.constant 32 : index
      %swap3A_368 = tpu.vector_load %arg7[%swap3A_365, %swap3A_366, %swap3A_367] {strides = array<i32>} : memref<4x40x128xf32, #tpu.memory_space<vmem>>, vector<1x1x16xf32>,
      %swap3A_369 = vector.shape_cast %swap3A_368 : vector<1x1x16xf32> to vector<16xf32>
      %swap3A_370 = vector.shape_cast %broadcast_in_dim3A_3 : vector<16xf32> to vector<1x1x16xf32>
      tpu.vector_store %arg7[%swap3A_365, %swap3A_366, %swap3A_367], %swap3A_370 {strides = array<i32>} : memref<4x40x128xf32, #tpu.memory_space<vmem>>, vector<1x1x16xf32>,
      %swap3A_371 = arith.constant 0 : i32
      %swap3A_372 = arith.index_cast %swap3A_371 : i32 to index
      %swap3A_373 = arith.index_cast %scan3A_350 : i32 to index
      %swap3A_374 = arith.constant 48 : index
      %swap3A_375 = tpu.vector_load %arg7[%swap3A_372, %swap3A_373, %swap3A_374] {strides = array<i32>} : memref<4x40x128xf32, #tpu.memory_space<vmem>>, vector<1x1x16xf32>,
      %swap3A_376 = vector.shape_cast %swap3A_375 : vector<1x1x16xf32> to vector<16xf32>
      %swap3A_377 = vector.shape_cast %broadcast_in_dim3A_3 : vector<16xf32> to vector<1x1x16xf32>
      tpu.vector_store %arg7[%swap3A_372, %swap3A_373, %swap3A_374], %swap3A_377 {strides = array<i32>} : memref<4x40x128xf32, #tpu.memory_space<vmem>>, vector<1x1x16xf32>,
      %swap3A_378 = arith.constant 0 : i32
      %swap3A_379 = arith.index_cast %swap3A_378 : i32 to index
      %swap3A_380 = arith.index_cast %scan3A_350 : i32 to index
      %swap3A_381 = arith.constant 64 : index
      %swap3A_382 = tpu.vector_load %arg7[%swap3A_379, %swap3A_380, %swap3A_381] {strides = array<i32>} : memref<4x40x128xf32, #tpu.memory_space<vmem>>, vector<1x1x16xf32>,
      %swap3A_383 = vector.shape_cast %swap3A_382 : vector<1x1x16xf32> to vector<16xf32>
      %swap3A_384 = vector.shape_cast %broadcast_in_dim3A_3 : vector<16xf32> to vector<1x1x16xf32>
      tpu.vector_store %arg7[%swap3A_379, %swap3A_380, %swap3A_381], %swap3A_384 {strides = array<i32>} : memref<4x40x128xf32, #tpu.memory_space<vmem>>, vector<1x1x16xf32>,
      %swap3A_385 = arith.constant 0 : i32
      %swap3A_386 = arith.index_cast %swap3A_385 : i32 to index
      %swap3A_387 = arith.index_cast %scan3A_350 : i32 to index
      %swap3A_388 = arith.constant 80 : index
      %swap3A_389 = tpu.vector_load %arg7[%swap3A_386, %swap3A_387, %swap3A_388] {strides = array<i32>} : memref<4x40x128xf32, #tpu.memory_space<vmem>>, vector<1x1x16xf32>,
      %swap3A_390 = vector.shape_cast %swap3A_389 : vector<1x1x16xf32> to vector<16xf32>
      %swap3A_391 = vector.shape_cast %broadcast_in_dim3A_3 : vector<16xf32> to vector<1x1x16xf32>
      tpu.vector_store %arg7[%swap3A_386, %swap3A_387, %swap3A_388], %swap3A_391 {strides = array<i32>} : memref<4x40x128xf32, #tpu.memory_space<vmem>>, vector<1x1x16xf32>,
      %swap3A_392 = arith.constant 0 : i32
      %swap3A_393 = arith.index_cast %swap3A_392 : i32 to index
      %swap3A_394 = arith.index_cast %scan3A_350 : i32 to index
      %swap3A_395 = arith.constant 96 : index
      %swap3A_396 = tpu.vector_load %arg7[%swap3A_393, %swap3A_394, %swap3A_395] {strides = array<i32>} : memref<4x40x128xf32, #tpu.memory_space<vmem>>, vector<1x1x16xf32>,
      %swap3A_397 = vector.shape_cast %swap3A_396 : vector<1x1x16xf32> to vector<16xf32>
      %swap3A_398 = vector.shape_cast %broadcast_in_dim3A_3 : vector<16xf32> to vector<1x1x16xf32>
      tpu.vector_store %arg7[%swap3A_393, %swap3A_394, %swap3A_395], %swap3A_398 {strides = array<i32>} : memref<4x40x128xf32, #tpu.memory_space<vmem>>, vector<1x1x16xf32>,
      %swap3A_399 = arith.constant 0 : i32
      %swap3A_400 = arith.index_cast %swap3A_399 : i32 to index
      %swap3A_401 = arith.index_cast %scan3A_350 : i32 to index
      %swap3A_402 = arith.constant 112 : index
      %swap3A_403 = tpu.vector_load %arg7[%swap3A_400, %swap3A_401, %swap3A_402] {strides = array<i32>} : memref<4x40x128xf32, #tpu.memory_space<vmem>>, vector<1x1x16xf32>,
      %swap3A_404 = vector.shape_cast %swap3A_403 : vector<1x1x16xf32> to vector<16xf32>
      %swap3A_405 = vector.shape_cast %broadcast_in_dim3A_3 : vector<16xf32> to vector<1x1x16xf32>
      tpu.vector_store %arg7[%swap3A_400, %swap3A_401, %swap3A_402], %swap3A_405 {strides = array<i32>} : memref<4x40x128xf32, #tpu.memory_space<vmem>>, vector<1x1x16xf32>,
    }
    %scan3A_8 = arith.constant 40 : i32
    %scan3A_9 = arith.constant 0 : i32
    %scan3A_10 = arith.constant 0 : i32
    %scan3A_11 = arith.constant 16 : i32
    %scan3A_12 = arith.addi %scan3A_10, %scan3A_11 : i32
    %scan3A_13 = arith.constant 1 : i32
    %scan3A_14 = scf.for %scan3A_350 = %scan3A_10 to %scan3A_12 step %scan3A_13 iter_args(%scan3A_351 = %scan3A_9) -> (i32)  : i32 {
      %mul3A_352 = arith.constant 16 : i32
      %mul3A_353 = arith.muli %scan3A_350, %mul3A_352 : i32
      %add3A_354 = arith.addi %arg1, %mul3A_353 : i32
      %lt3A = arith.constant 250 : i32
      %lt3A_355 = arith.cmpi slt, %add3A_354, %lt3A : i32
      %convert_element_type3A = arith.extui %lt3A_355 : i1 to i32
      %cond3A = arith.constant 0 : i32
      %cond3A_356 = arith.cmpi ne, %convert_element_type3A, %cond3A : i32
      scf.if %cond3A_356 {
        %mul3A_361 = arith.constant 40 : i32
        %mul3A_362 = arith.muli %add3A_354, %mul3A_361 : i32
        %dma_start3A_363 = arith.constant 0 : i32
        %dma_start3A_364 = arith.constant 0 : i32
        %dma_start3A_365 = arith.constant 0 : i32
        %dma_start3A_366 = tpu.memref_slice %arg7[%dma_start3A_363, %dma_start3A_364, %dma_start3A_365] : memref<4x40x128xf32, #tpu.memory_space<vmem>> -> memref<1x40x128xf32, #tpu.memory_space<vmem>>
        %dma_start3A_367 = tpu.memref_squeeze %dma_start3A_366 : memref<1x40x128xf32, #tpu.memory_space<vmem>> -> memref<40x128xf32, #tpu.memory_space<vmem>>
        %dma_start3A_368 = arith.constant 0 : i32
        %dma_start3A_369 = tpu.memref_slice %arg9[%mul3A_362, %dma_start3A_368] : memref<10000x128xf32, #tpu.memory_space<vmem_shared>> -> memref<40x128xf32, #tpu.memory_space<vmem_shared>>
        %dma_start3A_370 = arith.constant 0 : i32
        %dma_start3A_371 = tpu.memref_slice %arg9[%mul3A_362, %dma_start3A_370] : memref<10000x128xf32, #tpu.memory_space<vmem_shared>> -> memref<40x128xf32, #tpu.memory_space<vmem_shared>>
        %dma_start3A_372 = arith.constant 0 : i32
        %dma_start3A_373 = arith.constant 0 : i32
        %dma_start3A_374 = tpu.memref_slice %arg7[%dma_start3A_363, %dma_start3A_372, %dma_start3A_373] : memref<4x40x128xf32, #tpu.memory_space<vmem>> -> memref<1x40x128xf32, #tpu.memory_space<vmem>>
        %dma_start3A_375 = tpu.memref_squeeze %dma_start3A_374 : memref<1x40x128xf32, #tpu.memory_space<vmem>> -> memref<40x128xf32, #tpu.memory_space<vmem>>
        tpu.enqueue_dma source(%dma_start3A_375 : memref<40x128xf32, #tpu.memory_space<vmem>>) target(%dma_start3A_371 : memref<40x128xf32, #tpu.memory_space<vmem_shared>>) target_semaphore(%arg13 : memref<!tpu.dma_semaphore, #tpu.memory_space<semaphore_mem>>)
      } else {
      }
      %lt3A_357 = arith.constant 250 : i32
      %lt3A_358 = arith.cmpi slt, %add3A_354, %lt3A_357 : i32
      %jit3A = arith.constant 1 : i32
      %jit3A_359 = arith.constant 0 : i32
      %select_n3A = arith.select %lt3A_358, %jit3A, %jit3A_359 : i32
      %add3A_360 = arith.addi %scan3A_351, %select_n3A : i32
      scf.yield %add3A_360 : i32
    }
    %scan3A_15 = arith.constant 16 : i32
    %while3A = arith.constant 0 : i32
    %while3A_16 = arith.constant 0 : i32
    %while3A_17 = arith.subi %scan3A_14, %while3A_16 : i32
    %while3A_18 = arith.addi %while3A_16, %while3A_17 : i32
    %while3A_19 = arith.constant 1 : i32
    %while3A_20 = arith.divsi %while3A_17, %while3A_19 : i32
    %while3A_21 = arith.muli %while3A_20, %while3A_19 : i32
    %while3A_22 = arith.addi %while3A_16, %while3A_21 : i32
    %while3A_23 = arith.constant 1 : i32
    scf.for %while3A_350 = %while3A_16 to %while3A_22 step %while3A_23  : i32 {
      %dma_wait3A_351 = arith.constant 0 : i32
      %dma_wait3A_352 = arith.constant 0 : i32
      %dma_wait3A_353 = arith.constant 0 : i32
      %dma_wait3A_354 = tpu.memref_slice %arg7[%dma_wait3A_351, %dma_wait3A_352, %dma_wait3A_353] : memref<4x40x128xf32, #tpu.memory_space<vmem>> -> memref<1x40x128xf32, #tpu.memory_space<vmem>>
      %dma_wait3A_355 = tpu.memref_squeeze %dma_wait3A_354 : memref<1x40x128xf32, #tpu.memory_space<vmem>> -> memref<40x128xf32, #tpu.memory_space<vmem>>
      %dma_wait3A_356 = arith.constant 0 : i32
      %dma_wait3A_357 = arith.constant 0 : i32
      %dma_wait3A_358 = tpu.memref_slice %arg9[%dma_wait3A_356, %dma_wait3A_357] : memref<10000x128xf32, #tpu.memory_space<vmem_shared>> -> memref<40x128xf32, #tpu.memory_space<vmem_shared>>
      %dma_wait3A_359 = arith.constant 0 : i32
      %dma_wait3A_360 = arith.constant 0 : i32
      %dma_wait3A_361 = tpu.memref_slice %arg9[%dma_wait3A_359, %dma_wait3A_360] : memref<10000x128xf32, #tpu.memory_space<vmem_shared>> -> memref<40x128xf32, #tpu.memory_space<vmem_shared>>
      %dma_wait3A_362 = arith.constant 0 : i32
      %dma_wait3A_363 = arith.constant 0 : i32
      %dma_wait3A_364 = tpu.memref_slice %arg7[%dma_wait3A_351, %dma_wait3A_362, %dma_wait3A_363] : memref<4x40x128xf32, #tpu.memory_space<vmem>> -> memref<1x40x128xf32, #tpu.memory_space<vmem>>
      %dma_wait3A_365 = tpu.memref_squeeze %dma_wait3A_364 : memref<1x40x128xf32, #tpu.memory_space<vmem>> -> memref<40x128xf32, #tpu.memory_space<vmem>>
      tpu.wait_dma2 semaphore(%arg13 : memref<!tpu.dma_semaphore, #tpu.memory_space<semaphore_mem>>) src(%dma_wait3A_365 : memref<40x128xf32, #tpu.memory_space<vmem>>) dst(%dma_wait3A_361 : memref<40x128xf32, #tpu.memory_space<vmem_shared>>)
    }
    %while3A_24 = arith.constant 1 : i32
    scf.for %while3A_350 = %while3A_22 to %while3A_18 step %while3A_24  : i32 {
      %dma_wait3A_351 = arith.constant 0 : i32
      %dma_wait3A_352 = arith.constant 0 : i32
      %dma_wait3A_353 = arith.constant 0 : i32
      %dma_wait3A_354 = tpu.memref_slice %arg7[%dma_wait3A_351, %dma_wait3A_352, %dma_wait3A_353] : memref<4x40x128xf32, #tpu.memory_space<vmem>> -> memref<1x40x128xf32, #tpu.memory_space<vmem>>
      %dma_wait3A_355 = tpu.memref_squeeze %dma_wait3A_354 : memref<1x40x128xf32, #tpu.memory_space<vmem>> -> memref<40x128xf32, #tpu.memory_space<vmem>>
      %dma_wait3A_356 = arith.constant 0 : i32
      %dma_wait3A_357 = arith.constant 0 : i32
      %dma_wait3A_358 = tpu.memref_slice %arg9[%dma_wait3A_356, %dma_wait3A_357] : memref<10000x128xf32, #tpu.memory_space<vmem_shared>> -> memref<40x128xf32, #tpu.memory_space<vmem_shared>>
      %dma_wait3A_359 = arith.constant 0 : i32
      %dma_wait3A_360 = arith.constant 0 : i32
      %dma_wait3A_361 = tpu.memref_slice %arg9[%dma_wait3A_359, %dma_wait3A_360] : memref<10000x128xf32, #tpu.memory_space<vmem_shared>> -> memref<40x128xf32, #tpu.memory_space<vmem_shared>>
      %dma_wait3A_362 = arith.constant 0 : i32
      %dma_wait3A_363 = arith.constant 0 : i32
      %dma_wait3A_364 = tpu.memref_slice %arg7[%dma_wait3A_351, %dma_wait3A_362, %dma_wait3A_363] : memref<4x40x128xf32, #tpu.memory_space<vmem>> -> memref<1x40x128xf32, #tpu.memory_space<vmem>>
      %dma_wait3A_365 = tpu.memref_squeeze %dma_wait3A_364 : memref<1x40x128xf32, #tpu.memory_space<vmem>> -> memref<40x128xf32, #tpu.memory_space<vmem>>
      tpu.wait_dma2 semaphore(%arg13 : memref<!tpu.dma_semaphore, #tpu.memory_space<semaphore_mem>>) src(%dma_wait3A_365 : memref<40x128xf32, #tpu.memory_space<vmem>>) dst(%dma_wait3A_361 : memref<40x128xf32, #tpu.memory_space<vmem_shared>>)
    }
    %barrier3A = arith.constant 0 : index
    tpu.barrier barrier_id(%barrier3A)
    %dma_start3A = arith.constant 0 : i32
    %dma_start3A_25 = arith.constant 0 : i32
    %dma_start3A_26 = arith.constant 0 : i32
    %dma_start3A_27 = arith.constant 0 : i32
    %dma_start3A_28 = tpu.memref_slice %arg6[%dma_start3A_25, %dma_start3A_27] : memref<4x40xi32, #tpu.memory_space<vmem>> -> memref<1x40xi32, #tpu.memory_space<vmem>>
    %dma_start3A_29 = tpu.memref_squeeze %dma_start3A_28 : memref<1x40xi32, #tpu.memory_space<vmem>> -> memref<40xi32, #tpu.memory_space<vmem>>
    %dma_start3A_30 = arith.constant 0 : i32
    %dma_start3A_31 = tpu.memref_slice %arg3[%add3A, %dma_start3A, %dma_start3A_30] : memref<32x250x40xi32, #tpu.memory_space<hbm>> -> memref<1x1x40xi32, #tpu.memory_space<hbm>>
    %dma_start3A_32 = tpu.memref_squeeze %dma_start3A_31 : memref<1x1x40xi32, #tpu.memory_space<hbm>> -> memref<40xi32, #tpu.memory_space<hbm>>
    %dma_start3A_33 = tpu.memref_slice %arg10[%dma_start3A_26] : memref<4x!tpu.dma_semaphore, #tpu.memory_space<semaphore_mem>> -> memref<1x!tpu.dma_semaphore, #tpu.memory_space<semaphore_mem>>
    %dma_start3A_34 = tpu.memref_squeeze %dma_start3A_33 : memref<1x!tpu.dma_semaphore, #tpu.memory_space<semaphore_mem>> -> memref<!tpu.dma_semaphore, #tpu.memory_space<semaphore_mem>>
    %dma_start3A_35 = arith.constant 0 : i32
    %dma_start3A_36 = tpu.memref_slice %arg6[%dma_start3A_25, %dma_start3A_35] : memref<4x40xi32, #tpu.memory_space<vmem>> -> memref<1x40xi32, #tpu.memory_space<vmem>>
    %dma_start3A_37 = tpu.memref_squeeze %dma_start3A_36 : memref<1x40xi32, #tpu.memory_space<vmem>> -> memref<40xi32, #tpu.memory_space<vmem>>
    %dma_start3A_38 = arith.constant 0 : i32
    %dma_start3A_39 = tpu.memref_slice %arg3[%add3A, %dma_start3A, %dma_start3A_38] : memref<32x250x40xi32, #tpu.memory_space<hbm>> -> memref<1x1x40xi32, #tpu.memory_space<hbm>>
    %dma_start3A_40 = tpu.memref_squeeze %dma_start3A_39 : memref<1x1x40xi32, #tpu.memory_space<hbm>> -> memref<40xi32, #tpu.memory_space<hbm>>
    tpu.enqueue_dma source(%dma_start3A_40 : memref<40xi32, #tpu.memory_space<hbm>>) target(%dma_start3A_37 : memref<40xi32, #tpu.memory_space<vmem>>) target_semaphore(%dma_start3A_34 : memref<!tpu.dma_semaphore, #tpu.memory_space<semaphore_mem>>)
    %dma_start3A_41 = arith.constant 1 : i32
    %dma_start3A_42 = arith.constant 1 : i32
    %dma_start3A_43 = arith.constant 1 : i32
    %dma_start3A_44 = arith.constant 0 : i32
    %dma_start3A_45 = tpu.memref_slice %arg6[%dma_start3A_42, %dma_start3A_44] : memref<4x40xi32, #tpu.memory_space<vmem>> -> memref<1x40xi32, #tpu.memory_space<vmem>>
    %dma_start3A_46 = tpu.memref_squeeze %dma_start3A_45 : memref<1x40xi32, #tpu.memory_space<vmem>> -> memref<40xi32, #tpu.memory_space<vmem>>
    %dma_start3A_47 = arith.constant 0 : i32
    %dma_start3A_48 = tpu.memref_slice %arg3[%add3A, %dma_start3A_41, %dma_start3A_47] : memref<32x250x40xi32, #tpu.memory_space<hbm>> -> memref<1x1x40xi32, #tpu.memory_space<hbm>>
    %dma_start3A_49 = tpu.memref_squeeze %dma_start3A_48 : memref<1x1x40xi32, #tpu.memory_space<hbm>> -> memref<40xi32, #tpu.memory_space<hbm>>
    %dma_start3A_50 = tpu.memref_slice %arg10[%dma_start3A_43] : memref<4x!tpu.dma_semaphore, #tpu.memory_space<semaphore_mem>> -> memref<1x!tpu.dma_semaphore, #tpu.memory_space<semaphore_mem>>
    %dma_start3A_51 = tpu.memref_squeeze %dma_start3A_50 : memref<1x!tpu.dma_semaphore, #tpu.memory_space<semaphore_mem>> -> memref<!tpu.dma_semaphore, #tpu.memory_space<semaphore_mem>>
    %dma_start3A_52 = arith.constant 0 : i32
    %dma_start3A_53 = tpu.memref_slice %arg6[%dma_start3A_42, %dma_start3A_52] : memref<4x40xi32, #tpu.memory_space<vmem>> -> memref<1x40xi32, #tpu.memory_space<vmem>>
    %dma_start3A_54 = tpu.memref_squeeze %dma_start3A_53 : memref<1x40xi32, #tpu.memory_space<vmem>> -> memref<40xi32, #tpu.memory_space<vmem>>
    %dma_start3A_55 = arith.constant 0 : i32
    %dma_start3A_56 = tpu.memref_slice %arg3[%add3A, %dma_start3A_41, %dma_start3A_55] : memref<32x250x40xi32, #tpu.memory_space<hbm>> -> memref<1x1x40xi32, #tpu.memory_space<hbm>>
    %dma_start3A_57 = tpu.memref_squeeze %dma_start3A_56 : memref<1x1x40xi32, #tpu.memory_space<hbm>> -> memref<40xi32, #tpu.memory_space<hbm>>
    tpu.enqueue_dma source(%dma_start3A_57 : memref<40xi32, #tpu.memory_space<hbm>>) target(%dma_start3A_54 : memref<40xi32, #tpu.memory_space<vmem>>) target_semaphore(%dma_start3A_51 : memref<!tpu.dma_semaphore, #tpu.memory_space<semaphore_mem>>)
    %dma_start3A_58 = arith.constant 2 : i32
    %dma_start3A_59 = arith.constant 2 : i32
    %dma_start3A_60 = arith.constant 2 : i32
    %dma_start3A_61 = arith.constant 0 : i32
    %dma_start3A_62 = tpu.memref_slice %arg6[%dma_start3A_59, %dma_start3A_61] : memref<4x40xi32, #tpu.memory_space<vmem>> -> memref<1x40xi32, #tpu.memory_space<vmem>>
    %dma_start3A_63 = tpu.memref_squeeze %dma_start3A_62 : memref<1x40xi32, #tpu.memory_space<vmem>> -> memref<40xi32, #tpu.memory_space<vmem>>
    %dma_start3A_64 = arith.constant 0 : i32
    %dma_start3A_65 = tpu.memref_slice %arg3[%add3A, %dma_start3A_58, %dma_start3A_64] : memref<32x250x40xi32, #tpu.memory_space<hbm>> -> memref<1x1x40xi32, #tpu.memory_space<hbm>>
    %dma_start3A_66 = tpu.memref_squeeze %dma_start3A_65 : memref<1x1x40xi32, #tpu.memory_space<hbm>> -> memref<40xi32, #tpu.memory_space<hbm>>
    %dma_start3A_67 = tpu.memref_slice %arg10[%dma_start3A_60] : memref<4x!tpu.dma_semaphore, #tpu.memory_space<semaphore_mem>> -> memref<1x!tpu.dma_semaphore, #tpu.memory_space<semaphore_mem>>
    %dma_start3A_68 = tpu.memref_squeeze %dma_start3A_67 : memref<1x!tpu.dma_semaphore, #tpu.memory_space<semaphore_mem>> -> memref<!tpu.dma_semaphore, #tpu.memory_space<semaphore_mem>>
    %dma_start3A_69 = arith.constant 0 : i32
    %dma_start3A_70 = tpu.memref_slice %arg6[%dma_start3A_59, %dma_start3A_69] : memref<4x40xi32, #tpu.memory_space<vmem>> -> memref<1x40xi32, #tpu.memory_space<vmem>>
    %dma_start3A_71 = tpu.memref_squeeze %dma_start3A_70 : memref<1x40xi32, #tpu.memory_space<vmem>> -> memref<40xi32, #tpu.memory_space<vmem>>
    %dma_start3A_72 = arith.constant 0 : i32
    %dma_start3A_73 = tpu.memref_slice %arg3[%add3A, %dma_start3A_58, %dma_start3A_72] : memref<32x250x40xi32, #tpu.memory_space<hbm>> -> memref<1x1x40xi32, #tpu.memory_space<hbm>>
    %dma_start3A_74 = tpu.memref_squeeze %dma_start3A_73 : memref<1x1x40xi32, #tpu.memory_space<hbm>> -> memref<40xi32, #tpu.memory_space<hbm>>
    tpu.enqueue_dma source(%dma_start3A_74 : memref<40xi32, #tpu.memory_space<hbm>>) target(%dma_start3A_71 : memref<40xi32, #tpu.memory_space<vmem>>) target_semaphore(%dma_start3A_68 : memref<!tpu.dma_semaphore, #tpu.memory_space<semaphore_mem>>)
    %dma_wait3A = arith.constant 0 : i32
    %dma_wait3A_75 = arith.constant 0 : i32
    %dma_wait3A_76 = arith.constant 0 : i32
    %dma_wait3A_77 = arith.constant 0 : i32
    %dma_wait3A_78 = tpu.memref_slice %arg6[%dma_wait3A_75, %dma_wait3A_77] : memref<4x40xi32, #tpu.memory_space<vmem>> -> memref<1x40xi32, #tpu.memory_space<vmem>>
    %dma_wait3A_79 = tpu.memref_squeeze %dma_wait3A_78 : memref<1x40xi32, #tpu.memory_space<vmem>> -> memref<40xi32, #tpu.memory_space<vmem>>
    %dma_wait3A_80 = arith.constant 0 : i32
    %dma_wait3A_81 = tpu.memref_slice %arg3[%add3A, %dma_wait3A, %dma_wait3A_80] : memref<32x250x40xi32, #tpu.memory_space<hbm>> -> memref<1x1x40xi32, #tpu.memory_space<hbm>>
    %dma_wait3A_82 = tpu.memref_squeeze %dma_wait3A_81 : memref<1x1x40xi32, #tpu.memory_space<hbm>> -> memref<40xi32, #tpu.memory_space<hbm>>
    %dma_wait3A_83 = tpu.memref_slice %arg10[%dma_wait3A_76] : memref<4x!tpu.dma_semaphore, #tpu.memory_space<semaphore_mem>> -> memref<1x!tpu.dma_semaphore, #tpu.memory_space<semaphore_mem>>
    %dma_wait3A_84 = tpu.memref_squeeze %dma_wait3A_83 : memref<1x!tpu.dma_semaphore, #tpu.memory_space<semaphore_mem>> -> memref<!tpu.dma_semaphore, #tpu.memory_space<semaphore_mem>>
    %dma_wait3A_85 = arith.constant 0 : i32
    %dma_wait3A_86 = tpu.memref_slice %arg6[%dma_wait3A_75, %dma_wait3A_85] : memref<4x40xi32, #tpu.memory_space<vmem>> -> memref<1x40xi32, #tpu.memory_space<vmem>>
    %dma_wait3A_87 = tpu.memref_squeeze %dma_wait3A_86 : memref<1x40xi32, #tpu.memory_space<vmem>> -> memref<40xi32, #tpu.memory_space<vmem>>
    %dma_wait3A_88 = arith.constant 0 : i32
    %dma_wait3A_89 = tpu.memref_slice %arg3[%add3A, %dma_wait3A, %dma_wait3A_88] : memref<32x250x40xi32, #tpu.memory_space<hbm>> -> memref<1x1x40xi32, #tpu.memory_space<hbm>>
    %dma_wait3A_90 = tpu.memref_squeeze %dma_wait3A_89 : memref<1x1x40xi32, #tpu.memory_space<hbm>> -> memref<40xi32, #tpu.memory_space<hbm>>
    tpu.wait_dma2 semaphore(%dma_wait3A_84 : memref<!tpu.dma_semaphore, #tpu.memory_space<semaphore_mem>>) src(%dma_wait3A_90 : memref<40xi32, #tpu.memory_space<hbm>>) dst(%dma_wait3A_87 : memref<40xi32, #tpu.memory_space<vmem>>)
    %dma_start3A_91 = arith.constant 0 : i32
    %dma_start3A_92 = arith.constant 0 : i32
    %dma_start3A_93 = arith.constant 0 : i32
    %dma_start3A_94 = arith.constant 0 : i32
    %dma_start3A_95 = arith.constant 0 : i32
    %dma_start3A_96 = tpu.memref_slice %arg7[%dma_start3A_92, %dma_start3A_94, %dma_start3A_95] : memref<4x40x128xf32, #tpu.memory_space<vmem>> -> memref<1x40x128xf32, #tpu.memory_space<vmem>>
    %dma_start3A_97 = tpu.memref_squeeze %dma_start3A_96 : memref<1x40x128xf32, #tpu.memory_space<vmem>> -> memref<40x128xf32, #tpu.memory_space<vmem>>
    %dma_start3A_98 = arith.constant 0 : i32
    %dma_start3A_99 = tpu.memref_slice %arg6[%dma_start3A_91, %dma_start3A_98] : memref<4x40xi32, #tpu.memory_space<vmem>> -> memref<1x40xi32, #tpu.memory_space<vmem>>
    %dma_start3A_100 = tpu.memref_squeeze %dma_start3A_99 : memref<1x40xi32, #tpu.memory_space<vmem>> -> memref<40xi32, #tpu.memory_space<vmem>>
    %dma_start3A_101 = arith.constant 0 : i32
    %dma_start3A_102 = arith.constant 0 : i32
    %dma_start3A_103 = tpu.memref_slice %arg2[%dma_start3A_101, %dma_start3A_102] : memref<10000x128xf32, #tpu.memory_space<hbm>> -> memref<10000x128xf32, #tpu.memory_space<hbm>>
    %dma_start3A_104 = tpu.memref_slice %arg11[%dma_start3A_93] : memref<4x!tpu.dma_semaphore, #tpu.memory_space<semaphore_mem>> -> memref<1x!tpu.dma_semaphore, #tpu.memory_space<semaphore_mem>>
    %dma_start3A_105 = tpu.memref_squeeze %dma_start3A_104 : memref<1x!tpu.dma_semaphore, #tpu.memory_space<semaphore_mem>> -> memref<!tpu.dma_semaphore, #tpu.memory_space<semaphore_mem>>
    tpu.enqueue_indirect_dma source(%dma_start3A_103 : memref<10000x128xf32, #tpu.memory_space<hbm>>) target(%dma_start3A_97 : memref<40x128xf32, #tpu.memory_space<vmem>>) offsets(%dma_start3A_100 : memref<40xi32, #tpu.memory_space<vmem>>) semaphore(%dma_start3A_105 : memref<!tpu.dma_semaphore, #tpu.memory_space<semaphore_mem>>)
    %add3A_106 = arith.constant 0 : i32
    %add3A_107 = arith.addi %mul3A_2, %add3A_106 : i32
    %dma_start3A_108 = arith.constant 0 : i32
    %dma_start3A_109 = arith.constant 0 : i32
    %dma_start3A_110 = arith.constant 0 : i32
    %dma_start3A_111 = arith.constant 0 : i32
    %dma_start3A_112 = tpu.memref_slice %arg8[%dma_start3A_108, %dma_start3A_110, %dma_start3A_111] : memref<4x40x128xf32, #tpu.memory_space<vmem>> -> memref<1x40x128xf32, #tpu.memory_space<vmem>>
    %dma_start3A_113 = tpu.memref_squeeze %dma_start3A_112 : memref<1x40x128xf32, #tpu.memory_space<vmem>> -> memref<40x128xf32, #tpu.memory_space<vmem>>
    %dma_start3A_114 = arith.constant 0 : i32
    %dma_start3A_115 = tpu.memref_slice %arg4[%add3A_107, %dma_start3A_114] : memref<320000x128xf32, #tpu.memory_space<hbm>> -> memref<40x128xf32, #tpu.memory_space<hbm>>
    %dma_start3A_116 = tpu.memref_slice %arg11[%dma_start3A_109] : memref<4x!tpu.dma_semaphore, #tpu.memory_space<semaphore_mem>> -> memref<1x!tpu.dma_semaphore, #tpu.memory_space<semaphore_mem>>
    %dma_start3A_117 = tpu.memref_squeeze %dma_start3A_116 : memref<1x!tpu.dma_semaphore, #tpu.memory_space<semaphore_mem>> -> memref<!tpu.dma_semaphore, #tpu.memory_space<semaphore_mem>>
    %dma_start3A_118 = arith.constant 0 : i32
    %dma_start3A_119 = arith.constant 0 : i32
    %dma_start3A_120 = tpu.memref_slice %arg8[%dma_start3A_108, %dma_start3A_118, %dma_start3A_119] : memref<4x40x128xf32, #tpu.memory_space<vmem>> -> memref<1x40x128xf32, #tpu.memory_space<vmem>>
    %dma_start3A_121 = tpu.memref_squeeze %dma_start3A_120 : memref<1x40x128xf32, #tpu.memory_space<vmem>> -> memref<40x128xf32, #tpu.memory_space<vmem>>
    %dma_start3A_122 = arith.constant 0 : i32
    %dma_start3A_123 = tpu.memref_slice %arg4[%add3A_107, %dma_start3A_122] : memref<320000x128xf32, #tpu.memory_space<hbm>> -> memref<40x128xf32, #tpu.memory_space<hbm>>
    tpu.enqueue_dma source(%dma_start3A_123 : memref<40x128xf32, #tpu.memory_space<hbm>>) target(%dma_start3A_121 : memref<40x128xf32, #tpu.memory_space<vmem>>) target_semaphore(%dma_start3A_117 : memref<!tpu.dma_semaphore, #tpu.memory_space<semaphore_mem>>)
    %dma_wait3A_124 = arith.constant 0 : i32
    %dma_wait3A_125 = arith.constant 1 : i32
    %dma_wait3A_126 = arith.constant 1 : i32
    %dma_wait3A_127 = arith.constant 0 : i32
    %dma_wait3A_128 = tpu.memref_slice %arg6[%dma_wait3A_125, %dma_wait3A_127] : memref<4x40xi32, #tpu.memory_space<vmem>> -> memref<1x40xi32, #tpu.memory_space<vmem>>
    %dma_wait3A_129 = tpu.memref_squeeze %dma_wait3A_128 : memref<1x40xi32, #tpu.memory_space<vmem>> -> memref<40xi32, #tpu.memory_space<vmem>>
    %dma_wait3A_130 = arith.constant 0 : i32
    %dma_wait3A_131 = tpu.memref_slice %arg3[%add3A, %dma_wait3A_124, %dma_wait3A_130] : memref<32x250x40xi32, #tpu.memory_space<hbm>> -> memref<1x1x40xi32, #tpu.memory_space<hbm>>
    %dma_wait3A_132 = tpu.memref_squeeze %dma_wait3A_131 : memref<1x1x40xi32, #tpu.memory_space<hbm>> -> memref<40xi32, #tpu.memory_space<hbm>>
    %dma_wait3A_133 = tpu.memref_slice %arg10[%dma_wait3A_126] : memref<4x!tpu.dma_semaphore, #tpu.memory_space<semaphore_mem>> -> memref<1x!tpu.dma_semaphore, #tpu.memory_space<semaphore_mem>>
    %dma_wait3A_134 = tpu.memref_squeeze %dma_wait3A_133 : memref<1x!tpu.dma_semaphore, #tpu.memory_space<semaphore_mem>> -> memref<!tpu.dma_semaphore, #tpu.memory_space<semaphore_mem>>
    %dma_wait3A_135 = arith.constant 0 : i32
    %dma_wait3A_136 = tpu.memref_slice %arg6[%dma_wait3A_125, %dma_wait3A_135] : memref<4x40xi32, #tpu.memory_space<vmem>> -> memref<1x40xi32, #tpu.memory_space<vmem>>
    %dma_wait3A_137 = tpu.memref_squeeze %dma_wait3A_136 : memref<1x40xi32, #tpu.memory_space<vmem>> -> memref<40xi32, #tpu.memory_space<vmem>>
    %dma_wait3A_138 = arith.constant 0 : i32
    %dma_wait3A_139 = tpu.memref_slice %arg3[%add3A, %dma_wait3A_124, %dma_wait3A_138] : memref<32x250x40xi32, #tpu.memory_space<hbm>> -> memref<1x1x40xi32, #tpu.memory_space<hbm>>
    %dma_wait3A_140 = tpu.memref_squeeze %dma_wait3A_139 : memref<1x1x40xi32, #tpu.memory_space<hbm>> -> memref<40xi32, #tpu.memory_space<hbm>>
    tpu.wait_dma2 semaphore(%dma_wait3A_134 : memref<!tpu.dma_semaphore, #tpu.memory_space<semaphore_mem>>) src(%dma_wait3A_140 : memref<40xi32, #tpu.memory_space<hbm>>) dst(%dma_wait3A_137 : memref<40xi32, #tpu.memory_space<vmem>>)
    %dma_start3A_141 = arith.constant 1 : i32
    %dma_start3A_142 = arith.constant 1 : i32
    %dma_start3A_143 = arith.constant 1 : i32
    %dma_start3A_144 = arith.constant 0 : i32
    %dma_start3A_145 = arith.constant 0 : i32
    %dma_start3A_146 = tpu.memref_slice %arg7[%dma_start3A_142, %dma_start3A_144, %dma_start3A_145] : memref<4x40x128xf32, #tpu.memory_space<vmem>> -> memref<1x40x128xf32, #tpu.memory_space<vmem>>
    %dma_start3A_147 = tpu.memref_squeeze %dma_start3A_146 : memref<1x40x128xf32, #tpu.memory_space<vmem>> -> memref<40x128xf32, #tpu.memory_space<vmem>>
    %dma_start3A_148 = arith.constant 0 : i32
    %dma_start3A_149 = tpu.memref_slice %arg6[%dma_start3A_141, %dma_start3A_148] : memref<4x40xi32, #tpu.memory_space<vmem>> -> memref<1x40xi32, #tpu.memory_space<vmem>>
    %dma_start3A_150 = tpu.memref_squeeze %dma_start3A_149 : memref<1x40xi32, #tpu.memory_space<vmem>> -> memref<40xi32, #tpu.memory_space<vmem>>
    %dma_start3A_151 = arith.constant 0 : i32
    %dma_start3A_152 = arith.constant 0 : i32
    %dma_start3A_153 = tpu.memref_slice %arg2[%dma_start3A_151, %dma_start3A_152] : memref<10000x128xf32, #tpu.memory_space<hbm>> -> memref<10000x128xf32, #tpu.memory_space<hbm>>
    %dma_start3A_154 = tpu.memref_slice %arg11[%dma_start3A_143] : memref<4x!tpu.dma_semaphore, #tpu.memory_space<semaphore_mem>> -> memref<1x!tpu.dma_semaphore, #tpu.memory_space<semaphore_mem>>
    %dma_start3A_155 = tpu.memref_squeeze %dma_start3A_154 : memref<1x!tpu.dma_semaphore, #tpu.memory_space<semaphore_mem>> -> memref<!tpu.dma_semaphore, #tpu.memory_space<semaphore_mem>>
    tpu.enqueue_indirect_dma source(%dma_start3A_153 : memref<10000x128xf32, #tpu.memory_space<hbm>>) target(%dma_start3A_147 : memref<40x128xf32, #tpu.memory_space<vmem>>) offsets(%dma_start3A_150 : memref<40xi32, #tpu.memory_space<vmem>>) semaphore(%dma_start3A_155 : memref<!tpu.dma_semaphore, #tpu.memory_space<semaphore_mem>>)
    %add3A_156 = arith.constant 40 : i32
    %add3A_157 = arith.addi %mul3A_2, %add3A_156 : i32
    %dma_start3A_158 = arith.constant 1 : i32
    %dma_start3A_159 = arith.constant 1 : i32
    %dma_start3A_160 = arith.constant 0 : i32
    %dma_start3A_161 = arith.constant 0 : i32
    %dma_start3A_162 = tpu.memref_slice %arg8[%dma_start3A_158, %dma_start3A_160, %dma_start3A_161] : memref<4x40x128xf32, #tpu.memory_space<vmem>> -> memref<1x40x128xf32, #tpu.memory_space<vmem>>
    %dma_start3A_163 = tpu.memref_squeeze %dma_start3A_162 : memref<1x40x128xf32, #tpu.memory_space<vmem>> -> memref<40x128xf32, #tpu.memory_space<vmem>>
    %dma_start3A_164 = arith.constant 0 : i32
    %dma_start3A_165 = tpu.memref_slice %arg4[%add3A_157, %dma_start3A_164] : memref<320000x128xf32, #tpu.memory_space<hbm>> -> memref<40x128xf32, #tpu.memory_space<hbm>>
    %dma_start3A_166 = tpu.memref_slice %arg11[%dma_start3A_159] : memref<4x!tpu.dma_semaphore, #tpu.memory_space<semaphore_mem>> -> memref<1x!tpu.dma_semaphore, #tpu.memory_space<semaphore_mem>>
    %dma_start3A_167 = tpu.memref_squeeze %dma_start3A_166 : memref<1x!tpu.dma_semaphore, #tpu.memory_space<semaphore_mem>> -> memref<!tpu.dma_semaphore, #tpu.memory_space<semaphore_mem>>
    %dma_start3A_168 = arith.constant 0 : i32
    %dma_start3A_169 = arith.constant 0 : i32
    %dma_start3A_170 = tpu.memref_slice %arg8[%dma_start3A_158, %dma_start3A_168, %dma_start3A_169] : memref<4x40x128xf32, #tpu.memory_space<vmem>> -> memref<1x40x128xf32, #tpu.memory_space<vmem>>
    %dma_start3A_171 = tpu.memref_squeeze %dma_start3A_170 : memref<1x40x128xf32, #tpu.memory_space<vmem>> -> memref<40x128xf32, #tpu.memory_space<vmem>>
    %dma_start3A_172 = arith.constant 0 : i32
    %dma_start3A_173 = tpu.memref_slice %arg4[%add3A_157, %dma_start3A_172] : memref<320000x128xf32, #tpu.memory_space<hbm>> -> memref<40x128xf32, #tpu.memory_space<hbm>>
    tpu.enqueue_dma source(%dma_start3A_173 : memref<40x128xf32, #tpu.memory_space<hbm>>) target(%dma_start3A_171 : memref<40x128xf32, #tpu.memory_space<vmem>>) target_semaphore(%dma_start3A_167 : memref<!tpu.dma_semaphore, #tpu.memory_space<semaphore_mem>>)
    %scan3A_174 = arith.constant 0 : i32
    %scan3A_175 = arith.constant 0 : i32
    %scan3A_176 = arith.constant 62 : i32
    %scan3A_177 = arith.addi %scan3A_175, %scan3A_176 : i32
    %scan3A_178 = arith.constant 1 : i32
    scf.for %scan3A_350 = %scan3A_175 to %scan3A_177 step %scan3A_178  : i32 {
      %mul3A_351 = arith.constant 4 : i32
      %mul3A_352 = arith.muli %scan3A_350, %mul3A_351 : i32
      %add3A_353 = arith.constant 0 : i32
      %add3A_354 = arith.addi %mul3A_352, %add3A_353 : i32
      %ge3A = arith.constant 1 : i32
      %ge3A_355 = arith.cmpi sge, %add3A_354, %ge3A : i32
      %convert_element_type3A = arith.extui %ge3A_355 : i1 to i32
      %cond3A = arith.constant 0 : i32
      %cond3A_356 = arith.cmpi ne, %convert_element_type3A, %cond3A : i32
      scf.if %cond3A_356 {
        %dma_wait3A_655 = arith.constant 3 : i32
        %dma_wait3A_656 = arith.constant 3 : i32
        %dma_wait3A_657 = arith.constant 3 : i32
        %dma_wait3A_658 = arith.constant 0 : i32
        %dma_wait3A_659 = arith.constant 0 : i32
        %dma_wait3A_660 = tpu.memref_slice %arg8[%dma_wait3A_655, %dma_wait3A_658, %dma_wait3A_659] : memref<4x40x128xf32, #tpu.memory_space<vmem>> -> memref<1x40x128xf32, #tpu.memory_space<vmem>>
        %dma_wait3A_661 = tpu.memref_squeeze %dma_wait3A_660 : memref<1x40x128xf32, #tpu.memory_space<vmem>> -> memref<40x128xf32, #tpu.memory_space<vmem>>
        %dma_wait3A_662 = arith.constant 0 : i32
        %dma_wait3A_663 = tpu.memref_slice %arg6[%dma_wait3A_656, %dma_wait3A_662] : memref<4x40xi32, #tpu.memory_space<vmem>> -> memref<1x40xi32, #tpu.memory_space<vmem>>
        %dma_wait3A_664 = tpu.memref_squeeze %dma_wait3A_663 : memref<1x40xi32, #tpu.memory_space<vmem>> -> memref<40xi32, #tpu.memory_space<vmem>>
        %dma_wait3A_665 = arith.constant 0 : i32
        %dma_wait3A_666 = arith.constant 0 : i32
        %dma_wait3A_667 = tpu.memref_slice %arg9[%dma_wait3A_665, %dma_wait3A_666] : memref<10000x128xf32, #tpu.memory_space<vmem_shared>> -> memref<10000x128xf32, #tpu.memory_space<vmem_shared>>
        %dma_wait3A_668 = tpu.memref_slice %arg12[%dma_wait3A_657] : memref<4x!tpu.dma_semaphore, #tpu.memory_space<semaphore_mem>> -> memref<1x!tpu.dma_semaphore, #tpu.memory_space<semaphore_mem>>
        %dma_wait3A_669 = tpu.memref_squeeze %dma_wait3A_668 : memref<1x!tpu.dma_semaphore, #tpu.memory_space<semaphore_mem>> -> memref<!tpu.dma_semaphore, #tpu.memory_space<semaphore_mem>>
        tpu.wait_indirect_dma semaphore(%dma_wait3A_669 : memref<!tpu.dma_semaphore, #tpu.memory_space<semaphore_mem>>) src(%dma_wait3A_661 : memref<40x128xf32, #tpu.memory_space<vmem>>) dst(%dma_wait3A_667 : memref<10000x128xf32, #tpu.memory_space<vmem_shared>>)
      } else {
      }
      %add3A_357 = arith.constant 3 : i32
      %add3A_358 = arith.addi %add3A_354, %add3A_357 : i32
      %lt3A = arith.constant 250 : i32
      %lt3A_359 = arith.cmpi slt, %add3A_358, %lt3A : i32
      %convert_element_type3A_360 = arith.extui %lt3A_359 : i1 to i32
      %cond3A_361 = arith.constant 0 : i32
      %cond3A_362 = arith.cmpi ne, %convert_element_type3A_360, %cond3A_361 : i32
      scf.if %cond3A_362 {
        %add3A_655 = arith.constant 3 : i32
        %add3A_656 = arith.addi %add3A_354, %add3A_655 : i32
        %dma_start3A_657 = arith.constant 3 : i32
        %dma_start3A_658 = arith.constant 3 : i32
        %dma_start3A_659 = arith.constant 0 : i32
        %dma_start3A_660 = tpu.memref_slice %arg6[%dma_start3A_657, %dma_start3A_659] : memref<4x40xi32, #tpu.memory_space<vmem>> -> memref<1x40xi32, #tpu.memory_space<vmem>>
        %dma_start3A_661 = tpu.memref_squeeze %dma_start3A_660 : memref<1x40xi32, #tpu.memory_space<vmem>> -> memref<40xi32, #tpu.memory_space<vmem>>
        %dma_start3A_662 = arith.constant 0 : i32
        %dma_start3A_663 = tpu.memref_slice %arg3[%add3A, %add3A_656, %dma_start3A_662] : memref<32x250x40xi32, #tpu.memory_space<hbm>> -> memref<1x1x40xi32, #tpu.memory_space<hbm>>
        %dma_start3A_664 = tpu.memref_squeeze %dma_start3A_663 : memref<1x1x40xi32, #tpu.memory_space<hbm>> -> memref<40xi32, #tpu.memory_space<hbm>>
        %dma_start3A_665 = tpu.memref_slice %arg10[%dma_start3A_658] : memref<4x!tpu.dma_semaphore, #tpu.memory_space<semaphore_mem>> -> memref<1x!tpu.dma_semaphore, #tpu.memory_space<semaphore_mem>>
        %dma_start3A_666 = tpu.memref_squeeze %dma_start3A_665 : memref<1x!tpu.dma_semaphore, #tpu.memory_space<semaphore_mem>> -> memref<!tpu.dma_semaphore, #tpu.memory_space<semaphore_mem>>
        %dma_start3A_667 = arith.constant 0 : i32
        %dma_start3A_668 = tpu.memref_slice %arg6[%dma_start3A_657, %dma_start3A_667] : memref<4x40xi32, #tpu.memory_space<vmem>> -> memref<1x40xi32, #tpu.memory_space<vmem>>
        %dma_start3A_669 = tpu.memref_squeeze %dma_start3A_668 : memref<1x40xi32, #tpu.memory_space<vmem>> -> memref<40xi32, #tpu.memory_space<vmem>>
        %dma_start3A_670 = arith.constant 0 : i32
        %dma_start3A_671 = tpu.memref_slice %arg3[%add3A, %add3A_656, %dma_start3A_670] : memref<32x250x40xi32, #tpu.memory_space<hbm>> -> memref<1x1x40xi32, #tpu.memory_space<hbm>>
        %dma_start3A_672 = tpu.memref_squeeze %dma_start3A_671 : memref<1x1x40xi32, #tpu.memory_space<hbm>> -> memref<40xi32, #tpu.memory_space<hbm>>
        tpu.enqueue_dma source(%dma_start3A_672 : memref<40xi32, #tpu.memory_space<hbm>>) target(%dma_start3A_669 : memref<40xi32, #tpu.memory_space<vmem>>) target_semaphore(%dma_start3A_666 : memref<!tpu.dma_semaphore, #tpu.memory_space<semaphore_mem>>)
      } else {
      }
      %add3A_363 = arith.constant 2 : i32
      %add3A_364 = arith.addi %add3A_354, %add3A_363 : i32
      %lt3A_365 = arith.constant 250 : i32
      %lt3A_366 = arith.cmpi slt, %add3A_364, %lt3A_365 : i32
      %convert_element_type3A_367 = arith.extui %lt3A_366 : i1 to i32
      %cond3A_368 = arith.constant 0 : i32
      %cond3A_369 = arith.cmpi ne, %convert_element_type3A_367, %cond3A_368 : i32
      scf.if %cond3A_369 {
        %dma_wait3A_655 = arith.constant 0 : i32
        %dma_wait3A_656 = arith.constant 2 : i32
        %dma_wait3A_657 = arith.constant 2 : i32
        %dma_wait3A_658 = arith.constant 0 : i32
        %dma_wait3A_659 = tpu.memref_slice %arg6[%dma_wait3A_656, %dma_wait3A_658] : memref<4x40xi32, #tpu.memory_space<vmem>> -> memref<1x40xi32, #tpu.memory_space<vmem>>
        %dma_wait3A_660 = tpu.memref_squeeze %dma_wait3A_659 : memref<1x40xi32, #tpu.memory_space<vmem>> -> memref<40xi32, #tpu.memory_space<vmem>>
        %dma_wait3A_661 = arith.constant 0 : i32
        %dma_wait3A_662 = tpu.memref_slice %arg3[%add3A, %dma_wait3A_655, %dma_wait3A_661] : memref<32x250x40xi32, #tpu.memory_space<hbm>> -> memref<1x1x40xi32, #tpu.memory_space<hbm>>
        %dma_wait3A_663 = tpu.memref_squeeze %dma_wait3A_662 : memref<1x1x40xi32, #tpu.memory_space<hbm>> -> memref<40xi32, #tpu.memory_space<hbm>>
        %dma_wait3A_664 = tpu.memref_slice %arg10[%dma_wait3A_657] : memref<4x!tpu.dma_semaphore, #tpu.memory_space<semaphore_mem>> -> memref<1x!tpu.dma_semaphore, #tpu.memory_space<semaphore_mem>>
        %dma_wait3A_665 = tpu.memref_squeeze %dma_wait3A_664 : memref<1x!tpu.dma_semaphore, #tpu.memory_space<semaphore_mem>> -> memref<!tpu.dma_semaphore, #tpu.memory_space<semaphore_mem>>
        %dma_wait3A_666 = arith.constant 0 : i32
        %dma_wait3A_667 = tpu.memref_slice %arg6[%dma_wait3A_656, %dma_wait3A_666] : memref<4x40xi32, #tpu.memory_space<vmem>> -> memref<1x40xi32, #tpu.memory_space<vmem>>
        %dma_wait3A_668 = tpu.memref_squeeze %dma_wait3A_667 : memref<1x40xi32, #tpu.memory_space<vmem>> -> memref<40xi32, #tpu.memory_space<vmem>>
        %dma_wait3A_669 = arith.constant 0 : i32
        %dma_wait3A_670 = tpu.memref_slice %arg3[%add3A, %dma_wait3A_655, %dma_wait3A_669] : memref<32x250x40xi32, #tpu.memory_space<hbm>> -> memref<1x1x40xi32, #tpu.memory_space<hbm>>
        %dma_wait3A_671 = tpu.memref_squeeze %dma_wait3A_670 : memref<1x1x40xi32, #tpu.memory_space<hbm>> -> memref<40xi32, #tpu.memory_space<hbm>>
        tpu.wait_dma2 semaphore(%dma_wait3A_665 : memref<!tpu.dma_semaphore, #tpu.memory_space<semaphore_mem>>) src(%dma_wait3A_671 : memref<40xi32, #tpu.memory_space<hbm>>) dst(%dma_wait3A_668 : memref<40xi32, #tpu.memory_space<vmem>>)
        %add3A_672 = arith.constant 2 : i32
        %add3A_673 = arith.addi %add3A_354, %add3A_672 : i32
        %dma_start3A_674 = arith.constant 2 : i32
        %dma_start3A_675 = arith.constant 2 : i32
        %dma_start3A_676 = arith.constant 2 : i32
        %dma_start3A_677 = arith.constant 0 : i32
        %dma_start3A_678 = arith.constant 0 : i32
        %dma_start3A_679 = tpu.memref_slice %arg7[%dma_start3A_675, %dma_start3A_677, %dma_start3A_678] : memref<4x40x128xf32, #tpu.memory_space<vmem>> -> memref<1x40x128xf32, #tpu.memory_space<vmem>>
        %dma_start3A_680 = tpu.memref_squeeze %dma_start3A_679 : memref<1x40x128xf32, #tpu.memory_space<vmem>> -> memref<40x128xf32, #tpu.memory_space<vmem>>
        %dma_start3A_681 = arith.constant 0 : i32
        %dma_start3A_682 = tpu.memref_slice %arg6[%dma_start3A_674, %dma_start3A_681] : memref<4x40xi32, #tpu.memory_space<vmem>> -> memref<1x40xi32, #tpu.memory_space<vmem>>
        %dma_start3A_683 = tpu.memref_squeeze %dma_start3A_682 : memref<1x40xi32, #tpu.memory_space<vmem>> -> memref<40xi32, #tpu.memory_space<vmem>>
        %dma_start3A_684 = arith.constant 0 : i32
        %dma_start3A_685 = arith.constant 0 : i32
        %dma_start3A_686 = tpu.memref_slice %arg2[%dma_start3A_684, %dma_start3A_685] : memref<10000x128xf32, #tpu.memory_space<hbm>> -> memref<10000x128xf32, #tpu.memory_space<hbm>>
        %dma_start3A_687 = tpu.memref_slice %arg11[%dma_start3A_676] : memref<4x!tpu.dma_semaphore, #tpu.memory_space<semaphore_mem>> -> memref<1x!tpu.dma_semaphore, #tpu.memory_space<semaphore_mem>>
        %dma_start3A_688 = tpu.memref_squeeze %dma_start3A_687 : memref<1x!tpu.dma_semaphore, #tpu.memory_space<semaphore_mem>> -> memref<!tpu.dma_semaphore, #tpu.memory_space<semaphore_mem>>
        tpu.enqueue_indirect_dma source(%dma_start3A_686 : memref<10000x128xf32, #tpu.memory_space<hbm>>) target(%dma_start3A_680 : memref<40x128xf32, #tpu.memory_space<vmem>>) offsets(%dma_start3A_683 : memref<40xi32, #tpu.memory_space<vmem>>) semaphore(%dma_start3A_688 : memref<!tpu.dma_semaphore, #tpu.memory_space<semaphore_mem>>)
        %mul3A_689 = arith.constant 40 : i32
        %mul3A_690 = arith.muli %add3A_673, %mul3A_689 : i32
        %add3A_691 = arith.addi %mul3A_2, %mul3A_690 : i32
        %dma_start3A_692 = arith.constant 2 : i32
        %dma_start3A_693 = arith.constant 2 : i32
        %dma_start3A_694 = arith.constant 0 : i32
        %dma_start3A_695 = arith.constant 0 : i32
        %dma_start3A_696 = tpu.memref_slice %arg8[%dma_start3A_692, %dma_start3A_694, %dma_start3A_695] : memref<4x40x128xf32, #tpu.memory_space<vmem>> -> memref<1x40x128xf32, #tpu.memory_space<vmem>>
        %dma_start3A_697 = tpu.memref_squeeze %dma_start3A_696 : memref<1x40x128xf32, #tpu.memory_space<vmem>> -> memref<40x128xf32, #tpu.memory_space<vmem>>
        %dma_start3A_698 = arith.constant 0 : i32
        %dma_start3A_699 = tpu.memref_slice %arg4[%add3A_691, %dma_start3A_698] : memref<320000x128xf32, #tpu.memory_space<hbm>> -> memref<40x128xf32, #tpu.memory_space<hbm>>
        %dma_start3A_700 = tpu.memref_slice %arg11[%dma_start3A_693] : memref<4x!tpu.dma_semaphore, #tpu.memory_space<semaphore_mem>> -> memref<1x!tpu.dma_semaphore, #tpu.memory_space<semaphore_mem>>
        %dma_start3A_701 = tpu.memref_squeeze %dma_start3A_700 : memref<1x!tpu.dma_semaphore, #tpu.memory_space<semaphore_mem>> -> memref<!tpu.dma_semaphore, #tpu.memory_space<semaphore_mem>>
        %dma_start3A_702 = arith.constant 0 : i32
        %dma_start3A_703 = arith.constant 0 : i32
        %dma_start3A_704 = tpu.memref_slice %arg8[%dma_start3A_692, %dma_start3A_702, %dma_start3A_703] : memref<4x40x128xf32, #tpu.memory_space<vmem>> -> memref<1x40x128xf32, #tpu.memory_space<vmem>>
        %dma_start3A_705 = tpu.memref_squeeze %dma_start3A_704 : memref<1x40x128xf32, #tpu.memory_space<vmem>> -> memref<40x128xf32, #tpu.memory_space<vmem>>
        %dma_start3A_706 = arith.constant 0 : i32
        %dma_start3A_707 = tpu.memref_slice %arg4[%add3A_691, %dma_start3A_706] : memref<320000x128xf32, #tpu.memory_space<hbm>> -> memref<40x128xf32, #tpu.memory_space<hbm>>
        tpu.enqueue_dma source(%dma_start3A_707 : memref<40x128xf32, #tpu.memory_space<hbm>>) target(%dma_start3A_705 : memref<40x128xf32, #tpu.memory_space<vmem>>) target_semaphore(%dma_start3A_701 : memref<!tpu.dma_semaphore, #tpu.memory_space<semaphore_mem>>)
      } else {
      }
      %dma_wait3A_370 = arith.constant 0 : i32
      %dma_wait3A_371 = arith.constant 0 : i32
      %dma_wait3A_372 = arith.constant 0 : i32
      %dma_wait3A_373 = arith.constant 0 : i32
      %dma_wait3A_374 = tpu.memref_slice %arg7[%dma_wait3A_370, %dma_wait3A_372, %dma_wait3A_373] : memref<4x40x128xf32, #tpu.memory_space<vmem>> -> memref<1x40x128xf32, #tpu.memory_space<vmem>>
      %dma_wait3A_375 = tpu.memref_squeeze %dma_wait3A_374 : memref<1x40x128xf32, #tpu.memory_space<vmem>> -> memref<40x128xf32, #tpu.memory_space<vmem>>
      %dma_wait3A_376 = arith.constant 0 : i32
      %dma_wait3A_377 = arith.constant 0 : i32
      %dma_wait3A_378 = tpu.memref_slice %arg2[%dma_wait3A_376, %dma_wait3A_377] : memref<10000x128xf32, #tpu.memory_space<hbm>> -> memref<40x128xf32, #tpu.memory_space<hbm>>
      %dma_wait3A_379 = tpu.memref_slice %arg11[%dma_wait3A_371] : memref<4x!tpu.dma_semaphore, #tpu.memory_space<semaphore_mem>> -> memref<1x!tpu.dma_semaphore, #tpu.memory_space<semaphore_mem>>
      %dma_wait3A_380 = tpu.memref_squeeze %dma_wait3A_379 : memref<1x!tpu.dma_semaphore, #tpu.memory_space<semaphore_mem>> -> memref<!tpu.dma_semaphore, #tpu.memory_space<semaphore_mem>>
      %dma_wait3A_381 = arith.constant 0 : i32
      %dma_wait3A_382 = arith.constant 0 : i32
      %dma_wait3A_383 = tpu.memref_slice %arg7[%dma_wait3A_370, %dma_wait3A_381, %dma_wait3A_382] : memref<4x40x128xf32, #tpu.memory_space<vmem>> -> memref<1x40x128xf32, #tpu.memory_space<vmem>>
      %dma_wait3A_384 = tpu.memref_squeeze %dma_wait3A_383 : memref<1x40x128xf32, #tpu.memory_space<vmem>> -> memref<40x128xf32, #tpu.memory_space<vmem>>
      %dma_wait3A_385 = arith.constant 0 : i32
      %dma_wait3A_386 = arith.constant 0 : i32
      %dma_wait3A_387 = tpu.memref_slice %arg2[%dma_wait3A_385, %dma_wait3A_386] : memref<10000x128xf32, #tpu.memory_space<hbm>> -> memref<40x128xf32, #tpu.memory_space<hbm>>
      tpu.wait_dma2 semaphore(%dma_wait3A_380 : memref<!tpu.dma_semaphore, #tpu.memory_space<semaphore_mem>>) src(%dma_wait3A_387 : memref<40x128xf32, #tpu.memory_space<hbm>>) dst(%dma_wait3A_384 : memref<40x128xf32, #tpu.memory_space<vmem>>)
      %dma_wait3A_388 = arith.constant 0 : i32
      %dma_wait3A_389 = arith.constant 0 : i32
      %dma_wait3A_390 = arith.constant 0 : i32
      %dma_wait3A_391 = arith.constant 0 : i32
      %dma_wait3A_392 = tpu.memref_slice %arg8[%dma_wait3A_388, %dma_wait3A_390, %dma_wait3A_391] : memref<4x40x128xf32, #tpu.memory_space<vmem>> -> memref<1x40x128xf32, #tpu.memory_space<vmem>>
      %dma_wait3A_393 = tpu.memref_squeeze %dma_wait3A_392 : memref<1x40x128xf32, #tpu.memory_space<vmem>> -> memref<40x128xf32, #tpu.memory_space<vmem>>
      %dma_wait3A_394 = arith.constant 0 : i32
      %dma_wait3A_395 = arith.constant 0 : i32
      %dma_wait3A_396 = tpu.memref_slice %arg4[%dma_wait3A_394, %dma_wait3A_395] : memref<320000x128xf32, #tpu.memory_space<hbm>> -> memref<40x128xf32, #tpu.memory_space<hbm>>
      %dma_wait3A_397 = tpu.memref_slice %arg11[%dma_wait3A_389] : memref<4x!tpu.dma_semaphore, #tpu.memory_space<semaphore_mem>> -> memref<1x!tpu.dma_semaphore, #tpu.memory_space<semaphore_mem>>
      %dma_wait3A_398 = tpu.memref_squeeze %dma_wait3A_397 : memref<1x!tpu.dma_semaphore, #tpu.memory_space<semaphore_mem>> -> memref<!tpu.dma_semaphore, #tpu.memory_space<semaphore_mem>>
      %dma_wait3A_399 = arith.constant 0 : i32
      %dma_wait3A_400 = arith.constant 0 : i32
      %dma_wait3A_401 = tpu.memref_slice %arg8[%dma_wait3A_388, %dma_wait3A_399, %dma_wait3A_400] : memref<4x40x128xf32, #tpu.memory_space<vmem>> -> memref<1x40x128xf32, #tpu.memory_space<vmem>>
      %dma_wait3A_402 = tpu.memref_squeeze %dma_wait3A_401 : memref<1x40x128xf32, #tpu.memory_space<vmem>> -> memref<40x128xf32, #tpu.memory_space<vmem>>
      %dma_wait3A_403 = arith.constant 0 : i32
      %dma_wait3A_404 = arith.constant 0 : i32
      %dma_wait3A_405 = tpu.memref_slice %arg4[%dma_wait3A_403, %dma_wait3A_404] : memref<320000x128xf32, #tpu.memory_space<hbm>> -> memref<40x128xf32, #tpu.memory_space<hbm>>
      tpu.wait_dma2 semaphore(%dma_wait3A_398 : memref<!tpu.dma_semaphore, #tpu.memory_space<semaphore_mem>>) src(%dma_wait3A_405 : memref<40x128xf32, #tpu.memory_space<hbm>>) dst(%dma_wait3A_402 : memref<40x128xf32, #tpu.memory_space<vmem>>)
      %parallel_loop3A_406 = arith.constant 0 : i32
      %parallel_loop3A_407 = arith.constant 40 : i32
      %parallel_loop3A_408 = arith.constant 1 : i32
      scf.for %parallel_loop3A_655 = %parallel_loop3A_406 to %parallel_loop3A_407 step %parallel_loop3A_408  : i32 {
        %parallel_loop3A_656 = arith.constant 0.000000e+00 : f32
        %parallel_loop3A_657 = vector.broadcast %parallel_loop3A_656 : f32 to vector<16xf32>
        %parallel_loop3A_658 = arith.constant 0.000000e+00 : f32
        %parallel_loop3A_659 = vector.broadcast %parallel_loop3A_658 : f32 to vector<16xf32>
        %parallel_loop3A_660 = arith.constant 0 : i32
        %parallel_loop3A_661 = arith.index_cast %parallel_loop3A_660 : i32 to index
        %parallel_loop3A_662 = arith.index_cast %parallel_loop3A_655 : i32 to index
        %parallel_loop3A_663 = arith.constant 0 : index
        %parallel_loop3A_664 = tpu.vector_load %arg7[%parallel_loop3A_661, %parallel_loop3A_662, %parallel_loop3A_663] {strides = array<i32>} : memref<4x40x128xf32, #tpu.memory_space<vmem>>, vector<1x1x16xf32>,
        %parallel_loop3A_665 = vector.shape_cast %parallel_loop3A_664 : vector<1x1x16xf32> to vector<16xf32>
        %parallel_loop3A_666 = arith.constant 0 : i32
        %parallel_loop3A_667 = arith.index_cast %parallel_loop3A_666 : i32 to index
        %parallel_loop3A_668 = arith.index_cast %parallel_loop3A_655 : i32 to index
        %parallel_loop3A_669 = arith.constant 0 : index
        %parallel_loop3A_670 = tpu.vector_load %arg8[%parallel_loop3A_667, %parallel_loop3A_668, %parallel_loop3A_669] {strides = array<i32>} : memref<4x40x128xf32, #tpu.memory_space<vmem>>, vector<1x1x16xf32>,
        %parallel_loop3A_671 = vector.shape_cast %parallel_loop3A_670 : vector<1x1x16xf32> to vector<16xf32>
        %parallel_loop3A_672 = arith.mulf %parallel_loop3A_665, %parallel_loop3A_671 : vector<16xf32>
        %parallel_loop3A_673 = arith.addf %parallel_loop3A_657, %parallel_loop3A_672 : vector<16xf32>
        %parallel_loop3A_674 = arith.constant 0 : i32
        %parallel_loop3A_675 = arith.index_cast %parallel_loop3A_674 : i32 to index
        %parallel_loop3A_676 = arith.index_cast %parallel_loop3A_655 : i32 to index
        %parallel_loop3A_677 = arith.constant 16 : index
        %parallel_loop3A_678 = tpu.vector_load %arg7[%parallel_loop3A_675, %parallel_loop3A_676, %parallel_loop3A_677] {strides = array<i32>} : memref<4x40x128xf32, #tpu.memory_space<vmem>>, vector<1x1x16xf32>,
        %parallel_loop3A_679 = vector.shape_cast %parallel_loop3A_678 : vector<1x1x16xf32> to vector<16xf32>
        %parallel_loop3A_680 = arith.constant 0 : i32
        %parallel_loop3A_681 = arith.index_cast %parallel_loop3A_680 : i32 to index
        %parallel_loop3A_682 = arith.index_cast %parallel_loop3A_655 : i32 to index
        %parallel_loop3A_683 = arith.constant 16 : index
        %parallel_loop3A_684 = tpu.vector_load %arg8[%parallel_loop3A_681, %parallel_loop3A_682, %parallel_loop3A_683] {strides = array<i32>} : memref<4x40x128xf32, #tpu.memory_space<vmem>>, vector<1x1x16xf32>,
        %parallel_loop3A_685 = vector.shape_cast %parallel_loop3A_684 : vector<1x1x16xf32> to vector<16xf32>
        %parallel_loop3A_686 = arith.mulf %parallel_loop3A_679, %parallel_loop3A_685 : vector<16xf32>
        %parallel_loop3A_687 = arith.addf %parallel_loop3A_659, %parallel_loop3A_686 : vector<16xf32>
        %parallel_loop3A_688 = arith.constant 0 : i32
        %parallel_loop3A_689 = arith.index_cast %parallel_loop3A_688 : i32 to index
        %parallel_loop3A_690 = arith.index_cast %parallel_loop3A_655 : i32 to index
        %parallel_loop3A_691 = arith.constant 32 : index
        %parallel_loop3A_692 = tpu.vector_load %arg7[%parallel_loop3A_689, %parallel_loop3A_690, %parallel_loop3A_691] {strides = array<i32>} : memref<4x40x128xf32, #tpu.memory_space<vmem>>, vector<1x1x16xf32>,
        %parallel_loop3A_693 = vector.shape_cast %parallel_loop3A_692 : vector<1x1x16xf32> to vector<16xf32>
        %parallel_loop3A_694 = arith.constant 0 : i32
        %parallel_loop3A_695 = arith.index_cast %parallel_loop3A_694 : i32 to index
        %parallel_loop3A_696 = arith.index_cast %parallel_loop3A_655 : i32 to index
        %parallel_loop3A_697 = arith.constant 32 : index
        %parallel_loop3A_698 = tpu.vector_load %arg8[%parallel_loop3A_695, %parallel_loop3A_696, %parallel_loop3A_697] {strides = array<i32>} : memref<4x40x128xf32, #tpu.memory_space<vmem>>, vector<1x1x16xf32>,
        %parallel_loop3A_699 = vector.shape_cast %parallel_loop3A_698 : vector<1x1x16xf32> to vector<16xf32>
        %parallel_loop3A_700 = arith.mulf %parallel_loop3A_693, %parallel_loop3A_699 : vector<16xf32>
        %parallel_loop3A_701 = arith.addf %parallel_loop3A_673, %parallel_loop3A_700 : vector<16xf32>
        %parallel_loop3A_702 = arith.constant 0 : i32
        %parallel_loop3A_703 = arith.index_cast %parallel_loop3A_702 : i32 to index
        %parallel_loop3A_704 = arith.index_cast %parallel_loop3A_655 : i32 to index
        %parallel_loop3A_705 = arith.constant 48 : index
        %parallel_loop3A_706 = tpu.vector_load %arg7[%parallel_loop3A_703, %parallel_loop3A_704, %parallel_loop3A_705] {strides = array<i32>} : memref<4x40x128xf32, #tpu.memory_space<vmem>>, vector<1x1x16xf32>,
        %parallel_loop3A_707 = vector.shape_cast %parallel_loop3A_706 : vector<1x1x16xf32> to vector<16xf32>
        %parallel_loop3A_708 = arith.constant 0 : i32
        %parallel_loop3A_709 = arith.index_cast %parallel_loop3A_708 : i32 to index
        %parallel_loop3A_710 = arith.index_cast %parallel_loop3A_655 : i32 to index
        %parallel_loop3A_711 = arith.constant 48 : index
        %parallel_loop3A_712 = tpu.vector_load %arg8[%parallel_loop3A_709, %parallel_loop3A_710, %parallel_loop3A_711] {strides = array<i32>} : memref<4x40x128xf32, #tpu.memory_space<vmem>>, vector<1x1x16xf32>,
        %parallel_loop3A_713 = vector.shape_cast %parallel_loop3A_712 : vector<1x1x16xf32> to vector<16xf32>
        %parallel_loop3A_714 = arith.mulf %parallel_loop3A_707, %parallel_loop3A_713 : vector<16xf32>
        %parallel_loop3A_715 = arith.addf %parallel_loop3A_687, %parallel_loop3A_714 : vector<16xf32>
        %parallel_loop3A_716 = arith.constant 0 : i32
        %parallel_loop3A_717 = arith.index_cast %parallel_loop3A_716 : i32 to index
        %parallel_loop3A_718 = arith.index_cast %parallel_loop3A_655 : i32 to index
        %parallel_loop3A_719 = arith.constant 64 : index
        %parallel_loop3A_720 = tpu.vector_load %arg7[%parallel_loop3A_717, %parallel_loop3A_718, %parallel_loop3A_719] {strides = array<i32>} : memref<4x40x128xf32, #tpu.memory_space<vmem>>, vector<1x1x16xf32>,
        %parallel_loop3A_721 = vector.shape_cast %parallel_loop3A_720 : vector<1x1x16xf32> to vector<16xf32>
        %parallel_loop3A_722 = arith.constant 0 : i32
        %parallel_loop3A_723 = arith.index_cast %parallel_loop3A_722 : i32 to index
        %parallel_loop3A_724 = arith.index_cast %parallel_loop3A_655 : i32 to index
        %parallel_loop3A_725 = arith.constant 64 : index
        %parallel_loop3A_726 = tpu.vector_load %arg8[%parallel_loop3A_723, %parallel_loop3A_724, %parallel_loop3A_725] {strides = array<i32>} : memref<4x40x128xf32, #tpu.memory_space<vmem>>, vector<1x1x16xf32>,
        %parallel_loop3A_727 = vector.shape_cast %parallel_loop3A_726 : vector<1x1x16xf32> to vector<16xf32>
        %parallel_loop3A_728 = arith.mulf %parallel_loop3A_721, %parallel_loop3A_727 : vector<16xf32>
        %parallel_loop3A_729 = arith.addf %parallel_loop3A_701, %parallel_loop3A_728 : vector<16xf32>
        %parallel_loop3A_730 = arith.constant 0 : i32
        %parallel_loop3A_731 = arith.index_cast %parallel_loop3A_730 : i32 to index
        %parallel_loop3A_732 = arith.index_cast %parallel_loop3A_655 : i32 to index
        %parallel_loop3A_733 = arith.constant 80 : index
        %parallel_loop3A_734 = tpu.vector_load %arg7[%parallel_loop3A_731, %parallel_loop3A_732, %parallel_loop3A_733] {strides = array<i32>} : memref<4x40x128xf32, #tpu.memory_space<vmem>>, vector<1x1x16xf32>,
        %parallel_loop3A_735 = vector.shape_cast %parallel_loop3A_734 : vector<1x1x16xf32> to vector<16xf32>
        %parallel_loop3A_736 = arith.constant 0 : i32
        %parallel_loop3A_737 = arith.index_cast %parallel_loop3A_736 : i32 to index
        %parallel_loop3A_738 = arith.index_cast %parallel_loop3A_655 : i32 to index
        %parallel_loop3A_739 = arith.constant 80 : index
        %parallel_loop3A_740 = tpu.vector_load %arg8[%parallel_loop3A_737, %parallel_loop3A_738, %parallel_loop3A_739] {strides = array<i32>} : memref<4x40x128xf32, #tpu.memory_space<vmem>>, vector<1x1x16xf32>,
        %parallel_loop3A_741 = vector.shape_cast %parallel_loop3A_740 : vector<1x1x16xf32> to vector<16xf32>
        %parallel_loop3A_742 = arith.mulf %parallel_loop3A_735, %parallel_loop3A_741 : vector<16xf32>
        %parallel_loop3A_743 = arith.addf %parallel_loop3A_715, %parallel_loop3A_742 : vector<16xf32>
        %parallel_loop3A_744 = arith.constant 0 : i32
        %parallel_loop3A_745 = arith.index_cast %parallel_loop3A_744 : i32 to index
        %parallel_loop3A_746 = arith.index_cast %parallel_loop3A_655 : i32 to index
        %parallel_loop3A_747 = arith.constant 96 : index
        %parallel_loop3A_748 = tpu.vector_load %arg7[%parallel_loop3A_745, %parallel_loop3A_746, %parallel_loop3A_747] {strides = array<i32>} : memref<4x40x128xf32, #tpu.memory_space<vmem>>, vector<1x1x16xf32>,
        %parallel_loop3A_749 = vector.shape_cast %parallel_loop3A_748 : vector<1x1x16xf32> to vector<16xf32>
        %parallel_loop3A_750 = arith.constant 0 : i32
        %parallel_loop3A_751 = arith.index_cast %parallel_loop3A_750 : i32 to index
        %parallel_loop3A_752 = arith.index_cast %parallel_loop3A_655 : i32 to index
        %parallel_loop3A_753 = arith.constant 96 : index
        %parallel_loop3A_754 = tpu.vector_load %arg8[%parallel_loop3A_751, %parallel_loop3A_752, %parallel_loop3A_753] {strides = array<i32>} : memref<4x40x128xf32, #tpu.memory_space<vmem>>, vector<1x1x16xf32>,
        %parallel_loop3A_755 = vector.shape_cast %parallel_loop3A_754 : vector<1x1x16xf32> to vector<16xf32>
        %parallel_loop3A_756 = arith.mulf %parallel_loop3A_749, %parallel_loop3A_755 : vector<16xf32>
        %parallel_loop3A_757 = arith.addf %parallel_loop3A_729, %parallel_loop3A_756 : vector<16xf32>
        %parallel_loop3A_758 = arith.constant 0 : i32
        %parallel_loop3A_759 = arith.index_cast %parallel_loop3A_758 : i32 to index
        %parallel_loop3A_760 = arith.index_cast %parallel_loop3A_655 : i32 to index
        %parallel_loop3A_761 = arith.constant 112 : index
        %parallel_loop3A_762 = tpu.vector_load %arg7[%parallel_loop3A_759, %parallel_loop3A_760, %parallel_loop3A_761] {strides = array<i32>} : memref<4x40x128xf32, #tpu.memory_space<vmem>>, vector<1x1x16xf32>,
        %parallel_loop3A_763 = vector.shape_cast %parallel_loop3A_762 : vector<1x1x16xf32> to vector<16xf32>
        %parallel_loop3A_764 = arith.constant 0 : i32
        %parallel_loop3A_765 = arith.index_cast %parallel_loop3A_764 : i32 to index
        %parallel_loop3A_766 = arith.index_cast %parallel_loop3A_655 : i32 to index
        %parallel_loop3A_767 = arith.constant 112 : index
        %parallel_loop3A_768 = tpu.vector_load %arg8[%parallel_loop3A_765, %parallel_loop3A_766, %parallel_loop3A_767] {strides = array<i32>} : memref<4x40x128xf32, #tpu.memory_space<vmem>>, vector<1x1x16xf32>,
        %parallel_loop3A_769 = vector.shape_cast %parallel_loop3A_768 : vector<1x1x16xf32> to vector<16xf32>
        %parallel_loop3A_770 = arith.mulf %parallel_loop3A_763, %parallel_loop3A_769 : vector<16xf32>
        %parallel_loop3A_771 = arith.addf %parallel_loop3A_743, %parallel_loop3A_770 : vector<16xf32>
        %parallel_loop3A_772 = arith.addf %parallel_loop3A_757, %parallel_loop3A_771 : vector<16xf32>
        %parallel_loop3A_773 = tpu.iota {dimensions = array<i32: 0>} : vector<16xi32>
        %parallel_loop3A_774 = arith.constant 8 : i32
        %parallel_loop3A_775 = vector.broadcast %parallel_loop3A_774 : i32 to vector<16xi32>
        %parallel_loop3A_776 = arith.xori %parallel_loop3A_773, %parallel_loop3A_775 : vector<16xi32>
        %parallel_loop3A_777 = arith.constant 0 : i32
        %parallel_loop3A_778 = vector.broadcast %parallel_loop3A_777 : i32 to vector<16xi32>
        %parallel_loop3A_779 = arith.cmpi slt, %parallel_loop3A_776, %parallel_loop3A_778 : vector<16xi32>
        %parallel_loop3A_780 = arith.constant 16 : i32
        %parallel_loop3A_781 = vector.broadcast %parallel_loop3A_780 : i32 to vector<16xi32>
        %parallel_loop3A_782 = arith.addi %parallel_loop3A_776, %parallel_loop3A_781 : vector<16xi32>
        %parallel_loop3A_783 = arith.select %parallel_loop3A_779, %parallel_loop3A_782, %parallel_loop3A_776 : vector<16xi1>, vector<16xi32>
        %parallel_loop3A_784 = vector.shape_cast %parallel_loop3A_783 : vector<16xi32> to vector<16x1xi32>
        %parallel_loop3A_785 = vector.shape_cast %parallel_loop3A_784 : vector<16x1xi32> to vector<16xi32>
        %parallel_loop3A_786 = tpu.dynamic_gather %parallel_loop3A_772[%parallel_loop3A_785] in [0] : vector<16xf32>, vector<16xi32> -> vector<16xf32>
        %parallel_loop3A_787 = arith.addf %parallel_loop3A_772, %parallel_loop3A_786 : vector<16xf32>
        %parallel_loop3A_788 = arith.constant 4 : i32
        %parallel_loop3A_789 = vector.broadcast %parallel_loop3A_788 : i32 to vector<16xi32>
        %parallel_loop3A_790 = arith.xori %parallel_loop3A_773, %parallel_loop3A_789 : vector<16xi32>
        %parallel_loop3A_791 = arith.constant 0 : i32
        %parallel_loop3A_792 = vector.broadcast %parallel_loop3A_791 : i32 to vector<16xi32>
        %parallel_loop3A_793 = arith.cmpi slt, %parallel_loop3A_790, %parallel_loop3A_792 : vector<16xi32>
        %parallel_loop3A_794 = arith.constant 16 : i32
        %parallel_loop3A_795 = vector.broadcast %parallel_loop3A_794 : i32 to vector<16xi32>
        %parallel_loop3A_796 = arith.addi %parallel_loop3A_790, %parallel_loop3A_795 : vector<16xi32>
        %parallel_loop3A_797 = arith.select %parallel_loop3A_793, %parallel_loop3A_796, %parallel_loop3A_790 : vector<16xi1>, vector<16xi32>
        %parallel_loop3A_798 = vector.shape_cast %parallel_loop3A_797 : vector<16xi32> to vector<16x1xi32>
        %parallel_loop3A_799 = vector.shape_cast %parallel_loop3A_798 : vector<16x1xi32> to vector<16xi32>
        %parallel_loop3A_800 = tpu.dynamic_gather %parallel_loop3A_787[%parallel_loop3A_799] in [0] : vector<16xf32>, vector<16xi32> -> vector<16xf32>
        %parallel_loop3A_801 = arith.addf %parallel_loop3A_787, %parallel_loop3A_800 : vector<16xf32>
        %parallel_loop3A_802 = arith.constant 2 : i32
        %parallel_loop3A_803 = vector.broadcast %parallel_loop3A_802 : i32 to vector<16xi32>
        %parallel_loop3A_804 = arith.xori %parallel_loop3A_773, %parallel_loop3A_803 : vector<16xi32>
        %parallel_loop3A_805 = arith.constant 0 : i32
        %parallel_loop3A_806 = vector.broadcast %parallel_loop3A_805 : i32 to vector<16xi32>
        %parallel_loop3A_807 = arith.cmpi slt, %parallel_loop3A_804, %parallel_loop3A_806 : vector<16xi32>
        %parallel_loop3A_808 = arith.constant 16 : i32
        %parallel_loop3A_809 = vector.broadcast %parallel_loop3A_808 : i32 to vector<16xi32>
        %parallel_loop3A_810 = arith.addi %parallel_loop3A_804, %parallel_loop3A_809 : vector<16xi32>
        %parallel_loop3A_811 = arith.select %parallel_loop3A_807, %parallel_loop3A_810, %parallel_loop3A_804 : vector<16xi1>, vector<16xi32>
        %parallel_loop3A_812 = vector.shape_cast %parallel_loop3A_811 : vector<16xi32> to vector<16x1xi32>
        %parallel_loop3A_813 = vector.shape_cast %parallel_loop3A_812 : vector<16x1xi32> to vector<16xi32>
        %parallel_loop3A_814 = tpu.dynamic_gather %parallel_loop3A_801[%parallel_loop3A_813] in [0] : vector<16xf32>, vector<16xi32> -> vector<16xf32>
        %parallel_loop3A_815 = arith.addf %parallel_loop3A_801, %parallel_loop3A_814 : vector<16xf32>
        %parallel_loop3A_816 = arith.constant 1 : i32
        %parallel_loop3A_817 = vector.broadcast %parallel_loop3A_816 : i32 to vector<16xi32>
        %parallel_loop3A_818 = arith.xori %parallel_loop3A_773, %parallel_loop3A_817 : vector<16xi32>
        %parallel_loop3A_819 = arith.constant 0 : i32
        %parallel_loop3A_820 = vector.broadcast %parallel_loop3A_819 : i32 to vector<16xi32>
        %parallel_loop3A_821 = arith.cmpi slt, %parallel_loop3A_818, %parallel_loop3A_820 : vector<16xi32>
        %parallel_loop3A_822 = arith.constant 16 : i32
        %parallel_loop3A_823 = vector.broadcast %parallel_loop3A_822 : i32 to vector<16xi32>
        %parallel_loop3A_824 = arith.addi %parallel_loop3A_818, %parallel_loop3A_823 : vector<16xi32>
        %parallel_loop3A_825 = arith.select %parallel_loop3A_821, %parallel_loop3A_824, %parallel_loop3A_818 : vector<16xi1>, vector<16xi32>
        %parallel_loop3A_826 = vector.shape_cast %parallel_loop3A_825 : vector<16xi32> to vector<16x1xi32>
        %parallel_loop3A_827 = vector.shape_cast %parallel_loop3A_826 : vector<16x1xi32> to vector<16xi32>
        %parallel_loop3A_828 = tpu.dynamic_gather %parallel_loop3A_815[%parallel_loop3A_827] in [0] : vector<16xf32>, vector<16xi32> -> vector<16xf32>
        %parallel_loop3A_829 = arith.addf %parallel_loop3A_815, %parallel_loop3A_828 : vector<16xf32>
        %parallel_loop3A_830 = arith.constant 0.000000e+00 : f32
        %parallel_loop3A_831 = vector.broadcast %parallel_loop3A_830 : f32 to vector<16xf32>
        %parallel_loop3A_832 = arith.subf %parallel_loop3A_831, %parallel_loop3A_829 : vector<16xf32>
        %parallel_loop3A_833 = math.exp %parallel_loop3A_832 : vector<16xf32>
        %parallel_loop3A_834 = arith.constant 1.000000e+00 : f32
        %parallel_loop3A_835 = vector.broadcast %parallel_loop3A_834 : f32 to vector<16xf32>
        %parallel_loop3A_836 = arith.addf %parallel_loop3A_835, %parallel_loop3A_833 : vector<16xf32>
        %parallel_loop3A_837 = arith.constant 1.000000e+00 : f32
        %parallel_loop3A_838 = vector.broadcast %parallel_loop3A_837 : f32 to vector<16xf32>
        %parallel_loop3A_839 = arith.divf %parallel_loop3A_838, %parallel_loop3A_836 : vector<16xf32>
        %parallel_loop3A_840 = arith.mulf %parallel_loop3A_839, %parallel_loop3A_671 : vector<16xf32>
        %parallel_loop3A_841 = arith.constant 0 : i32
        %parallel_loop3A_842 = arith.index_cast %parallel_loop3A_841 : i32 to index
        %parallel_loop3A_843 = arith.index_cast %parallel_loop3A_655 : i32 to index
        %parallel_loop3A_844 = arith.constant 0 : index
        %parallel_loop3A_845 = tpu.vector_load %arg8[%parallel_loop3A_842, %parallel_loop3A_843, %parallel_loop3A_844] {strides = array<i32>} : memref<4x40x128xf32, #tpu.memory_space<vmem>>, vector<1x1x16xf32>,
        %parallel_loop3A_846 = vector.shape_cast %parallel_loop3A_845 : vector<1x1x16xf32> to vector<16xf32>
        %parallel_loop3A_847 = vector.shape_cast %parallel_loop3A_840 : vector<16xf32> to vector<1x1x16xf32>
        tpu.vector_store %arg8[%parallel_loop3A_842, %parallel_loop3A_843, %parallel_loop3A_844], %parallel_loop3A_847 {strides = array<i32>} : memref<4x40x128xf32, #tpu.memory_space<vmem>>, vector<1x1x16xf32>,
        %parallel_loop3A_848 = arith.mulf %parallel_loop3A_839, %parallel_loop3A_685 : vector<16xf32>
        %parallel_loop3A_849 = arith.constant 0 : i32
        %parallel_loop3A_850 = arith.index_cast %parallel_loop3A_849 : i32 to index
        %parallel_loop3A_851 = arith.index_cast %parallel_loop3A_655 : i32 to index
        %parallel_loop3A_852 = arith.constant 16 : index
        %parallel_loop3A_853 = tpu.vector_load %arg8[%parallel_loop3A_850, %parallel_loop3A_851, %parallel_loop3A_852] {strides = array<i32>} : memref<4x40x128xf32, #tpu.memory_space<vmem>>, vector<1x1x16xf32>,
        %parallel_loop3A_854 = vector.shape_cast %parallel_loop3A_853 : vector<1x1x16xf32> to vector<16xf32>
        %parallel_loop3A_855 = vector.shape_cast %parallel_loop3A_848 : vector<16xf32> to vector<1x1x16xf32>
        tpu.vector_store %arg8[%parallel_loop3A_850, %parallel_loop3A_851, %parallel_loop3A_852], %parallel_loop3A_855 {strides = array<i32>} : memref<4x40x128xf32, #tpu.memory_space<vmem>>, vector<1x1x16xf32>,
        %parallel_loop3A_856 = arith.mulf %parallel_loop3A_839, %parallel_loop3A_699 : vector<16xf32>
        %parallel_loop3A_857 = arith.constant 0 : i32
        %parallel_loop3A_858 = arith.index_cast %parallel_loop3A_857 : i32 to index
        %parallel_loop3A_859 = arith.index_cast %parallel_loop3A_655 : i32 to index
        %parallel_loop3A_860 = arith.constant 32 : index
        %parallel_loop3A_861 = tpu.vector_load %arg8[%parallel_loop3A_858, %parallel_loop3A_859, %parallel_loop3A_860] {strides = array<i32>} : memref<4x40x128xf32, #tpu.memory_space<vmem>>, vector<1x1x16xf32>,
        %parallel_loop3A_862 = vector.shape_cast %parallel_loop3A_861 : vector<1x1x16xf32> to vector<16xf32>
        %parallel_loop3A_863 = vector.shape_cast %parallel_loop3A_856 : vector<16xf32> to vector<1x1x16xf32>
        tpu.vector_store %arg8[%parallel_loop3A_858, %parallel_loop3A_859, %parallel_loop3A_860], %parallel_loop3A_863 {strides = array<i32>} : memref<4x40x128xf32, #tpu.memory_space<vmem>>, vector<1x1x16xf32>,
        %parallel_loop3A_864 = arith.mulf %parallel_loop3A_839, %parallel_loop3A_713 : vector<16xf32>
        %parallel_loop3A_865 = arith.constant 0 : i32
        %parallel_loop3A_866 = arith.index_cast %parallel_loop3A_865 : i32 to index
        %parallel_loop3A_867 = arith.index_cast %parallel_loop3A_655 : i32 to index
        %parallel_loop3A_868 = arith.constant 48 : index
        %parallel_loop3A_869 = tpu.vector_load %arg8[%parallel_loop3A_866, %parallel_loop3A_867, %parallel_loop3A_868] {strides = array<i32>} : memref<4x40x128xf32, #tpu.memory_space<vmem>>, vector<1x1x16xf32>,
        %parallel_loop3A_870 = vector.shape_cast %parallel_loop3A_869 : vector<1x1x16xf32> to vector<16xf32>
        %parallel_loop3A_871 = vector.shape_cast %parallel_loop3A_864 : vector<16xf32> to vector<1x1x16xf32>
        tpu.vector_store %arg8[%parallel_loop3A_866, %parallel_loop3A_867, %parallel_loop3A_868], %parallel_loop3A_871 {strides = array<i32>} : memref<4x40x128xf32, #tpu.memory_space<vmem>>, vector<1x1x16xf32>,
        %parallel_loop3A_872 = arith.mulf %parallel_loop3A_839, %parallel_loop3A_727 : vector<16xf32>
        %parallel_loop3A_873 = arith.constant 0 : i32
        %parallel_loop3A_874 = arith.index_cast %parallel_loop3A_873 : i32 to index
        %parallel_loop3A_875 = arith.index_cast %parallel_loop3A_655 : i32 to index
        %parallel_loop3A_876 = arith.constant 64 : index
        %parallel_loop3A_877 = tpu.vector_load %arg8[%parallel_loop3A_874, %parallel_loop3A_875, %parallel_loop3A_876] {strides = array<i32>} : memref<4x40x128xf32, #tpu.memory_space<vmem>>, vector<1x1x16xf32>,
        %parallel_loop3A_878 = vector.shape_cast %parallel_loop3A_877 : vector<1x1x16xf32> to vector<16xf32>
        %parallel_loop3A_879 = vector.shape_cast %parallel_loop3A_872 : vector<16xf32> to vector<1x1x16xf32>
        tpu.vector_store %arg8[%parallel_loop3A_874, %parallel_loop3A_875, %parallel_loop3A_876], %parallel_loop3A_879 {strides = array<i32>} : memref<4x40x128xf32, #tpu.memory_space<vmem>>, vector<1x1x16xf32>,
        %parallel_loop3A_880 = arith.mulf %parallel_loop3A_839, %parallel_loop3A_741 : vector<16xf32>
        %parallel_loop3A_881 = arith.constant 0 : i32
        %parallel_loop3A_882 = arith.index_cast %parallel_loop3A_881 : i32 to index
        %parallel_loop3A_883 = arith.index_cast %parallel_loop3A_655 : i32 to index
        %parallel_loop3A_884 = arith.constant 80 : index
        %parallel_loop3A_885 = tpu.vector_load %arg8[%parallel_loop3A_882, %parallel_loop3A_883, %parallel_loop3A_884] {strides = array<i32>} : memref<4x40x128xf32, #tpu.memory_space<vmem>>, vector<1x1x16xf32>,
        %parallel_loop3A_886 = vector.shape_cast %parallel_loop3A_885 : vector<1x1x16xf32> to vector<16xf32>
        %parallel_loop3A_887 = vector.shape_cast %parallel_loop3A_880 : vector<16xf32> to vector<1x1x16xf32>
        tpu.vector_store %arg8[%parallel_loop3A_882, %parallel_loop3A_883, %parallel_loop3A_884], %parallel_loop3A_887 {strides = array<i32>} : memref<4x40x128xf32, #tpu.memory_space<vmem>>, vector<1x1x16xf32>,
        %parallel_loop3A_888 = arith.mulf %parallel_loop3A_839, %parallel_loop3A_755 : vector<16xf32>
        %parallel_loop3A_889 = arith.constant 0 : i32
        %parallel_loop3A_890 = arith.index_cast %parallel_loop3A_889 : i32 to index
        %parallel_loop3A_891 = arith.index_cast %parallel_loop3A_655 : i32 to index
        %parallel_loop3A_892 = arith.constant 96 : index
        %parallel_loop3A_893 = tpu.vector_load %arg8[%parallel_loop3A_890, %parallel_loop3A_891, %parallel_loop3A_892] {strides = array<i32>} : memref<4x40x128xf32, #tpu.memory_space<vmem>>, vector<1x1x16xf32>,
        %parallel_loop3A_894 = vector.shape_cast %parallel_loop3A_893 : vector<1x1x16xf32> to vector<16xf32>
        %parallel_loop3A_895 = vector.shape_cast %parallel_loop3A_888 : vector<16xf32> to vector<1x1x16xf32>
        tpu.vector_store %arg8[%parallel_loop3A_890, %parallel_loop3A_891, %parallel_loop3A_892], %parallel_loop3A_895 {strides = array<i32>} : memref<4x40x128xf32, #tpu.memory_space<vmem>>, vector<1x1x16xf32>,
        %parallel_loop3A_896 = arith.mulf %parallel_loop3A_839, %parallel_loop3A_769 : vector<16xf32>
        %parallel_loop3A_897 = arith.constant 0 : i32
        %parallel_loop3A_898 = arith.index_cast %parallel_loop3A_897 : i32 to index
        %parallel_loop3A_899 = arith.index_cast %parallel_loop3A_655 : i32 to index
        %parallel_loop3A_900 = arith.constant 112 : index
        %parallel_loop3A_901 = tpu.vector_load %arg8[%parallel_loop3A_898, %parallel_loop3A_899, %parallel_loop3A_900] {strides = array<i32>} : memref<4x40x128xf32, #tpu.memory_space<vmem>>, vector<1x1x16xf32>,
        %parallel_loop3A_902 = vector.shape_cast %parallel_loop3A_901 : vector<1x1x16xf32> to vector<16xf32>
        %parallel_loop3A_903 = vector.shape_cast %parallel_loop3A_896 : vector<16xf32> to vector<1x1x16xf32>
        tpu.vector_store %arg8[%parallel_loop3A_898, %parallel_loop3A_899, %parallel_loop3A_900], %parallel_loop3A_903 {strides = array<i32>} : memref<4x40x128xf32, #tpu.memory_space<vmem>>, vector<1x1x16xf32>,
      } {sc.loop_unroll_factor = 2 : i64, sc.parallel_access}
      %dma_start3A_409 = arith.constant 0 : i32
      %dma_start3A_410 = arith.constant 0 : i32
      %dma_start3A_411 = arith.constant 0 : i32
      %dma_start3A_412 = arith.constant 0 : i32
      %dma_start3A_413 = arith.constant 0 : i32
      %dma_start3A_414 = tpu.memref_slice %arg8[%dma_start3A_409, %dma_start3A_412, %dma_start3A_413] : memref<4x40x128xf32, #tpu.memory_space<vmem>> -> memref<1x40x128xf32, #tpu.memory_space<vmem>>
      %dma_start3A_415 = tpu.memref_squeeze %dma_start3A_414 : memref<1x40x128xf32, #tpu.memory_space<vmem>> -> memref<40x128xf32, #tpu.memory_space<vmem>>
      %dma_start3A_416 = arith.constant 0 : i32
      %dma_start3A_417 = tpu.memref_slice %arg6[%dma_start3A_410, %dma_start3A_416] : memref<4x40xi32, #tpu.memory_space<vmem>> -> memref<1x40xi32, #tpu.memory_space<vmem>>
      %dma_start3A_418 = tpu.memref_squeeze %dma_start3A_417 : memref<1x40xi32, #tpu.memory_space<vmem>> -> memref<40xi32, #tpu.memory_space<vmem>>
      %dma_start3A_419 = arith.constant 0 : i32
      %dma_start3A_420 = arith.constant 0 : i32
      %dma_start3A_421 = tpu.memref_slice %arg9[%dma_start3A_419, %dma_start3A_420] : memref<10000x128xf32, #tpu.memory_space<vmem_shared>> -> memref<10000x128xf32, #tpu.memory_space<vmem_shared>>
      %dma_start3A_422 = tpu.memref_slice %arg12[%dma_start3A_411] : memref<4x!tpu.dma_semaphore, #tpu.memory_space<semaphore_mem>> -> memref<1x!tpu.dma_semaphore, #tpu.memory_space<semaphore_mem>>
      %dma_start3A_423 = tpu.memref_squeeze %dma_start3A_422 : memref<1x!tpu.dma_semaphore, #tpu.memory_space<semaphore_mem>> -> memref<!tpu.dma_semaphore, #tpu.memory_space<semaphore_mem>>
      tpu.enqueue_indirect_dma source(%dma_start3A_415 : memref<40x128xf32, #tpu.memory_space<vmem>>) target(%dma_start3A_421 : memref<10000x128xf32, #tpu.memory_space<vmem_shared>>) offsets(%dma_start3A_418 : memref<40xi32, #tpu.memory_space<vmem>>) semaphore(%dma_start3A_423 : memref<!tpu.dma_semaphore, #tpu.memory_space<semaphore_mem>>) {add = true}
      %mul3A_424 = arith.constant 4 : i32
      %mul3A_425 = arith.muli %scan3A_350, %mul3A_424 : i32
      %add3A_426 = arith.constant 1 : i32
      %add3A_427 = arith.addi %mul3A_425, %add3A_426 : i32
      %ge3A_428 = arith.constant 1 : i32
      %ge3A_429 = arith.cmpi sge, %add3A_427, %ge3A_428 : i32
      %convert_element_type3A_430 = arith.extui %ge3A_429 : i1 to i32
      %cond3A_431 = arith.constant 0 : i32
      %cond3A_432 = arith.cmpi ne, %convert_element_type3A_430, %cond3A_431 : i32
      scf.if %cond3A_432 {
        %dma_wait3A_655 = arith.constant 0 : i32
        %dma_wait3A_656 = arith.constant 0 : i32
        %dma_wait3A_657 = arith.constant 0 : i32
        %dma_wait3A_658 = arith.constant 0 : i32
        %dma_wait3A_659 = arith.constant 0 : i32
        %dma_wait3A_660 = tpu.memref_slice %arg8[%dma_wait3A_655, %dma_wait3A_658, %dma_wait3A_659] : memref<4x40x128xf32, #tpu.memory_space<vmem>> -> memref<1x40x128xf32, #tpu.memory_space<vmem>>
        %dma_wait3A_661 = tpu.memref_squeeze %dma_wait3A_660 : memref<1x40x128xf32, #tpu.memory_space<vmem>> -> memref<40x128xf32, #tpu.memory_space<vmem>>
        %dma_wait3A_662 = arith.constant 0 : i32
        %dma_wait3A_663 = tpu.memref_slice %arg6[%dma_wait3A_656, %dma_wait3A_662] : memref<4x40xi32, #tpu.memory_space<vmem>> -> memref<1x40xi32, #tpu.memory_space<vmem>>
        %dma_wait3A_664 = tpu.memref_squeeze %dma_wait3A_663 : memref<1x40xi32, #tpu.memory_space<vmem>> -> memref<40xi32, #tpu.memory_space<vmem>>
        %dma_wait3A_665 = arith.constant 0 : i32
        %dma_wait3A_666 = arith.constant 0 : i32
        %dma_wait3A_667 = tpu.memref_slice %arg9[%dma_wait3A_665, %dma_wait3A_666] : memref<10000x128xf32, #tpu.memory_space<vmem_shared>> -> memref<10000x128xf32, #tpu.memory_space<vmem_shared>>
        %dma_wait3A_668 = tpu.memref_slice %arg12[%dma_wait3A_657] : memref<4x!tpu.dma_semaphore, #tpu.memory_space<semaphore_mem>> -> memref<1x!tpu.dma_semaphore, #tpu.memory_space<semaphore_mem>>
        %dma_wait3A_669 = tpu.memref_squeeze %dma_wait3A_668 : memref<1x!tpu.dma_semaphore, #tpu.memory_space<semaphore_mem>> -> memref<!tpu.dma_semaphore, #tpu.memory_space<semaphore_mem>>
        tpu.wait_indirect_dma semaphore(%dma_wait3A_669 : memref<!tpu.dma_semaphore, #tpu.memory_space<semaphore_mem>>) src(%dma_wait3A_661 : memref<40x128xf32, #tpu.memory_space<vmem>>) dst(%dma_wait3A_667 : memref<10000x128xf32, #tpu.memory_space<vmem_shared>>)
      } else {
      }
      %add3A_433 = arith.constant 3 : i32
      %add3A_434 = arith.addi %add3A_427, %add3A_433 : i32
      %lt3A_435 = arith.constant 250 : i32
      %lt3A_436 = arith.cmpi slt, %add3A_434, %lt3A_435 : i32
      %convert_element_type3A_437 = arith.extui %lt3A_436 : i1 to i32
      %cond3A_438 = arith.constant 0 : i32
      %cond3A_439 = arith.cmpi ne, %convert_element_type3A_437, %cond3A_438 : i32
      scf.if %cond3A_439 {
        %add3A_655 = arith.constant 3 : i32
        %add3A_656 = arith.addi %add3A_427, %add3A_655 : i32
        %dma_start3A_657 = arith.constant 0 : i32
        %dma_start3A_658 = arith.constant 0 : i32
        %dma_start3A_659 = arith.constant 0 : i32
        %dma_start3A_660 = tpu.memref_slice %arg6[%dma_start3A_657, %dma_start3A_659] : memref<4x40xi32, #tpu.memory_space<vmem>> -> memref<1x40xi32, #tpu.memory_space<vmem>>
        %dma_start3A_661 = tpu.memref_squeeze %dma_start3A_660 : memref<1x40xi32, #tpu.memory_space<vmem>> -> memref<40xi32, #tpu.memory_space<vmem>>
        %dma_start3A_662 = arith.constant 0 : i32
        %dma_start3A_663 = tpu.memref_slice %arg3[%add3A, %add3A_656, %dma_start3A_662] : memref<32x250x40xi32, #tpu.memory_space<hbm>> -> memref<1x1x40xi32, #tpu.memory_space<hbm>>
        %dma_start3A_664 = tpu.memref_squeeze %dma_start3A_663 : memref<1x1x40xi32, #tpu.memory_space<hbm>> -> memref<40xi32, #tpu.memory_space<hbm>>
        %dma_start3A_665 = tpu.memref_slice %arg10[%dma_start3A_658] : memref<4x!tpu.dma_semaphore, #tpu.memory_space<semaphore_mem>> -> memref<1x!tpu.dma_semaphore, #tpu.memory_space<semaphore_mem>>
        %dma_start3A_666 = tpu.memref_squeeze %dma_start3A_665 : memref<1x!tpu.dma_semaphore, #tpu.memory_space<semaphore_mem>> -> memref<!tpu.dma_semaphore, #tpu.memory_space<semaphore_mem>>
        %dma_start3A_667 = arith.constant 0 : i32
        %dma_start3A_668 = tpu.memref_slice %arg6[%dma_start3A_657, %dma_start3A_667] : memref<4x40xi32, #tpu.memory_space<vmem>> -> memref<1x40xi32, #tpu.memory_space<vmem>>
        %dma_start3A_669 = tpu.memref_squeeze %dma_start3A_668 : memref<1x40xi32, #tpu.memory_space<vmem>> -> memref<40xi32, #tpu.memory_space<vmem>>
        %dma_start3A_670 = arith.constant 0 : i32
        %dma_start3A_671 = tpu.memref_slice %arg3[%add3A, %add3A_656, %dma_start3A_670] : memref<32x250x40xi32, #tpu.memory_space<hbm>> -> memref<1x1x40xi32, #tpu.memory_space<hbm>>
        %dma_start3A_672 = tpu.memref_squeeze %dma_start3A_671 : memref<1x1x40xi32, #tpu.memory_space<hbm>> -> memref<40xi32, #tpu.memory_space<hbm>>
        tpu.enqueue_dma source(%dma_start3A_672 : memref<40xi32, #tpu.memory_space<hbm>>) target(%dma_start3A_669 : memref<40xi32, #tpu.memory_space<vmem>>) target_semaphore(%dma_start3A_666 : memref<!tpu.dma_semaphore, #tpu.memory_space<semaphore_mem>>)
      } else {
      }
      %add3A_440 = arith.constant 2 : i32
      %add3A_441 = arith.addi %add3A_427, %add3A_440 : i32
      %lt3A_442 = arith.constant 250 : i32
      %lt3A_443 = arith.cmpi slt, %add3A_441, %lt3A_442 : i32
      %convert_element_type3A_444 = arith.extui %lt3A_443 : i1 to i32
      %cond3A_445 = arith.constant 0 : i32
      %cond3A_446 = arith.cmpi ne, %convert_element_type3A_444, %cond3A_445 : i32
      scf.if %cond3A_446 {
        %dma_wait3A_655 = arith.constant 0 : i32
        %dma_wait3A_656 = arith.constant 3 : i32
        %dma_wait3A_657 = arith.constant 3 : i32
        %dma_wait3A_658 = arith.constant 0 : i32
        %dma_wait3A_659 = tpu.memref_slice %arg6[%dma_wait3A_656, %dma_wait3A_658] : memref<4x40xi32, #tpu.memory_space<vmem>> -> memref<1x40xi32, #tpu.memory_space<vmem>>
        %dma_wait3A_660 = tpu.memref_squeeze %dma_wait3A_659 : memref<1x40xi32, #tpu.memory_space<vmem>> -> memref<40xi32, #tpu.memory_space<vmem>>
        %dma_wait3A_661 = arith.constant 0 : i32
        %dma_wait3A_662 = tpu.memref_slice %arg3[%add3A, %dma_wait3A_655, %dma_wait3A_661] : memref<32x250x40xi32, #tpu.memory_space<hbm>> -> memref<1x1x40xi32, #tpu.memory_space<hbm>>
        %dma_wait3A_663 = tpu.memref_squeeze %dma_wait3A_662 : memref<1x1x40xi32, #tpu.memory_space<hbm>> -> memref<40xi32, #tpu.memory_space<hbm>>
        %dma_wait3A_664 = tpu.memref_slice %arg10[%dma_wait3A_657] : memref<4x!tpu.dma_semaphore, #tpu.memory_space<semaphore_mem>> -> memref<1x!tpu.dma_semaphore, #tpu.memory_space<semaphore_mem>>
        %dma_wait3A_665 = tpu.memref_squeeze %dma_wait3A_664 : memref<1x!tpu.dma_semaphore, #tpu.memory_space<semaphore_mem>> -> memref<!tpu.dma_semaphore, #tpu.memory_space<semaphore_mem>>
        %dma_wait3A_666 = arith.constant 0 : i32
        %dma_wait3A_667 = tpu.memref_slice %arg6[%dma_wait3A_656, %dma_wait3A_666] : memref<4x40xi32, #tpu.memory_space<vmem>> -> memref<1x40xi32, #tpu.memory_space<vmem>>
        %dma_wait3A_668 = tpu.memref_squeeze %dma_wait3A_667 : memref<1x40xi32, #tpu.memory_space<vmem>> -> memref<40xi32, #tpu.memory_space<vmem>>
        %dma_wait3A_669 = arith.constant 0 : i32
        %dma_wait3A_670 = tpu.memref_slice %arg3[%add3A, %dma_wait3A_655, %dma_wait3A_669] : memref<32x250x40xi32, #tpu.memory_space<hbm>> -> memref<1x1x40xi32, #tpu.memory_space<hbm>>
        %dma_wait3A_671 = tpu.memref_squeeze %dma_wait3A_670 : memref<1x1x40xi32, #tpu.memory_space<hbm>> -> memref<40xi32, #tpu.memory_space<hbm>>
        tpu.wait_dma2 semaphore(%dma_wait3A_665 : memref<!tpu.dma_semaphore, #tpu.memory_space<semaphore_mem>>) src(%dma_wait3A_671 : memref<40xi32, #tpu.memory_space<hbm>>) dst(%dma_wait3A_668 : memref<40xi32, #tpu.memory_space<vmem>>)
        %add3A_672 = arith.constant 2 : i32
        %add3A_673 = arith.addi %add3A_427, %add3A_672 : i32
        %dma_start3A_674 = arith.constant 3 : i32
        %dma_start3A_675 = arith.constant 3 : i32
        %dma_start3A_676 = arith.constant 3 : i32
        %dma_start3A_677 = arith.constant 0 : i32
        %dma_start3A_678 = arith.constant 0 : i32
        %dma_start3A_679 = tpu.memref_slice %arg7[%dma_start3A_675, %dma_start3A_677, %dma_start3A_678] : memref<4x40x128xf32, #tpu.memory_space<vmem>> -> memref<1x40x128xf32, #tpu.memory_space<vmem>>
        %dma_start3A_680 = tpu.memref_squeeze %dma_start3A_679 : memref<1x40x128xf32, #tpu.memory_space<vmem>> -> memref<40x128xf32, #tpu.memory_space<vmem>>
        %dma_start3A_681 = arith.constant 0 : i32
        %dma_start3A_682 = tpu.memref_slice %arg6[%dma_start3A_674, %dma_start3A_681] : memref<4x40xi32, #tpu.memory_space<vmem>> -> memref<1x40xi32, #tpu.memory_space<vmem>>
        %dma_start3A_683 = tpu.memref_squeeze %dma_start3A_682 : memref<1x40xi32, #tpu.memory_space<vmem>> -> memref<40xi32, #tpu.memory_space<vmem>>
        %dma_start3A_684 = arith.constant 0 : i32
        %dma_start3A_685 = arith.constant 0 : i32
        %dma_start3A_686 = tpu.memref_slice %arg2[%dma_start3A_684, %dma_start3A_685] : memref<10000x128xf32, #tpu.memory_space<hbm>> -> memref<10000x128xf32, #tpu.memory_space<hbm>>
        %dma_start3A_687 = tpu.memref_slice %arg11[%dma_start3A_676] : memref<4x!tpu.dma_semaphore, #tpu.memory_space<semaphore_mem>> -> memref<1x!tpu.dma_semaphore, #tpu.memory_space<semaphore_mem>>
        %dma_start3A_688 = tpu.memref_squeeze %dma_start3A_687 : memref<1x!tpu.dma_semaphore, #tpu.memory_space<semaphore_mem>> -> memref<!tpu.dma_semaphore, #tpu.memory_space<semaphore_mem>>
        tpu.enqueue_indirect_dma source(%dma_start3A_686 : memref<10000x128xf32, #tpu.memory_space<hbm>>) target(%dma_start3A_680 : memref<40x128xf32, #tpu.memory_space<vmem>>) offsets(%dma_start3A_683 : memref<40xi32, #tpu.memory_space<vmem>>) semaphore(%dma_start3A_688 : memref<!tpu.dma_semaphore, #tpu.memory_space<semaphore_mem>>)
        %mul3A_689 = arith.constant 40 : i32
        %mul3A_690 = arith.muli %add3A_673, %mul3A_689 : i32
        %add3A_691 = arith.addi %mul3A_2, %mul3A_690 : i32
        %dma_start3A_692 = arith.constant 3 : i32
        %dma_start3A_693 = arith.constant 3 : i32
        %dma_start3A_694 = arith.constant 0 : i32
        %dma_start3A_695 = arith.constant 0 : i32
        %dma_start3A_696 = tpu.memref_slice %arg8[%dma_start3A_692, %dma_start3A_694, %dma_start3A_695] : memref<4x40x128xf32, #tpu.memory_space<vmem>> -> memref<1x40x128xf32, #tpu.memory_space<vmem>>
        %dma_start3A_697 = tpu.memref_squeeze %dma_start3A_696 : memref<1x40x128xf32, #tpu.memory_space<vmem>> -> memref<40x128xf32, #tpu.memory_space<vmem>>
        %dma_start3A_698 = arith.constant 0 : i32
        %dma_start3A_699 = tpu.memref_slice %arg4[%add3A_691, %dma_start3A_698] : memref<320000x128xf32, #tpu.memory_space<hbm>> -> memref<40x128xf32, #tpu.memory_space<hbm>>
        %dma_start3A_700 = tpu.memref_slice %arg11[%dma_start3A_693] : memref<4x!tpu.dma_semaphore, #tpu.memory_space<semaphore_mem>> -> memref<1x!tpu.dma_semaphore, #tpu.memory_space<semaphore_mem>>
        %dma_start3A_701 = tpu.memref_squeeze %dma_start3A_700 : memref<1x!tpu.dma_semaphore, #tpu.memory_space<semaphore_mem>> -> memref<!tpu.dma_semaphore, #tpu.memory_space<semaphore_mem>>
        %dma_start3A_702 = arith.constant 0 : i32
        %dma_start3A_703 = arith.constant 0 : i32
        %dma_start3A_704 = tpu.memref_slice %arg8[%dma_start3A_692, %dma_start3A_702, %dma_start3A_703] : memref<4x40x128xf32, #tpu.memory_space<vmem>> -> memref<1x40x128xf32, #tpu.memory_space<vmem>>
        %dma_start3A_705 = tpu.memref_squeeze %dma_start3A_704 : memref<1x40x128xf32, #tpu.memory_space<vmem>> -> memref<40x128xf32, #tpu.memory_space<vmem>>
        %dma_start3A_706 = arith.constant 0 : i32
        %dma_start3A_707 = tpu.memref_slice %arg4[%add3A_691, %dma_start3A_706] : memref<320000x128xf32, #tpu.memory_space<hbm>> -> memref<40x128xf32, #tpu.memory_space<hbm>>
        tpu.enqueue_dma source(%dma_start3A_707 : memref<40x128xf32, #tpu.memory_space<hbm>>) target(%dma_start3A_705 : memref<40x128xf32, #tpu.memory_space<vmem>>) target_semaphore(%dma_start3A_701 : memref<!tpu.dma_semaphore, #tpu.memory_space<semaphore_mem>>)
      } else {
      }
      %dma_wait3A_447 = arith.constant 1 : i32
      %dma_wait3A_448 = arith.constant 1 : i32
      %dma_wait3A_449 = arith.constant 0 : i32
      %dma_wait3A_450 = arith.constant 0 : i32
      %dma_wait3A_451 = tpu.memref_slice %arg7[%dma_wait3A_447, %dma_wait3A_449, %dma_wait3A_450] : memref<4x40x128xf32, #tpu.memory_space<vmem>> -> memref<1x40x128xf32, #tpu.memory_space<vmem>>
      %dma_wait3A_452 = tpu.memref_squeeze %dma_wait3A_451 : memref<1x40x128xf32, #tpu.memory_space<vmem>> -> memref<40x128xf32, #tpu.memory_space<vmem>>
      %dma_wait3A_453 = arith.constant 0 : i32
      %dma_wait3A_454 = arith.constant 0 : i32
      %dma_wait3A_455 = tpu.memref_slice %arg2[%dma_wait3A_453, %dma_wait3A_454] : memref<10000x128xf32, #tpu.memory_space<hbm>> -> memref<40x128xf32, #tpu.memory_space<hbm>>
      %dma_wait3A_456 = tpu.memref_slice %arg11[%dma_wait3A_448] : memref<4x!tpu.dma_semaphore, #tpu.memory_space<semaphore_mem>> -> memref<1x!tpu.dma_semaphore, #tpu.memory_space<semaphore_mem>>
      %dma_wait3A_457 = tpu.memref_squeeze %dma_wait3A_456 : memref<1x!tpu.dma_semaphore, #tpu.memory_space<semaphore_mem>> -> memref<!tpu.dma_semaphore, #tpu.memory_space<semaphore_mem>>
      %dma_wait3A_458 = arith.constant 0 : i32
      %dma_wait3A_459 = arith.constant 0 : i32
      %dma_wait3A_460 = tpu.memref_slice %arg7[%dma_wait3A_447, %dma_wait3A_458, %dma_wait3A_459] : memref<4x40x128xf32, #tpu.memory_space<vmem>> -> memref<1x40x128xf32, #tpu.memory_space<vmem>>
      %dma_wait3A_461 = tpu.memref_squeeze %dma_wait3A_460 : memref<1x40x128xf32, #tpu.memory_space<vmem>> -> memref<40x128xf32, #tpu.memory_space<vmem>>
      %dma_wait3A_462 = arith.constant 0 : i32
      %dma_wait3A_463 = arith.constant 0 : i32
      %dma_wait3A_464 = tpu.memref_slice %arg2[%dma_wait3A_462, %dma_wait3A_463] : memref<10000x128xf32, #tpu.memory_space<hbm>> -> memref<40x128xf32, #tpu.memory_space<hbm>>
      tpu.wait_dma2 semaphore(%dma_wait3A_457 : memref<!tpu.dma_semaphore, #tpu.memory_space<semaphore_mem>>) src(%dma_wait3A_464 : memref<40x128xf32, #tpu.memory_space<hbm>>) dst(%dma_wait3A_461 : memref<40x128xf32, #tpu.memory_space<vmem>>)
      %dma_wait3A_465 = arith.constant 1 : i32
      %dma_wait3A_466 = arith.constant 1 : i32
      %dma_wait3A_467 = arith.constant 0 : i32
      %dma_wait3A_468 = arith.constant 0 : i32
      %dma_wait3A_469 = tpu.memref_slice %arg8[%dma_wait3A_465, %dma_wait3A_467, %dma_wait3A_468] : memref<4x40x128xf32, #tpu.memory_space<vmem>> -> memref<1x40x128xf32, #tpu.memory_space<vmem>>
      %dma_wait3A_470 = tpu.memref_squeeze %dma_wait3A_469 : memref<1x40x128xf32, #tpu.memory_space<vmem>> -> memref<40x128xf32, #tpu.memory_space<vmem>>
      %dma_wait3A_471 = arith.constant 0 : i32
      %dma_wait3A_472 = arith.constant 0 : i32
      %dma_wait3A_473 = tpu.memref_slice %arg4[%dma_wait3A_471, %dma_wait3A_472] : memref<320000x128xf32, #tpu.memory_space<hbm>> -> memref<40x128xf32, #tpu.memory_space<hbm>>
      %dma_wait3A_474 = tpu.memref_slice %arg11[%dma_wait3A_466] : memref<4x!tpu.dma_semaphore, #tpu.memory_space<semaphore_mem>> -> memref<1x!tpu.dma_semaphore, #tpu.memory_space<semaphore_mem>>
      %dma_wait3A_475 = tpu.memref_squeeze %dma_wait3A_474 : memref<1x!tpu.dma_semaphore, #tpu.memory_space<semaphore_mem>> -> memref<!tpu.dma_semaphore, #tpu.memory_space<semaphore_mem>>
      %dma_wait3A_476 = arith.constant 0 : i32
      %dma_wait3A_477 = arith.constant 0 : i32
      %dma_wait3A_478 = tpu.memref_slice %arg8[%dma_wait3A_465, %dma_wait3A_476, %dma_wait3A_477] : memref<4x40x128xf32, #tpu.memory_space<vmem>> -> memref<1x40x128xf32, #tpu.memory_space<vmem>>
      %dma_wait3A_479 = tpu.memref_squeeze %dma_wait3A_478 : memref<1x40x128xf32, #tpu.memory_space<vmem>> -> memref<40x128xf32, #tpu.memory_space<vmem>>
      %dma_wait3A_480 = arith.constant 0 : i32
      %dma_wait3A_481 = arith.constant 0 : i32
      %dma_wait3A_482 = tpu.memref_slice %arg4[%dma_wait3A_480, %dma_wait3A_481] : memref<320000x128xf32, #tpu.memory_space<hbm>> -> memref<40x128xf32, #tpu.memory_space<hbm>>
      tpu.wait_dma2 semaphore(%dma_wait3A_475 : memref<!tpu.dma_semaphore, #tpu.memory_space<semaphore_mem>>) src(%dma_wait3A_482 : memref<40x128xf32, #tpu.memory_space<hbm>>) dst(%dma_wait3A_479 : memref<40x128xf32, #tpu.memory_space<vmem>>)
      %parallel_loop3A_483 = arith.constant 0 : i32
      %parallel_loop3A_484 = arith.constant 40 : i32
      %parallel_loop3A_485 = arith.constant 1 : i32
      scf.for %parallel_loop3A_655 = %parallel_loop3A_483 to %parallel_loop3A_484 step %parallel_loop3A_485  : i32 {
        %parallel_loop3A_656 = arith.constant 0.000000e+00 : f32
        %parallel_loop3A_657 = vector.broadcast %parallel_loop3A_656 : f32 to vector<16xf32>
        %parallel_loop3A_658 = arith.constant 0.000000e+00 : f32
        %parallel_loop3A_659 = vector.broadcast %parallel_loop3A_658 : f32 to vector<16xf32>
        %parallel_loop3A_660 = arith.constant 1 : i32
        %parallel_loop3A_661 = arith.index_cast %parallel_loop3A_660 : i32 to index
        %parallel_loop3A_662 = arith.index_cast %parallel_loop3A_655 : i32 to index
        %parallel_loop3A_663 = arith.constant 0 : index
        %parallel_loop3A_664 = tpu.vector_load %arg7[%parallel_loop3A_661, %parallel_loop3A_662, %parallel_loop3A_663] {strides = array<i32>} : memref<4x40x128xf32, #tpu.memory_space<vmem>>, vector<1x1x16xf32>,
        %parallel_loop3A_665 = vector.shape_cast %parallel_loop3A_664 : vector<1x1x16xf32> to vector<16xf32>
        %parallel_loop3A_666 = arith.constant 1 : i32
        %parallel_loop3A_667 = arith.index_cast %parallel_loop3A_666 : i32 to index
        %parallel_loop3A_668 = arith.index_cast %parallel_loop3A_655 : i32 to index
        %parallel_loop3A_669 = arith.constant 0 : index
        %parallel_loop3A_670 = tpu.vector_load %arg8[%parallel_loop3A_667, %parallel_loop3A_668, %parallel_loop3A_669] {strides = array<i32>} : memref<4x40x128xf32, #tpu.memory_space<vmem>>, vector<1x1x16xf32>,
        %parallel_loop3A_671 = vector.shape_cast %parallel_loop3A_670 : vector<1x1x16xf32> to vector<16xf32>
        %parallel_loop3A_672 = arith.mulf %parallel_loop3A_665, %parallel_loop3A_671 : vector<16xf32>
        %parallel_loop3A_673 = arith.addf %parallel_loop3A_657, %parallel_loop3A_672 : vector<16xf32>
        %parallel_loop3A_674 = arith.constant 1 : i32
        %parallel_loop3A_675 = arith.index_cast %parallel_loop3A_674 : i32 to index
        %parallel_loop3A_676 = arith.index_cast %parallel_loop3A_655 : i32 to index
        %parallel_loop3A_677 = arith.constant 16 : index
        %parallel_loop3A_678 = tpu.vector_load %arg7[%parallel_loop3A_675, %parallel_loop3A_676, %parallel_loop3A_677] {strides = array<i32>} : memref<4x40x128xf32, #tpu.memory_space<vmem>>, vector<1x1x16xf32>,
        %parallel_loop3A_679 = vector.shape_cast %parallel_loop3A_678 : vector<1x1x16xf32> to vector<16xf32>
        %parallel_loop3A_680 = arith.constant 1 : i32
        %parallel_loop3A_681 = arith.index_cast %parallel_loop3A_680 : i32 to index
        %parallel_loop3A_682 = arith.index_cast %parallel_loop3A_655 : i32 to index
        %parallel_loop3A_683 = arith.constant 16 : index
        %parallel_loop3A_684 = tpu.vector_load %arg8[%parallel_loop3A_681, %parallel_loop3A_682, %parallel_loop3A_683] {strides = array<i32>} : memref<4x40x128xf32, #tpu.memory_space<vmem>>, vector<1x1x16xf32>,
        %parallel_loop3A_685 = vector.shape_cast %parallel_loop3A_684 : vector<1x1x16xf32> to vector<16xf32>
        %parallel_loop3A_686 = arith.mulf %parallel_loop3A_679, %parallel_loop3A_685 : vector<16xf32>
        %parallel_loop3A_687 = arith.addf %parallel_loop3A_659, %parallel_loop3A_686 : vector<16xf32>
        %parallel_loop3A_688 = arith.constant 1 : i32
        %parallel_loop3A_689 = arith.index_cast %parallel_loop3A_688 : i32 to index
        %parallel_loop3A_690 = arith.index_cast %parallel_loop3A_655 : i32 to index
        %parallel_loop3A_691 = arith.constant 32 : index
        %parallel_loop3A_692 = tpu.vector_load %arg7[%parallel_loop3A_689, %parallel_loop3A_690, %parallel_loop3A_691] {strides = array<i32>} : memref<4x40x128xf32, #tpu.memory_space<vmem>>, vector<1x1x16xf32>,
        %parallel_loop3A_693 = vector.shape_cast %parallel_loop3A_692 : vector<1x1x16xf32> to vector<16xf32>
        %parallel_loop3A_694 = arith.constant 1 : i32
        %parallel_loop3A_695 = arith.index_cast %parallel_loop3A_694 : i32 to index
        %parallel_loop3A_696 = arith.index_cast %parallel_loop3A_655 : i32 to index
        %parallel_loop3A_697 = arith.constant 32 : index
        %parallel_loop3A_698 = tpu.vector_load %arg8[%parallel_loop3A_695, %parallel_loop3A_696, %parallel_loop3A_697] {strides = array<i32>} : memref<4x40x128xf32, #tpu.memory_space<vmem>>, vector<1x1x16xf32>,
        %parallel_loop3A_699 = vector.shape_cast %parallel_loop3A_698 : vector<1x1x16xf32> to vector<16xf32>
        %parallel_loop3A_700 = arith.mulf %parallel_loop3A_693, %parallel_loop3A_699 : vector<16xf32>
        %parallel_loop3A_701 = arith.addf %parallel_loop3A_673, %parallel_loop3A_700 : vector<16xf32>
        %parallel_loop3A_702 = arith.constant 1 : i32
        %parallel_loop3A_703 = arith.index_cast %parallel_loop3A_702 : i32 to index
        %parallel_loop3A_704 = arith.index_cast %parallel_loop3A_655 : i32 to index
        %parallel_loop3A_705 = arith.constant 48 : index
        %parallel_loop3A_706 = tpu.vector_load %arg7[%parallel_loop3A_703, %parallel_loop3A_704, %parallel_loop3A_705] {strides = array<i32>} : memref<4x40x128xf32, #tpu.memory_space<vmem>>, vector<1x1x16xf32>,
        %parallel_loop3A_707 = vector.shape_cast %parallel_loop3A_706 : vector<1x1x16xf32> to vector<16xf32>
        %parallel_loop3A_708 = arith.constant 1 : i32
        %parallel_loop3A_709 = arith.index_cast %parallel_loop3A_708 : i32 to index
        %parallel_loop3A_710 = arith.index_cast %parallel_loop3A_655 : i32 to index
        %parallel_loop3A_711 = arith.constant 48 : index
        %parallel_loop3A_712 = tpu.vector_load %arg8[%parallel_loop3A_709, %parallel_loop3A_710, %parallel_loop3A_711] {strides = array<i32>} : memref<4x40x128xf32, #tpu.memory_space<vmem>>, vector<1x1x16xf32>,
        %parallel_loop3A_713 = vector.shape_cast %parallel_loop3A_712 : vector<1x1x16xf32> to vector<16xf32>
        %parallel_loop3A_714 = arith.mulf %parallel_loop3A_707, %parallel_loop3A_713 : vector<16xf32>
        %parallel_loop3A_715 = arith.addf %parallel_loop3A_687, %parallel_loop3A_714 : vector<16xf32>
        %parallel_loop3A_716 = arith.constant 1 : i32
        %parallel_loop3A_717 = arith.index_cast %parallel_loop3A_716 : i32 to index
        %parallel_loop3A_718 = arith.index_cast %parallel_loop3A_655 : i32 to index
        %parallel_loop3A_719 = arith.constant 64 : index
        %parallel_loop3A_720 = tpu.vector_load %arg7[%parallel_loop3A_717, %parallel_loop3A_718, %parallel_loop3A_719] {strides = array<i32>} : memref<4x40x128xf32, #tpu.memory_space<vmem>>, vector<1x1x16xf32>,
        %parallel_loop3A_721 = vector.shape_cast %parallel_loop3A_720 : vector<1x1x16xf32> to vector<16xf32>
        %parallel_loop3A_722 = arith.constant 1 : i32
        %parallel_loop3A_723 = arith.index_cast %parallel_loop3A_722 : i32 to index
        %parallel_loop3A_724 = arith.index_cast %parallel_loop3A_655 : i32 to index
        %parallel_loop3A_725 = arith.constant 64 : index
        %parallel_loop3A_726 = tpu.vector_load %arg8[%parallel_loop3A_723, %parallel_loop3A_724, %parallel_loop3A_725] {strides = array<i32>} : memref<4x40x128xf32, #tpu.memory_space<vmem>>, vector<1x1x16xf32>,
        %parallel_loop3A_727 = vector.shape_cast %parallel_loop3A_726 : vector<1x1x16xf32> to vector<16xf32>
        %parallel_loop3A_728 = arith.mulf %parallel_loop3A_721, %parallel_loop3A_727 : vector<16xf32>
        %parallel_loop3A_729 = arith.addf %parallel_loop3A_701, %parallel_loop3A_728 : vector<16xf32>
        %parallel_loop3A_730 = arith.constant 1 : i32
        %parallel_loop3A_731 = arith.index_cast %parallel_loop3A_730 : i32 to index
        %parallel_loop3A_732 = arith.index_cast %parallel_loop3A_655 : i32 to index
        %parallel_loop3A_733 = arith.constant 80 : index
        %parallel_loop3A_734 = tpu.vector_load %arg7[%parallel_loop3A_731, %parallel_loop3A_732, %parallel_loop3A_733] {strides = array<i32>} : memref<4x40x128xf32, #tpu.memory_space<vmem>>, vector<1x1x16xf32>,
        %parallel_loop3A_735 = vector.shape_cast %parallel_loop3A_734 : vector<1x1x16xf32> to vector<16xf32>
        %parallel_loop3A_736 = arith.constant 1 : i32
        %parallel_loop3A_737 = arith.index_cast %parallel_loop3A_736 : i32 to index
        %parallel_loop3A_738 = arith.index_cast %parallel_loop3A_655 : i32 to index
        %parallel_loop3A_739 = arith.constant 80 : index
        %parallel_loop3A_740 = tpu.vector_load %arg8[%parallel_loop3A_737, %parallel_loop3A_738, %parallel_loop3A_739] {strides = array<i32>} : memref<4x40x128xf32, #tpu.memory_space<vmem>>, vector<1x1x16xf32>,
        %parallel_loop3A_741 = vector.shape_cast %parallel_loop3A_740 : vector<1x1x16xf32> to vector<16xf32>
        %parallel_loop3A_742 = arith.mulf %parallel_loop3A_735, %parallel_loop3A_741 : vector<16xf32>
        %parallel_loop3A_743 = arith.addf %parallel_loop3A_715, %parallel_loop3A_742 : vector<16xf32>
        %parallel_loop3A_744 = arith.constant 1 : i32
        %parallel_loop3A_745 = arith.index_cast %parallel_loop3A_744 : i32 to index
        %parallel_loop3A_746 = arith.index_cast %parallel_loop3A_655 : i32 to index
        %parallel_loop3A_747 = arith.constant 96 : index
        %parallel_loop3A_748 = tpu.vector_load %arg7[%parallel_loop3A_745, %parallel_loop3A_746, %parallel_loop3A_747] {strides = array<i32>} : memref<4x40x128xf32, #tpu.memory_space<vmem>>, vector<1x1x16xf32>,
        %parallel_loop3A_749 = vector.shape_cast %parallel_loop3A_748 : vector<1x1x16xf32> to vector<16xf32>
        %parallel_loop3A_750 = arith.constant 1 : i32
        %parallel_loop3A_751 = arith.index_cast %parallel_loop3A_750 : i32 to index
        %parallel_loop3A_752 = arith.index_cast %parallel_loop3A_655 : i32 to index
        %parallel_loop3A_753 = arith.constant 96 : index
        %parallel_loop3A_754 = tpu.vector_load %arg8[%parallel_loop3A_751, %parallel_loop3A_752, %parallel_loop3A_753] {strides = array<i32>} : memref<4x40x128xf32, #tpu.memory_space<vmem>>, vector<1x1x16xf32>,
        %parallel_loop3A_755 = vector.shape_cast %parallel_loop3A_754 : vector<1x1x16xf32> to vector<16xf32>
        %parallel_loop3A_756 = arith.mulf %parallel_loop3A_749, %parallel_loop3A_755 : vector<16xf32>
        %parallel_loop3A_757 = arith.addf %parallel_loop3A_729, %parallel_loop3A_756 : vector<16xf32>
        %parallel_loop3A_758 = arith.constant 1 : i32
        %parallel_loop3A_759 = arith.index_cast %parallel_loop3A_758 : i32 to index
        %parallel_loop3A_760 = arith.index_cast %parallel_loop3A_655 : i32 to index
        %parallel_loop3A_761 = arith.constant 112 : index
        %parallel_loop3A_762 = tpu.vector_load %arg7[%parallel_loop3A_759, %parallel_loop3A_760, %parallel_loop3A_761] {strides = array<i32>} : memref<4x40x128xf32, #tpu.memory_space<vmem>>, vector<1x1x16xf32>,
        %parallel_loop3A_763 = vector.shape_cast %parallel_loop3A_762 : vector<1x1x16xf32> to vector<16xf32>
        %parallel_loop3A_764 = arith.constant 1 : i32
        %parallel_loop3A_765 = arith.index_cast %parallel_loop3A_764 : i32 to index
        %parallel_loop3A_766 = arith.index_cast %parallel_loop3A_655 : i32 to index
        %parallel_loop3A_767 = arith.constant 112 : index
        %parallel_loop3A_768 = tpu.vector_load %arg8[%parallel_loop3A_765, %parallel_loop3A_766, %parallel_loop3A_767] {strides = array<i32>} : memref<4x40x128xf32, #tpu.memory_space<vmem>>, vector<1x1x16xf32>,
        %parallel_loop3A_769 = vector.shape_cast %parallel_loop3A_768 : vector<1x1x16xf32> to vector<16xf32>
        %parallel_loop3A_770 = arith.mulf %parallel_loop3A_763, %parallel_loop3A_769 : vector<16xf32>
        %parallel_loop3A_771 = arith.addf %parallel_loop3A_743, %parallel_loop3A_770 : vector<16xf32>
        %parallel_loop3A_772 = arith.addf %parallel_loop3A_757, %parallel_loop3A_771 : vector<16xf32>
        %parallel_loop3A_773 = tpu.iota {dimensions = array<i32: 0>} : vector<16xi32>
        %parallel_loop3A_774 = arith.constant 8 : i32
        %parallel_loop3A_775 = vector.broadcast %parallel_loop3A_774 : i32 to vector<16xi32>
        %parallel_loop3A_776 = arith.xori %parallel_loop3A_773, %parallel_loop3A_775 : vector<16xi32>
        %parallel_loop3A_777 = arith.constant 0 : i32
        %parallel_loop3A_778 = vector.broadcast %parallel_loop3A_777 : i32 to vector<16xi32>
        %parallel_loop3A_779 = arith.cmpi slt, %parallel_loop3A_776, %parallel_loop3A_778 : vector<16xi32>
        %parallel_loop3A_780 = arith.constant 16 : i32
        %parallel_loop3A_781 = vector.broadcast %parallel_loop3A_780 : i32 to vector<16xi32>
        %parallel_loop3A_782 = arith.addi %parallel_loop3A_776, %parallel_loop3A_781 : vector<16xi32>
        %parallel_loop3A_783 = arith.select %parallel_loop3A_779, %parallel_loop3A_782, %parallel_loop3A_776 : vector<16xi1>, vector<16xi32>
        %parallel_loop3A_784 = vector.shape_cast %parallel_loop3A_783 : vector<16xi32> to vector<16x1xi32>
        %parallel_loop3A_785 = vector.shape_cast %parallel_loop3A_784 : vector<16x1xi32> to vector<16xi32>
        %parallel_loop3A_786 = tpu.dynamic_gather %parallel_loop3A_772[%parallel_loop3A_785] in [0] : vector<16xf32>, vector<16xi32> -> vector<16xf32>
        %parallel_loop3A_787 = arith.addf %parallel_loop3A_772, %parallel_loop3A_786 : vector<16xf32>
        %parallel_loop3A_788 = arith.constant 4 : i32
        %parallel_loop3A_789 = vector.broadcast %parallel_loop3A_788 : i32 to vector<16xi32>
        %parallel_loop3A_790 = arith.xori %parallel_loop3A_773, %parallel_loop3A_789 : vector<16xi32>
        %parallel_loop3A_791 = arith.constant 0 : i32
        %parallel_loop3A_792 = vector.broadcast %parallel_loop3A_791 : i32 to vector<16xi32>
        %parallel_loop3A_793 = arith.cmpi slt, %parallel_loop3A_790, %parallel_loop3A_792 : vector<16xi32>
        %parallel_loop3A_794 = arith.constant 16 : i32
        %parallel_loop3A_795 = vector.broadcast %parallel_loop3A_794 : i32 to vector<16xi32>
        %parallel_loop3A_796 = arith.addi %parallel_loop3A_790, %parallel_loop3A_795 : vector<16xi32>
        %parallel_loop3A_797 = arith.select %parallel_loop3A_793, %parallel_loop3A_796, %parallel_loop3A_790 : vector<16xi1>, vector<16xi32>
        %parallel_loop3A_798 = vector.shape_cast %parallel_loop3A_797 : vector<16xi32> to vector<16x1xi32>
        %parallel_loop3A_799 = vector.shape_cast %parallel_loop3A_798 : vector<16x1xi32> to vector<16xi32>
        %parallel_loop3A_800 = tpu.dynamic_gather %parallel_loop3A_787[%parallel_loop3A_799] in [0] : vector<16xf32>, vector<16xi32> -> vector<16xf32>
        %parallel_loop3A_801 = arith.addf %parallel_loop3A_787, %parallel_loop3A_800 : vector<16xf32>
        %parallel_loop3A_802 = arith.constant 2 : i32
        %parallel_loop3A_803 = vector.broadcast %parallel_loop3A_802 : i32 to vector<16xi32>
        %parallel_loop3A_804 = arith.xori %parallel_loop3A_773, %parallel_loop3A_803 : vector<16xi32>
        %parallel_loop3A_805 = arith.constant 0 : i32
        %parallel_loop3A_806 = vector.broadcast %parallel_loop3A_805 : i32 to vector<16xi32>
        %parallel_loop3A_807 = arith.cmpi slt, %parallel_loop3A_804, %parallel_loop3A_806 : vector<16xi32>
        %parallel_loop3A_808 = arith.constant 16 : i32
        %parallel_loop3A_809 = vector.broadcast %parallel_loop3A_808 : i32 to vector<16xi32>
        %parallel_loop3A_810 = arith.addi %parallel_loop3A_804, %parallel_loop3A_809 : vector<16xi32>
        %parallel_loop3A_811 = arith.select %parallel_loop3A_807, %parallel_loop3A_810, %parallel_loop3A_804 : vector<16xi1>, vector<16xi32>
        %parallel_loop3A_812 = vector.shape_cast %parallel_loop3A_811 : vector<16xi32> to vector<16x1xi32>
        %parallel_loop3A_813 = vector.shape_cast %parallel_loop3A_812 : vector<16x1xi32> to vector<16xi32>
        %parallel_loop3A_814 = tpu.dynamic_gather %parallel_loop3A_801[%parallel_loop3A_813] in [0] : vector<16xf32>, vector<16xi32> -> vector<16xf32>
        %parallel_loop3A_815 = arith.addf %parallel_loop3A_801, %parallel_loop3A_814 : vector<16xf32>
        %parallel_loop3A_816 = arith.constant 1 : i32
        %parallel_loop3A_817 = vector.broadcast %parallel_loop3A_816 : i32 to vector<16xi32>
        %parallel_loop3A_818 = arith.xori %parallel_loop3A_773, %parallel_loop3A_817 : vector<16xi32>
        %parallel_loop3A_819 = arith.constant 0 : i32
        %parallel_loop3A_820 = vector.broadcast %parallel_loop3A_819 : i32 to vector<16xi32>
        %parallel_loop3A_821 = arith.cmpi slt, %parallel_loop3A_818, %parallel_loop3A_820 : vector<16xi32>
        %parallel_loop3A_822 = arith.constant 16 : i32
        %parallel_loop3A_823 = vector.broadcast %parallel_loop3A_822 : i32 to vector<16xi32>
        %parallel_loop3A_824 = arith.addi %parallel_loop3A_818, %parallel_loop3A_823 : vector<16xi32>
        %parallel_loop3A_825 = arith.select %parallel_loop3A_821, %parallel_loop3A_824, %parallel_loop3A_818 : vector<16xi1>, vector<16xi32>
        %parallel_loop3A_826 = vector.shape_cast %parallel_loop3A_825 : vector<16xi32> to vector<16x1xi32>
        %parallel_loop3A_827 = vector.shape_cast %parallel_loop3A_826 : vector<16x1xi32> to vector<16xi32>
        %parallel_loop3A_828 = tpu.dynamic_gather %parallel_loop3A_815[%parallel_loop3A_827] in [0] : vector<16xf32>, vector<16xi32> -> vector<16xf32>
        %parallel_loop3A_829 = arith.addf %parallel_loop3A_815, %parallel_loop3A_828 : vector<16xf32>
        %parallel_loop3A_830 = arith.constant 0.000000e+00 : f32
        %parallel_loop3A_831 = vector.broadcast %parallel_loop3A_830 : f32 to vector<16xf32>
        %parallel_loop3A_832 = arith.subf %parallel_loop3A_831, %parallel_loop3A_829 : vector<16xf32>
        %parallel_loop3A_833 = math.exp %parallel_loop3A_832 : vector<16xf32>
        %parallel_loop3A_834 = arith.constant 1.000000e+00 : f32
        %parallel_loop3A_835 = vector.broadcast %parallel_loop3A_834 : f32 to vector<16xf32>
        %parallel_loop3A_836 = arith.addf %parallel_loop3A_835, %parallel_loop3A_833 : vector<16xf32>
        %parallel_loop3A_837 = arith.constant 1.000000e+00 : f32
        %parallel_loop3A_838 = vector.broadcast %parallel_loop3A_837 : f32 to vector<16xf32>
        %parallel_loop3A_839 = arith.divf %parallel_loop3A_838, %parallel_loop3A_836 : vector<16xf32>
        %parallel_loop3A_840 = arith.mulf %parallel_loop3A_839, %parallel_loop3A_671 : vector<16xf32>
        %parallel_loop3A_841 = arith.constant 1 : i32
        %parallel_loop3A_842 = arith.index_cast %parallel_loop3A_841 : i32 to index
        %parallel_loop3A_843 = arith.index_cast %parallel_loop3A_655 : i32 to index
        %parallel_loop3A_844 = arith.constant 0 : index
        %parallel_loop3A_845 = tpu.vector_load %arg8[%parallel_loop3A_842, %parallel_loop3A_843, %parallel_loop3A_844] {strides = array<i32>} : memref<4x40x128xf32, #tpu.memory_space<vmem>>, vector<1x1x16xf32>,
        %parallel_loop3A_846 = vector.shape_cast %parallel_loop3A_845 : vector<1x1x16xf32> to vector<16xf32>
        %parallel_loop3A_847 = vector.shape_cast %parallel_loop3A_840 : vector<16xf32> to vector<1x1x16xf32>
        tpu.vector_store %arg8[%parallel_loop3A_842, %parallel_loop3A_843, %parallel_loop3A_844], %parallel_loop3A_847 {strides = array<i32>} : memref<4x40x128xf32, #tpu.memory_space<vmem>>, vector<1x1x16xf32>,
        %parallel_loop3A_848 = arith.mulf %parallel_loop3A_839, %parallel_loop3A_685 : vector<16xf32>
        %parallel_loop3A_849 = arith.constant 1 : i32
        %parallel_loop3A_850 = arith.index_cast %parallel_loop3A_849 : i32 to index
        %parallel_loop3A_851 = arith.index_cast %parallel_loop3A_655 : i32 to index
        %parallel_loop3A_852 = arith.constant 16 : index
        %parallel_loop3A_853 = tpu.vector_load %arg8[%parallel_loop3A_850, %parallel_loop3A_851, %parallel_loop3A_852] {strides = array<i32>} : memref<4x40x128xf32, #tpu.memory_space<vmem>>, vector<1x1x16xf32>,
        %parallel_loop3A_854 = vector.shape_cast %parallel_loop3A_853 : vector<1x1x16xf32> to vector<16xf32>
        %parallel_loop3A_855 = vector.shape_cast %parallel_loop3A_848 : vector<16xf32> to vector<1x1x16xf32>
        tpu.vector_store %arg8[%parallel_loop3A_850, %parallel_loop3A_851, %parallel_loop3A_852], %parallel_loop3A_855 {strides = array<i32>} : memref<4x40x128xf32, #tpu.memory_space<vmem>>, vector<1x1x16xf32>,
        %parallel_loop3A_856 = arith.mulf %parallel_loop3A_839, %parallel_loop3A_699 : vector<16xf32>
        %parallel_loop3A_857 = arith.constant 1 : i32
        %parallel_loop3A_858 = arith.index_cast %parallel_loop3A_857 : i32 to index
        %parallel_loop3A_859 = arith.index_cast %parallel_loop3A_655 : i32 to index
        %parallel_loop3A_860 = arith.constant 32 : index
        %parallel_loop3A_861 = tpu.vector_load %arg8[%parallel_loop3A_858, %parallel_loop3A_859, %parallel_loop3A_860] {strides = array<i32>} : memref<4x40x128xf32, #tpu.memory_space<vmem>>, vector<1x1x16xf32>,
        %parallel_loop3A_862 = vector.shape_cast %parallel_loop3A_861 : vector<1x1x16xf32> to vector<16xf32>
        %parallel_loop3A_863 = vector.shape_cast %parallel_loop3A_856 : vector<16xf32> to vector<1x1x16xf32>
        tpu.vector_store %arg8[%parallel_loop3A_858, %parallel_loop3A_859, %parallel_loop3A_860], %parallel_loop3A_863 {strides = array<i32>} : memref<4x40x128xf32, #tpu.memory_space<vmem>>, vector<1x1x16xf32>,
        %parallel_loop3A_864 = arith.mulf %parallel_loop3A_839, %parallel_loop3A_713 : vector<16xf32>
        %parallel_loop3A_865 = arith.constant 1 : i32
        %parallel_loop3A_866 = arith.index_cast %parallel_loop3A_865 : i32 to index
        %parallel_loop3A_867 = arith.index_cast %parallel_loop3A_655 : i32 to index
        %parallel_loop3A_868 = arith.constant 48 : index
        %parallel_loop3A_869 = tpu.vector_load %arg8[%parallel_loop3A_866, %parallel_loop3A_867, %parallel_loop3A_868] {strides = array<i32>} : memref<4x40x128xf32, #tpu.memory_space<vmem>>, vector<1x1x16xf32>,
        %parallel_loop3A_870 = vector.shape_cast %parallel_loop3A_869 : vector<1x1x16xf32> to vector<16xf32>
        %parallel_loop3A_871 = vector.shape_cast %parallel_loop3A_864 : vector<16xf32> to vector<1x1x16xf32>
        tpu.vector_store %arg8[%parallel_loop3A_866, %parallel_loop3A_867, %parallel_loop3A_868], %parallel_loop3A_871 {strides = array<i32>} : memref<4x40x128xf32, #tpu.memory_space<vmem>>, vector<1x1x16xf32>,
        %parallel_loop3A_872 = arith.mulf %parallel_loop3A_839, %parallel_loop3A_727 : vector<16xf32>
        %parallel_loop3A_873 = arith.constant 1 : i32
        %parallel_loop3A_874 = arith.index_cast %parallel_loop3A_873 : i32 to index
        %parallel_loop3A_875 = arith.index_cast %parallel_loop3A_655 : i32 to index
        %parallel_loop3A_876 = arith.constant 64 : index
        %parallel_loop3A_877 = tpu.vector_load %arg8[%parallel_loop3A_874, %parallel_loop3A_875, %parallel_loop3A_876] {strides = array<i32>} : memref<4x40x128xf32, #tpu.memory_space<vmem>>, vector<1x1x16xf32>,
        %parallel_loop3A_878 = vector.shape_cast %parallel_loop3A_877 : vector<1x1x16xf32> to vector<16xf32>
        %parallel_loop3A_879 = vector.shape_cast %parallel_loop3A_872 : vector<16xf32> to vector<1x1x16xf32>
        tpu.vector_store %arg8[%parallel_loop3A_874, %parallel_loop3A_875, %parallel_loop3A_876], %parallel_loop3A_879 {strides = array<i32>} : memref<4x40x128xf32, #tpu.memory_space<vmem>>, vector<1x1x16xf32>,
        %parallel_loop3A_880 = arith.mulf %parallel_loop3A_839, %parallel_loop3A_741 : vector<16xf32>
        %parallel_loop3A_881 = arith.constant 1 : i32
        %parallel_loop3A_882 = arith.index_cast %parallel_loop3A_881 : i32 to index
        %parallel_loop3A_883 = arith.index_cast %parallel_loop3A_655 : i32 to index
        %parallel_loop3A_884 = arith.constant 80 : index
        %parallel_loop3A_885 = tpu.vector_load %arg8[%parallel_loop3A_882, %parallel_loop3A_883, %parallel_loop3A_884] {strides = array<i32>} : memref<4x40x128xf32, #tpu.memory_space<vmem>>, vector<1x1x16xf32>,
        %parallel_loop3A_886 = vector.shape_cast %parallel_loop3A_885 : vector<1x1x16xf32> to vector<16xf32>
        %parallel_loop3A_887 = vector.shape_cast %parallel_loop3A_880 : vector<16xf32> to vector<1x1x16xf32>
        tpu.vector_store %arg8[%parallel_loop3A_882, %parallel_loop3A_883, %parallel_loop3A_884], %parallel_loop3A_887 {strides = array<i32>} : memref<4x40x128xf32, #tpu.memory_space<vmem>>, vector<1x1x16xf32>,
        %parallel_loop3A_888 = arith.mulf %parallel_loop3A_839, %parallel_loop3A_755 : vector<16xf32>
        %parallel_loop3A_889 = arith.constant 1 : i32
        %parallel_loop3A_890 = arith.index_cast %parallel_loop3A_889 : i32 to index
        %parallel_loop3A_891 = arith.index_cast %parallel_loop3A_655 : i32 to index
        %parallel_loop3A_892 = arith.constant 96 : index
        %parallel_loop3A_893 = tpu.vector_load %arg8[%parallel_loop3A_890, %parallel_loop3A_891, %parallel_loop3A_892] {strides = array<i32>} : memref<4x40x128xf32, #tpu.memory_space<vmem>>, vector<1x1x16xf32>,
        %parallel_loop3A_894 = vector.shape_cast %parallel_loop3A_893 : vector<1x1x16xf32> to vector<16xf32>
        %parallel_loop3A_895 = vector.shape_cast %parallel_loop3A_888 : vector<16xf32> to vector<1x1x16xf32>
        tpu.vector_store %arg8[%parallel_loop3A_890, %parallel_loop3A_891, %parallel_loop3A_892], %parallel_loop3A_895 {strides = array<i32>} : memref<4x40x128xf32, #tpu.memory_space<vmem>>, vector<1x1x16xf32>,
        %parallel_loop3A_896 = arith.mulf %parallel_loop3A_839, %parallel_loop3A_769 : vector<16xf32>
        %parallel_loop3A_897 = arith.constant 1 : i32
        %parallel_loop3A_898 = arith.index_cast %parallel_loop3A_897 : i32 to index
        %parallel_loop3A_899 = arith.index_cast %parallel_loop3A_655 : i32 to index
        %parallel_loop3A_900 = arith.constant 112 : index
        %parallel_loop3A_901 = tpu.vector_load %arg8[%parallel_loop3A_898, %parallel_loop3A_899, %parallel_loop3A_900] {strides = array<i32>} : memref<4x40x128xf32, #tpu.memory_space<vmem>>, vector<1x1x16xf32>,
        %parallel_loop3A_902 = vector.shape_cast %parallel_loop3A_901 : vector<1x1x16xf32> to vector<16xf32>
        %parallel_loop3A_903 = vector.shape_cast %parallel_loop3A_896 : vector<16xf32> to vector<1x1x16xf32>
        tpu.vector_store %arg8[%parallel_loop3A_898, %parallel_loop3A_899, %parallel_loop3A_900], %parallel_loop3A_903 {strides = array<i32>} : memref<4x40x128xf32, #tpu.memory_space<vmem>>, vector<1x1x16xf32>,
      } {sc.loop_unroll_factor = 2 : i64, sc.parallel_access}
      %dma_start3A_486 = arith.constant 1 : i32
      %dma_start3A_487 = arith.constant 1 : i32
      %dma_start3A_488 = arith.constant 1 : i32
      %dma_start3A_489 = arith.constant 0 : i32
      %dma_start3A_490 = arith.constant 0 : i32
      %dma_start3A_491 = tpu.memref_slice %arg8[%dma_start3A_486, %dma_start3A_489, %dma_start3A_490] : memref<4x40x128xf32, #tpu.memory_space<vmem>> -> memref<1x40x128xf32, #tpu.memory_space<vmem>>
      %dma_start3A_492 = tpu.memref_squeeze %dma_start3A_491 : memref<1x40x128xf32, #tpu.memory_space<vmem>> -> memref<40x128xf32, #tpu.memory_space<vmem>>
      %dma_start3A_493 = arith.constant 0 : i32
      %dma_start3A_494 = tpu.memref_slice %arg6[%dma_start3A_487, %dma_start3A_493] : memref<4x40xi32, #tpu.memory_space<vmem>> -> memref<1x40xi32, #tpu.memory_space<vmem>>
      %dma_start3A_495 = tpu.memref_squeeze %dma_start3A_494 : memref<1x40xi32, #tpu.memory_space<vmem>> -> memref<40xi32, #tpu.memory_space<vmem>>
      %dma_start3A_496 = arith.constant 0 : i32
      %dma_start3A_497 = arith.constant 0 : i32
      %dma_start3A_498 = tpu.memref_slice %arg9[%dma_start3A_496, %dma_start3A_497] : memref<10000x128xf32, #tpu.memory_space<vmem_shared>> -> memref<10000x128xf32, #tpu.memory_space<vmem_shared>>
      %dma_start3A_499 = tpu.memref_slice %arg12[%dma_start3A_488] : memref<4x!tpu.dma_semaphore, #tpu.memory_space<semaphore_mem>> -> memref<1x!tpu.dma_semaphore, #tpu.memory_space<semaphore_mem>>
      %dma_start3A_500 = tpu.memref_squeeze %dma_start3A_499 : memref<1x!tpu.dma_semaphore, #tpu.memory_space<semaphore_mem>> -> memref<!tpu.dma_semaphore, #tpu.memory_space<semaphore_mem>>
      tpu.enqueue_indirect_dma source(%dma_start3A_492 : memref<40x128xf32, #tpu.memory_space<vmem>>) target(%dma_start3A_498 : memref<10000x128xf32, #tpu.memory_space<vmem_shared>>) offsets(%dma_start3A_495 : memref<40xi32, #tpu.memory_space<vmem>>) semaphore(%dma_start3A_500 : memref<!tpu.dma_semaphore, #tpu.memory_space<semaphore_mem>>) {add = true}
      %mul3A_501 = arith.constant 4 : i32
      %mul3A_502 = arith.muli %scan3A_350, %mul3A_501 : i32
      %add3A_503 = arith.constant 2 : i32
      %add3A_504 = arith.addi %mul3A_502, %add3A_503 : i32
      %ge3A_505 = arith.constant 1 : i32
      %ge3A_506 = arith.cmpi sge, %add3A_504, %ge3A_505 : i32
      %convert_element_type3A_507 = arith.extui %ge3A_506 : i1 to i32
      %cond3A_508 = arith.constant 0 : i32
      %cond3A_509 = arith.cmpi ne, %convert_element_type3A_507, %cond3A_508 : i32
      scf.if %cond3A_509 {
        %dma_wait3A_655 = arith.constant 1 : i32
        %dma_wait3A_656 = arith.constant 1 : i32
        %dma_wait3A_657 = arith.constant 1 : i32
        %dma_wait3A_658 = arith.constant 0 : i32
        %dma_wait3A_659 = arith.constant 0 : i32
        %dma_wait3A_660 = tpu.memref_slice %arg8[%dma_wait3A_655, %dma_wait3A_658, %dma_wait3A_659] : memref<4x40x128xf32, #tpu.memory_space<vmem>> -> memref<1x40x128xf32, #tpu.memory_space<vmem>>
        %dma_wait3A_661 = tpu.memref_squeeze %dma_wait3A_660 : memref<1x40x128xf32, #tpu.memory_space<vmem>> -> memref<40x128xf32, #tpu.memory_space<vmem>>
        %dma_wait3A_662 = arith.constant 0 : i32
        %dma_wait3A_663 = tpu.memref_slice %arg6[%dma_wait3A_656, %dma_wait3A_662] : memref<4x40xi32, #tpu.memory_space<vmem>> -> memref<1x40xi32, #tpu.memory_space<vmem>>
        %dma_wait3A_664 = tpu.memref_squeeze %dma_wait3A_663 : memref<1x40xi32, #tpu.memory_space<vmem>> -> memref<40xi32, #tpu.memory_space<vmem>>
        %dma_wait3A_665 = arith.constant 0 : i32
        %dma_wait3A_666 = arith.constant 0 : i32
        %dma_wait3A_667 = tpu.memref_slice %arg9[%dma_wait3A_665, %dma_wait3A_666] : memref<10000x128xf32, #tpu.memory_space<vmem_shared>> -> memref<10000x128xf32, #tpu.memory_space<vmem_shared>>
        %dma_wait3A_668 = tpu.memref_slice %arg12[%dma_wait3A_657] : memref<4x!tpu.dma_semaphore, #tpu.memory_space<semaphore_mem>> -> memref<1x!tpu.dma_semaphore, #tpu.memory_space<semaphore_mem>>
        %dma_wait3A_669 = tpu.memref_squeeze %dma_wait3A_668 : memref<1x!tpu.dma_semaphore, #tpu.memory_space<semaphore_mem>> -> memref<!tpu.dma_semaphore, #tpu.memory_space<semaphore_mem>>
        tpu.wait_indirect_dma semaphore(%dma_wait3A_669 : memref<!tpu.dma_semaphore, #tpu.memory_space<semaphore_mem>>) src(%dma_wait3A_661 : memref<40x128xf32, #tpu.memory_space<vmem>>) dst(%dma_wait3A_667 : memref<10000x128xf32, #tpu.memory_space<vmem_shared>>)
      } else {
      }
      %add3A_510 = arith.constant 3 : i32
      %add3A_511 = arith.addi %add3A_504, %add3A_510 : i32
      %lt3A_512 = arith.constant 250 : i32
      %lt3A_513 = arith.cmpi slt, %add3A_511, %lt3A_512 : i32
      %convert_element_type3A_514 = arith.extui %lt3A_513 : i1 to i32
      %cond3A_515 = arith.constant 0 : i32
      %cond3A_516 = arith.cmpi ne, %convert_element_type3A_514, %cond3A_515 : i32
      scf.if %cond3A_516 {
        %add3A_655 = arith.constant 3 : i32
        %add3A_656 = arith.addi %add3A_504, %add3A_655 : i32
        %dma_start3A_657 = arith.constant 1 : i32
        %dma_start3A_658 = arith.constant 1 : i32
        %dma_start3A_659 = arith.constant 0 : i32
        %dma_start3A_660 = tpu.memref_slice %arg6[%dma_start3A_657, %dma_start3A_659] : memref<4x40xi32, #tpu.memory_space<vmem>> -> memref<1x40xi32, #tpu.memory_space<vmem>>
        %dma_start3A_661 = tpu.memref_squeeze %dma_start3A_660 : memref<1x40xi32, #tpu.memory_space<vmem>> -> memref<40xi32, #tpu.memory_space<vmem>>
        %dma_start3A_662 = arith.constant 0 : i32
        %dma_start3A_663 = tpu.memref_slice %arg3[%add3A, %add3A_656, %dma_start3A_662] : memref<32x250x40xi32, #tpu.memory_space<hbm>> -> memref<1x1x40xi32, #tpu.memory_space<hbm>>
        %dma_start3A_664 = tpu.memref_squeeze %dma_start3A_663 : memref<1x1x40xi32, #tpu.memory_space<hbm>> -> memref<40xi32, #tpu.memory_space<hbm>>
        %dma_start3A_665 = tpu.memref_slice %arg10[%dma_start3A_658] : memref<4x!tpu.dma_semaphore, #tpu.memory_space<semaphore_mem>> -> memref<1x!tpu.dma_semaphore, #tpu.memory_space<semaphore_mem>>
        %dma_start3A_666 = tpu.memref_squeeze %dma_start3A_665 : memref<1x!tpu.dma_semaphore, #tpu.memory_space<semaphore_mem>> -> memref<!tpu.dma_semaphore, #tpu.memory_space<semaphore_mem>>
        %dma_start3A_667 = arith.constant 0 : i32
        %dma_start3A_668 = tpu.memref_slice %arg6[%dma_start3A_657, %dma_start3A_667] : memref<4x40xi32, #tpu.memory_space<vmem>> -> memref<1x40xi32, #tpu.memory_space<vmem>>
        %dma_start3A_669 = tpu.memref_squeeze %dma_start3A_668 : memref<1x40xi32, #tpu.memory_space<vmem>> -> memref<40xi32, #tpu.memory_space<vmem>>
        %dma_start3A_670 = arith.constant 0 : i32
        %dma_start3A_671 = tpu.memref_slice %arg3[%add3A, %add3A_656, %dma_start3A_670] : memref<32x250x40xi32, #tpu.memory_space<hbm>> -> memref<1x1x40xi32, #tpu.memory_space<hbm>>
        %dma_start3A_672 = tpu.memref_squeeze %dma_start3A_671 : memref<1x1x40xi32, #tpu.memory_space<hbm>> -> memref<40xi32, #tpu.memory_space<hbm>>
        tpu.enqueue_dma source(%dma_start3A_672 : memref<40xi32, #tpu.memory_space<hbm>>) target(%dma_start3A_669 : memref<40xi32, #tpu.memory_space<vmem>>) target_semaphore(%dma_start3A_666 : memref<!tpu.dma_semaphore, #tpu.memory_space<semaphore_mem>>)
      } else {
      }
      %add3A_517 = arith.constant 2 : i32
      %add3A_518 = arith.addi %add3A_504, %add3A_517 : i32
      %lt3A_519 = arith.constant 250 : i32
      %lt3A_520 = arith.cmpi slt, %add3A_518, %lt3A_519 : i32
      %convert_element_type3A_521 = arith.extui %lt3A_520 : i1 to i32
      %cond3A_522 = arith.constant 0 : i32
      %cond3A_523 = arith.cmpi ne, %convert_element_type3A_521, %cond3A_522 : i32
      scf.if %cond3A_523 {
        %dma_wait3A_655 = arith.constant 0 : i32
        %dma_wait3A_656 = arith.constant 0 : i32
        %dma_wait3A_657 = arith.constant 0 : i32
        %dma_wait3A_658 = arith.constant 0 : i32
        %dma_wait3A_659 = tpu.memref_slice %arg6[%dma_wait3A_656, %dma_wait3A_658] : memref<4x40xi32, #tpu.memory_space<vmem>> -> memref<1x40xi32, #tpu.memory_space<vmem>>
        %dma_wait3A_660 = tpu.memref_squeeze %dma_wait3A_659 : memref<1x40xi32, #tpu.memory_space<vmem>> -> memref<40xi32, #tpu.memory_space<vmem>>
        %dma_wait3A_661 = arith.constant 0 : i32
        %dma_wait3A_662 = tpu.memref_slice %arg3[%add3A, %dma_wait3A_655, %dma_wait3A_661] : memref<32x250x40xi32, #tpu.memory_space<hbm>> -> memref<1x1x40xi32, #tpu.memory_space<hbm>>
        %dma_wait3A_663 = tpu.memref_squeeze %dma_wait3A_662 : memref<1x1x40xi32, #tpu.memory_space<hbm>> -> memref<40xi32, #tpu.memory_space<hbm>>
        %dma_wait3A_664 = tpu.memref_slice %arg10[%dma_wait3A_657] : memref<4x!tpu.dma_semaphore, #tpu.memory_space<semaphore_mem>> -> memref<1x!tpu.dma_semaphore, #tpu.memory_space<semaphore_mem>>
        %dma_wait3A_665 = tpu.memref_squeeze %dma_wait3A_664 : memref<1x!tpu.dma_semaphore, #tpu.memory_space<semaphore_mem>> -> memref<!tpu.dma_semaphore, #tpu.memory_space<semaphore_mem>>
        %dma_wait3A_666 = arith.constant 0 : i32
        %dma_wait3A_667 = tpu.memref_slice %arg6[%dma_wait3A_656, %dma_wait3A_666] : memref<4x40xi32, #tpu.memory_space<vmem>> -> memref<1x40xi32, #tpu.memory_space<vmem>>
        %dma_wait3A_668 = tpu.memref_squeeze %dma_wait3A_667 : memref<1x40xi32, #tpu.memory_space<vmem>> -> memref<40xi32, #tpu.memory_space<vmem>>
        %dma_wait3A_669 = arith.constant 0 : i32
        %dma_wait3A_670 = tpu.memref_slice %arg3[%add3A, %dma_wait3A_655, %dma_wait3A_669] : memref<32x250x40xi32, #tpu.memory_space<hbm>> -> memref<1x1x40xi32, #tpu.memory_space<hbm>>
        %dma_wait3A_671 = tpu.memref_squeeze %dma_wait3A_670 : memref<1x1x40xi32, #tpu.memory_space<hbm>> -> memref<40xi32, #tpu.memory_space<hbm>>
        tpu.wait_dma2 semaphore(%dma_wait3A_665 : memref<!tpu.dma_semaphore, #tpu.memory_space<semaphore_mem>>) src(%dma_wait3A_671 : memref<40xi32, #tpu.memory_space<hbm>>) dst(%dma_wait3A_668 : memref<40xi32, #tpu.memory_space<vmem>>)
        %add3A_672 = arith.constant 2 : i32
        %add3A_673 = arith.addi %add3A_504, %add3A_672 : i32
        %dma_start3A_674 = arith.constant 0 : i32
        %dma_start3A_675 = arith.constant 0 : i32
        %dma_start3A_676 = arith.constant 0 : i32
        %dma_start3A_677 = arith.constant 0 : i32
        %dma_start3A_678 = arith.constant 0 : i32
        %dma_start3A_679 = tpu.memref_slice %arg7[%dma_start3A_675, %dma_start3A_677, %dma_start3A_678] : memref<4x40x128xf32, #tpu.memory_space<vmem>> -> memref<1x40x128xf32, #tpu.memory_space<vmem>>
        %dma_start3A_680 = tpu.memref_squeeze %dma_start3A_679 : memref<1x40x128xf32, #tpu.memory_space<vmem>> -> memref<40x128xf32, #tpu.memory_space<vmem>>
        %dma_start3A_681 = arith.constant 0 : i32
        %dma_start3A_682 = tpu.memref_slice %arg6[%dma_start3A_674, %dma_start3A_681] : memref<4x40xi32, #tpu.memory_space<vmem>> -> memref<1x40xi32, #tpu.memory_space<vmem>>
        %dma_start3A_683 = tpu.memref_squeeze %dma_start3A_682 : memref<1x40xi32, #tpu.memory_space<vmem>> -> memref<40xi32, #tpu.memory_space<vmem>>
        %dma_start3A_684 = arith.constant 0 : i32
        %dma_start3A_685 = arith.constant 0 : i32
        %dma_start3A_686 = tpu.memref_slice %arg2[%dma_start3A_684, %dma_start3A_685] : memref<10000x128xf32, #tpu.memory_space<hbm>> -> memref<10000x128xf32, #tpu.memory_space<hbm>>
        %dma_start3A_687 = tpu.memref_slice %arg11[%dma_start3A_676] : memref<4x!tpu.dma_semaphore, #tpu.memory_space<semaphore_mem>> -> memref<1x!tpu.dma_semaphore, #tpu.memory_space<semaphore_mem>>
        %dma_start3A_688 = tpu.memref_squeeze %dma_start3A_687 : memref<1x!tpu.dma_semaphore, #tpu.memory_space<semaphore_mem>> -> memref<!tpu.dma_semaphore, #tpu.memory_space<semaphore_mem>>
        tpu.enqueue_indirect_dma source(%dma_start3A_686 : memref<10000x128xf32, #tpu.memory_space<hbm>>) target(%dma_start3A_680 : memref<40x128xf32, #tpu.memory_space<vmem>>) offsets(%dma_start3A_683 : memref<40xi32, #tpu.memory_space<vmem>>) semaphore(%dma_start3A_688 : memref<!tpu.dma_semaphore, #tpu.memory_space<semaphore_mem>>)
        %mul3A_689 = arith.constant 40 : i32
        %mul3A_690 = arith.muli %add3A_673, %mul3A_689 : i32
        %add3A_691 = arith.addi %mul3A_2, %mul3A_690 : i32
        %dma_start3A_692 = arith.constant 0 : i32
        %dma_start3A_693 = arith.constant 0 : i32
        %dma_start3A_694 = arith.constant 0 : i32
        %dma_start3A_695 = arith.constant 0 : i32
        %dma_start3A_696 = tpu.memref_slice %arg8[%dma_start3A_692, %dma_start3A_694, %dma_start3A_695] : memref<4x40x128xf32, #tpu.memory_space<vmem>> -> memref<1x40x128xf32, #tpu.memory_space<vmem>>
        %dma_start3A_697 = tpu.memref_squeeze %dma_start3A_696 : memref<1x40x128xf32, #tpu.memory_space<vmem>> -> memref<40x128xf32, #tpu.memory_space<vmem>>
        %dma_start3A_698 = arith.constant 0 : i32
        %dma_start3A_699 = tpu.memref_slice %arg4[%add3A_691, %dma_start3A_698] : memref<320000x128xf32, #tpu.memory_space<hbm>> -> memref<40x128xf32, #tpu.memory_space<hbm>>
        %dma_start3A_700 = tpu.memref_slice %arg11[%dma_start3A_693] : memref<4x!tpu.dma_semaphore, #tpu.memory_space<semaphore_mem>> -> memref<1x!tpu.dma_semaphore, #tpu.memory_space<semaphore_mem>>
        %dma_start3A_701 = tpu.memref_squeeze %dma_start3A_700 : memref<1x!tpu.dma_semaphore, #tpu.memory_space<semaphore_mem>> -> memref<!tpu.dma_semaphore, #tpu.memory_space<semaphore_mem>>
        %dma_start3A_702 = arith.constant 0 : i32
        %dma_start3A_703 = arith.constant 0 : i32
        %dma_start3A_704 = tpu.memref_slice %arg8[%dma_start3A_692, %dma_start3A_702, %dma_start3A_703] : memref<4x40x128xf32, #tpu.memory_space<vmem>> -> memref<1x40x128xf32, #tpu.memory_space<vmem>>
        %dma_start3A_705 = tpu.memref_squeeze %dma_start3A_704 : memref<1x40x128xf32, #tpu.memory_space<vmem>> -> memref<40x128xf32, #tpu.memory_space<vmem>>
        %dma_start3A_706 = arith.constant 0 : i32
        %dma_start3A_707 = tpu.memref_slice %arg4[%add3A_691, %dma_start3A_706] : memref<320000x128xf32, #tpu.memory_space<hbm>> -> memref<40x128xf32, #tpu.memory_space<hbm>>
        tpu.enqueue_dma source(%dma_start3A_707 : memref<40x128xf32, #tpu.memory_space<hbm>>) target(%dma_start3A_705 : memref<40x128xf32, #tpu.memory_space<vmem>>) target_semaphore(%dma_start3A_701 : memref<!tpu.dma_semaphore, #tpu.memory_space<semaphore_mem>>)
      } else {
      }
      %dma_wait3A_524 = arith.constant 2 : i32
      %dma_wait3A_525 = arith.constant 2 : i32
      %dma_wait3A_526 = arith.constant 0 : i32
      %dma_wait3A_527 = arith.constant 0 : i32
      %dma_wait3A_528 = tpu.memref_slice %arg7[%dma_wait3A_524, %dma_wait3A_526, %dma_wait3A_527] : memref<4x40x128xf32, #tpu.memory_space<vmem>> -> memref<1x40x128xf32, #tpu.memory_space<vmem>>
      %dma_wait3A_529 = tpu.memref_squeeze %dma_wait3A_528 : memref<1x40x128xf32, #tpu.memory_space<vmem>> -> memref<40x128xf32, #tpu.memory_space<vmem>>
      %dma_wait3A_530 = arith.constant 0 : i32
      %dma_wait3A_531 = arith.constant 0 : i32
      %dma_wait3A_532 = tpu.memref_slice %arg2[%dma_wait3A_530, %dma_wait3A_531] : memref<10000x128xf32, #tpu.memory_space<hbm>> -> memref<40x128xf32, #tpu.memory_space<hbm>>
      %dma_wait3A_533 = tpu.memref_slice %arg11[%dma_wait3A_525] : memref<4x!tpu.dma_semaphore, #tpu.memory_space<semaphore_mem>> -> memref<1x!tpu.dma_semaphore, #tpu.memory_space<semaphore_mem>>
      %dma_wait3A_534 = tpu.memref_squeeze %dma_wait3A_533 : memref<1x!tpu.dma_semaphore, #tpu.memory_space<semaphore_mem>> -> memref<!tpu.dma_semaphore, #tpu.memory_space<semaphore_mem>>
      %dma_wait3A_535 = arith.constant 0 : i32
      %dma_wait3A_536 = arith.constant 0 : i32
      %dma_wait3A_537 = tpu.memref_slice %arg7[%dma_wait3A_524, %dma_wait3A_535, %dma_wait3A_536] : memref<4x40x128xf32, #tpu.memory_space<vmem>> -> memref<1x40x128xf32, #tpu.memory_space<vmem>>
      %dma_wait3A_538 = tpu.memref_squeeze %dma_wait3A_537 : memref<1x40x128xf32, #tpu.memory_space<vmem>> -> memref<40x128xf32, #tpu.memory_space<vmem>>
      %dma_wait3A_539 = arith.constant 0 : i32
      %dma_wait3A_540 = arith.constant 0 : i32
      %dma_wait3A_541 = tpu.memref_slice %arg2[%dma_wait3A_539, %dma_wait3A_540] : memref<10000x128xf32, #tpu.memory_space<hbm>> -> memref<40x128xf32, #tpu.memory_space<hbm>>
      tpu.wait_dma2 semaphore(%dma_wait3A_534 : memref<!tpu.dma_semaphore, #tpu.memory_space<semaphore_mem>>) src(%dma_wait3A_541 : memref<40x128xf32, #tpu.memory_space<hbm>>) dst(%dma_wait3A_538 : memref<40x128xf32, #tpu.memory_space<vmem>>)
      %dma_wait3A_542 = arith.constant 2 : i32
      %dma_wait3A_543 = arith.constant 2 : i32
      %dma_wait3A_544 = arith.constant 0 : i32
      %dma_wait3A_545 = arith.constant 0 : i32
      %dma_wait3A_546 = tpu.memref_slice %arg8[%dma_wait3A_542, %dma_wait3A_544, %dma_wait3A_545] : memref<4x40x128xf32, #tpu.memory_space<vmem>> -> memref<1x40x128xf32, #tpu.memory_space<vmem>>
      %dma_wait3A_547 = tpu.memref_squeeze %dma_wait3A_546 : memref<1x40x128xf32, #tpu.memory_space<vmem>> -> memref<40x128xf32, #tpu.memory_space<vmem>>
      %dma_wait3A_548 = arith.constant 0 : i32
      %dma_wait3A_549 = arith.constant 0 : i32
      %dma_wait3A_550 = tpu.memref_slice %arg4[%dma_wait3A_548, %dma_wait3A_549] : memref<320000x128xf32, #tpu.memory_space<hbm>> -> memref<40x128xf32, #tpu.memory_space<hbm>>
      %dma_wait3A_551 = tpu.memref_slice %arg11[%dma_wait3A_543] : memref<4x!tpu.dma_semaphore, #tpu.memory_space<semaphore_mem>> -> memref<1x!tpu.dma_semaphore, #tpu.memory_space<semaphore_mem>>
      %dma_wait3A_552 = tpu.memref_squeeze %dma_wait3A_551 : memref<1x!tpu.dma_semaphore, #tpu.memory_space<semaphore_mem>> -> memref<!tpu.dma_semaphore, #tpu.memory_space<semaphore_mem>>
      %dma_wait3A_553 = arith.constant 0 : i32
      %dma_wait3A_554 = arith.constant 0 : i32
      %dma_wait3A_555 = tpu.memref_slice %arg8[%dma_wait3A_542, %dma_wait3A_553, %dma_wait3A_554] : memref<4x40x128xf32, #tpu.memory_space<vmem>> -> memref<1x40x128xf32, #tpu.memory_space<vmem>>
      %dma_wait3A_556 = tpu.memref_squeeze %dma_wait3A_555 : memref<1x40x128xf32, #tpu.memory_space<vmem>> -> memref<40x128xf32, #tpu.memory_space<vmem>>
      %dma_wait3A_557 = arith.constant 0 : i32
      %dma_wait3A_558 = arith.constant 0 : i32
      %dma_wait3A_559 = tpu.memref_slice %arg4[%dma_wait3A_557, %dma_wait3A_558] : memref<320000x128xf32, #tpu.memory_space<hbm>> -> memref<40x128xf32, #tpu.memory_space<hbm>>
      tpu.wait_dma2 semaphore(%dma_wait3A_552 : memref<!tpu.dma_semaphore, #tpu.memory_space<semaphore_mem>>) src(%dma_wait3A_559 : memref<40x128xf32, #tpu.memory_space<hbm>>) dst(%dma_wait3A_556 : memref<40x128xf32, #tpu.memory_space<vmem>>)
      %parallel_loop3A_560 = arith.constant 0 : i32
      %parallel_loop3A_561 = arith.constant 40 : i32
      %parallel_loop3A_562 = arith.constant 1 : i32
      scf.for %parallel_loop3A_655 = %parallel_loop3A_560 to %parallel_loop3A_561 step %parallel_loop3A_562  : i32 {
        %parallel_loop3A_656 = arith.constant 0.000000e+00 : f32
        %parallel_loop3A_657 = vector.broadcast %parallel_loop3A_656 : f32 to vector<16xf32>
        %parallel_loop3A_658 = arith.constant 0.000000e+00 : f32
        %parallel_loop3A_659 = vector.broadcast %parallel_loop3A_658 : f32 to vector<16xf32>
        %parallel_loop3A_660 = arith.constant 2 : i32
        %parallel_loop3A_661 = arith.index_cast %parallel_loop3A_660 : i32 to index
        %parallel_loop3A_662 = arith.index_cast %parallel_loop3A_655 : i32 to index
        %parallel_loop3A_663 = arith.constant 0 : index
        %parallel_loop3A_664 = tpu.vector_load %arg7[%parallel_loop3A_661, %parallel_loop3A_662, %parallel_loop3A_663] {strides = array<i32>} : memref<4x40x128xf32, #tpu.memory_space<vmem>>, vector<1x1x16xf32>,
        %parallel_loop3A_665 = vector.shape_cast %parallel_loop3A_664 : vector<1x1x16xf32> to vector<16xf32>
        %parallel_loop3A_666 = arith.constant 2 : i32
        %parallel_loop3A_667 = arith.index_cast %parallel_loop3A_666 : i32 to index
        %parallel_loop3A_668 = arith.index_cast %parallel_loop3A_655 : i32 to index
        %parallel_loop3A_669 = arith.constant 0 : index
        %parallel_loop3A_670 = tpu.vector_load %arg8[%parallel_loop3A_667, %parallel_loop3A_668, %parallel_loop3A_669] {strides = array<i32>} : memref<4x40x128xf32, #tpu.memory_space<vmem>>, vector<1x1x16xf32>,
        %parallel_loop3A_671 = vector.shape_cast %parallel_loop3A_670 : vector<1x1x16xf32> to vector<16xf32>
        %parallel_loop3A_672 = arith.mulf %parallel_loop3A_665, %parallel_loop3A_671 : vector<16xf32>
        %parallel_loop3A_673 = arith.addf %parallel_loop3A_657, %parallel_loop3A_672 : vector<16xf32>
        %parallel_loop3A_674 = arith.constant 2 : i32
        %parallel_loop3A_675 = arith.index_cast %parallel_loop3A_674 : i32 to index
        %parallel_loop3A_676 = arith.index_cast %parallel_loop3A_655 : i32 to index
        %parallel_loop3A_677 = arith.constant 16 : index
        %parallel_loop3A_678 = tpu.vector_load %arg7[%parallel_loop3A_675, %parallel_loop3A_676, %parallel_loop3A_677] {strides = array<i32>} : memref<4x40x128xf32, #tpu.memory_space<vmem>>, vector<1x1x16xf32>,
        %parallel_loop3A_679 = vector.shape_cast %parallel_loop3A_678 : vector<1x1x16xf32> to vector<16xf32>
        %parallel_loop3A_680 = arith.constant 2 : i32
        %parallel_loop3A_681 = arith.index_cast %parallel_loop3A_680 : i32 to index
        %parallel_loop3A_682 = arith.index_cast %parallel_loop3A_655 : i32 to index
        %parallel_loop3A_683 = arith.constant 16 : index
        %parallel_loop3A_684 = tpu.vector_load %arg8[%parallel_loop3A_681, %parallel_loop3A_682, %parallel_loop3A_683] {strides = array<i32>} : memref<4x40x128xf32, #tpu.memory_space<vmem>>, vector<1x1x16xf32>,
        %parallel_loop3A_685 = vector.shape_cast %parallel_loop3A_684 : vector<1x1x16xf32> to vector<16xf32>
        %parallel_loop3A_686 = arith.mulf %parallel_loop3A_679, %parallel_loop3A_685 : vector<16xf32>
        %parallel_loop3A_687 = arith.addf %parallel_loop3A_659, %parallel_loop3A_686 : vector<16xf32>
        %parallel_loop3A_688 = arith.constant 2 : i32
        %parallel_loop3A_689 = arith.index_cast %parallel_loop3A_688 : i32 to index
        %parallel_loop3A_690 = arith.index_cast %parallel_loop3A_655 : i32 to index
        %parallel_loop3A_691 = arith.constant 32 : index
        %parallel_loop3A_692 = tpu.vector_load %arg7[%parallel_loop3A_689, %parallel_loop3A_690, %parallel_loop3A_691] {strides = array<i32>} : memref<4x40x128xf32, #tpu.memory_space<vmem>>, vector<1x1x16xf32>,
        %parallel_loop3A_693 = vector.shape_cast %parallel_loop3A_692 : vector<1x1x16xf32> to vector<16xf32>
        %parallel_loop3A_694 = arith.constant 2 : i32
        %parallel_loop3A_695 = arith.index_cast %parallel_loop3A_694 : i32 to index
        %parallel_loop3A_696 = arith.index_cast %parallel_loop3A_655 : i32 to index
        %parallel_loop3A_697 = arith.constant 32 : index
        %parallel_loop3A_698 = tpu.vector_load %arg8[%parallel_loop3A_695, %parallel_loop3A_696, %parallel_loop3A_697] {strides = array<i32>} : memref<4x40x128xf32, #tpu.memory_space<vmem>>, vector<1x1x16xf32>,
        %parallel_loop3A_699 = vector.shape_cast %parallel_loop3A_698 : vector<1x1x16xf32> to vector<16xf32>
        %parallel_loop3A_700 = arith.mulf %parallel_loop3A_693, %parallel_loop3A_699 : vector<16xf32>
        %parallel_loop3A_701 = arith.addf %parallel_loop3A_673, %parallel_loop3A_700 : vector<16xf32>
        %parallel_loop3A_702 = arith.constant 2 : i32
        %parallel_loop3A_703 = arith.index_cast %parallel_loop3A_702 : i32 to index
        %parallel_loop3A_704 = arith.index_cast %parallel_loop3A_655 : i32 to index
        %parallel_loop3A_705 = arith.constant 48 : index
        %parallel_loop3A_706 = tpu.vector_load %arg7[%parallel_loop3A_703, %parallel_loop3A_704, %parallel_loop3A_705] {strides = array<i32>} : memref<4x40x128xf32, #tpu.memory_space<vmem>>, vector<1x1x16xf32>,
        %parallel_loop3A_707 = vector.shape_cast %parallel_loop3A_706 : vector<1x1x16xf32> to vector<16xf32>
        %parallel_loop3A_708 = arith.constant 2 : i32
        %parallel_loop3A_709 = arith.index_cast %parallel_loop3A_708 : i32 to index
        %parallel_loop3A_710 = arith.index_cast %parallel_loop3A_655 : i32 to index
        %parallel_loop3A_711 = arith.constant 48 : index
        %parallel_loop3A_712 = tpu.vector_load %arg8[%parallel_loop3A_709, %parallel_loop3A_710, %parallel_loop3A_711] {strides = array<i32>} : memref<4x40x128xf32, #tpu.memory_space<vmem>>, vector<1x1x16xf32>,
        %parallel_loop3A_713 = vector.shape_cast %parallel_loop3A_712 : vector<1x1x16xf32> to vector<16xf32>
        %parallel_loop3A_714 = arith.mulf %parallel_loop3A_707, %parallel_loop3A_713 : vector<16xf32>
        %parallel_loop3A_715 = arith.addf %parallel_loop3A_687, %parallel_loop3A_714 : vector<16xf32>
        %parallel_loop3A_716 = arith.constant 2 : i32
        %parallel_loop3A_717 = arith.index_cast %parallel_loop3A_716 : i32 to index
        %parallel_loop3A_718 = arith.index_cast %parallel_loop3A_655 : i32 to index
        %parallel_loop3A_719 = arith.constant 64 : index
        %parallel_loop3A_720 = tpu.vector_load %arg7[%parallel_loop3A_717, %parallel_loop3A_718, %parallel_loop3A_719] {strides = array<i32>} : memref<4x40x128xf32, #tpu.memory_space<vmem>>, vector<1x1x16xf32>,
        %parallel_loop3A_721 = vector.shape_cast %parallel_loop3A_720 : vector<1x1x16xf32> to vector<16xf32>
        %parallel_loop3A_722 = arith.constant 2 : i32
        %parallel_loop3A_723 = arith.index_cast %parallel_loop3A_722 : i32 to index
        %parallel_loop3A_724 = arith.index_cast %parallel_loop3A_655 : i32 to index
        %parallel_loop3A_725 = arith.constant 64 : index
        %parallel_loop3A_726 = tpu.vector_load %arg8[%parallel_loop3A_723, %parallel_loop3A_724, %parallel_loop3A_725] {strides = array<i32>} : memref<4x40x128xf32, #tpu.memory_space<vmem>>, vector<1x1x16xf32>,
        %parallel_loop3A_727 = vector.shape_cast %parallel_loop3A_726 : vector<1x1x16xf32> to vector<16xf32>
        %parallel_loop3A_728 = arith.mulf %parallel_loop3A_721, %parallel_loop3A_727 : vector<16xf32>
        %parallel_loop3A_729 = arith.addf %parallel_loop3A_701, %parallel_loop3A_728 : vector<16xf32>
        %parallel_loop3A_730 = arith.constant 2 : i32
        %parallel_loop3A_731 = arith.index_cast %parallel_loop3A_730 : i32 to index
        %parallel_loop3A_732 = arith.index_cast %parallel_loop3A_655 : i32 to index
        %parallel_loop3A_733 = arith.constant 80 : index
        %parallel_loop3A_734 = tpu.vector_load %arg7[%parallel_loop3A_731, %parallel_loop3A_732, %parallel_loop3A_733] {strides = array<i32>} : memref<4x40x128xf32, #tpu.memory_space<vmem>>, vector<1x1x16xf32>,
        %parallel_loop3A_735 = vector.shape_cast %parallel_loop3A_734 : vector<1x1x16xf32> to vector<16xf32>
        %parallel_loop3A_736 = arith.constant 2 : i32
        %parallel_loop3A_737 = arith.index_cast %parallel_loop3A_736 : i32 to index
        %parallel_loop3A_738 = arith.index_cast %parallel_loop3A_655 : i32 to index
        %parallel_loop3A_739 = arith.constant 80 : index
        %parallel_loop3A_740 = tpu.vector_load %arg8[%parallel_loop3A_737, %parallel_loop3A_738, %parallel_loop3A_739] {strides = array<i32>} : memref<4x40x128xf32, #tpu.memory_space<vmem>>, vector<1x1x16xf32>,
        %parallel_loop3A_741 = vector.shape_cast %parallel_loop3A_740 : vector<1x1x16xf32> to vector<16xf32>
        %parallel_loop3A_742 = arith.mulf %parallel_loop3A_735, %parallel_loop3A_741 : vector<16xf32>
        %parallel_loop3A_743 = arith.addf %parallel_loop3A_715, %parallel_loop3A_742 : vector<16xf32>
        %parallel_loop3A_744 = arith.constant 2 : i32
        %parallel_loop3A_745 = arith.index_cast %parallel_loop3A_744 : i32 to index
        %parallel_loop3A_746 = arith.index_cast %parallel_loop3A_655 : i32 to index
        %parallel_loop3A_747 = arith.constant 96 : index
        %parallel_loop3A_748 = tpu.vector_load %arg7[%parallel_loop3A_745, %parallel_loop3A_746, %parallel_loop3A_747] {strides = array<i32>} : memref<4x40x128xf32, #tpu.memory_space<vmem>>, vector<1x1x16xf32>,
        %parallel_loop3A_749 = vector.shape_cast %parallel_loop3A_748 : vector<1x1x16xf32> to vector<16xf32>
        %parallel_loop3A_750 = arith.constant 2 : i32
        %parallel_loop3A_751 = arith.index_cast %parallel_loop3A_750 : i32 to index
        %parallel_loop3A_752 = arith.index_cast %parallel_loop3A_655 : i32 to index
        %parallel_loop3A_753 = arith.constant 96 : index
        %parallel_loop3A_754 = tpu.vector_load %arg8[%parallel_loop3A_751, %parallel_loop3A_752, %parallel_loop3A_753] {strides = array<i32>} : memref<4x40x128xf32, #tpu.memory_space<vmem>>, vector<1x1x16xf32>,
        %parallel_loop3A_755 = vector.shape_cast %parallel_loop3A_754 : vector<1x1x16xf32> to vector<16xf32>
        %parallel_loop3A_756 = arith.mulf %parallel_loop3A_749, %parallel_loop3A_755 : vector<16xf32>
        %parallel_loop3A_757 = arith.addf %parallel_loop3A_729, %parallel_loop3A_756 : vector<16xf32>
        %parallel_loop3A_758 = arith.constant 2 : i32
        %parallel_loop3A_759 = arith.index_cast %parallel_loop3A_758 : i32 to index
        %parallel_loop3A_760 = arith.index_cast %parallel_loop3A_655 : i32 to index
        %parallel_loop3A_761 = arith.constant 112 : index
        %parallel_loop3A_762 = tpu.vector_load %arg7[%parallel_loop3A_759, %parallel_loop3A_760, %parallel_loop3A_761] {strides = array<i32>} : memref<4x40x128xf32, #tpu.memory_space<vmem>>, vector<1x1x16xf32>,
        %parallel_loop3A_763 = vector.shape_cast %parallel_loop3A_762 : vector<1x1x16xf32> to vector<16xf32>
        %parallel_loop3A_764 = arith.constant 2 : i32
        %parallel_loop3A_765 = arith.index_cast %parallel_loop3A_764 : i32 to index
        %parallel_loop3A_766 = arith.index_cast %parallel_loop3A_655 : i32 to index
        %parallel_loop3A_767 = arith.constant 112 : index
        %parallel_loop3A_768 = tpu.vector_load %arg8[%parallel_loop3A_765, %parallel_loop3A_766, %parallel_loop3A_767] {strides = array<i32>} : memref<4x40x128xf32, #tpu.memory_space<vmem>>, vector<1x1x16xf32>,
        %parallel_loop3A_769 = vector.shape_cast %parallel_loop3A_768 : vector<1x1x16xf32> to vector<16xf32>
        %parallel_loop3A_770 = arith.mulf %parallel_loop3A_763, %parallel_loop3A_769 : vector<16xf32>
        %parallel_loop3A_771 = arith.addf %parallel_loop3A_743, %parallel_loop3A_770 : vector<16xf32>
        %parallel_loop3A_772 = arith.addf %parallel_loop3A_757, %parallel_loop3A_771 : vector<16xf32>
        %parallel_loop3A_773 = tpu.iota {dimensions = array<i32: 0>} : vector<16xi32>
        %parallel_loop3A_774 = arith.constant 8 : i32
        %parallel_loop3A_775 = vector.broadcast %parallel_loop3A_774 : i32 to vector<16xi32>
        %parallel_loop3A_776 = arith.xori %parallel_loop3A_773, %parallel_loop3A_775 : vector<16xi32>
        %parallel_loop3A_777 = arith.constant 0 : i32
        %parallel_loop3A_778 = vector.broadcast %parallel_loop3A_777 : i32 to vector<16xi32>
        %parallel_loop3A_779 = arith.cmpi slt, %parallel_loop3A_776, %parallel_loop3A_778 : vector<16xi32>
        %parallel_loop3A_780 = arith.constant 16 : i32
        %parallel_loop3A_781 = vector.broadcast %parallel_loop3A_780 : i32 to vector<16xi32>
        %parallel_loop3A_782 = arith.addi %parallel_loop3A_776, %parallel_loop3A_781 : vector<16xi32>
        %parallel_loop3A_783 = arith.select %parallel_loop3A_779, %parallel_loop3A_782, %parallel_loop3A_776 : vector<16xi1>, vector<16xi32>
        %parallel_loop3A_784 = vector.shape_cast %parallel_loop3A_783 : vector<16xi32> to vector<16x1xi32>
        %parallel_loop3A_785 = vector.shape_cast %parallel_loop3A_784 : vector<16x1xi32> to vector<16xi32>
        %parallel_loop3A_786 = tpu.dynamic_gather %parallel_loop3A_772[%parallel_loop3A_785] in [0] : vector<16xf32>, vector<16xi32> -> vector<16xf32>
        %parallel_loop3A_787 = arith.addf %parallel_loop3A_772, %parallel_loop3A_786 : vector<16xf32>
        %parallel_loop3A_788 = arith.constant 4 : i32
        %parallel_loop3A_789 = vector.broadcast %parallel_loop3A_788 : i32 to vector<16xi32>
        %parallel_loop3A_790 = arith.xori %parallel_loop3A_773, %parallel_loop3A_789 : vector<16xi32>
        %parallel_loop3A_791 = arith.constant 0 : i32
        %parallel_loop3A_792 = vector.broadcast %parallel_loop3A_791 : i32 to vector<16xi32>
        %parallel_loop3A_793 = arith.cmpi slt, %parallel_loop3A_790, %parallel_loop3A_792 : vector<16xi32>
        %parallel_loop3A_794 = arith.constant 16 : i32
        %parallel_loop3A_795 = vector.broadcast %parallel_loop3A_794 : i32 to vector<16xi32>
        %parallel_loop3A_796 = arith.addi %parallel_loop3A_790, %parallel_loop3A_795 : vector<16xi32>
        %parallel_loop3A_797 = arith.select %parallel_loop3A_793, %parallel_loop3A_796, %parallel_loop3A_790 : vector<16xi1>, vector<16xi32>
        %parallel_loop3A_798 = vector.shape_cast %parallel_loop3A_797 : vector<16xi32> to vector<16x1xi32>
        %parallel_loop3A_799 = vector.shape_cast %parallel_loop3A_798 : vector<16x1xi32> to vector<16xi32>
        %parallel_loop3A_800 = tpu.dynamic_gather %parallel_loop3A_787[%parallel_loop3A_799] in [0] : vector<16xf32>, vector<16xi32> -> vector<16xf32>
        %parallel_loop3A_801 = arith.addf %parallel_loop3A_787, %parallel_loop3A_800 : vector<16xf32>
        %parallel_loop3A_802 = arith.constant 2 : i32
        %parallel_loop3A_803 = vector.broadcast %parallel_loop3A_802 : i32 to vector<16xi32>
        %parallel_loop3A_804 = arith.xori %parallel_loop3A_773, %parallel_loop3A_803 : vector<16xi32>
        %parallel_loop3A_805 = arith.constant 0 : i32
        %parallel_loop3A_806 = vector.broadcast %parallel_loop3A_805 : i32 to vector<16xi32>
        %parallel_loop3A_807 = arith.cmpi slt, %parallel_loop3A_804, %parallel_loop3A_806 : vector<16xi32>
        %parallel_loop3A_808 = arith.constant 16 : i32
        %parallel_loop3A_809 = vector.broadcast %parallel_loop3A_808 : i32 to vector<16xi32>
        %parallel_loop3A_810 = arith.addi %parallel_loop3A_804, %parallel_loop3A_809 : vector<16xi32>
        %parallel_loop3A_811 = arith.select %parallel_loop3A_807, %parallel_loop3A_810, %parallel_loop3A_804 : vector<16xi1>, vector<16xi32>
        %parallel_loop3A_812 = vector.shape_cast %parallel_loop3A_811 : vector<16xi32> to vector<16x1xi32>
        %parallel_loop3A_813 = vector.shape_cast %parallel_loop3A_812 : vector<16x1xi32> to vector<16xi32>
        %parallel_loop3A_814 = tpu.dynamic_gather %parallel_loop3A_801[%parallel_loop3A_813] in [0] : vector<16xf32>, vector<16xi32> -> vector<16xf32>
        %parallel_loop3A_815 = arith.addf %parallel_loop3A_801, %parallel_loop3A_814 : vector<16xf32>
        %parallel_loop3A_816 = arith.constant 1 : i32
        %parallel_loop3A_817 = vector.broadcast %parallel_loop3A_816 : i32 to vector<16xi32>
        %parallel_loop3A_818 = arith.xori %parallel_loop3A_773, %parallel_loop3A_817 : vector<16xi32>
        %parallel_loop3A_819 = arith.constant 0 : i32
        %parallel_loop3A_820 = vector.broadcast %parallel_loop3A_819 : i32 to vector<16xi32>
        %parallel_loop3A_821 = arith.cmpi slt, %parallel_loop3A_818, %parallel_loop3A_820 : vector<16xi32>
        %parallel_loop3A_822 = arith.constant 16 : i32
        %parallel_loop3A_823 = vector.broadcast %parallel_loop3A_822 : i32 to vector<16xi32>
        %parallel_loop3A_824 = arith.addi %parallel_loop3A_818, %parallel_loop3A_823 : vector<16xi32>
        %parallel_loop3A_825 = arith.select %parallel_loop3A_821, %parallel_loop3A_824, %parallel_loop3A_818 : vector<16xi1>, vector<16xi32>
        %parallel_loop3A_826 = vector.shape_cast %parallel_loop3A_825 : vector<16xi32> to vector<16x1xi32>
        %parallel_loop3A_827 = vector.shape_cast %parallel_loop3A_826 : vector<16x1xi32> to vector<16xi32>
        %parallel_loop3A_828 = tpu.dynamic_gather %parallel_loop3A_815[%parallel_loop3A_827] in [0] : vector<16xf32>, vector<16xi32> -> vector<16xf32>
        %parallel_loop3A_829 = arith.addf %parallel_loop3A_815, %parallel_loop3A_828 : vector<16xf32>
        %parallel_loop3A_830 = arith.constant 0.000000e+00 : f32
        %parallel_loop3A_831 = vector.broadcast %parallel_loop3A_830 : f32 to vector<16xf32>
        %parallel_loop3A_832 = arith.subf %parallel_loop3A_831, %parallel_loop3A_829 : vector<16xf32>
        %parallel_loop3A_833 = math.exp %parallel_loop3A_832 : vector<16xf32>
        %parallel_loop3A_834 = arith.constant 1.000000e+00 : f32
        %parallel_loop3A_835 = vector.broadcast %parallel_loop3A_834 : f32 to vector<16xf32>
        %parallel_loop3A_836 = arith.addf %parallel_loop3A_835, %parallel_loop3A_833 : vector<16xf32>
        %parallel_loop3A_837 = arith.constant 1.000000e+00 : f32
        %parallel_loop3A_838 = vector.broadcast %parallel_loop3A_837 : f32 to vector<16xf32>
        %parallel_loop3A_839 = arith.divf %parallel_loop3A_838, %parallel_loop3A_836 : vector<16xf32>
        %parallel_loop3A_840 = arith.mulf %parallel_loop3A_839, %parallel_loop3A_671 : vector<16xf32>
        %parallel_loop3A_841 = arith.constant 2 : i32
        %parallel_loop3A_842 = arith.index_cast %parallel_loop3A_841 : i32 to index
        %parallel_loop3A_843 = arith.index_cast %parallel_loop3A_655 : i32 to index
        %parallel_loop3A_844 = arith.constant 0 : index
        %parallel_loop3A_845 = tpu.vector_load %arg8[%parallel_loop3A_842, %parallel_loop3A_843, %parallel_loop3A_844] {strides = array<i32>} : memref<4x40x128xf32, #tpu.memory_space<vmem>>, vector<1x1x16xf32>,
        %parallel_loop3A_846 = vector.shape_cast %parallel_loop3A_845 : vector<1x1x16xf32> to vector<16xf32>
        %parallel_loop3A_847 = vector.shape_cast %parallel_loop3A_840 : vector<16xf32> to vector<1x1x16xf32>
        tpu.vector_store %arg8[%parallel_loop3A_842, %parallel_loop3A_843, %parallel_loop3A_844], %parallel_loop3A_847 {strides = array<i32>} : memref<4x40x128xf32, #tpu.memory_space<vmem>>, vector<1x1x16xf32>,
        %parallel_loop3A_848 = arith.mulf %parallel_loop3A_839, %parallel_loop3A_685 : vector<16xf32>
        %parallel_loop3A_849 = arith.constant 2 : i32
        %parallel_loop3A_850 = arith.index_cast %parallel_loop3A_849 : i32 to index
        %parallel_loop3A_851 = arith.index_cast %parallel_loop3A_655 : i32 to index
        %parallel_loop3A_852 = arith.constant 16 : index
        %parallel_loop3A_853 = tpu.vector_load %arg8[%parallel_loop3A_850, %parallel_loop3A_851, %parallel_loop3A_852] {strides = array<i32>} : memref<4x40x128xf32, #tpu.memory_space<vmem>>, vector<1x1x16xf32>,
        %parallel_loop3A_854 = vector.shape_cast %parallel_loop3A_853 : vector<1x1x16xf32> to vector<16xf32>
        %parallel_loop3A_855 = vector.shape_cast %parallel_loop3A_848 : vector<16xf32> to vector<1x1x16xf32>
        tpu.vector_store %arg8[%parallel_loop3A_850, %parallel_loop3A_851, %parallel_loop3A_852], %parallel_loop3A_855 {strides = array<i32>} : memref<4x40x128xf32, #tpu.memory_space<vmem>>, vector<1x1x16xf32>,
        %parallel_loop3A_856 = arith.mulf %parallel_loop3A_839, %parallel_loop3A_699 : vector<16xf32>
        %parallel_loop3A_857 = arith.constant 2 : i32
        %parallel_loop3A_858 = arith.index_cast %parallel_loop3A_857 : i32 to index
        %parallel_loop3A_859 = arith.index_cast %parallel_loop3A_655 : i32 to index
        %parallel_loop3A_860 = arith.constant 32 : index
        %parallel_loop3A_861 = tpu.vector_load %arg8[%parallel_loop3A_858, %parallel_loop3A_859, %parallel_loop3A_860] {strides = array<i32>} : memref<4x40x128xf32, #tpu.memory_space<vmem>>, vector<1x1x16xf32>,
        %parallel_loop3A_862 = vector.shape_cast %parallel_loop3A_861 : vector<1x1x16xf32> to vector<16xf32>
        %parallel_loop3A_863 = vector.shape_cast %parallel_loop3A_856 : vector<16xf32> to vector<1x1x16xf32>
        tpu.vector_store %arg8[%parallel_loop3A_858, %parallel_loop3A_859, %parallel_loop3A_860], %parallel_loop3A_863 {strides = array<i32>} : memref<4x40x128xf32, #tpu.memory_space<vmem>>, vector<1x1x16xf32>,
        %parallel_loop3A_864 = arith.mulf %parallel_loop3A_839, %parallel_loop3A_713 : vector<16xf32>
        %parallel_loop3A_865 = arith.constant 2 : i32
        %parallel_loop3A_866 = arith.index_cast %parallel_loop3A_865 : i32 to index
        %parallel_loop3A_867 = arith.index_cast %parallel_loop3A_655 : i32 to index
        %parallel_loop3A_868 = arith.constant 48 : index
        %parallel_loop3A_869 = tpu.vector_load %arg8[%parallel_loop3A_866, %parallel_loop3A_867, %parallel_loop3A_868] {strides = array<i32>} : memref<4x40x128xf32, #tpu.memory_space<vmem>>, vector<1x1x16xf32>,
        %parallel_loop3A_870 = vector.shape_cast %parallel_loop3A_869 : vector<1x1x16xf32> to vector<16xf32>
        %parallel_loop3A_871 = vector.shape_cast %parallel_loop3A_864 : vector<16xf32> to vector<1x1x16xf32>
        tpu.vector_store %arg8[%parallel_loop3A_866, %parallel_loop3A_867, %parallel_loop3A_868], %parallel_loop3A_871 {strides = array<i32>} : memref<4x40x128xf32, #tpu.memory_space<vmem>>, vector<1x1x16xf32>,
        %parallel_loop3A_872 = arith.mulf %parallel_loop3A_839, %parallel_loop3A_727 : vector<16xf32>
        %parallel_loop3A_873 = arith.constant 2 : i32
        %parallel_loop3A_874 = arith.index_cast %parallel_loop3A_873 : i32 to index
        %parallel_loop3A_875 = arith.index_cast %parallel_loop3A_655 : i32 to index
        %parallel_loop3A_876 = arith.constant 64 : index
        %parallel_loop3A_877 = tpu.vector_load %arg8[%parallel_loop3A_874, %parallel_loop3A_875, %parallel_loop3A_876] {strides = array<i32>} : memref<4x40x128xf32, #tpu.memory_space<vmem>>, vector<1x1x16xf32>,
        %parallel_loop3A_878 = vector.shape_cast %parallel_loop3A_877 : vector<1x1x16xf32> to vector<16xf32>
        %parallel_loop3A_879 = vector.shape_cast %parallel_loop3A_872 : vector<16xf32> to vector<1x1x16xf32>
        tpu.vector_store %arg8[%parallel_loop3A_874, %parallel_loop3A_875, %parallel_loop3A_876], %parallel_loop3A_879 {strides = array<i32>} : memref<4x40x128xf32, #tpu.memory_space<vmem>>, vector<1x1x16xf32>,
        %parallel_loop3A_880 = arith.mulf %parallel_loop3A_839, %parallel_loop3A_741 : vector<16xf32>
        %parallel_loop3A_881 = arith.constant 2 : i32
        %parallel_loop3A_882 = arith.index_cast %parallel_loop3A_881 : i32 to index
        %parallel_loop3A_883 = arith.index_cast %parallel_loop3A_655 : i32 to index
        %parallel_loop3A_884 = arith.constant 80 : index
        %parallel_loop3A_885 = tpu.vector_load %arg8[%parallel_loop3A_882, %parallel_loop3A_883, %parallel_loop3A_884] {strides = array<i32>} : memref<4x40x128xf32, #tpu.memory_space<vmem>>, vector<1x1x16xf32>,
        %parallel_loop3A_886 = vector.shape_cast %parallel_loop3A_885 : vector<1x1x16xf32> to vector<16xf32>
        %parallel_loop3A_887 = vector.shape_cast %parallel_loop3A_880 : vector<16xf32> to vector<1x1x16xf32>
        tpu.vector_store %arg8[%parallel_loop3A_882, %parallel_loop3A_883, %parallel_loop3A_884], %parallel_loop3A_887 {strides = array<i32>} : memref<4x40x128xf32, #tpu.memory_space<vmem>>, vector<1x1x16xf32>,
        %parallel_loop3A_888 = arith.mulf %parallel_loop3A_839, %parallel_loop3A_755 : vector<16xf32>
        %parallel_loop3A_889 = arith.constant 2 : i32
        %parallel_loop3A_890 = arith.index_cast %parallel_loop3A_889 : i32 to index
        %parallel_loop3A_891 = arith.index_cast %parallel_loop3A_655 : i32 to index
        %parallel_loop3A_892 = arith.constant 96 : index
        %parallel_loop3A_893 = tpu.vector_load %arg8[%parallel_loop3A_890, %parallel_loop3A_891, %parallel_loop3A_892] {strides = array<i32>} : memref<4x40x128xf32, #tpu.memory_space<vmem>>, vector<1x1x16xf32>,
        %parallel_loop3A_894 = vector.shape_cast %parallel_loop3A_893 : vector<1x1x16xf32> to vector<16xf32>
        %parallel_loop3A_895 = vector.shape_cast %parallel_loop3A_888 : vector<16xf32> to vector<1x1x16xf32>
        tpu.vector_store %arg8[%parallel_loop3A_890, %parallel_loop3A_891, %parallel_loop3A_892], %parallel_loop3A_895 {strides = array<i32>} : memref<4x40x128xf32, #tpu.memory_space<vmem>>, vector<1x1x16xf32>,
        %parallel_loop3A_896 = arith.mulf %parallel_loop3A_839, %parallel_loop3A_769 : vector<16xf32>
        %parallel_loop3A_897 = arith.constant 2 : i32
        %parallel_loop3A_898 = arith.index_cast %parallel_loop3A_897 : i32 to index
        %parallel_loop3A_899 = arith.index_cast %parallel_loop3A_655 : i32 to index
        %parallel_loop3A_900 = arith.constant 112 : index
        %parallel_loop3A_901 = tpu.vector_load %arg8[%parallel_loop3A_898, %parallel_loop3A_899, %parallel_loop3A_900] {strides = array<i32>} : memref<4x40x128xf32, #tpu.memory_space<vmem>>, vector<1x1x16xf32>,
        %parallel_loop3A_902 = vector.shape_cast %parallel_loop3A_901 : vector<1x1x16xf32> to vector<16xf32>
        %parallel_loop3A_903 = vector.shape_cast %parallel_loop3A_896 : vector<16xf32> to vector<1x1x16xf32>
        tpu.vector_store %arg8[%parallel_loop3A_898, %parallel_loop3A_899, %parallel_loop3A_900], %parallel_loop3A_903 {strides = array<i32>} : memref<4x40x128xf32, #tpu.memory_space<vmem>>, vector<1x1x16xf32>,
      } {sc.loop_unroll_factor = 2 : i64, sc.parallel_access}
      %dma_start3A_563 = arith.constant 2 : i32
      %dma_start3A_564 = arith.constant 2 : i32
      %dma_start3A_565 = arith.constant 2 : i32
      %dma_start3A_566 = arith.constant 0 : i32
      %dma_start3A_567 = arith.constant 0 : i32
      %dma_start3A_568 = tpu.memref_slice %arg8[%dma_start3A_563, %dma_start3A_566, %dma_start3A_567] : memref<4x40x128xf32, #tpu.memory_space<vmem>> -> memref<1x40x128xf32, #tpu.memory_space<vmem>>
      %dma_start3A_569 = tpu.memref_squeeze %dma_start3A_568 : memref<1x40x128xf32, #tpu.memory_space<vmem>> -> memref<40x128xf32, #tpu.memory_space<vmem>>
      %dma_start3A_570 = arith.constant 0 : i32
      %dma_start3A_571 = tpu.memref_slice %arg6[%dma_start3A_564, %dma_start3A_570] : memref<4x40xi32, #tpu.memory_space<vmem>> -> memref<1x40xi32, #tpu.memory_space<vmem>>
      %dma_start3A_572 = tpu.memref_squeeze %dma_start3A_571 : memref<1x40xi32, #tpu.memory_space<vmem>> -> memref<40xi32, #tpu.memory_space<vmem>>
      %dma_start3A_573 = arith.constant 0 : i32
      %dma_start3A_574 = arith.constant 0 : i32
      %dma_start3A_575 = tpu.memref_slice %arg9[%dma_start3A_573, %dma_start3A_574] : memref<10000x128xf32, #tpu.memory_space<vmem_shared>> -> memref<10000x128xf32, #tpu.memory_space<vmem_shared>>
      %dma_start3A_576 = tpu.memref_slice %arg12[%dma_start3A_565] : memref<4x!tpu.dma_semaphore, #tpu.memory_space<semaphore_mem>> -> memref<1x!tpu.dma_semaphore, #tpu.memory_space<semaphore_mem>>
      %dma_start3A_577 = tpu.memref_squeeze %dma_start3A_576 : memref<1x!tpu.dma_semaphore, #tpu.memory_space<semaphore_mem>> -> memref<!tpu.dma_semaphore, #tpu.memory_space<semaphore_mem>>
      tpu.enqueue_indirect_dma source(%dma_start3A_569 : memref<40x128xf32, #tpu.memory_space<vmem>>) target(%dma_start3A_575 : memref<10000x128xf32, #tpu.memory_space<vmem_shared>>) offsets(%dma_start3A_572 : memref<40xi32, #tpu.memory_space<vmem>>) semaphore(%dma_start3A_577 : memref<!tpu.dma_semaphore, #tpu.memory_space<semaphore_mem>>) {add = true}
      %mul3A_578 = arith.constant 4 : i32
      %mul3A_579 = arith.muli %scan3A_350, %mul3A_578 : i32
      %add3A_580 = arith.constant 3 : i32
      %add3A_581 = arith.addi %mul3A_579, %add3A_580 : i32
      %ge3A_582 = arith.constant 1 : i32
      %ge3A_583 = arith.cmpi sge, %add3A_581, %ge3A_582 : i32
      %convert_element_type3A_584 = arith.extui %ge3A_583 : i1 to i32
      %cond3A_585 = arith.constant 0 : i32
      %cond3A_586 = arith.cmpi ne, %convert_element_type3A_584, %cond3A_585 : i32
      scf.if %cond3A_586 {
        %dma_wait3A_655 = arith.constant 2 : i32
        %dma_wait3A_656 = arith.constant 2 : i32
        %dma_wait3A_657 = arith.constant 2 : i32
        %dma_wait3A_658 = arith.constant 0 : i32
        %dma_wait3A_659 = arith.constant 0 : i32
        %dma_wait3A_660 = tpu.memref_slice %arg8[%dma_wait3A_655, %dma_wait3A_658, %dma_wait3A_659] : memref<4x40x128xf32, #tpu.memory_space<vmem>> -> memref<1x40x128xf32, #tpu.memory_space<vmem>>
        %dma_wait3A_661 = tpu.memref_squeeze %dma_wait3A_660 : memref<1x40x128xf32, #tpu.memory_space<vmem>> -> memref<40x128xf32, #tpu.memory_space<vmem>>
        %dma_wait3A_662 = arith.constant 0 : i32
        %dma_wait3A_663 = tpu.memref_slice %arg6[%dma_wait3A_656, %dma_wait3A_662] : memref<4x40xi32, #tpu.memory_space<vmem>> -> memref<1x40xi32, #tpu.memory_space<vmem>>
        %dma_wait3A_664 = tpu.memref_squeeze %dma_wait3A_663 : memref<1x40xi32, #tpu.memory_space<vmem>> -> memref<40xi32, #tpu.memory_space<vmem>>
        %dma_wait3A_665 = arith.constant 0 : i32
        %dma_wait3A_666 = arith.constant 0 : i32
        %dma_wait3A_667 = tpu.memref_slice %arg9[%dma_wait3A_665, %dma_wait3A_666] : memref<10000x128xf32, #tpu.memory_space<vmem_shared>> -> memref<10000x128xf32, #tpu.memory_space<vmem_shared>>
        %dma_wait3A_668 = tpu.memref_slice %arg12[%dma_wait3A_657] : memref<4x!tpu.dma_semaphore, #tpu.memory_space<semaphore_mem>> -> memref<1x!tpu.dma_semaphore, #tpu.memory_space<semaphore_mem>>
        %dma_wait3A_669 = tpu.memref_squeeze %dma_wait3A_668 : memref<1x!tpu.dma_semaphore, #tpu.memory_space<semaphore_mem>> -> memref<!tpu.dma_semaphore, #tpu.memory_space<semaphore_mem>>
        tpu.wait_indirect_dma semaphore(%dma_wait3A_669 : memref<!tpu.dma_semaphore, #tpu.memory_space<semaphore_mem>>) src(%dma_wait3A_661 : memref<40x128xf32, #tpu.memory_space<vmem>>) dst(%dma_wait3A_667 : memref<10000x128xf32, #tpu.memory_space<vmem_shared>>)
      } else {
      }
      %add3A_587 = arith.constant 3 : i32
      %add3A_588 = arith.addi %add3A_581, %add3A_587 : i32
      %lt3A_589 = arith.constant 250 : i32
      %lt3A_590 = arith.cmpi slt, %add3A_588, %lt3A_589 : i32
      %convert_element_type3A_591 = arith.extui %lt3A_590 : i1 to i32
      %cond3A_592 = arith.constant 0 : i32
      %cond3A_593 = arith.cmpi ne, %convert_element_type3A_591, %cond3A_592 : i32
      scf.if %cond3A_593 {
        %add3A_655 = arith.constant 3 : i32
        %add3A_656 = arith.addi %add3A_581, %add3A_655 : i32
        %dma_start3A_657 = arith.constant 2 : i32
        %dma_start3A_658 = arith.constant 2 : i32
        %dma_start3A_659 = arith.constant 0 : i32
        %dma_start3A_660 = tpu.memref_slice %arg6[%dma_start3A_657, %dma_start3A_659] : memref<4x40xi32, #tpu.memory_space<vmem>> -> memref<1x40xi32, #tpu.memory_space<vmem>>
        %dma_start3A_661 = tpu.memref_squeeze %dma_start3A_660 : memref<1x40xi32, #tpu.memory_space<vmem>> -> memref<40xi32, #tpu.memory_space<vmem>>
        %dma_start3A_662 = arith.constant 0 : i32
        %dma_start3A_663 = tpu.memref_slice %arg3[%add3A, %add3A_656, %dma_start3A_662] : memref<32x250x40xi32, #tpu.memory_space<hbm>> -> memref<1x1x40xi32, #tpu.memory_space<hbm>>
        %dma_start3A_664 = tpu.memref_squeeze %dma_start3A_663 : memref<1x1x40xi32, #tpu.memory_space<hbm>> -> memref<40xi32, #tpu.memory_space<hbm>>
        %dma_start3A_665 = tpu.memref_slice %arg10[%dma_start3A_658] : memref<4x!tpu.dma_semaphore, #tpu.memory_space<semaphore_mem>> -> memref<1x!tpu.dma_semaphore, #tpu.memory_space<semaphore_mem>>
        %dma_start3A_666 = tpu.memref_squeeze %dma_start3A_665 : memref<1x!tpu.dma_semaphore, #tpu.memory_space<semaphore_mem>> -> memref<!tpu.dma_semaphore, #tpu.memory_space<semaphore_mem>>
        %dma_start3A_667 = arith.constant 0 : i32
        %dma_start3A_668 = tpu.memref_slice %arg6[%dma_start3A_657, %dma_start3A_667] : memref<4x40xi32, #tpu.memory_space<vmem>> -> memref<1x40xi32, #tpu.memory_space<vmem>>
        %dma_start3A_669 = tpu.memref_squeeze %dma_start3A_668 : memref<1x40xi32, #tpu.memory_space<vmem>> -> memref<40xi32, #tpu.memory_space<vmem>>
        %dma_start3A_670 = arith.constant 0 : i32
        %dma_start3A_671 = tpu.memref_slice %arg3[%add3A, %add3A_656, %dma_start3A_670] : memref<32x250x40xi32, #tpu.memory_space<hbm>> -> memref<1x1x40xi32, #tpu.memory_space<hbm>>
        %dma_start3A_672 = tpu.memref_squeeze %dma_start3A_671 : memref<1x1x40xi32, #tpu.memory_space<hbm>> -> memref<40xi32, #tpu.memory_space<hbm>>
        tpu.enqueue_dma source(%dma_start3A_672 : memref<40xi32, #tpu.memory_space<hbm>>) target(%dma_start3A_669 : memref<40xi32, #tpu.memory_space<vmem>>) target_semaphore(%dma_start3A_666 : memref<!tpu.dma_semaphore, #tpu.memory_space<semaphore_mem>>)
      } else {
      }
      %add3A_594 = arith.constant 2 : i32
      %add3A_595 = arith.addi %add3A_581, %add3A_594 : i32
      %lt3A_596 = arith.constant 250 : i32
      %lt3A_597 = arith.cmpi slt, %add3A_595, %lt3A_596 : i32
      %convert_element_type3A_598 = arith.extui %lt3A_597 : i1 to i32
      %cond3A_599 = arith.constant 0 : i32
      %cond3A_600 = arith.cmpi ne, %convert_element_type3A_598, %cond3A_599 : i32
      scf.if %cond3A_600 {
        %dma_wait3A_655 = arith.constant 0 : i32
        %dma_wait3A_656 = arith.constant 1 : i32
        %dma_wait3A_657 = arith.constant 1 : i32
        %dma_wait3A_658 = arith.constant 0 : i32
        %dma_wait3A_659 = tpu.memref_slice %arg6[%dma_wait3A_656, %dma_wait3A_658] : memref<4x40xi32, #tpu.memory_space<vmem>> -> memref<1x40xi32, #tpu.memory_space<vmem>>
        %dma_wait3A_660 = tpu.memref_squeeze %dma_wait3A_659 : memref<1x40xi32, #tpu.memory_space<vmem>> -> memref<40xi32, #tpu.memory_space<vmem>>
        %dma_wait3A_661 = arith.constant 0 : i32
        %dma_wait3A_662 = tpu.memref_slice %arg3[%add3A, %dma_wait3A_655, %dma_wait3A_661] : memref<32x250x40xi32, #tpu.memory_space<hbm>> -> memref<1x1x40xi32, #tpu.memory_space<hbm>>
        %dma_wait3A_663 = tpu.memref_squeeze %dma_wait3A_662 : memref<1x1x40xi32, #tpu.memory_space<hbm>> -> memref<40xi32, #tpu.memory_space<hbm>>
        %dma_wait3A_664 = tpu.memref_slice %arg10[%dma_wait3A_657] : memref<4x!tpu.dma_semaphore, #tpu.memory_space<semaphore_mem>> -> memref<1x!tpu.dma_semaphore, #tpu.memory_space<semaphore_mem>>
        %dma_wait3A_665 = tpu.memref_squeeze %dma_wait3A_664 : memref<1x!tpu.dma_semaphore, #tpu.memory_space<semaphore_mem>> -> memref<!tpu.dma_semaphore, #tpu.memory_space<semaphore_mem>>
        %dma_wait3A_666 = arith.constant 0 : i32
        %dma_wait3A_667 = tpu.memref_slice %arg6[%dma_wait3A_656, %dma_wait3A_666] : memref<4x40xi32, #tpu.memory_space<vmem>> -> memref<1x40xi32, #tpu.memory_space<vmem>>
        %dma_wait3A_668 = tpu.memref_squeeze %dma_wait3A_667 : memref<1x40xi32, #tpu.memory_space<vmem>> -> memref<40xi32, #tpu.memory_space<vmem>>
        %dma_wait3A_669 = arith.constant 0 : i32
        %dma_wait3A_670 = tpu.memref_slice %arg3[%add3A, %dma_wait3A_655, %dma_wait3A_669] : memref<32x250x40xi32, #tpu.memory_space<hbm>> -> memref<1x1x40xi32, #tpu.memory_space<hbm>>
        %dma_wait3A_671 = tpu.memref_squeeze %dma_wait3A_670 : memref<1x1x40xi32, #tpu.memory_space<hbm>> -> memref<40xi32, #tpu.memory_space<hbm>>
        tpu.wait_dma2 semaphore(%dma_wait3A_665 : memref<!tpu.dma_semaphore, #tpu.memory_space<semaphore_mem>>) src(%dma_wait3A_671 : memref<40xi32, #tpu.memory_space<hbm>>) dst(%dma_wait3A_668 : memref<40xi32, #tpu.memory_space<vmem>>)
        %add3A_672 = arith.constant 2 : i32
        %add3A_673 = arith.addi %add3A_581, %add3A_672 : i32
        %dma_start3A_674 = arith.constant 1 : i32
        %dma_start3A_675 = arith.constant 1 : i32
        %dma_start3A_676 = arith.constant 1 : i32
        %dma_start3A_677 = arith.constant 0 : i32
        %dma_start3A_678 = arith.constant 0 : i32
        %dma_start3A_679 = tpu.memref_slice %arg7[%dma_start3A_675, %dma_start3A_677, %dma_start3A_678] : memref<4x40x128xf32, #tpu.memory_space<vmem>> -> memref<1x40x128xf32, #tpu.memory_space<vmem>>
        %dma_start3A_680 = tpu.memref_squeeze %dma_start3A_679 : memref<1x40x128xf32, #tpu.memory_space<vmem>> -> memref<40x128xf32, #tpu.memory_space<vmem>>
        %dma_start3A_681 = arith.constant 0 : i32
        %dma_start3A_682 = tpu.memref_slice %arg6[%dma_start3A_674, %dma_start3A_681] : memref<4x40xi32, #tpu.memory_space<vmem>> -> memref<1x40xi32, #tpu.memory_space<vmem>>
        %dma_start3A_683 = tpu.memref_squeeze %dma_start3A_682 : memref<1x40xi32, #tpu.memory_space<vmem>> -> memref<40xi32, #tpu.memory_space<vmem>>
        %dma_start3A_684 = arith.constant 0 : i32
        %dma_start3A_685 = arith.constant 0 : i32
        %dma_start3A_686 = tpu.memref_slice %arg2[%dma_start3A_684, %dma_start3A_685] : memref<10000x128xf32, #tpu.memory_space<hbm>> -> memref<10000x128xf32, #tpu.memory_space<hbm>>
        %dma_start3A_687 = tpu.memref_slice %arg11[%dma_start3A_676] : memref<4x!tpu.dma_semaphore, #tpu.memory_space<semaphore_mem>> -> memref<1x!tpu.dma_semaphore, #tpu.memory_space<semaphore_mem>>
        %dma_start3A_688 = tpu.memref_squeeze %dma_start3A_687 : memref<1x!tpu.dma_semaphore, #tpu.memory_space<semaphore_mem>> -> memref<!tpu.dma_semaphore, #tpu.memory_space<semaphore_mem>>
        tpu.enqueue_indirect_dma source(%dma_start3A_686 : memref<10000x128xf32, #tpu.memory_space<hbm>>) target(%dma_start3A_680 : memref<40x128xf32, #tpu.memory_space<vmem>>) offsets(%dma_start3A_683 : memref<40xi32, #tpu.memory_space<vmem>>) semaphore(%dma_start3A_688 : memref<!tpu.dma_semaphore, #tpu.memory_space<semaphore_mem>>)
        %mul3A_689 = arith.constant 40 : i32
        %mul3A_690 = arith.muli %add3A_673, %mul3A_689 : i32
        %add3A_691 = arith.addi %mul3A_2, %mul3A_690 : i32
        %dma_start3A_692 = arith.constant 1 : i32
        %dma_start3A_693 = arith.constant 1 : i32
        %dma_start3A_694 = arith.constant 0 : i32
        %dma_start3A_695 = arith.constant 0 : i32
        %dma_start3A_696 = tpu.memref_slice %arg8[%dma_start3A_692, %dma_start3A_694, %dma_start3A_695] : memref<4x40x128xf32, #tpu.memory_space<vmem>> -> memref<1x40x128xf32, #tpu.memory_space<vmem>>
        %dma_start3A_697 = tpu.memref_squeeze %dma_start3A_696 : memref<1x40x128xf32, #tpu.memory_space<vmem>> -> memref<40x128xf32, #tpu.memory_space<vmem>>
        %dma_start3A_698 = arith.constant 0 : i32
        %dma_start3A_699 = tpu.memref_slice %arg4[%add3A_691, %dma_start3A_698] : memref<320000x128xf32, #tpu.memory_space<hbm>> -> memref<40x128xf32, #tpu.memory_space<hbm>>
        %dma_start3A_700 = tpu.memref_slice %arg11[%dma_start3A_693] : memref<4x!tpu.dma_semaphore, #tpu.memory_space<semaphore_mem>> -> memref<1x!tpu.dma_semaphore, #tpu.memory_space<semaphore_mem>>
        %dma_start3A_701 = tpu.memref_squeeze %dma_start3A_700 : memref<1x!tpu.dma_semaphore, #tpu.memory_space<semaphore_mem>> -> memref<!tpu.dma_semaphore, #tpu.memory_space<semaphore_mem>>
        %dma_start3A_702 = arith.constant 0 : i32
        %dma_start3A_703 = arith.constant 0 : i32
        %dma_start3A_704 = tpu.memref_slice %arg8[%dma_start3A_692, %dma_start3A_702, %dma_start3A_703] : memref<4x40x128xf32, #tpu.memory_space<vmem>> -> memref<1x40x128xf32, #tpu.memory_space<vmem>>
        %dma_start3A_705 = tpu.memref_squeeze %dma_start3A_704 : memref<1x40x128xf32, #tpu.memory_space<vmem>> -> memref<40x128xf32, #tpu.memory_space<vmem>>
        %dma_start3A_706 = arith.constant 0 : i32
        %dma_start3A_707 = tpu.memref_slice %arg4[%add3A_691, %dma_start3A_706] : memref<320000x128xf32, #tpu.memory_space<hbm>> -> memref<40x128xf32, #tpu.memory_space<hbm>>
        tpu.enqueue_dma source(%dma_start3A_707 : memref<40x128xf32, #tpu.memory_space<hbm>>) target(%dma_start3A_705 : memref<40x128xf32, #tpu.memory_space<vmem>>) target_semaphore(%dma_start3A_701 : memref<!tpu.dma_semaphore, #tpu.memory_space<semaphore_mem>>)
      } else {
      }
      %dma_wait3A_601 = arith.constant 3 : i32
      %dma_wait3A_602 = arith.constant 3 : i32
      %dma_wait3A_603 = arith.constant 0 : i32
      %dma_wait3A_604 = arith.constant 0 : i32
      %dma_wait3A_605 = tpu.memref_slice %arg7[%dma_wait3A_601, %dma_wait3A_603, %dma_wait3A_604] : memref<4x40x128xf32, #tpu.memory_space<vmem>> -> memref<1x40x128xf32, #tpu.memory_space<vmem>>
      %dma_wait3A_606 = tpu.memref_squeeze %dma_wait3A_605 : memref<1x40x128xf32, #tpu.memory_space<vmem>> -> memref<40x128xf32, #tpu.memory_space<vmem>>
      %dma_wait3A_607 = arith.constant 0 : i32
      %dma_wait3A_608 = arith.constant 0 : i32
      %dma_wait3A_609 = tpu.memref_slice %arg2[%dma_wait3A_607, %dma_wait3A_608] : memref<10000x128xf32, #tpu.memory_space<hbm>> -> memref<40x128xf32, #tpu.memory_space<hbm>>
      %dma_wait3A_610 = tpu.memref_slice %arg11[%dma_wait3A_602] : memref<4x!tpu.dma_semaphore, #tpu.memory_space<semaphore_mem>> -> memref<1x!tpu.dma_semaphore, #tpu.memory_space<semaphore_mem>>
      %dma_wait3A_611 = tpu.memref_squeeze %dma_wait3A_610 : memref<1x!tpu.dma_semaphore, #tpu.memory_space<semaphore_mem>> -> memref<!tpu.dma_semaphore, #tpu.memory_space<semaphore_mem>>
      %dma_wait3A_612 = arith.constant 0 : i32
      %dma_wait3A_613 = arith.constant 0 : i32
      %dma_wait3A_614 = tpu.memref_slice %arg7[%dma_wait3A_601, %dma_wait3A_612, %dma_wait3A_613] : memref<4x40x128xf32, #tpu.memory_space<vmem>> -> memref<1x40x128xf32, #tpu.memory_space<vmem>>
      %dma_wait3A_615 = tpu.memref_squeeze %dma_wait3A_614 : memref<1x40x128xf32, #tpu.memory_space<vmem>> -> memref<40x128xf32, #tpu.memory_space<vmem>>
      %dma_wait3A_616 = arith.constant 0 : i32
      %dma_wait3A_617 = arith.constant 0 : i32
      %dma_wait3A_618 = tpu.memref_slice %arg2[%dma_wait3A_616, %dma_wait3A_617] : memref<10000x128xf32, #tpu.memory_space<hbm>> -> memref<40x128xf32, #tpu.memory_space<hbm>>
      tpu.wait_dma2 semaphore(%dma_wait3A_611 : memref<!tpu.dma_semaphore, #tpu.memory_space<semaphore_mem>>) src(%dma_wait3A_618 : memref<40x128xf32, #tpu.memory_space<hbm>>) dst(%dma_wait3A_615 : memref<40x128xf32, #tpu.memory_space<vmem>>)
      %dma_wait3A_619 = arith.constant 3 : i32
      %dma_wait3A_620 = arith.constant 3 : i32
      %dma_wait3A_621 = arith.constant 0 : i32
      %dma_wait3A_622 = arith.constant 0 : i32
      %dma_wait3A_623 = tpu.memref_slice %arg8[%dma_wait3A_619, %dma_wait3A_621, %dma_wait3A_622] : memref<4x40x128xf32, #tpu.memory_space<vmem>> -> memref<1x40x128xf32, #tpu.memory_space<vmem>>
      %dma_wait3A_624 = tpu.memref_squeeze %dma_wait3A_623 : memref<1x40x128xf32, #tpu.memory_space<vmem>> -> memref<40x128xf32, #tpu.memory_space<vmem>>
      %dma_wait3A_625 = arith.constant 0 : i32
      %dma_wait3A_626 = arith.constant 0 : i32
      %dma_wait3A_627 = tpu.memref_slice %arg4[%dma_wait3A_625, %dma_wait3A_626] : memref<320000x128xf32, #tpu.memory_space<hbm>> -> memref<40x128xf32, #tpu.memory_space<hbm>>
      %dma_wait3A_628 = tpu.memref_slice %arg11[%dma_wait3A_620] : memref<4x!tpu.dma_semaphore, #tpu.memory_space<semaphore_mem>> -> memref<1x!tpu.dma_semaphore, #tpu.memory_space<semaphore_mem>>
      %dma_wait3A_629 = tpu.memref_squeeze %dma_wait3A_628 : memref<1x!tpu.dma_semaphore, #tpu.memory_space<semaphore_mem>> -> memref<!tpu.dma_semaphore, #tpu.memory_space<semaphore_mem>>
      %dma_wait3A_630 = arith.constant 0 : i32
      %dma_wait3A_631 = arith.constant 0 : i32
      %dma_wait3A_632 = tpu.memref_slice %arg8[%dma_wait3A_619, %dma_wait3A_630, %dma_wait3A_631] : memref<4x40x128xf32, #tpu.memory_space<vmem>> -> memref<1x40x128xf32, #tpu.memory_space<vmem>>
      %dma_wait3A_633 = tpu.memref_squeeze %dma_wait3A_632 : memref<1x40x128xf32, #tpu.memory_space<vmem>> -> memref<40x128xf32, #tpu.memory_space<vmem>>
      %dma_wait3A_634 = arith.constant 0 : i32
      %dma_wait3A_635 = arith.constant 0 : i32
      %dma_wait3A_636 = tpu.memref_slice %arg4[%dma_wait3A_634, %dma_wait3A_635] : memref<320000x128xf32, #tpu.memory_space<hbm>> -> memref<40x128xf32, #tpu.memory_space<hbm>>
      tpu.wait_dma2 semaphore(%dma_wait3A_629 : memref<!tpu.dma_semaphore, #tpu.memory_space<semaphore_mem>>) src(%dma_wait3A_636 : memref<40x128xf32, #tpu.memory_space<hbm>>) dst(%dma_wait3A_633 : memref<40x128xf32, #tpu.memory_space<vmem>>)
      %parallel_loop3A_637 = arith.constant 0 : i32
      %parallel_loop3A_638 = arith.constant 40 : i32
      %parallel_loop3A_639 = arith.constant 1 : i32
      scf.for %parallel_loop3A_655 = %parallel_loop3A_637 to %parallel_loop3A_638 step %parallel_loop3A_639  : i32 {
        %parallel_loop3A_656 = arith.constant 0.000000e+00 : f32
        %parallel_loop3A_657 = vector.broadcast %parallel_loop3A_656 : f32 to vector<16xf32>
        %parallel_loop3A_658 = arith.constant 0.000000e+00 : f32
        %parallel_loop3A_659 = vector.broadcast %parallel_loop3A_658 : f32 to vector<16xf32>
        %parallel_loop3A_660 = arith.constant 3 : i32
        %parallel_loop3A_661 = arith.index_cast %parallel_loop3A_660 : i32 to index
        %parallel_loop3A_662 = arith.index_cast %parallel_loop3A_655 : i32 to index
        %parallel_loop3A_663 = arith.constant 0 : index
        %parallel_loop3A_664 = tpu.vector_load %arg7[%parallel_loop3A_661, %parallel_loop3A_662, %parallel_loop3A_663] {strides = array<i32>} : memref<4x40x128xf32, #tpu.memory_space<vmem>>, vector<1x1x16xf32>,
        %parallel_loop3A_665 = vector.shape_cast %parallel_loop3A_664 : vector<1x1x16xf32> to vector<16xf32>
        %parallel_loop3A_666 = arith.constant 3 : i32
        %parallel_loop3A_667 = arith.index_cast %parallel_loop3A_666 : i32 to index
        %parallel_loop3A_668 = arith.index_cast %parallel_loop3A_655 : i32 to index
        %parallel_loop3A_669 = arith.constant 0 : index
        %parallel_loop3A_670 = tpu.vector_load %arg8[%parallel_loop3A_667, %parallel_loop3A_668, %parallel_loop3A_669] {strides = array<i32>} : memref<4x40x128xf32, #tpu.memory_space<vmem>>, vector<1x1x16xf32>,
        %parallel_loop3A_671 = vector.shape_cast %parallel_loop3A_670 : vector<1x1x16xf32> to vector<16xf32>
        %parallel_loop3A_672 = arith.mulf %parallel_loop3A_665, %parallel_loop3A_671 : vector<16xf32>
        %parallel_loop3A_673 = arith.addf %parallel_loop3A_657, %parallel_loop3A_672 : vector<16xf32>
        %parallel_loop3A_674 = arith.constant 3 : i32
        %parallel_loop3A_675 = arith.index_cast %parallel_loop3A_674 : i32 to index
        %parallel_loop3A_676 = arith.index_cast %parallel_loop3A_655 : i32 to index
        %parallel_loop3A_677 = arith.constant 16 : index
        %parallel_loop3A_678 = tpu.vector_load %arg7[%parallel_loop3A_675, %parallel_loop3A_676, %parallel_loop3A_677] {strides = array<i32>} : memref<4x40x128xf32, #tpu.memory_space<vmem>>, vector<1x1x16xf32>,
        %parallel_loop3A_679 = vector.shape_cast %parallel_loop3A_678 : vector<1x1x16xf32> to vector<16xf32>
        %parallel_loop3A_680 = arith.constant 3 : i32
        %parallel_loop3A_681 = arith.index_cast %parallel_loop3A_680 : i32 to index
        %parallel_loop3A_682 = arith.index_cast %parallel_loop3A_655 : i32 to index
        %parallel_loop3A_683 = arith.constant 16 : index
        %parallel_loop3A_684 = tpu.vector_load %arg8[%parallel_loop3A_681, %parallel_loop3A_682, %parallel_loop3A_683] {strides = array<i32>} : memref<4x40x128xf32, #tpu.memory_space<vmem>>, vector<1x1x16xf32>,
        %parallel_loop3A_685 = vector.shape_cast %parallel_loop3A_684 : vector<1x1x16xf32> to vector<16xf32>
        %parallel_loop3A_686 = arith.mulf %parallel_loop3A_679, %parallel_loop3A_685 : vector<16xf32>
        %parallel_loop3A_687 = arith.addf %parallel_loop3A_659, %parallel_loop3A_686 : vector<16xf32>
        %parallel_loop3A_688 = arith.constant 3 : i32
        %parallel_loop3A_689 = arith.index_cast %parallel_loop3A_688 : i32 to index
        %parallel_loop3A_690 = arith.index_cast %parallel_loop3A_655 : i32 to index
        %parallel_loop3A_691 = arith.constant 32 : index
        %parallel_loop3A_692 = tpu.vector_load %arg7[%parallel_loop3A_689, %parallel_loop3A_690, %parallel_loop3A_691] {strides = array<i32>} : memref<4x40x128xf32, #tpu.memory_space<vmem>>, vector<1x1x16xf32>,
        %parallel_loop3A_693 = vector.shape_cast %parallel_loop3A_692 : vector<1x1x16xf32> to vector<16xf32>
        %parallel_loop3A_694 = arith.constant 3 : i32
        %parallel_loop3A_695 = arith.index_cast %parallel_loop3A_694 : i32 to index
        %parallel_loop3A_696 = arith.index_cast %parallel_loop3A_655 : i32 to index
        %parallel_loop3A_697 = arith.constant 32 : index
        %parallel_loop3A_698 = tpu.vector_load %arg8[%parallel_loop3A_695, %parallel_loop3A_696, %parallel_loop3A_697] {strides = array<i32>} : memref<4x40x128xf32, #tpu.memory_space<vmem>>, vector<1x1x16xf32>,
        %parallel_loop3A_699 = vector.shape_cast %parallel_loop3A_698 : vector<1x1x16xf32> to vector<16xf32>
        %parallel_loop3A_700 = arith.mulf %parallel_loop3A_693, %parallel_loop3A_699 : vector<16xf32>
        %parallel_loop3A_701 = arith.addf %parallel_loop3A_673, %parallel_loop3A_700 : vector<16xf32>
        %parallel_loop3A_702 = arith.constant 3 : i32
        %parallel_loop3A_703 = arith.index_cast %parallel_loop3A_702 : i32 to index
        %parallel_loop3A_704 = arith.index_cast %parallel_loop3A_655 : i32 to index
        %parallel_loop3A_705 = arith.constant 48 : index
        %parallel_loop3A_706 = tpu.vector_load %arg7[%parallel_loop3A_703, %parallel_loop3A_704, %parallel_loop3A_705] {strides = array<i32>} : memref<4x40x128xf32, #tpu.memory_space<vmem>>, vector<1x1x16xf32>,
        %parallel_loop3A_707 = vector.shape_cast %parallel_loop3A_706 : vector<1x1x16xf32> to vector<16xf32>
        %parallel_loop3A_708 = arith.constant 3 : i32
        %parallel_loop3A_709 = arith.index_cast %parallel_loop3A_708 : i32 to index
        %parallel_loop3A_710 = arith.index_cast %parallel_loop3A_655 : i32 to index
        %parallel_loop3A_711 = arith.constant 48 : index
        %parallel_loop3A_712 = tpu.vector_load %arg8[%parallel_loop3A_709, %parallel_loop3A_710, %parallel_loop3A_711] {strides = array<i32>} : memref<4x40x128xf32, #tpu.memory_space<vmem>>, vector<1x1x16xf32>,
        %parallel_loop3A_713 = vector.shape_cast %parallel_loop3A_712 : vector<1x1x16xf32> to vector<16xf32>
        %parallel_loop3A_714 = arith.mulf %parallel_loop3A_707, %parallel_loop3A_713 : vector<16xf32>
        %parallel_loop3A_715 = arith.addf %parallel_loop3A_687, %parallel_loop3A_714 : vector<16xf32>
        %parallel_loop3A_716 = arith.constant 3 : i32
        %parallel_loop3A_717 = arith.index_cast %parallel_loop3A_716 : i32 to index
        %parallel_loop3A_718 = arith.index_cast %parallel_loop3A_655 : i32 to index
        %parallel_loop3A_719 = arith.constant 64 : index
        %parallel_loop3A_720 = tpu.vector_load %arg7[%parallel_loop3A_717, %parallel_loop3A_718, %parallel_loop3A_719] {strides = array<i32>} : memref<4x40x128xf32, #tpu.memory_space<vmem>>, vector<1x1x16xf32>,
        %parallel_loop3A_721 = vector.shape_cast %parallel_loop3A_720 : vector<1x1x16xf32> to vector<16xf32>
        %parallel_loop3A_722 = arith.constant 3 : i32
        %parallel_loop3A_723 = arith.index_cast %parallel_loop3A_722 : i32 to index
        %parallel_loop3A_724 = arith.index_cast %parallel_loop3A_655 : i32 to index
        %parallel_loop3A_725 = arith.constant 64 : index
        %parallel_loop3A_726 = tpu.vector_load %arg8[%parallel_loop3A_723, %parallel_loop3A_724, %parallel_loop3A_725] {strides = array<i32>} : memref<4x40x128xf32, #tpu.memory_space<vmem>>, vector<1x1x16xf32>,
        %parallel_loop3A_727 = vector.shape_cast %parallel_loop3A_726 : vector<1x1x16xf32> to vector<16xf32>
        %parallel_loop3A_728 = arith.mulf %parallel_loop3A_721, %parallel_loop3A_727 : vector<16xf32>
        %parallel_loop3A_729 = arith.addf %parallel_loop3A_701, %parallel_loop3A_728 : vector<16xf32>
        %parallel_loop3A_730 = arith.constant 3 : i32
        %parallel_loop3A_731 = arith.index_cast %parallel_loop3A_730 : i32 to index
        %parallel_loop3A_732 = arith.index_cast %parallel_loop3A_655 : i32 to index
        %parallel_loop3A_733 = arith.constant 80 : index
        %parallel_loop3A_734 = tpu.vector_load %arg7[%parallel_loop3A_731, %parallel_loop3A_732, %parallel_loop3A_733] {strides = array<i32>} : memref<4x40x128xf32, #tpu.memory_space<vmem>>, vector<1x1x16xf32>,
        %parallel_loop3A_735 = vector.shape_cast %parallel_loop3A_734 : vector<1x1x16xf32> to vector<16xf32>
        %parallel_loop3A_736 = arith.constant 3 : i32
        %parallel_loop3A_737 = arith.index_cast %parallel_loop3A_736 : i32 to index
        %parallel_loop3A_738 = arith.index_cast %parallel_loop3A_655 : i32 to index
        %parallel_loop3A_739 = arith.constant 80 : index
        %parallel_loop3A_740 = tpu.vector_load %arg8[%parallel_loop3A_737, %parallel_loop3A_738, %parallel_loop3A_739] {strides = array<i32>} : memref<4x40x128xf32, #tpu.memory_space<vmem>>, vector<1x1x16xf32>,
        %parallel_loop3A_741 = vector.shape_cast %parallel_loop3A_740 : vector<1x1x16xf32> to vector<16xf32>
        %parallel_loop3A_742 = arith.mulf %parallel_loop3A_735, %parallel_loop3A_741 : vector<16xf32>
        %parallel_loop3A_743 = arith.addf %parallel_loop3A_715, %parallel_loop3A_742 : vector<16xf32>
        %parallel_loop3A_744 = arith.constant 3 : i32
        %parallel_loop3A_745 = arith.index_cast %parallel_loop3A_744 : i32 to index
        %parallel_loop3A_746 = arith.index_cast %parallel_loop3A_655 : i32 to index
        %parallel_loop3A_747 = arith.constant 96 : index
        %parallel_loop3A_748 = tpu.vector_load %arg7[%parallel_loop3A_745, %parallel_loop3A_746, %parallel_loop3A_747] {strides = array<i32>} : memref<4x40x128xf32, #tpu.memory_space<vmem>>, vector<1x1x16xf32>,
        %parallel_loop3A_749 = vector.shape_cast %parallel_loop3A_748 : vector<1x1x16xf32> to vector<16xf32>
        %parallel_loop3A_750 = arith.constant 3 : i32
        %parallel_loop3A_751 = arith.index_cast %parallel_loop3A_750 : i32 to index
        %parallel_loop3A_752 = arith.index_cast %parallel_loop3A_655 : i32 to index
        %parallel_loop3A_753 = arith.constant 96 : index
        %parallel_loop3A_754 = tpu.vector_load %arg8[%parallel_loop3A_751, %parallel_loop3A_752, %parallel_loop3A_753] {strides = array<i32>} : memref<4x40x128xf32, #tpu.memory_space<vmem>>, vector<1x1x16xf32>,
        %parallel_loop3A_755 = vector.shape_cast %parallel_loop3A_754 : vector<1x1x16xf32> to vector<16xf32>
        %parallel_loop3A_756 = arith.mulf %parallel_loop3A_749, %parallel_loop3A_755 : vector<16xf32>
        %parallel_loop3A_757 = arith.addf %parallel_loop3A_729, %parallel_loop3A_756 : vector<16xf32>
        %parallel_loop3A_758 = arith.constant 3 : i32
        %parallel_loop3A_759 = arith.index_cast %parallel_loop3A_758 : i32 to index
        %parallel_loop3A_760 = arith.index_cast %parallel_loop3A_655 : i32 to index
        %parallel_loop3A_761 = arith.constant 112 : index
        %parallel_loop3A_762 = tpu.vector_load %arg7[%parallel_loop3A_759, %parallel_loop3A_760, %parallel_loop3A_761] {strides = array<i32>} : memref<4x40x128xf32, #tpu.memory_space<vmem>>, vector<1x1x16xf32>,
        %parallel_loop3A_763 = vector.shape_cast %parallel_loop3A_762 : vector<1x1x16xf32> to vector<16xf32>
        %parallel_loop3A_764 = arith.constant 3 : i32
        %parallel_loop3A_765 = arith.index_cast %parallel_loop3A_764 : i32 to index
        %parallel_loop3A_766 = arith.index_cast %parallel_loop3A_655 : i32 to index
        %parallel_loop3A_767 = arith.constant 112 : index
        %parallel_loop3A_768 = tpu.vector_load %arg8[%parallel_loop3A_765, %parallel_loop3A_766, %parallel_loop3A_767] {strides = array<i32>} : memref<4x40x128xf32, #tpu.memory_space<vmem>>, vector<1x1x16xf32>,
        %parallel_loop3A_769 = vector.shape_cast %parallel_loop3A_768 : vector<1x1x16xf32> to vector<16xf32>
        %parallel_loop3A_770 = arith.mulf %parallel_loop3A_763, %parallel_loop3A_769 : vector<16xf32>
        %parallel_loop3A_771 = arith.addf %parallel_loop3A_743, %parallel_loop3A_770 : vector<16xf32>
        %parallel_loop3A_772 = arith.addf %parallel_loop3A_757, %parallel_loop3A_771 : vector<16xf32>
        %parallel_loop3A_773 = tpu.iota {dimensions = array<i32: 0>} : vector<16xi32>
        %parallel_loop3A_774 = arith.constant 8 : i32
        %parallel_loop3A_775 = vector.broadcast %parallel_loop3A_774 : i32 to vector<16xi32>
        %parallel_loop3A_776 = arith.xori %parallel_loop3A_773, %parallel_loop3A_775 : vector<16xi32>
        %parallel_loop3A_777 = arith.constant 0 : i32
        %parallel_loop3A_778 = vector.broadcast %parallel_loop3A_777 : i32 to vector<16xi32>
        %parallel_loop3A_779 = arith.cmpi slt, %parallel_loop3A_776, %parallel_loop3A_778 : vector<16xi32>
        %parallel_loop3A_780 = arith.constant 16 : i32
        %parallel_loop3A_781 = vector.broadcast %parallel_loop3A_780 : i32 to vector<16xi32>
        %parallel_loop3A_782 = arith.addi %parallel_loop3A_776, %parallel_loop3A_781 : vector<16xi32>
        %parallel_loop3A_783 = arith.select %parallel_loop3A_779, %parallel_loop3A_782, %parallel_loop3A_776 : vector<16xi1>, vector<16xi32>
        %parallel_loop3A_784 = vector.shape_cast %parallel_loop3A_783 : vector<16xi32> to vector<16x1xi32>
        %parallel_loop3A_785 = vector.shape_cast %parallel_loop3A_784 : vector<16x1xi32> to vector<16xi32>
        %parallel_loop3A_786 = tpu.dynamic_gather %parallel_loop3A_772[%parallel_loop3A_785] in [0] : vector<16xf32>, vector<16xi32> -> vector<16xf32>
        %parallel_loop3A_787 = arith.addf %parallel_loop3A_772, %parallel_loop3A_786 : vector<16xf32>
        %parallel_loop3A_788 = arith.constant 4 : i32
        %parallel_loop3A_789 = vector.broadcast %parallel_loop3A_788 : i32 to vector<16xi32>
        %parallel_loop3A_790 = arith.xori %parallel_loop3A_773, %parallel_loop3A_789 : vector<16xi32>
        %parallel_loop3A_791 = arith.constant 0 : i32
        %parallel_loop3A_792 = vector.broadcast %parallel_loop3A_791 : i32 to vector<16xi32>
        %parallel_loop3A_793 = arith.cmpi slt, %parallel_loop3A_790, %parallel_loop3A_792 : vector<16xi32>
        %parallel_loop3A_794 = arith.constant 16 : i32
        %parallel_loop3A_795 = vector.broadcast %parallel_loop3A_794 : i32 to vector<16xi32>
        %parallel_loop3A_796 = arith.addi %parallel_loop3A_790, %parallel_loop3A_795 : vector<16xi32>
        %parallel_loop3A_797 = arith.select %parallel_loop3A_793, %parallel_loop3A_796, %parallel_loop3A_790 : vector<16xi1>, vector<16xi32>
        %parallel_loop3A_798 = vector.shape_cast %parallel_loop3A_797 : vector<16xi32> to vector<16x1xi32>
        %parallel_loop3A_799 = vector.shape_cast %parallel_loop3A_798 : vector<16x1xi32> to vector<16xi32>
        %parallel_loop3A_800 = tpu.dynamic_gather %parallel_loop3A_787[%parallel_loop3A_799] in [0] : vector<16xf32>, vector<16xi32> -> vector<16xf32>
        %parallel_loop3A_801 = arith.addf %parallel_loop3A_787, %parallel_loop3A_800 : vector<16xf32>
        %parallel_loop3A_802 = arith.constant 2 : i32
        %parallel_loop3A_803 = vector.broadcast %parallel_loop3A_802 : i32 to vector<16xi32>
        %parallel_loop3A_804 = arith.xori %parallel_loop3A_773, %parallel_loop3A_803 : vector<16xi32>
        %parallel_loop3A_805 = arith.constant 0 : i32
        %parallel_loop3A_806 = vector.broadcast %parallel_loop3A_805 : i32 to vector<16xi32>
        %parallel_loop3A_807 = arith.cmpi slt, %parallel_loop3A_804, %parallel_loop3A_806 : vector<16xi32>
        %parallel_loop3A_808 = arith.constant 16 : i32
        %parallel_loop3A_809 = vector.broadcast %parallel_loop3A_808 : i32 to vector<16xi32>
        %parallel_loop3A_810 = arith.addi %parallel_loop3A_804, %parallel_loop3A_809 : vector<16xi32>
        %parallel_loop3A_811 = arith.select %parallel_loop3A_807, %parallel_loop3A_810, %parallel_loop3A_804 : vector<16xi1>, vector<16xi32>
        %parallel_loop3A_812 = vector.shape_cast %parallel_loop3A_811 : vector<16xi32> to vector<16x1xi32>
        %parallel_loop3A_813 = vector.shape_cast %parallel_loop3A_812 : vector<16x1xi32> to vector<16xi32>
        %parallel_loop3A_814 = tpu.dynamic_gather %parallel_loop3A_801[%parallel_loop3A_813] in [0] : vector<16xf32>, vector<16xi32> -> vector<16xf32>
        %parallel_loop3A_815 = arith.addf %parallel_loop3A_801, %parallel_loop3A_814 : vector<16xf32>
        %parallel_loop3A_816 = arith.constant 1 : i32
        %parallel_loop3A_817 = vector.broadcast %parallel_loop3A_816 : i32 to vector<16xi32>
        %parallel_loop3A_818 = arith.xori %parallel_loop3A_773, %parallel_loop3A_817 : vector<16xi32>
        %parallel_loop3A_819 = arith.constant 0 : i32
        %parallel_loop3A_820 = vector.broadcast %parallel_loop3A_819 : i32 to vector<16xi32>
        %parallel_loop3A_821 = arith.cmpi slt, %parallel_loop3A_818, %parallel_loop3A_820 : vector<16xi32>
        %parallel_loop3A_822 = arith.constant 16 : i32
        %parallel_loop3A_823 = vector.broadcast %parallel_loop3A_822 : i32 to vector<16xi32>
        %parallel_loop3A_824 = arith.addi %parallel_loop3A_818, %parallel_loop3A_823 : vector<16xi32>
        %parallel_loop3A_825 = arith.select %parallel_loop3A_821, %parallel_loop3A_824, %parallel_loop3A_818 : vector<16xi1>, vector<16xi32>
        %parallel_loop3A_826 = vector.shape_cast %parallel_loop3A_825 : vector<16xi32> to vector<16x1xi32>
        %parallel_loop3A_827 = vector.shape_cast %parallel_loop3A_826 : vector<16x1xi32> to vector<16xi32>
        %parallel_loop3A_828 = tpu.dynamic_gather %parallel_loop3A_815[%parallel_loop3A_827] in [0] : vector<16xf32>, vector<16xi32> -> vector<16xf32>
        %parallel_loop3A_829 = arith.addf %parallel_loop3A_815, %parallel_loop3A_828 : vector<16xf32>
        %parallel_loop3A_830 = arith.constant 0.000000e+00 : f32
        %parallel_loop3A_831 = vector.broadcast %parallel_loop3A_830 : f32 to vector<16xf32>
        %parallel_loop3A_832 = arith.subf %parallel_loop3A_831, %parallel_loop3A_829 : vector<16xf32>
        %parallel_loop3A_833 = math.exp %parallel_loop3A_832 : vector<16xf32>
        %parallel_loop3A_834 = arith.constant 1.000000e+00 : f32
        %parallel_loop3A_835 = vector.broadcast %parallel_loop3A_834 : f32 to vector<16xf32>
        %parallel_loop3A_836 = arith.addf %parallel_loop3A_835, %parallel_loop3A_833 : vector<16xf32>
        %parallel_loop3A_837 = arith.constant 1.000000e+00 : f32
        %parallel_loop3A_838 = vector.broadcast %parallel_loop3A_837 : f32 to vector<16xf32>
        %parallel_loop3A_839 = arith.divf %parallel_loop3A_838, %parallel_loop3A_836 : vector<16xf32>
        %parallel_loop3A_840 = arith.mulf %parallel_loop3A_839, %parallel_loop3A_671 : vector<16xf32>
        %parallel_loop3A_841 = arith.constant 3 : i32
        %parallel_loop3A_842 = arith.index_cast %parallel_loop3A_841 : i32 to index
        %parallel_loop3A_843 = arith.index_cast %parallel_loop3A_655 : i32 to index
        %parallel_loop3A_844 = arith.constant 0 : index
        %parallel_loop3A_845 = tpu.vector_load %arg8[%parallel_loop3A_842, %parallel_loop3A_843, %parallel_loop3A_844] {strides = array<i32>} : memref<4x40x128xf32, #tpu.memory_space<vmem>>, vector<1x1x16xf32>,
        %parallel_loop3A_846 = vector.shape_cast %parallel_loop3A_845 : vector<1x1x16xf32> to vector<16xf32>
        %parallel_loop3A_847 = vector.shape_cast %parallel_loop3A_840 : vector<16xf32> to vector<1x1x16xf32>
        tpu.vector_store %arg8[%parallel_loop3A_842, %parallel_loop3A_843, %parallel_loop3A_844], %parallel_loop3A_847 {strides = array<i32>} : memref<4x40x128xf32, #tpu.memory_space<vmem>>, vector<1x1x16xf32>,
        %parallel_loop3A_848 = arith.mulf %parallel_loop3A_839, %parallel_loop3A_685 : vector<16xf32>
        %parallel_loop3A_849 = arith.constant 3 : i32
        %parallel_loop3A_850 = arith.index_cast %parallel_loop3A_849 : i32 to index
        %parallel_loop3A_851 = arith.index_cast %parallel_loop3A_655 : i32 to index
        %parallel_loop3A_852 = arith.constant 16 : index
        %parallel_loop3A_853 = tpu.vector_load %arg8[%parallel_loop3A_850, %parallel_loop3A_851, %parallel_loop3A_852] {strides = array<i32>} : memref<4x40x128xf32, #tpu.memory_space<vmem>>, vector<1x1x16xf32>,
        %parallel_loop3A_854 = vector.shape_cast %parallel_loop3A_853 : vector<1x1x16xf32> to vector<16xf32>
        %parallel_loop3A_855 = vector.shape_cast %parallel_loop3A_848 : vector<16xf32> to vector<1x1x16xf32>
        tpu.vector_store %arg8[%parallel_loop3A_850, %parallel_loop3A_851, %parallel_loop3A_852], %parallel_loop3A_855 {strides = array<i32>} : memref<4x40x128xf32, #tpu.memory_space<vmem>>, vector<1x1x16xf32>,
        %parallel_loop3A_856 = arith.mulf %parallel_loop3A_839, %parallel_loop3A_699 : vector<16xf32>
        %parallel_loop3A_857 = arith.constant 3 : i32
        %parallel_loop3A_858 = arith.index_cast %parallel_loop3A_857 : i32 to index
        %parallel_loop3A_859 = arith.index_cast %parallel_loop3A_655 : i32 to index
        %parallel_loop3A_860 = arith.constant 32 : index
        %parallel_loop3A_861 = tpu.vector_load %arg8[%parallel_loop3A_858, %parallel_loop3A_859, %parallel_loop3A_860] {strides = array<i32>} : memref<4x40x128xf32, #tpu.memory_space<vmem>>, vector<1x1x16xf32>,
        %parallel_loop3A_862 = vector.shape_cast %parallel_loop3A_861 : vector<1x1x16xf32> to vector<16xf32>
        %parallel_loop3A_863 = vector.shape_cast %parallel_loop3A_856 : vector<16xf32> to vector<1x1x16xf32>
        tpu.vector_store %arg8[%parallel_loop3A_858, %parallel_loop3A_859, %parallel_loop3A_860], %parallel_loop3A_863 {strides = array<i32>} : memref<4x40x128xf32, #tpu.memory_space<vmem>>, vector<1x1x16xf32>,
        %parallel_loop3A_864 = arith.mulf %parallel_loop3A_839, %parallel_loop3A_713 : vector<16xf32>
        %parallel_loop3A_865 = arith.constant 3 : i32
        %parallel_loop3A_866 = arith.index_cast %parallel_loop3A_865 : i32 to index
        %parallel_loop3A_867 = arith.index_cast %parallel_loop3A_655 : i32 to index
        %parallel_loop3A_868 = arith.constant 48 : index
        %parallel_loop3A_869 = tpu.vector_load %arg8[%parallel_loop3A_866, %parallel_loop3A_867, %parallel_loop3A_868] {strides = array<i32>} : memref<4x40x128xf32, #tpu.memory_space<vmem>>, vector<1x1x16xf32>,
        %parallel_loop3A_870 = vector.shape_cast %parallel_loop3A_869 : vector<1x1x16xf32> to vector<16xf32>
        %parallel_loop3A_871 = vector.shape_cast %parallel_loop3A_864 : vector<16xf32> to vector<1x1x16xf32>
        tpu.vector_store %arg8[%parallel_loop3A_866, %parallel_loop3A_867, %parallel_loop3A_868], %parallel_loop3A_871 {strides = array<i32>} : memref<4x40x128xf32, #tpu.memory_space<vmem>>, vector<1x1x16xf32>,
        %parallel_loop3A_872 = arith.mulf %parallel_loop3A_839, %parallel_loop3A_727 : vector<16xf32>
        %parallel_loop3A_873 = arith.constant 3 : i32
        %parallel_loop3A_874 = arith.index_cast %parallel_loop3A_873 : i32 to index
        %parallel_loop3A_875 = arith.index_cast %parallel_loop3A_655 : i32 to index
        %parallel_loop3A_876 = arith.constant 64 : index
        %parallel_loop3A_877 = tpu.vector_load %arg8[%parallel_loop3A_874, %parallel_loop3A_875, %parallel_loop3A_876] {strides = array<i32>} : memref<4x40x128xf32, #tpu.memory_space<vmem>>, vector<1x1x16xf32>,
        %parallel_loop3A_878 = vector.shape_cast %parallel_loop3A_877 : vector<1x1x16xf32> to vector<16xf32>
        %parallel_loop3A_879 = vector.shape_cast %parallel_loop3A_872 : vector<16xf32> to vector<1x1x16xf32>
        tpu.vector_store %arg8[%parallel_loop3A_874, %parallel_loop3A_875, %parallel_loop3A_876], %parallel_loop3A_879 {strides = array<i32>} : memref<4x40x128xf32, #tpu.memory_space<vmem>>, vector<1x1x16xf32>,
        %parallel_loop3A_880 = arith.mulf %parallel_loop3A_839, %parallel_loop3A_741 : vector<16xf32>
        %parallel_loop3A_881 = arith.constant 3 : i32
        %parallel_loop3A_882 = arith.index_cast %parallel_loop3A_881 : i32 to index
        %parallel_loop3A_883 = arith.index_cast %parallel_loop3A_655 : i32 to index
        %parallel_loop3A_884 = arith.constant 80 : index
        %parallel_loop3A_885 = tpu.vector_load %arg8[%parallel_loop3A_882, %parallel_loop3A_883, %parallel_loop3A_884] {strides = array<i32>} : memref<4x40x128xf32, #tpu.memory_space<vmem>>, vector<1x1x16xf32>,
        %parallel_loop3A_886 = vector.shape_cast %parallel_loop3A_885 : vector<1x1x16xf32> to vector<16xf32>
        %parallel_loop3A_887 = vector.shape_cast %parallel_loop3A_880 : vector<16xf32> to vector<1x1x16xf32>
        tpu.vector_store %arg8[%parallel_loop3A_882, %parallel_loop3A_883, %parallel_loop3A_884], %parallel_loop3A_887 {strides = array<i32>} : memref<4x40x128xf32, #tpu.memory_space<vmem>>, vector<1x1x16xf32>,
        %parallel_loop3A_888 = arith.mulf %parallel_loop3A_839, %parallel_loop3A_755 : vector<16xf32>
        %parallel_loop3A_889 = arith.constant 3 : i32
        %parallel_loop3A_890 = arith.index_cast %parallel_loop3A_889 : i32 to index
        %parallel_loop3A_891 = arith.index_cast %parallel_loop3A_655 : i32 to index
        %parallel_loop3A_892 = arith.constant 96 : index
        %parallel_loop3A_893 = tpu.vector_load %arg8[%parallel_loop3A_890, %parallel_loop3A_891, %parallel_loop3A_892] {strides = array<i32>} : memref<4x40x128xf32, #tpu.memory_space<vmem>>, vector<1x1x16xf32>,
        %parallel_loop3A_894 = vector.shape_cast %parallel_loop3A_893 : vector<1x1x16xf32> to vector<16xf32>
        %parallel_loop3A_895 = vector.shape_cast %parallel_loop3A_888 : vector<16xf32> to vector<1x1x16xf32>
        tpu.vector_store %arg8[%parallel_loop3A_890, %parallel_loop3A_891, %parallel_loop3A_892], %parallel_loop3A_895 {strides = array<i32>} : memref<4x40x128xf32, #tpu.memory_space<vmem>>, vector<1x1x16xf32>,
        %parallel_loop3A_896 = arith.mulf %parallel_loop3A_839, %parallel_loop3A_769 : vector<16xf32>
        %parallel_loop3A_897 = arith.constant 3 : i32
        %parallel_loop3A_898 = arith.index_cast %parallel_loop3A_897 : i32 to index
        %parallel_loop3A_899 = arith.index_cast %parallel_loop3A_655 : i32 to index
        %parallel_loop3A_900 = arith.constant 112 : index
        %parallel_loop3A_901 = tpu.vector_load %arg8[%parallel_loop3A_898, %parallel_loop3A_899, %parallel_loop3A_900] {strides = array<i32>} : memref<4x40x128xf32, #tpu.memory_space<vmem>>, vector<1x1x16xf32>,
        %parallel_loop3A_902 = vector.shape_cast %parallel_loop3A_901 : vector<1x1x16xf32> to vector<16xf32>
        %parallel_loop3A_903 = vector.shape_cast %parallel_loop3A_896 : vector<16xf32> to vector<1x1x16xf32>
        tpu.vector_store %arg8[%parallel_loop3A_898, %parallel_loop3A_899, %parallel_loop3A_900], %parallel_loop3A_903 {strides = array<i32>} : memref<4x40x128xf32, #tpu.memory_space<vmem>>, vector<1x1x16xf32>,
      } {sc.loop_unroll_factor = 2 : i64, sc.parallel_access}
      %dma_start3A_640 = arith.constant 3 : i32
      %dma_start3A_641 = arith.constant 3 : i32
      %dma_start3A_642 = arith.constant 3 : i32
      %dma_start3A_643 = arith.constant 0 : i32
      %dma_start3A_644 = arith.constant 0 : i32
      %dma_start3A_645 = tpu.memref_slice %arg8[%dma_start3A_640, %dma_start3A_643, %dma_start3A_644] : memref<4x40x128xf32, #tpu.memory_space<vmem>> -> memref<1x40x128xf32, #tpu.memory_space<vmem>>
      %dma_start3A_646 = tpu.memref_squeeze %dma_start3A_645 : memref<1x40x128xf32, #tpu.memory_space<vmem>> -> memref<40x128xf32, #tpu.memory_space<vmem>>
      %dma_start3A_647 = arith.constant 0 : i32
      %dma_start3A_648 = tpu.memref_slice %arg6[%dma_start3A_641, %dma_start3A_647] : memref<4x40xi32, #tpu.memory_space<vmem>> -> memref<1x40xi32, #tpu.memory_space<vmem>>
      %dma_start3A_649 = tpu.memref_squeeze %dma_start3A_648 : memref<1x40xi32, #tpu.memory_space<vmem>> -> memref<40xi32, #tpu.memory_space<vmem>>
      %dma_start3A_650 = arith.constant 0 : i32
      %dma_start3A_651 = arith.constant 0 : i32
      %dma_start3A_652 = tpu.memref_slice %arg9[%dma_start3A_650, %dma_start3A_651] : memref<10000x128xf32, #tpu.memory_space<vmem_shared>> -> memref<10000x128xf32, #tpu.memory_space<vmem_shared>>
      %dma_start3A_653 = tpu.memref_slice %arg12[%dma_start3A_642] : memref<4x!tpu.dma_semaphore, #tpu.memory_space<semaphore_mem>> -> memref<1x!tpu.dma_semaphore, #tpu.memory_space<semaphore_mem>>
      %dma_start3A_654 = tpu.memref_squeeze %dma_start3A_653 : memref<1x!tpu.dma_semaphore, #tpu.memory_space<semaphore_mem>> -> memref<!tpu.dma_semaphore, #tpu.memory_space<semaphore_mem>>
      tpu.enqueue_indirect_dma source(%dma_start3A_646 : memref<40x128xf32, #tpu.memory_space<vmem>>) target(%dma_start3A_652 : memref<10000x128xf32, #tpu.memory_space<vmem_shared>>) offsets(%dma_start3A_649 : memref<40xi32, #tpu.memory_space<vmem>>) semaphore(%dma_start3A_654 : memref<!tpu.dma_semaphore, #tpu.memory_space<semaphore_mem>>) {add = true}
    }
    %scan3A_179 = arith.constant 62 : i32
    %dma_wait3A_180 = arith.constant 3 : i32
    %dma_wait3A_181 = arith.constant 3 : i32
    %dma_wait3A_182 = arith.constant 3 : i32
    %dma_wait3A_183 = arith.constant 0 : i32
    %dma_wait3A_184 = arith.constant 0 : i32
    %dma_wait3A_185 = tpu.memref_slice %arg8[%dma_wait3A_180, %dma_wait3A_183, %dma_wait3A_184] : memref<4x40x128xf32, #tpu.memory_space<vmem>> -> memref<1x40x128xf32, #tpu.memory_space<vmem>>
    %dma_wait3A_186 = tpu.memref_squeeze %dma_wait3A_185 : memref<1x40x128xf32, #tpu.memory_space<vmem>> -> memref<40x128xf32, #tpu.memory_space<vmem>>
    %dma_wait3A_187 = arith.constant 0 : i32
    %dma_wait3A_188 = tpu.memref_slice %arg6[%dma_wait3A_181, %dma_wait3A_187] : memref<4x40xi32, #tpu.memory_space<vmem>> -> memref<1x40xi32, #tpu.memory_space<vmem>>
    %dma_wait3A_189 = tpu.memref_squeeze %dma_wait3A_188 : memref<1x40xi32, #tpu.memory_space<vmem>> -> memref<40xi32, #tpu.memory_space<vmem>>
    %dma_wait3A_190 = arith.constant 0 : i32
    %dma_wait3A_191 = arith.constant 0 : i32
    %dma_wait3A_192 = tpu.memref_slice %arg9[%dma_wait3A_190, %dma_wait3A_191] : memref<10000x128xf32, #tpu.memory_space<vmem_shared>> -> memref<10000x128xf32, #tpu.memory_space<vmem_shared>>
    %dma_wait3A_193 = tpu.memref_slice %arg12[%dma_wait3A_182] : memref<4x!tpu.dma_semaphore, #tpu.memory_space<semaphore_mem>> -> memref<1x!tpu.dma_semaphore, #tpu.memory_space<semaphore_mem>>
    %dma_wait3A_194 = tpu.memref_squeeze %dma_wait3A_193 : memref<1x!tpu.dma_semaphore, #tpu.memory_space<semaphore_mem>> -> memref<!tpu.dma_semaphore, #tpu.memory_space<semaphore_mem>>
    tpu.wait_indirect_dma semaphore(%dma_wait3A_194 : memref<!tpu.dma_semaphore, #tpu.memory_space<semaphore_mem>>) src(%dma_wait3A_186 : memref<40x128xf32, #tpu.memory_space<vmem>>) dst(%dma_wait3A_192 : memref<10000x128xf32, #tpu.memory_space<vmem_shared>>)
    %dma_wait3A_195 = arith.constant 0 : i32
    %dma_wait3A_196 = arith.constant 0 : i32
    %dma_wait3A_197 = arith.constant 0 : i32
    %dma_wait3A_198 = arith.constant 0 : i32
    %dma_wait3A_199 = tpu.memref_slice %arg7[%dma_wait3A_195, %dma_wait3A_197, %dma_wait3A_198] : memref<4x40x128xf32, #tpu.memory_space<vmem>> -> memref<1x40x128xf32, #tpu.memory_space<vmem>>
    %dma_wait3A_200 = tpu.memref_squeeze %dma_wait3A_199 : memref<1x40x128xf32, #tpu.memory_space<vmem>> -> memref<40x128xf32, #tpu.memory_space<vmem>>
    %dma_wait3A_201 = arith.constant 0 : i32
    %dma_wait3A_202 = arith.constant 0 : i32
    %dma_wait3A_203 = tpu.memref_slice %arg2[%dma_wait3A_201, %dma_wait3A_202] : memref<10000x128xf32, #tpu.memory_space<hbm>> -> memref<40x128xf32, #tpu.memory_space<hbm>>
    %dma_wait3A_204 = tpu.memref_slice %arg11[%dma_wait3A_196] : memref<4x!tpu.dma_semaphore, #tpu.memory_space<semaphore_mem>> -> memref<1x!tpu.dma_semaphore, #tpu.memory_space<semaphore_mem>>
    %dma_wait3A_205 = tpu.memref_squeeze %dma_wait3A_204 : memref<1x!tpu.dma_semaphore, #tpu.memory_space<semaphore_mem>> -> memref<!tpu.dma_semaphore, #tpu.memory_space<semaphore_mem>>
    %dma_wait3A_206 = arith.constant 0 : i32
    %dma_wait3A_207 = arith.constant 0 : i32
    %dma_wait3A_208 = tpu.memref_slice %arg7[%dma_wait3A_195, %dma_wait3A_206, %dma_wait3A_207] : memref<4x40x128xf32, #tpu.memory_space<vmem>> -> memref<1x40x128xf32, #tpu.memory_space<vmem>>
    %dma_wait3A_209 = tpu.memref_squeeze %dma_wait3A_208 : memref<1x40x128xf32, #tpu.memory_space<vmem>> -> memref<40x128xf32, #tpu.memory_space<vmem>>
    %dma_wait3A_210 = arith.constant 0 : i32
    %dma_wait3A_211 = arith.constant 0 : i32
    %dma_wait3A_212 = tpu.memref_slice %arg2[%dma_wait3A_210, %dma_wait3A_211] : memref<10000x128xf32, #tpu.memory_space<hbm>> -> memref<40x128xf32, #tpu.memory_space<hbm>>
    tpu.wait_dma2 semaphore(%dma_wait3A_205 : memref<!tpu.dma_semaphore, #tpu.memory_space<semaphore_mem>>) src(%dma_wait3A_212 : memref<40x128xf32, #tpu.memory_space<hbm>>) dst(%dma_wait3A_209 : memref<40x128xf32, #tpu.memory_space<vmem>>)
    %dma_wait3A_213 = arith.constant 0 : i32
    %dma_wait3A_214 = arith.constant 0 : i32
    %dma_wait3A_215 = arith.constant 0 : i32
    %dma_wait3A_216 = arith.constant 0 : i32
    %dma_wait3A_217 = tpu.memref_slice %arg8[%dma_wait3A_213, %dma_wait3A_215, %dma_wait3A_216] : memref<4x40x128xf32, #tpu.memory_space<vmem>> -> memref<1x40x128xf32, #tpu.memory_space<vmem>>
    %dma_wait3A_218 = tpu.memref_squeeze %dma_wait3A_217 : memref<1x40x128xf32, #tpu.memory_space<vmem>> -> memref<40x128xf32, #tpu.memory_space<vmem>>
    %dma_wait3A_219 = arith.constant 0 : i32
    %dma_wait3A_220 = arith.constant 0 : i32
    %dma_wait3A_221 = tpu.memref_slice %arg4[%dma_wait3A_219, %dma_wait3A_220] : memref<320000x128xf32, #tpu.memory_space<hbm>> -> memref<40x128xf32, #tpu.memory_space<hbm>>
    %dma_wait3A_222 = tpu.memref_slice %arg11[%dma_wait3A_214] : memref<4x!tpu.dma_semaphore, #tpu.memory_space<semaphore_mem>> -> memref<1x!tpu.dma_semaphore, #tpu.memory_space<semaphore_mem>>
    %dma_wait3A_223 = tpu.memref_squeeze %dma_wait3A_222 : memref<1x!tpu.dma_semaphore, #tpu.memory_space<semaphore_mem>> -> memref<!tpu.dma_semaphore, #tpu.memory_space<semaphore_mem>>
    %dma_wait3A_224 = arith.constant 0 : i32
    %dma_wait3A_225 = arith.constant 0 : i32
    %dma_wait3A_226 = tpu.memref_slice %arg8[%dma_wait3A_213, %dma_wait3A_224, %dma_wait3A_225] : memref<4x40x128xf32, #tpu.memory_space<vmem>> -> memref<1x40x128xf32, #tpu.memory_space<vmem>>
    %dma_wait3A_227 = tpu.memref_squeeze %dma_wait3A_226 : memref<1x40x128xf32, #tpu.memory_space<vmem>> -> memref<40x128xf32, #tpu.memory_space<vmem>>
    %dma_wait3A_228 = arith.constant 0 : i32
    %dma_wait3A_229 = arith.constant 0 : i32
    %dma_wait3A_230 = tpu.memref_slice %arg4[%dma_wait3A_228, %dma_wait3A_229] : memref<320000x128xf32, #tpu.memory_space<hbm>> -> memref<40x128xf32, #tpu.memory_space<hbm>>
    tpu.wait_dma2 semaphore(%dma_wait3A_223 : memref<!tpu.dma_semaphore, #tpu.memory_space<semaphore_mem>>) src(%dma_wait3A_230 : memref<40x128xf32, #tpu.memory_space<hbm>>) dst(%dma_wait3A_227 : memref<40x128xf32, #tpu.memory_space<vmem>>)
    %parallel_loop3A = arith.constant 0 : i32
    %parallel_loop3A_231 = arith.constant 40 : i32
    %parallel_loop3A_232 = arith.constant 1 : i32
    scf.for %parallel_loop3A_350 = %parallel_loop3A to %parallel_loop3A_231 step %parallel_loop3A_232  : i32 {
      %parallel_loop3A_351 = arith.constant 0.000000e+00 : f32
      %parallel_loop3A_352 = vector.broadcast %parallel_loop3A_351 : f32 to vector<16xf32>
      %parallel_loop3A_353 = arith.constant 0.000000e+00 : f32
      %parallel_loop3A_354 = vector.broadcast %parallel_loop3A_353 : f32 to vector<16xf32>
      %parallel_loop3A_355 = arith.constant 0 : i32
      %parallel_loop3A_356 = arith.index_cast %parallel_loop3A_355 : i32 to index
      %parallel_loop3A_357 = arith.index_cast %parallel_loop3A_350 : i32 to index
      %parallel_loop3A_358 = arith.constant 0 : index
      %parallel_loop3A_359 = tpu.vector_load %arg7[%parallel_loop3A_356, %parallel_loop3A_357, %parallel_loop3A_358] {strides = array<i32>} : memref<4x40x128xf32, #tpu.memory_space<vmem>>, vector<1x1x16xf32>,
      %parallel_loop3A_360 = vector.shape_cast %parallel_loop3A_359 : vector<1x1x16xf32> to vector<16xf32>
      %parallel_loop3A_361 = arith.constant 0 : i32
      %parallel_loop3A_362 = arith.index_cast %parallel_loop3A_361 : i32 to index
      %parallel_loop3A_363 = arith.index_cast %parallel_loop3A_350 : i32 to index
      %parallel_loop3A_364 = arith.constant 0 : index
      %parallel_loop3A_365 = tpu.vector_load %arg8[%parallel_loop3A_362, %parallel_loop3A_363, %parallel_loop3A_364] {strides = array<i32>} : memref<4x40x128xf32, #tpu.memory_space<vmem>>, vector<1x1x16xf32>,
      %parallel_loop3A_366 = vector.shape_cast %parallel_loop3A_365 : vector<1x1x16xf32> to vector<16xf32>
      %parallel_loop3A_367 = arith.mulf %parallel_loop3A_360, %parallel_loop3A_366 : vector<16xf32>
      %parallel_loop3A_368 = arith.addf %parallel_loop3A_352, %parallel_loop3A_367 : vector<16xf32>
      %parallel_loop3A_369 = arith.constant 0 : i32
      %parallel_loop3A_370 = arith.index_cast %parallel_loop3A_369 : i32 to index
      %parallel_loop3A_371 = arith.index_cast %parallel_loop3A_350 : i32 to index
      %parallel_loop3A_372 = arith.constant 16 : index
      %parallel_loop3A_373 = tpu.vector_load %arg7[%parallel_loop3A_370, %parallel_loop3A_371, %parallel_loop3A_372] {strides = array<i32>} : memref<4x40x128xf32, #tpu.memory_space<vmem>>, vector<1x1x16xf32>,
      %parallel_loop3A_374 = vector.shape_cast %parallel_loop3A_373 : vector<1x1x16xf32> to vector<16xf32>
      %parallel_loop3A_375 = arith.constant 0 : i32
      %parallel_loop3A_376 = arith.index_cast %parallel_loop3A_375 : i32 to index
      %parallel_loop3A_377 = arith.index_cast %parallel_loop3A_350 : i32 to index
      %parallel_loop3A_378 = arith.constant 16 : index
      %parallel_loop3A_379 = tpu.vector_load %arg8[%parallel_loop3A_376, %parallel_loop3A_377, %parallel_loop3A_378] {strides = array<i32>} : memref<4x40x128xf32, #tpu.memory_space<vmem>>, vector<1x1x16xf32>,
      %parallel_loop3A_380 = vector.shape_cast %parallel_loop3A_379 : vector<1x1x16xf32> to vector<16xf32>
      %parallel_loop3A_381 = arith.mulf %parallel_loop3A_374, %parallel_loop3A_380 : vector<16xf32>
      %parallel_loop3A_382 = arith.addf %parallel_loop3A_354, %parallel_loop3A_381 : vector<16xf32>
      %parallel_loop3A_383 = arith.constant 0 : i32
      %parallel_loop3A_384 = arith.index_cast %parallel_loop3A_383 : i32 to index
      %parallel_loop3A_385 = arith.index_cast %parallel_loop3A_350 : i32 to index
      %parallel_loop3A_386 = arith.constant 32 : index
      %parallel_loop3A_387 = tpu.vector_load %arg7[%parallel_loop3A_384, %parallel_loop3A_385, %parallel_loop3A_386] {strides = array<i32>} : memref<4x40x128xf32, #tpu.memory_space<vmem>>, vector<1x1x16xf32>,
      %parallel_loop3A_388 = vector.shape_cast %parallel_loop3A_387 : vector<1x1x16xf32> to vector<16xf32>
      %parallel_loop3A_389 = arith.constant 0 : i32
      %parallel_loop3A_390 = arith.index_cast %parallel_loop3A_389 : i32 to index
      %parallel_loop3A_391 = arith.index_cast %parallel_loop3A_350 : i32 to index
      %parallel_loop3A_392 = arith.constant 32 : index
      %parallel_loop3A_393 = tpu.vector_load %arg8[%parallel_loop3A_390, %parallel_loop3A_391, %parallel_loop3A_392] {strides = array<i32>} : memref<4x40x128xf32, #tpu.memory_space<vmem>>, vector<1x1x16xf32>,
      %parallel_loop3A_394 = vector.shape_cast %parallel_loop3A_393 : vector<1x1x16xf32> to vector<16xf32>
      %parallel_loop3A_395 = arith.mulf %parallel_loop3A_388, %parallel_loop3A_394 : vector<16xf32>
      %parallel_loop3A_396 = arith.addf %parallel_loop3A_368, %parallel_loop3A_395 : vector<16xf32>
      %parallel_loop3A_397 = arith.constant 0 : i32
      %parallel_loop3A_398 = arith.index_cast %parallel_loop3A_397 : i32 to index
      %parallel_loop3A_399 = arith.index_cast %parallel_loop3A_350 : i32 to index
      %parallel_loop3A_400 = arith.constant 48 : index
      %parallel_loop3A_401 = tpu.vector_load %arg7[%parallel_loop3A_398, %parallel_loop3A_399, %parallel_loop3A_400] {strides = array<i32>} : memref<4x40x128xf32, #tpu.memory_space<vmem>>, vector<1x1x16xf32>,
      %parallel_loop3A_402 = vector.shape_cast %parallel_loop3A_401 : vector<1x1x16xf32> to vector<16xf32>
      %parallel_loop3A_403 = arith.constant 0 : i32
      %parallel_loop3A_404 = arith.index_cast %parallel_loop3A_403 : i32 to index
      %parallel_loop3A_405 = arith.index_cast %parallel_loop3A_350 : i32 to index
      %parallel_loop3A_406 = arith.constant 48 : index
      %parallel_loop3A_407 = tpu.vector_load %arg8[%parallel_loop3A_404, %parallel_loop3A_405, %parallel_loop3A_406] {strides = array<i32>} : memref<4x40x128xf32, #tpu.memory_space<vmem>>, vector<1x1x16xf32>,
      %parallel_loop3A_408 = vector.shape_cast %parallel_loop3A_407 : vector<1x1x16xf32> to vector<16xf32>
      %parallel_loop3A_409 = arith.mulf %parallel_loop3A_402, %parallel_loop3A_408 : vector<16xf32>
      %parallel_loop3A_410 = arith.addf %parallel_loop3A_382, %parallel_loop3A_409 : vector<16xf32>
      %parallel_loop3A_411 = arith.constant 0 : i32
      %parallel_loop3A_412 = arith.index_cast %parallel_loop3A_411 : i32 to index
      %parallel_loop3A_413 = arith.index_cast %parallel_loop3A_350 : i32 to index
      %parallel_loop3A_414 = arith.constant 64 : index
      %parallel_loop3A_415 = tpu.vector_load %arg7[%parallel_loop3A_412, %parallel_loop3A_413, %parallel_loop3A_414] {strides = array<i32>} : memref<4x40x128xf32, #tpu.memory_space<vmem>>, vector<1x1x16xf32>,
      %parallel_loop3A_416 = vector.shape_cast %parallel_loop3A_415 : vector<1x1x16xf32> to vector<16xf32>
      %parallel_loop3A_417 = arith.constant 0 : i32
      %parallel_loop3A_418 = arith.index_cast %parallel_loop3A_417 : i32 to index
      %parallel_loop3A_419 = arith.index_cast %parallel_loop3A_350 : i32 to index
      %parallel_loop3A_420 = arith.constant 64 : index
      %parallel_loop3A_421 = tpu.vector_load %arg8[%parallel_loop3A_418, %parallel_loop3A_419, %parallel_loop3A_420] {strides = array<i32>} : memref<4x40x128xf32, #tpu.memory_space<vmem>>, vector<1x1x16xf32>,
      %parallel_loop3A_422 = vector.shape_cast %parallel_loop3A_421 : vector<1x1x16xf32> to vector<16xf32>
      %parallel_loop3A_423 = arith.mulf %parallel_loop3A_416, %parallel_loop3A_422 : vector<16xf32>
      %parallel_loop3A_424 = arith.addf %parallel_loop3A_396, %parallel_loop3A_423 : vector<16xf32>
      %parallel_loop3A_425 = arith.constant 0 : i32
      %parallel_loop3A_426 = arith.index_cast %parallel_loop3A_425 : i32 to index
      %parallel_loop3A_427 = arith.index_cast %parallel_loop3A_350 : i32 to index
      %parallel_loop3A_428 = arith.constant 80 : index
      %parallel_loop3A_429 = tpu.vector_load %arg7[%parallel_loop3A_426, %parallel_loop3A_427, %parallel_loop3A_428] {strides = array<i32>} : memref<4x40x128xf32, #tpu.memory_space<vmem>>, vector<1x1x16xf32>,
      %parallel_loop3A_430 = vector.shape_cast %parallel_loop3A_429 : vector<1x1x16xf32> to vector<16xf32>
      %parallel_loop3A_431 = arith.constant 0 : i32
      %parallel_loop3A_432 = arith.index_cast %parallel_loop3A_431 : i32 to index
      %parallel_loop3A_433 = arith.index_cast %parallel_loop3A_350 : i32 to index
      %parallel_loop3A_434 = arith.constant 80 : index
      %parallel_loop3A_435 = tpu.vector_load %arg8[%parallel_loop3A_432, %parallel_loop3A_433, %parallel_loop3A_434] {strides = array<i32>} : memref<4x40x128xf32, #tpu.memory_space<vmem>>, vector<1x1x16xf32>,
      %parallel_loop3A_436 = vector.shape_cast %parallel_loop3A_435 : vector<1x1x16xf32> to vector<16xf32>
      %parallel_loop3A_437 = arith.mulf %parallel_loop3A_430, %parallel_loop3A_436 : vector<16xf32>
      %parallel_loop3A_438 = arith.addf %parallel_loop3A_410, %parallel_loop3A_437 : vector<16xf32>
      %parallel_loop3A_439 = arith.constant 0 : i32
      %parallel_loop3A_440 = arith.index_cast %parallel_loop3A_439 : i32 to index
      %parallel_loop3A_441 = arith.index_cast %parallel_loop3A_350 : i32 to index
      %parallel_loop3A_442 = arith.constant 96 : index
      %parallel_loop3A_443 = tpu.vector_load %arg7[%parallel_loop3A_440, %parallel_loop3A_441, %parallel_loop3A_442] {strides = array<i32>} : memref<4x40x128xf32, #tpu.memory_space<vmem>>, vector<1x1x16xf32>,
      %parallel_loop3A_444 = vector.shape_cast %parallel_loop3A_443 : vector<1x1x16xf32> to vector<16xf32>
      %parallel_loop3A_445 = arith.constant 0 : i32
      %parallel_loop3A_446 = arith.index_cast %parallel_loop3A_445 : i32 to index
      %parallel_loop3A_447 = arith.index_cast %parallel_loop3A_350 : i32 to index
      %parallel_loop3A_448 = arith.constant 96 : index
      %parallel_loop3A_449 = tpu.vector_load %arg8[%parallel_loop3A_446, %parallel_loop3A_447, %parallel_loop3A_448] {strides = array<i32>} : memref<4x40x128xf32, #tpu.memory_space<vmem>>, vector<1x1x16xf32>,
      %parallel_loop3A_450 = vector.shape_cast %parallel_loop3A_449 : vector<1x1x16xf32> to vector<16xf32>
      %parallel_loop3A_451 = arith.mulf %parallel_loop3A_444, %parallel_loop3A_450 : vector<16xf32>
      %parallel_loop3A_452 = arith.addf %parallel_loop3A_424, %parallel_loop3A_451 : vector<16xf32>
      %parallel_loop3A_453 = arith.constant 0 : i32
      %parallel_loop3A_454 = arith.index_cast %parallel_loop3A_453 : i32 to index
      %parallel_loop3A_455 = arith.index_cast %parallel_loop3A_350 : i32 to index
      %parallel_loop3A_456 = arith.constant 112 : index
      %parallel_loop3A_457 = tpu.vector_load %arg7[%parallel_loop3A_454, %parallel_loop3A_455, %parallel_loop3A_456] {strides = array<i32>} : memref<4x40x128xf32, #tpu.memory_space<vmem>>, vector<1x1x16xf32>,
      %parallel_loop3A_458 = vector.shape_cast %parallel_loop3A_457 : vector<1x1x16xf32> to vector<16xf32>
      %parallel_loop3A_459 = arith.constant 0 : i32
      %parallel_loop3A_460 = arith.index_cast %parallel_loop3A_459 : i32 to index
      %parallel_loop3A_461 = arith.index_cast %parallel_loop3A_350 : i32 to index
      %parallel_loop3A_462 = arith.constant 112 : index
      %parallel_loop3A_463 = tpu.vector_load %arg8[%parallel_loop3A_460, %parallel_loop3A_461, %parallel_loop3A_462] {strides = array<i32>} : memref<4x40x128xf32, #tpu.memory_space<vmem>>, vector<1x1x16xf32>,
      %parallel_loop3A_464 = vector.shape_cast %parallel_loop3A_463 : vector<1x1x16xf32> to vector<16xf32>
      %parallel_loop3A_465 = arith.mulf %parallel_loop3A_458, %parallel_loop3A_464 : vector<16xf32>
      %parallel_loop3A_466 = arith.addf %parallel_loop3A_438, %parallel_loop3A_465 : vector<16xf32>
      %parallel_loop3A_467 = arith.addf %parallel_loop3A_452, %parallel_loop3A_466 : vector<16xf32>
      %parallel_loop3A_468 = tpu.iota {dimensions = array<i32: 0>} : vector<16xi32>
      %parallel_loop3A_469 = arith.constant 8 : i32
      %parallel_loop3A_470 = vector.broadcast %parallel_loop3A_469 : i32 to vector<16xi32>
      %parallel_loop3A_471 = arith.xori %parallel_loop3A_468, %parallel_loop3A_470 : vector<16xi32>
      %parallel_loop3A_472 = arith.constant 0 : i32
      %parallel_loop3A_473 = vector.broadcast %parallel_loop3A_472 : i32 to vector<16xi32>
      %parallel_loop3A_474 = arith.cmpi slt, %parallel_loop3A_471, %parallel_loop3A_473 : vector<16xi32>
      %parallel_loop3A_475 = arith.constant 16 : i32
      %parallel_loop3A_476 = vector.broadcast %parallel_loop3A_475 : i32 to vector<16xi32>
      %parallel_loop3A_477 = arith.addi %parallel_loop3A_471, %parallel_loop3A_476 : vector<16xi32>
      %parallel_loop3A_478 = arith.select %parallel_loop3A_474, %parallel_loop3A_477, %parallel_loop3A_471 : vector<16xi1>, vector<16xi32>
      %parallel_loop3A_479 = vector.shape_cast %parallel_loop3A_478 : vector<16xi32> to vector<16x1xi32>
      %parallel_loop3A_480 = vector.shape_cast %parallel_loop3A_479 : vector<16x1xi32> to vector<16xi32>
      %parallel_loop3A_481 = tpu.dynamic_gather %parallel_loop3A_467[%parallel_loop3A_480] in [0] : vector<16xf32>, vector<16xi32> -> vector<16xf32>
      %parallel_loop3A_482 = arith.addf %parallel_loop3A_467, %parallel_loop3A_481 : vector<16xf32>
      %parallel_loop3A_483 = arith.constant 4 : i32
      %parallel_loop3A_484 = vector.broadcast %parallel_loop3A_483 : i32 to vector<16xi32>
      %parallel_loop3A_485 = arith.xori %parallel_loop3A_468, %parallel_loop3A_484 : vector<16xi32>
      %parallel_loop3A_486 = arith.constant 0 : i32
      %parallel_loop3A_487 = vector.broadcast %parallel_loop3A_486 : i32 to vector<16xi32>
      %parallel_loop3A_488 = arith.cmpi slt, %parallel_loop3A_485, %parallel_loop3A_487 : vector<16xi32>
      %parallel_loop3A_489 = arith.constant 16 : i32
      %parallel_loop3A_490 = vector.broadcast %parallel_loop3A_489 : i32 to vector<16xi32>
      %parallel_loop3A_491 = arith.addi %parallel_loop3A_485, %parallel_loop3A_490 : vector<16xi32>
      %parallel_loop3A_492 = arith.select %parallel_loop3A_488, %parallel_loop3A_491, %parallel_loop3A_485 : vector<16xi1>, vector<16xi32>
      %parallel_loop3A_493 = vector.shape_cast %parallel_loop3A_492 : vector<16xi32> to vector<16x1xi32>
      %parallel_loop3A_494 = vector.shape_cast %parallel_loop3A_493 : vector<16x1xi32> to vector<16xi32>
      %parallel_loop3A_495 = tpu.dynamic_gather %parallel_loop3A_482[%parallel_loop3A_494] in [0] : vector<16xf32>, vector<16xi32> -> vector<16xf32>
      %parallel_loop3A_496 = arith.addf %parallel_loop3A_482, %parallel_loop3A_495 : vector<16xf32>
      %parallel_loop3A_497 = arith.constant 2 : i32
      %parallel_loop3A_498 = vector.broadcast %parallel_loop3A_497 : i32 to vector<16xi32>
      %parallel_loop3A_499 = arith.xori %parallel_loop3A_468, %parallel_loop3A_498 : vector<16xi32>
      %parallel_loop3A_500 = arith.constant 0 : i32
      %parallel_loop3A_501 = vector.broadcast %parallel_loop3A_500 : i32 to vector<16xi32>
      %parallel_loop3A_502 = arith.cmpi slt, %parallel_loop3A_499, %parallel_loop3A_501 : vector<16xi32>
      %parallel_loop3A_503 = arith.constant 16 : i32
      %parallel_loop3A_504 = vector.broadcast %parallel_loop3A_503 : i32 to vector<16xi32>
      %parallel_loop3A_505 = arith.addi %parallel_loop3A_499, %parallel_loop3A_504 : vector<16xi32>
      %parallel_loop3A_506 = arith.select %parallel_loop3A_502, %parallel_loop3A_505, %parallel_loop3A_499 : vector<16xi1>, vector<16xi32>
      %parallel_loop3A_507 = vector.shape_cast %parallel_loop3A_506 : vector<16xi32> to vector<16x1xi32>
      %parallel_loop3A_508 = vector.shape_cast %parallel_loop3A_507 : vector<16x1xi32> to vector<16xi32>
      %parallel_loop3A_509 = tpu.dynamic_gather %parallel_loop3A_496[%parallel_loop3A_508] in [0] : vector<16xf32>, vector<16xi32> -> vector<16xf32>
      %parallel_loop3A_510 = arith.addf %parallel_loop3A_496, %parallel_loop3A_509 : vector<16xf32>
      %parallel_loop3A_511 = arith.constant 1 : i32
      %parallel_loop3A_512 = vector.broadcast %parallel_loop3A_511 : i32 to vector<16xi32>
      %parallel_loop3A_513 = arith.xori %parallel_loop3A_468, %parallel_loop3A_512 : vector<16xi32>
      %parallel_loop3A_514 = arith.constant 0 : i32
      %parallel_loop3A_515 = vector.broadcast %parallel_loop3A_514 : i32 to vector<16xi32>
      %parallel_loop3A_516 = arith.cmpi slt, %parallel_loop3A_513, %parallel_loop3A_515 : vector<16xi32>
      %parallel_loop3A_517 = arith.constant 16 : i32
      %parallel_loop3A_518 = vector.broadcast %parallel_loop3A_517 : i32 to vector<16xi32>
      %parallel_loop3A_519 = arith.addi %parallel_loop3A_513, %parallel_loop3A_518 : vector<16xi32>
      %parallel_loop3A_520 = arith.select %parallel_loop3A_516, %parallel_loop3A_519, %parallel_loop3A_513 : vector<16xi1>, vector<16xi32>
      %parallel_loop3A_521 = vector.shape_cast %parallel_loop3A_520 : vector<16xi32> to vector<16x1xi32>
      %parallel_loop3A_522 = vector.shape_cast %parallel_loop3A_521 : vector<16x1xi32> to vector<16xi32>
      %parallel_loop3A_523 = tpu.dynamic_gather %parallel_loop3A_510[%parallel_loop3A_522] in [0] : vector<16xf32>, vector<16xi32> -> vector<16xf32>
      %parallel_loop3A_524 = arith.addf %parallel_loop3A_510, %parallel_loop3A_523 : vector<16xf32>
      %parallel_loop3A_525 = arith.constant 0.000000e+00 : f32
      %parallel_loop3A_526 = vector.broadcast %parallel_loop3A_525 : f32 to vector<16xf32>
      %parallel_loop3A_527 = arith.subf %parallel_loop3A_526, %parallel_loop3A_524 : vector<16xf32>
      %parallel_loop3A_528 = math.exp %parallel_loop3A_527 : vector<16xf32>
      %parallel_loop3A_529 = arith.constant 1.000000e+00 : f32
      %parallel_loop3A_530 = vector.broadcast %parallel_loop3A_529 : f32 to vector<16xf32>
      %parallel_loop3A_531 = arith.addf %parallel_loop3A_530, %parallel_loop3A_528 : vector<16xf32>
      %parallel_loop3A_532 = arith.constant 1.000000e+00 : f32
      %parallel_loop3A_533 = vector.broadcast %parallel_loop3A_532 : f32 to vector<16xf32>
      %parallel_loop3A_534 = arith.divf %parallel_loop3A_533, %parallel_loop3A_531 : vector<16xf32>
      %parallel_loop3A_535 = arith.mulf %parallel_loop3A_534, %parallel_loop3A_366 : vector<16xf32>
      %parallel_loop3A_536 = arith.constant 0 : i32
      %parallel_loop3A_537 = arith.index_cast %parallel_loop3A_536 : i32 to index
      %parallel_loop3A_538 = arith.index_cast %parallel_loop3A_350 : i32 to index
      %parallel_loop3A_539 = arith.constant 0 : index
      %parallel_loop3A_540 = tpu.vector_load %arg8[%parallel_loop3A_537, %parallel_loop3A_538, %parallel_loop3A_539] {strides = array<i32>} : memref<4x40x128xf32, #tpu.memory_space<vmem>>, vector<1x1x16xf32>,
      %parallel_loop3A_541 = vector.shape_cast %parallel_loop3A_540 : vector<1x1x16xf32> to vector<16xf32>
      %parallel_loop3A_542 = vector.shape_cast %parallel_loop3A_535 : vector<16xf32> to vector<1x1x16xf32>
      tpu.vector_store %arg8[%parallel_loop3A_537, %parallel_loop3A_538, %parallel_loop3A_539], %parallel_loop3A_542 {strides = array<i32>} : memref<4x40x128xf32, #tpu.memory_space<vmem>>, vector<1x1x16xf32>,
      %parallel_loop3A_543 = arith.mulf %parallel_loop3A_534, %parallel_loop3A_380 : vector<16xf32>
      %parallel_loop3A_544 = arith.constant 0 : i32
      %parallel_loop3A_545 = arith.index_cast %parallel_loop3A_544 : i32 to index
      %parallel_loop3A_546 = arith.index_cast %parallel_loop3A_350 : i32 to index
      %parallel_loop3A_547 = arith.constant 16 : index
      %parallel_loop3A_548 = tpu.vector_load %arg8[%parallel_loop3A_545, %parallel_loop3A_546, %parallel_loop3A_547] {strides = array<i32>} : memref<4x40x128xf32, #tpu.memory_space<vmem>>, vector<1x1x16xf32>,
      %parallel_loop3A_549 = vector.shape_cast %parallel_loop3A_548 : vector<1x1x16xf32> to vector<16xf32>
      %parallel_loop3A_550 = vector.shape_cast %parallel_loop3A_543 : vector<16xf32> to vector<1x1x16xf32>
      tpu.vector_store %arg8[%parallel_loop3A_545, %parallel_loop3A_546, %parallel_loop3A_547], %parallel_loop3A_550 {strides = array<i32>} : memref<4x40x128xf32, #tpu.memory_space<vmem>>, vector<1x1x16xf32>,
      %parallel_loop3A_551 = arith.mulf %parallel_loop3A_534, %parallel_loop3A_394 : vector<16xf32>
      %parallel_loop3A_552 = arith.constant 0 : i32
      %parallel_loop3A_553 = arith.index_cast %parallel_loop3A_552 : i32 to index
      %parallel_loop3A_554 = arith.index_cast %parallel_loop3A_350 : i32 to index
      %parallel_loop3A_555 = arith.constant 32 : index
      %parallel_loop3A_556 = tpu.vector_load %arg8[%parallel_loop3A_553, %parallel_loop3A_554, %parallel_loop3A_555] {strides = array<i32>} : memref<4x40x128xf32, #tpu.memory_space<vmem>>, vector<1x1x16xf32>,
      %parallel_loop3A_557 = vector.shape_cast %parallel_loop3A_556 : vector<1x1x16xf32> to vector<16xf32>
      %parallel_loop3A_558 = vector.shape_cast %parallel_loop3A_551 : vector<16xf32> to vector<1x1x16xf32>
      tpu.vector_store %arg8[%parallel_loop3A_553, %parallel_loop3A_554, %parallel_loop3A_555], %parallel_loop3A_558 {strides = array<i32>} : memref<4x40x128xf32, #tpu.memory_space<vmem>>, vector<1x1x16xf32>,
      %parallel_loop3A_559 = arith.mulf %parallel_loop3A_534, %parallel_loop3A_408 : vector<16xf32>
      %parallel_loop3A_560 = arith.constant 0 : i32
      %parallel_loop3A_561 = arith.index_cast %parallel_loop3A_560 : i32 to index
      %parallel_loop3A_562 = arith.index_cast %parallel_loop3A_350 : i32 to index
      %parallel_loop3A_563 = arith.constant 48 : index
      %parallel_loop3A_564 = tpu.vector_load %arg8[%parallel_loop3A_561, %parallel_loop3A_562, %parallel_loop3A_563] {strides = array<i32>} : memref<4x40x128xf32, #tpu.memory_space<vmem>>, vector<1x1x16xf32>,
      %parallel_loop3A_565 = vector.shape_cast %parallel_loop3A_564 : vector<1x1x16xf32> to vector<16xf32>
      %parallel_loop3A_566 = vector.shape_cast %parallel_loop3A_559 : vector<16xf32> to vector<1x1x16xf32>
      tpu.vector_store %arg8[%parallel_loop3A_561, %parallel_loop3A_562, %parallel_loop3A_563], %parallel_loop3A_566 {strides = array<i32>} : memref<4x40x128xf32, #tpu.memory_space<vmem>>, vector<1x1x16xf32>,
      %parallel_loop3A_567 = arith.mulf %parallel_loop3A_534, %parallel_loop3A_422 : vector<16xf32>
      %parallel_loop3A_568 = arith.constant 0 : i32
      %parallel_loop3A_569 = arith.index_cast %parallel_loop3A_568 : i32 to index
      %parallel_loop3A_570 = arith.index_cast %parallel_loop3A_350 : i32 to index
      %parallel_loop3A_571 = arith.constant 64 : index
      %parallel_loop3A_572 = tpu.vector_load %arg8[%parallel_loop3A_569, %parallel_loop3A_570, %parallel_loop3A_571] {strides = array<i32>} : memref<4x40x128xf32, #tpu.memory_space<vmem>>, vector<1x1x16xf32>,
      %parallel_loop3A_573 = vector.shape_cast %parallel_loop3A_572 : vector<1x1x16xf32> to vector<16xf32>
      %parallel_loop3A_574 = vector.shape_cast %parallel_loop3A_567 : vector<16xf32> to vector<1x1x16xf32>
      tpu.vector_store %arg8[%parallel_loop3A_569, %parallel_loop3A_570, %parallel_loop3A_571], %parallel_loop3A_574 {strides = array<i32>} : memref<4x40x128xf32, #tpu.memory_space<vmem>>, vector<1x1x16xf32>,
      %parallel_loop3A_575 = arith.mulf %parallel_loop3A_534, %parallel_loop3A_436 : vector<16xf32>
      %parallel_loop3A_576 = arith.constant 0 : i32
      %parallel_loop3A_577 = arith.index_cast %parallel_loop3A_576 : i32 to index
      %parallel_loop3A_578 = arith.index_cast %parallel_loop3A_350 : i32 to index
      %parallel_loop3A_579 = arith.constant 80 : index
      %parallel_loop3A_580 = tpu.vector_load %arg8[%parallel_loop3A_577, %parallel_loop3A_578, %parallel_loop3A_579] {strides = array<i32>} : memref<4x40x128xf32, #tpu.memory_space<vmem>>, vector<1x1x16xf32>,
      %parallel_loop3A_581 = vector.shape_cast %parallel_loop3A_580 : vector<1x1x16xf32> to vector<16xf32>
      %parallel_loop3A_582 = vector.shape_cast %parallel_loop3A_575 : vector<16xf32> to vector<1x1x16xf32>
      tpu.vector_store %arg8[%parallel_loop3A_577, %parallel_loop3A_578, %parallel_loop3A_579], %parallel_loop3A_582 {strides = array<i32>} : memref<4x40x128xf32, #tpu.memory_space<vmem>>, vector<1x1x16xf32>,
      %parallel_loop3A_583 = arith.mulf %parallel_loop3A_534, %parallel_loop3A_450 : vector<16xf32>
      %parallel_loop3A_584 = arith.constant 0 : i32
      %parallel_loop3A_585 = arith.index_cast %parallel_loop3A_584 : i32 to index
      %parallel_loop3A_586 = arith.index_cast %parallel_loop3A_350 : i32 to index
      %parallel_loop3A_587 = arith.constant 96 : index
      %parallel_loop3A_588 = tpu.vector_load %arg8[%parallel_loop3A_585, %parallel_loop3A_586, %parallel_loop3A_587] {strides = array<i32>} : memref<4x40x128xf32, #tpu.memory_space<vmem>>, vector<1x1x16xf32>,
      %parallel_loop3A_589 = vector.shape_cast %parallel_loop3A_588 : vector<1x1x16xf32> to vector<16xf32>
      %parallel_loop3A_590 = vector.shape_cast %parallel_loop3A_583 : vector<16xf32> to vector<1x1x16xf32>
      tpu.vector_store %arg8[%parallel_loop3A_585, %parallel_loop3A_586, %parallel_loop3A_587], %parallel_loop3A_590 {strides = array<i32>} : memref<4x40x128xf32, #tpu.memory_space<vmem>>, vector<1x1x16xf32>,
      %parallel_loop3A_591 = arith.mulf %parallel_loop3A_534, %parallel_loop3A_464 : vector<16xf32>
      %parallel_loop3A_592 = arith.constant 0 : i32
      %parallel_loop3A_593 = arith.index_cast %parallel_loop3A_592 : i32 to index
      %parallel_loop3A_594 = arith.index_cast %parallel_loop3A_350 : i32 to index
      %parallel_loop3A_595 = arith.constant 112 : index
      %parallel_loop3A_596 = tpu.vector_load %arg8[%parallel_loop3A_593, %parallel_loop3A_594, %parallel_loop3A_595] {strides = array<i32>} : memref<4x40x128xf32, #tpu.memory_space<vmem>>, vector<1x1x16xf32>,
      %parallel_loop3A_597 = vector.shape_cast %parallel_loop3A_596 : vector<1x1x16xf32> to vector<16xf32>
      %parallel_loop3A_598 = vector.shape_cast %parallel_loop3A_591 : vector<16xf32> to vector<1x1x16xf32>
      tpu.vector_store %arg8[%parallel_loop3A_593, %parallel_loop3A_594, %parallel_loop3A_595], %parallel_loop3A_598 {strides = array<i32>} : memref<4x40x128xf32, #tpu.memory_space<vmem>>, vector<1x1x16xf32>,
    } {sc.loop_unroll_factor = 2 : i64, sc.parallel_access}
    %dma_start3A_233 = arith.constant 0 : i32
    %dma_start3A_234 = arith.constant 0 : i32
    %dma_start3A_235 = arith.constant 0 : i32
    %dma_start3A_236 = arith.constant 0 : i32
    %dma_start3A_237 = arith.constant 0 : i32
    %dma_start3A_238 = tpu.memref_slice %arg8[%dma_start3A_233, %dma_start3A_236, %dma_start3A_237] : memref<4x40x128xf32, #tpu.memory_space<vmem>> -> memref<1x40x128xf32, #tpu.memory_space<vmem>>
    %dma_start3A_239 = tpu.memref_squeeze %dma_start3A_238 : memref<1x40x128xf32, #tpu.memory_space<vmem>> -> memref<40x128xf32, #tpu.memory_space<vmem>>
    %dma_start3A_240 = arith.constant 0 : i32
    %dma_start3A_241 = tpu.memref_slice %arg6[%dma_start3A_234, %dma_start3A_240] : memref<4x40xi32, #tpu.memory_space<vmem>> -> memref<1x40xi32, #tpu.memory_space<vmem>>
    %dma_start3A_242 = tpu.memref_squeeze %dma_start3A_241 : memref<1x40xi32, #tpu.memory_space<vmem>> -> memref<40xi32, #tpu.memory_space<vmem>>
    %dma_start3A_243 = arith.constant 0 : i32
    %dma_start3A_244 = arith.constant 0 : i32
    %dma_start3A_245 = tpu.memref_slice %arg9[%dma_start3A_243, %dma_start3A_244] : memref<10000x128xf32, #tpu.memory_space<vmem_shared>> -> memref<10000x128xf32, #tpu.memory_space<vmem_shared>>
    %dma_start3A_246 = tpu.memref_slice %arg12[%dma_start3A_235] : memref<4x!tpu.dma_semaphore, #tpu.memory_space<semaphore_mem>> -> memref<1x!tpu.dma_semaphore, #tpu.memory_space<semaphore_mem>>
    %dma_start3A_247 = tpu.memref_squeeze %dma_start3A_246 : memref<1x!tpu.dma_semaphore, #tpu.memory_space<semaphore_mem>> -> memref<!tpu.dma_semaphore, #tpu.memory_space<semaphore_mem>>
    tpu.enqueue_indirect_dma source(%dma_start3A_239 : memref<40x128xf32, #tpu.memory_space<vmem>>) target(%dma_start3A_245 : memref<10000x128xf32, #tpu.memory_space<vmem_shared>>) offsets(%dma_start3A_242 : memref<40xi32, #tpu.memory_space<vmem>>) semaphore(%dma_start3A_247 : memref<!tpu.dma_semaphore, #tpu.memory_space<semaphore_mem>>) {add = true}
    %dma_wait3A_248 = arith.constant 0 : i32
    %dma_wait3A_249 = arith.constant 0 : i32
    %dma_wait3A_250 = arith.constant 0 : i32
    %dma_wait3A_251 = arith.constant 0 : i32
    %dma_wait3A_252 = arith.constant 0 : i32
    %dma_wait3A_253 = tpu.memref_slice %arg8[%dma_wait3A_248, %dma_wait3A_251, %dma_wait3A_252] : memref<4x40x128xf32, #tpu.memory_space<vmem>> -> memref<1x40x128xf32, #tpu.memory_space<vmem>>
    %dma_wait3A_254 = tpu.memref_squeeze %dma_wait3A_253 : memref<1x40x128xf32, #tpu.memory_space<vmem>> -> memref<40x128xf32, #tpu.memory_space<vmem>>
    %dma_wait3A_255 = arith.constant 0 : i32
    %dma_wait3A_256 = tpu.memref_slice %arg6[%dma_wait3A_249, %dma_wait3A_255] : memref<4x40xi32, #tpu.memory_space<vmem>> -> memref<1x40xi32, #tpu.memory_space<vmem>>
    %dma_wait3A_257 = tpu.memref_squeeze %dma_wait3A_256 : memref<1x40xi32, #tpu.memory_space<vmem>> -> memref<40xi32, #tpu.memory_space<vmem>>
    %dma_wait3A_258 = arith.constant 0 : i32
    %dma_wait3A_259 = arith.constant 0 : i32
    %dma_wait3A_260 = tpu.memref_slice %arg9[%dma_wait3A_258, %dma_wait3A_259] : memref<10000x128xf32, #tpu.memory_space<vmem_shared>> -> memref<10000x128xf32, #tpu.memory_space<vmem_shared>>
    %dma_wait3A_261 = tpu.memref_slice %arg12[%dma_wait3A_250] : memref<4x!tpu.dma_semaphore, #tpu.memory_space<semaphore_mem>> -> memref<1x!tpu.dma_semaphore, #tpu.memory_space<semaphore_mem>>
    %dma_wait3A_262 = tpu.memref_squeeze %dma_wait3A_261 : memref<1x!tpu.dma_semaphore, #tpu.memory_space<semaphore_mem>> -> memref<!tpu.dma_semaphore, #tpu.memory_space<semaphore_mem>>
    tpu.wait_indirect_dma semaphore(%dma_wait3A_262 : memref<!tpu.dma_semaphore, #tpu.memory_space<semaphore_mem>>) src(%dma_wait3A_254 : memref<40x128xf32, #tpu.memory_space<vmem>>) dst(%dma_wait3A_260 : memref<10000x128xf32, #tpu.memory_space<vmem_shared>>)
    %dma_wait3A_263 = arith.constant 1 : i32
    %dma_wait3A_264 = arith.constant 1 : i32
    %dma_wait3A_265 = arith.constant 0 : i32
    %dma_wait3A_266 = arith.constant 0 : i32
    %dma_wait3A_267 = tpu.memref_slice %arg7[%dma_wait3A_263, %dma_wait3A_265, %dma_wait3A_266] : memref<4x40x128xf32, #tpu.memory_space<vmem>> -> memref<1x40x128xf32, #tpu.memory_space<vmem>>
    %dma_wait3A_268 = tpu.memref_squeeze %dma_wait3A_267 : memref<1x40x128xf32, #tpu.memory_space<vmem>> -> memref<40x128xf32, #tpu.memory_space<vmem>>
    %dma_wait3A_269 = arith.constant 0 : i32
    %dma_wait3A_270 = arith.constant 0 : i32
    %dma_wait3A_271 = tpu.memref_slice %arg2[%dma_wait3A_269, %dma_wait3A_270] : memref<10000x128xf32, #tpu.memory_space<hbm>> -> memref<40x128xf32, #tpu.memory_space<hbm>>
    %dma_wait3A_272 = tpu.memref_slice %arg11[%dma_wait3A_264] : memref<4x!tpu.dma_semaphore, #tpu.memory_space<semaphore_mem>> -> memref<1x!tpu.dma_semaphore, #tpu.memory_space<semaphore_mem>>
    %dma_wait3A_273 = tpu.memref_squeeze %dma_wait3A_272 : memref<1x!tpu.dma_semaphore, #tpu.memory_space<semaphore_mem>> -> memref<!tpu.dma_semaphore, #tpu.memory_space<semaphore_mem>>
    %dma_wait3A_274 = arith.constant 0 : i32
    %dma_wait3A_275 = arith.constant 0 : i32
    %dma_wait3A_276 = tpu.memref_slice %arg7[%dma_wait3A_263, %dma_wait3A_274, %dma_wait3A_275] : memref<4x40x128xf32, #tpu.memory_space<vmem>> -> memref<1x40x128xf32, #tpu.memory_space<vmem>>
    %dma_wait3A_277 = tpu.memref_squeeze %dma_wait3A_276 : memref<1x40x128xf32, #tpu.memory_space<vmem>> -> memref<40x128xf32, #tpu.memory_space<vmem>>
    %dma_wait3A_278 = arith.constant 0 : i32
    %dma_wait3A_279 = arith.constant 0 : i32
    %dma_wait3A_280 = tpu.memref_slice %arg2[%dma_wait3A_278, %dma_wait3A_279] : memref<10000x128xf32, #tpu.memory_space<hbm>> -> memref<40x128xf32, #tpu.memory_space<hbm>>
    tpu.wait_dma2 semaphore(%dma_wait3A_273 : memref<!tpu.dma_semaphore, #tpu.memory_space<semaphore_mem>>) src(%dma_wait3A_280 : memref<40x128xf32, #tpu.memory_space<hbm>>) dst(%dma_wait3A_277 : memref<40x128xf32, #tpu.memory_space<vmem>>)
    %dma_wait3A_281 = arith.constant 1 : i32
    %dma_wait3A_282 = arith.constant 1 : i32
    %dma_wait3A_283 = arith.constant 0 : i32
    %dma_wait3A_284 = arith.constant 0 : i32
    %dma_wait3A_285 = tpu.memref_slice %arg8[%dma_wait3A_281, %dma_wait3A_283, %dma_wait3A_284] : memref<4x40x128xf32, #tpu.memory_space<vmem>> -> memref<1x40x128xf32, #tpu.memory_space<vmem>>
    %dma_wait3A_286 = tpu.memref_squeeze %dma_wait3A_285 : memref<1x40x128xf32, #tpu.memory_space<vmem>> -> memref<40x128xf32, #tpu.memory_space<vmem>>
    %dma_wait3A_287 = arith.constant 0 : i32
    %dma_wait3A_288 = arith.constant 0 : i32
    %dma_wait3A_289 = tpu.memref_slice %arg4[%dma_wait3A_287, %dma_wait3A_288] : memref<320000x128xf32, #tpu.memory_space<hbm>> -> memref<40x128xf32, #tpu.memory_space<hbm>>
    %dma_wait3A_290 = tpu.memref_slice %arg11[%dma_wait3A_282] : memref<4x!tpu.dma_semaphore, #tpu.memory_space<semaphore_mem>> -> memref<1x!tpu.dma_semaphore, #tpu.memory_space<semaphore_mem>>
    %dma_wait3A_291 = tpu.memref_squeeze %dma_wait3A_290 : memref<1x!tpu.dma_semaphore, #tpu.memory_space<semaphore_mem>> -> memref<!tpu.dma_semaphore, #tpu.memory_space<semaphore_mem>>
    %dma_wait3A_292 = arith.constant 0 : i32
    %dma_wait3A_293 = arith.constant 0 : i32
    %dma_wait3A_294 = tpu.memref_slice %arg8[%dma_wait3A_281, %dma_wait3A_292, %dma_wait3A_293] : memref<4x40x128xf32, #tpu.memory_space<vmem>> -> memref<1x40x128xf32, #tpu.memory_space<vmem>>
    %dma_wait3A_295 = tpu.memref_squeeze %dma_wait3A_294 : memref<1x40x128xf32, #tpu.memory_space<vmem>> -> memref<40x128xf32, #tpu.memory_space<vmem>>
    %dma_wait3A_296 = arith.constant 0 : i32
    %dma_wait3A_297 = arith.constant 0 : i32
    %dma_wait3A_298 = tpu.memref_slice %arg4[%dma_wait3A_296, %dma_wait3A_297] : memref<320000x128xf32, #tpu.memory_space<hbm>> -> memref<40x128xf32, #tpu.memory_space<hbm>>
    tpu.wait_dma2 semaphore(%dma_wait3A_291 : memref<!tpu.dma_semaphore, #tpu.memory_space<semaphore_mem>>) src(%dma_wait3A_298 : memref<40x128xf32, #tpu.memory_space<hbm>>) dst(%dma_wait3A_295 : memref<40x128xf32, #tpu.memory_space<vmem>>)
    %parallel_loop3A_299 = arith.constant 0 : i32
    %parallel_loop3A_300 = arith.constant 40 : i32
    %parallel_loop3A_301 = arith.constant 1 : i32
    scf.for %parallel_loop3A_350 = %parallel_loop3A_299 to %parallel_loop3A_300 step %parallel_loop3A_301  : i32 {
      %parallel_loop3A_351 = arith.constant 0.000000e+00 : f32
      %parallel_loop3A_352 = vector.broadcast %parallel_loop3A_351 : f32 to vector<16xf32>
      %parallel_loop3A_353 = arith.constant 0.000000e+00 : f32
      %parallel_loop3A_354 = vector.broadcast %parallel_loop3A_353 : f32 to vector<16xf32>
      %parallel_loop3A_355 = arith.constant 1 : i32
      %parallel_loop3A_356 = arith.index_cast %parallel_loop3A_355 : i32 to index
      %parallel_loop3A_357 = arith.index_cast %parallel_loop3A_350 : i32 to index
      %parallel_loop3A_358 = arith.constant 0 : index
      %parallel_loop3A_359 = tpu.vector_load %arg7[%parallel_loop3A_356, %parallel_loop3A_357, %parallel_loop3A_358] {strides = array<i32>} : memref<4x40x128xf32, #tpu.memory_space<vmem>>, vector<1x1x16xf32>,
      %parallel_loop3A_360 = vector.shape_cast %parallel_loop3A_359 : vector<1x1x16xf32> to vector<16xf32>
      %parallel_loop3A_361 = arith.constant 1 : i32
      %parallel_loop3A_362 = arith.index_cast %parallel_loop3A_361 : i32 to index
      %parallel_loop3A_363 = arith.index_cast %parallel_loop3A_350 : i32 to index
      %parallel_loop3A_364 = arith.constant 0 : index
      %parallel_loop3A_365 = tpu.vector_load %arg8[%parallel_loop3A_362, %parallel_loop3A_363, %parallel_loop3A_364] {strides = array<i32>} : memref<4x40x128xf32, #tpu.memory_space<vmem>>, vector<1x1x16xf32>,
      %parallel_loop3A_366 = vector.shape_cast %parallel_loop3A_365 : vector<1x1x16xf32> to vector<16xf32>
      %parallel_loop3A_367 = arith.mulf %parallel_loop3A_360, %parallel_loop3A_366 : vector<16xf32>
      %parallel_loop3A_368 = arith.addf %parallel_loop3A_352, %parallel_loop3A_367 : vector<16xf32>
      %parallel_loop3A_369 = arith.constant 1 : i32
      %parallel_loop3A_370 = arith.index_cast %parallel_loop3A_369 : i32 to index
      %parallel_loop3A_371 = arith.index_cast %parallel_loop3A_350 : i32 to index
      %parallel_loop3A_372 = arith.constant 16 : index
      %parallel_loop3A_373 = tpu.vector_load %arg7[%parallel_loop3A_370, %parallel_loop3A_371, %parallel_loop3A_372] {strides = array<i32>} : memref<4x40x128xf32, #tpu.memory_space<vmem>>, vector<1x1x16xf32>,
      %parallel_loop3A_374 = vector.shape_cast %parallel_loop3A_373 : vector<1x1x16xf32> to vector<16xf32>
      %parallel_loop3A_375 = arith.constant 1 : i32
      %parallel_loop3A_376 = arith.index_cast %parallel_loop3A_375 : i32 to index
      %parallel_loop3A_377 = arith.index_cast %parallel_loop3A_350 : i32 to index
      %parallel_loop3A_378 = arith.constant 16 : index
      %parallel_loop3A_379 = tpu.vector_load %arg8[%parallel_loop3A_376, %parallel_loop3A_377, %parallel_loop3A_378] {strides = array<i32>} : memref<4x40x128xf32, #tpu.memory_space<vmem>>, vector<1x1x16xf32>,
      %parallel_loop3A_380 = vector.shape_cast %parallel_loop3A_379 : vector<1x1x16xf32> to vector<16xf32>
      %parallel_loop3A_381 = arith.mulf %parallel_loop3A_374, %parallel_loop3A_380 : vector<16xf32>
      %parallel_loop3A_382 = arith.addf %parallel_loop3A_354, %parallel_loop3A_381 : vector<16xf32>
      %parallel_loop3A_383 = arith.constant 1 : i32
      %parallel_loop3A_384 = arith.index_cast %parallel_loop3A_383 : i32 to index
      %parallel_loop3A_385 = arith.index_cast %parallel_loop3A_350 : i32 to index
      %parallel_loop3A_386 = arith.constant 32 : index
      %parallel_loop3A_387 = tpu.vector_load %arg7[%parallel_loop3A_384, %parallel_loop3A_385, %parallel_loop3A_386] {strides = array<i32>} : memref<4x40x128xf32, #tpu.memory_space<vmem>>, vector<1x1x16xf32>,
      %parallel_loop3A_388 = vector.shape_cast %parallel_loop3A_387 : vector<1x1x16xf32> to vector<16xf32>
      %parallel_loop3A_389 = arith.constant 1 : i32
      %parallel_loop3A_390 = arith.index_cast %parallel_loop3A_389 : i32 to index
      %parallel_loop3A_391 = arith.index_cast %parallel_loop3A_350 : i32 to index
      %parallel_loop3A_392 = arith.constant 32 : index
      %parallel_loop3A_393 = tpu.vector_load %arg8[%parallel_loop3A_390, %parallel_loop3A_391, %parallel_loop3A_392] {strides = array<i32>} : memref<4x40x128xf32, #tpu.memory_space<vmem>>, vector<1x1x16xf32>,
      %parallel_loop3A_394 = vector.shape_cast %parallel_loop3A_393 : vector<1x1x16xf32> to vector<16xf32>
      %parallel_loop3A_395 = arith.mulf %parallel_loop3A_388, %parallel_loop3A_394 : vector<16xf32>
      %parallel_loop3A_396 = arith.addf %parallel_loop3A_368, %parallel_loop3A_395 : vector<16xf32>
      %parallel_loop3A_397 = arith.constant 1 : i32
      %parallel_loop3A_398 = arith.index_cast %parallel_loop3A_397 : i32 to index
      %parallel_loop3A_399 = arith.index_cast %parallel_loop3A_350 : i32 to index
      %parallel_loop3A_400 = arith.constant 48 : index
      %parallel_loop3A_401 = tpu.vector_load %arg7[%parallel_loop3A_398, %parallel_loop3A_399, %parallel_loop3A_400] {strides = array<i32>} : memref<4x40x128xf32, #tpu.memory_space<vmem>>, vector<1x1x16xf32>,
      %parallel_loop3A_402 = vector.shape_cast %parallel_loop3A_401 : vector<1x1x16xf32> to vector<16xf32>
      %parallel_loop3A_403 = arith.constant 1 : i32
      %parallel_loop3A_404 = arith.index_cast %parallel_loop3A_403 : i32 to index
      %parallel_loop3A_405 = arith.index_cast %parallel_loop3A_350 : i32 to index
      %parallel_loop3A_406 = arith.constant 48 : index
      %parallel_loop3A_407 = tpu.vector_load %arg8[%parallel_loop3A_404, %parallel_loop3A_405, %parallel_loop3A_406] {strides = array<i32>} : memref<4x40x128xf32, #tpu.memory_space<vmem>>, vector<1x1x16xf32>,
      %parallel_loop3A_408 = vector.shape_cast %parallel_loop3A_407 : vector<1x1x16xf32> to vector<16xf32>
      %parallel_loop3A_409 = arith.mulf %parallel_loop3A_402, %parallel_loop3A_408 : vector<16xf32>
      %parallel_loop3A_410 = arith.addf %parallel_loop3A_382, %parallel_loop3A_409 : vector<16xf32>
      %parallel_loop3A_411 = arith.constant 1 : i32
      %parallel_loop3A_412 = arith.index_cast %parallel_loop3A_411 : i32 to index
      %parallel_loop3A_413 = arith.index_cast %parallel_loop3A_350 : i32 to index
      %parallel_loop3A_414 = arith.constant 64 : index
      %parallel_loop3A_415 = tpu.vector_load %arg7[%parallel_loop3A_412, %parallel_loop3A_413, %parallel_loop3A_414] {strides = array<i32>} : memref<4x40x128xf32, #tpu.memory_space<vmem>>, vector<1x1x16xf32>,
      %parallel_loop3A_416 = vector.shape_cast %parallel_loop3A_415 : vector<1x1x16xf32> to vector<16xf32>
      %parallel_loop3A_417 = arith.constant 1 : i32
      %parallel_loop3A_418 = arith.index_cast %parallel_loop3A_417 : i32 to index
      %parallel_loop3A_419 = arith.index_cast %parallel_loop3A_350 : i32 to index
      %parallel_loop3A_420 = arith.constant 64 : index
      %parallel_loop3A_421 = tpu.vector_load %arg8[%parallel_loop3A_418, %parallel_loop3A_419, %parallel_loop3A_420] {strides = array<i32>} : memref<4x40x128xf32, #tpu.memory_space<vmem>>, vector<1x1x16xf32>,
      %parallel_loop3A_422 = vector.shape_cast %parallel_loop3A_421 : vector<1x1x16xf32> to vector<16xf32>
      %parallel_loop3A_423 = arith.mulf %parallel_loop3A_416, %parallel_loop3A_422 : vector<16xf32>
      %parallel_loop3A_424 = arith.addf %parallel_loop3A_396, %parallel_loop3A_423 : vector<16xf32>
      %parallel_loop3A_425 = arith.constant 1 : i32
      %parallel_loop3A_426 = arith.index_cast %parallel_loop3A_425 : i32 to index
      %parallel_loop3A_427 = arith.index_cast %parallel_loop3A_350 : i32 to index
      %parallel_loop3A_428 = arith.constant 80 : index
      %parallel_loop3A_429 = tpu.vector_load %arg7[%parallel_loop3A_426, %parallel_loop3A_427, %parallel_loop3A_428] {strides = array<i32>} : memref<4x40x128xf32, #tpu.memory_space<vmem>>, vector<1x1x16xf32>,
      %parallel_loop3A_430 = vector.shape_cast %parallel_loop3A_429 : vector<1x1x16xf32> to vector<16xf32>
      %parallel_loop3A_431 = arith.constant 1 : i32
      %parallel_loop3A_432 = arith.index_cast %parallel_loop3A_431 : i32 to index
      %parallel_loop3A_433 = arith.index_cast %parallel_loop3A_350 : i32 to index
      %parallel_loop3A_434 = arith.constant 80 : index
      %parallel_loop3A_435 = tpu.vector_load %arg8[%parallel_loop3A_432, %parallel_loop3A_433, %parallel_loop3A_434] {strides = array<i32>} : memref<4x40x128xf32, #tpu.memory_space<vmem>>, vector<1x1x16xf32>,
      %parallel_loop3A_436 = vector.shape_cast %parallel_loop3A_435 : vector<1x1x16xf32> to vector<16xf32>
      %parallel_loop3A_437 = arith.mulf %parallel_loop3A_430, %parallel_loop3A_436 : vector<16xf32>
      %parallel_loop3A_438 = arith.addf %parallel_loop3A_410, %parallel_loop3A_437 : vector<16xf32>
      %parallel_loop3A_439 = arith.constant 1 : i32
      %parallel_loop3A_440 = arith.index_cast %parallel_loop3A_439 : i32 to index
      %parallel_loop3A_441 = arith.index_cast %parallel_loop3A_350 : i32 to index
      %parallel_loop3A_442 = arith.constant 96 : index
      %parallel_loop3A_443 = tpu.vector_load %arg7[%parallel_loop3A_440, %parallel_loop3A_441, %parallel_loop3A_442] {strides = array<i32>} : memref<4x40x128xf32, #tpu.memory_space<vmem>>, vector<1x1x16xf32>,
      %parallel_loop3A_444 = vector.shape_cast %parallel_loop3A_443 : vector<1x1x16xf32> to vector<16xf32>
      %parallel_loop3A_445 = arith.constant 1 : i32
      %parallel_loop3A_446 = arith.index_cast %parallel_loop3A_445 : i32 to index
      %parallel_loop3A_447 = arith.index_cast %parallel_loop3A_350 : i32 to index
      %parallel_loop3A_448 = arith.constant 96 : index
      %parallel_loop3A_449 = tpu.vector_load %arg8[%parallel_loop3A_446, %parallel_loop3A_447, %parallel_loop3A_448] {strides = array<i32>} : memref<4x40x128xf32, #tpu.memory_space<vmem>>, vector<1x1x16xf32>,
      %parallel_loop3A_450 = vector.shape_cast %parallel_loop3A_449 : vector<1x1x16xf32> to vector<16xf32>
      %parallel_loop3A_451 = arith.mulf %parallel_loop3A_444, %parallel_loop3A_450 : vector<16xf32>
      %parallel_loop3A_452 = arith.addf %parallel_loop3A_424, %parallel_loop3A_451 : vector<16xf32>
      %parallel_loop3A_453 = arith.constant 1 : i32
      %parallel_loop3A_454 = arith.index_cast %parallel_loop3A_453 : i32 to index
      %parallel_loop3A_455 = arith.index_cast %parallel_loop3A_350 : i32 to index
      %parallel_loop3A_456 = arith.constant 112 : index
      %parallel_loop3A_457 = tpu.vector_load %arg7[%parallel_loop3A_454, %parallel_loop3A_455, %parallel_loop3A_456] {strides = array<i32>} : memref<4x40x128xf32, #tpu.memory_space<vmem>>, vector<1x1x16xf32>,
      %parallel_loop3A_458 = vector.shape_cast %parallel_loop3A_457 : vector<1x1x16xf32> to vector<16xf32>
      %parallel_loop3A_459 = arith.constant 1 : i32
      %parallel_loop3A_460 = arith.index_cast %parallel_loop3A_459 : i32 to index
      %parallel_loop3A_461 = arith.index_cast %parallel_loop3A_350 : i32 to index
      %parallel_loop3A_462 = arith.constant 112 : index
      %parallel_loop3A_463 = tpu.vector_load %arg8[%parallel_loop3A_460, %parallel_loop3A_461, %parallel_loop3A_462] {strides = array<i32>} : memref<4x40x128xf32, #tpu.memory_space<vmem>>, vector<1x1x16xf32>,
      %parallel_loop3A_464 = vector.shape_cast %parallel_loop3A_463 : vector<1x1x16xf32> to vector<16xf32>
      %parallel_loop3A_465 = arith.mulf %parallel_loop3A_458, %parallel_loop3A_464 : vector<16xf32>
      %parallel_loop3A_466 = arith.addf %parallel_loop3A_438, %parallel_loop3A_465 : vector<16xf32>
      %parallel_loop3A_467 = arith.addf %parallel_loop3A_452, %parallel_loop3A_466 : vector<16xf32>
      %parallel_loop3A_468 = tpu.iota {dimensions = array<i32: 0>} : vector<16xi32>
      %parallel_loop3A_469 = arith.constant 8 : i32
      %parallel_loop3A_470 = vector.broadcast %parallel_loop3A_469 : i32 to vector<16xi32>
      %parallel_loop3A_471 = arith.xori %parallel_loop3A_468, %parallel_loop3A_470 : vector<16xi32>
      %parallel_loop3A_472 = arith.constant 0 : i32
      %parallel_loop3A_473 = vector.broadcast %parallel_loop3A_472 : i32 to vector<16xi32>
      %parallel_loop3A_474 = arith.cmpi slt, %parallel_loop3A_471, %parallel_loop3A_473 : vector<16xi32>
      %parallel_loop3A_475 = arith.constant 16 : i32
      %parallel_loop3A_476 = vector.broadcast %parallel_loop3A_475 : i32 to vector<16xi32>
      %parallel_loop3A_477 = arith.addi %parallel_loop3A_471, %parallel_loop3A_476 : vector<16xi32>
      %parallel_loop3A_478 = arith.select %parallel_loop3A_474, %parallel_loop3A_477, %parallel_loop3A_471 : vector<16xi1>, vector<16xi32>
      %parallel_loop3A_479 = vector.shape_cast %parallel_loop3A_478 : vector<16xi32> to vector<16x1xi32>
      %parallel_loop3A_480 = vector.shape_cast %parallel_loop3A_479 : vector<16x1xi32> to vector<16xi32>
      %parallel_loop3A_481 = tpu.dynamic_gather %parallel_loop3A_467[%parallel_loop3A_480] in [0] : vector<16xf32>, vector<16xi32> -> vector<16xf32>
      %parallel_loop3A_482 = arith.addf %parallel_loop3A_467, %parallel_loop3A_481 : vector<16xf32>
      %parallel_loop3A_483 = arith.constant 4 : i32
      %parallel_loop3A_484 = vector.broadcast %parallel_loop3A_483 : i32 to vector<16xi32>
      %parallel_loop3A_485 = arith.xori %parallel_loop3A_468, %parallel_loop3A_484 : vector<16xi32>
      %parallel_loop3A_486 = arith.constant 0 : i32
      %parallel_loop3A_487 = vector.broadcast %parallel_loop3A_486 : i32 to vector<16xi32>
      %parallel_loop3A_488 = arith.cmpi slt, %parallel_loop3A_485, %parallel_loop3A_487 : vector<16xi32>
      %parallel_loop3A_489 = arith.constant 16 : i32
      %parallel_loop3A_490 = vector.broadcast %parallel_loop3A_489 : i32 to vector<16xi32>
      %parallel_loop3A_491 = arith.addi %parallel_loop3A_485, %parallel_loop3A_490 : vector<16xi32>
      %parallel_loop3A_492 = arith.select %parallel_loop3A_488, %parallel_loop3A_491, %parallel_loop3A_485 : vector<16xi1>, vector<16xi32>
      %parallel_loop3A_493 = vector.shape_cast %parallel_loop3A_492 : vector<16xi32> to vector<16x1xi32>
      %parallel_loop3A_494 = vector.shape_cast %parallel_loop3A_493 : vector<16x1xi32> to vector<16xi32>
      %parallel_loop3A_495 = tpu.dynamic_gather %parallel_loop3A_482[%parallel_loop3A_494] in [0] : vector<16xf32>, vector<16xi32> -> vector<16xf32>
      %parallel_loop3A_496 = arith.addf %parallel_loop3A_482, %parallel_loop3A_495 : vector<16xf32>
      %parallel_loop3A_497 = arith.constant 2 : i32
      %parallel_loop3A_498 = vector.broadcast %parallel_loop3A_497 : i32 to vector<16xi32>
      %parallel_loop3A_499 = arith.xori %parallel_loop3A_468, %parallel_loop3A_498 : vector<16xi32>
      %parallel_loop3A_500 = arith.constant 0 : i32
      %parallel_loop3A_501 = vector.broadcast %parallel_loop3A_500 : i32 to vector<16xi32>
      %parallel_loop3A_502 = arith.cmpi slt, %parallel_loop3A_499, %parallel_loop3A_501 : vector<16xi32>
      %parallel_loop3A_503 = arith.constant 16 : i32
      %parallel_loop3A_504 = vector.broadcast %parallel_loop3A_503 : i32 to vector<16xi32>
      %parallel_loop3A_505 = arith.addi %parallel_loop3A_499, %parallel_loop3A_504 : vector<16xi32>
      %parallel_loop3A_506 = arith.select %parallel_loop3A_502, %parallel_loop3A_505, %parallel_loop3A_499 : vector<16xi1>, vector<16xi32>
      %parallel_loop3A_507 = vector.shape_cast %parallel_loop3A_506 : vector<16xi32> to vector<16x1xi32>
      %parallel_loop3A_508 = vector.shape_cast %parallel_loop3A_507 : vector<16x1xi32> to vector<16xi32>
      %parallel_loop3A_509 = tpu.dynamic_gather %parallel_loop3A_496[%parallel_loop3A_508] in [0] : vector<16xf32>, vector<16xi32> -> vector<16xf32>
      %parallel_loop3A_510 = arith.addf %parallel_loop3A_496, %parallel_loop3A_509 : vector<16xf32>
      %parallel_loop3A_511 = arith.constant 1 : i32
      %parallel_loop3A_512 = vector.broadcast %parallel_loop3A_511 : i32 to vector<16xi32>
      %parallel_loop3A_513 = arith.xori %parallel_loop3A_468, %parallel_loop3A_512 : vector<16xi32>
      %parallel_loop3A_514 = arith.constant 0 : i32
      %parallel_loop3A_515 = vector.broadcast %parallel_loop3A_514 : i32 to vector<16xi32>
      %parallel_loop3A_516 = arith.cmpi slt, %parallel_loop3A_513, %parallel_loop3A_515 : vector<16xi32>
      %parallel_loop3A_517 = arith.constant 16 : i32
      %parallel_loop3A_518 = vector.broadcast %parallel_loop3A_517 : i32 to vector<16xi32>
      %parallel_loop3A_519 = arith.addi %parallel_loop3A_513, %parallel_loop3A_518 : vector<16xi32>
      %parallel_loop3A_520 = arith.select %parallel_loop3A_516, %parallel_loop3A_519, %parallel_loop3A_513 : vector<16xi1>, vector<16xi32>
      %parallel_loop3A_521 = vector.shape_cast %parallel_loop3A_520 : vector<16xi32> to vector<16x1xi32>
      %parallel_loop3A_522 = vector.shape_cast %parallel_loop3A_521 : vector<16x1xi32> to vector<16xi32>
      %parallel_loop3A_523 = tpu.dynamic_gather %parallel_loop3A_510[%parallel_loop3A_522] in [0] : vector<16xf32>, vector<16xi32> -> vector<16xf32>
      %parallel_loop3A_524 = arith.addf %parallel_loop3A_510, %parallel_loop3A_523 : vector<16xf32>
      %parallel_loop3A_525 = arith.constant 0.000000e+00 : f32
      %parallel_loop3A_526 = vector.broadcast %parallel_loop3A_525 : f32 to vector<16xf32>
      %parallel_loop3A_527 = arith.subf %parallel_loop3A_526, %parallel_loop3A_524 : vector<16xf32>
      %parallel_loop3A_528 = math.exp %parallel_loop3A_527 : vector<16xf32>
      %parallel_loop3A_529 = arith.constant 1.000000e+00 : f32
      %parallel_loop3A_530 = vector.broadcast %parallel_loop3A_529 : f32 to vector<16xf32>
      %parallel_loop3A_531 = arith.addf %parallel_loop3A_530, %parallel_loop3A_528 : vector<16xf32>
      %parallel_loop3A_532 = arith.constant 1.000000e+00 : f32
      %parallel_loop3A_533 = vector.broadcast %parallel_loop3A_532 : f32 to vector<16xf32>
      %parallel_loop3A_534 = arith.divf %parallel_loop3A_533, %parallel_loop3A_531 : vector<16xf32>
      %parallel_loop3A_535 = arith.mulf %parallel_loop3A_534, %parallel_loop3A_366 : vector<16xf32>
      %parallel_loop3A_536 = arith.constant 1 : i32
      %parallel_loop3A_537 = arith.index_cast %parallel_loop3A_536 : i32 to index
      %parallel_loop3A_538 = arith.index_cast %parallel_loop3A_350 : i32 to index
      %parallel_loop3A_539 = arith.constant 0 : index
      %parallel_loop3A_540 = tpu.vector_load %arg8[%parallel_loop3A_537, %parallel_loop3A_538, %parallel_loop3A_539] {strides = array<i32>} : memref<4x40x128xf32, #tpu.memory_space<vmem>>, vector<1x1x16xf32>,
      %parallel_loop3A_541 = vector.shape_cast %parallel_loop3A_540 : vector<1x1x16xf32> to vector<16xf32>
      %parallel_loop3A_542 = vector.shape_cast %parallel_loop3A_535 : vector<16xf32> to vector<1x1x16xf32>
      tpu.vector_store %arg8[%parallel_loop3A_537, %parallel_loop3A_538, %parallel_loop3A_539], %parallel_loop3A_542 {strides = array<i32>} : memref<4x40x128xf32, #tpu.memory_space<vmem>>, vector<1x1x16xf32>,
      %parallel_loop3A_543 = arith.mulf %parallel_loop3A_534, %parallel_loop3A_380 : vector<16xf32>
      %parallel_loop3A_544 = arith.constant 1 : i32
      %parallel_loop3A_545 = arith.index_cast %parallel_loop3A_544 : i32 to index
      %parallel_loop3A_546 = arith.index_cast %parallel_loop3A_350 : i32 to index
      %parallel_loop3A_547 = arith.constant 16 : index
      %parallel_loop3A_548 = tpu.vector_load %arg8[%parallel_loop3A_545, %parallel_loop3A_546, %parallel_loop3A_547] {strides = array<i32>} : memref<4x40x128xf32, #tpu.memory_space<vmem>>, vector<1x1x16xf32>,
      %parallel_loop3A_549 = vector.shape_cast %parallel_loop3A_548 : vector<1x1x16xf32> to vector<16xf32>
      %parallel_loop3A_550 = vector.shape_cast %parallel_loop3A_543 : vector<16xf32> to vector<1x1x16xf32>
      tpu.vector_store %arg8[%parallel_loop3A_545, %parallel_loop3A_546, %parallel_loop3A_547], %parallel_loop3A_550 {strides = array<i32>} : memref<4x40x128xf32, #tpu.memory_space<vmem>>, vector<1x1x16xf32>,
      %parallel_loop3A_551 = arith.mulf %parallel_loop3A_534, %parallel_loop3A_394 : vector<16xf32>
      %parallel_loop3A_552 = arith.constant 1 : i32
      %parallel_loop3A_553 = arith.index_cast %parallel_loop3A_552 : i32 to index
      %parallel_loop3A_554 = arith.index_cast %parallel_loop3A_350 : i32 to index
      %parallel_loop3A_555 = arith.constant 32 : index
      %parallel_loop3A_556 = tpu.vector_load %arg8[%parallel_loop3A_553, %parallel_loop3A_554, %parallel_loop3A_555] {strides = array<i32>} : memref<4x40x128xf32, #tpu.memory_space<vmem>>, vector<1x1x16xf32>,
      %parallel_loop3A_557 = vector.shape_cast %parallel_loop3A_556 : vector<1x1x16xf32> to vector<16xf32>
      %parallel_loop3A_558 = vector.shape_cast %parallel_loop3A_551 : vector<16xf32> to vector<1x1x16xf32>
      tpu.vector_store %arg8[%parallel_loop3A_553, %parallel_loop3A_554, %parallel_loop3A_555], %parallel_loop3A_558 {strides = array<i32>} : memref<4x40x128xf32, #tpu.memory_space<vmem>>, vector<1x1x16xf32>,
      %parallel_loop3A_559 = arith.mulf %parallel_loop3A_534, %parallel_loop3A_408 : vector<16xf32>
      %parallel_loop3A_560 = arith.constant 1 : i32
      %parallel_loop3A_561 = arith.index_cast %parallel_loop3A_560 : i32 to index
      %parallel_loop3A_562 = arith.index_cast %parallel_loop3A_350 : i32 to index
      %parallel_loop3A_563 = arith.constant 48 : index
      %parallel_loop3A_564 = tpu.vector_load %arg8[%parallel_loop3A_561, %parallel_loop3A_562, %parallel_loop3A_563] {strides = array<i32>} : memref<4x40x128xf32, #tpu.memory_space<vmem>>, vector<1x1x16xf32>,
      %parallel_loop3A_565 = vector.shape_cast %parallel_loop3A_564 : vector<1x1x16xf32> to vector<16xf32>
      %parallel_loop3A_566 = vector.shape_cast %parallel_loop3A_559 : vector<16xf32> to vector<1x1x16xf32>
      tpu.vector_store %arg8[%parallel_loop3A_561, %parallel_loop3A_562, %parallel_loop3A_563], %parallel_loop3A_566 {strides = array<i32>} : memref<4x40x128xf32, #tpu.memory_space<vmem>>, vector<1x1x16xf32>,
      %parallel_loop3A_567 = arith.mulf %parallel_loop3A_534, %parallel_loop3A_422 : vector<16xf32>
      %parallel_loop3A_568 = arith.constant 1 : i32
      %parallel_loop3A_569 = arith.index_cast %parallel_loop3A_568 : i32 to index
      %parallel_loop3A_570 = arith.index_cast %parallel_loop3A_350 : i32 to index
      %parallel_loop3A_571 = arith.constant 64 : index
      %parallel_loop3A_572 = tpu.vector_load %arg8[%parallel_loop3A_569, %parallel_loop3A_570, %parallel_loop3A_571] {strides = array<i32>} : memref<4x40x128xf32, #tpu.memory_space<vmem>>, vector<1x1x16xf32>,
      %parallel_loop3A_573 = vector.shape_cast %parallel_loop3A_572 : vector<1x1x16xf32> to vector<16xf32>
      %parallel_loop3A_574 = vector.shape_cast %parallel_loop3A_567 : vector<16xf32> to vector<1x1x16xf32>
      tpu.vector_store %arg8[%parallel_loop3A_569, %parallel_loop3A_570, %parallel_loop3A_571], %parallel_loop3A_574 {strides = array<i32>} : memref<4x40x128xf32, #tpu.memory_space<vmem>>, vector<1x1x16xf32>,
      %parallel_loop3A_575 = arith.mulf %parallel_loop3A_534, %parallel_loop3A_436 : vector<16xf32>
      %parallel_loop3A_576 = arith.constant 1 : i32
      %parallel_loop3A_577 = arith.index_cast %parallel_loop3A_576 : i32 to index
      %parallel_loop3A_578 = arith.index_cast %parallel_loop3A_350 : i32 to index
      %parallel_loop3A_579 = arith.constant 80 : index
      %parallel_loop3A_580 = tpu.vector_load %arg8[%parallel_loop3A_577, %parallel_loop3A_578, %parallel_loop3A_579] {strides = array<i32>} : memref<4x40x128xf32, #tpu.memory_space<vmem>>, vector<1x1x16xf32>,
      %parallel_loop3A_581 = vector.shape_cast %parallel_loop3A_580 : vector<1x1x16xf32> to vector<16xf32>
      %parallel_loop3A_582 = vector.shape_cast %parallel_loop3A_575 : vector<16xf32> to vector<1x1x16xf32>
      tpu.vector_store %arg8[%parallel_loop3A_577, %parallel_loop3A_578, %parallel_loop3A_579], %parallel_loop3A_582 {strides = array<i32>} : memref<4x40x128xf32, #tpu.memory_space<vmem>>, vector<1x1x16xf32>,
      %parallel_loop3A_583 = arith.mulf %parallel_loop3A_534, %parallel_loop3A_450 : vector<16xf32>
      %parallel_loop3A_584 = arith.constant 1 : i32
      %parallel_loop3A_585 = arith.index_cast %parallel_loop3A_584 : i32 to index
      %parallel_loop3A_586 = arith.index_cast %parallel_loop3A_350 : i32 to index
      %parallel_loop3A_587 = arith.constant 96 : index
      %parallel_loop3A_588 = tpu.vector_load %arg8[%parallel_loop3A_585, %parallel_loop3A_586, %parallel_loop3A_587] {strides = array<i32>} : memref<4x40x128xf32, #tpu.memory_space<vmem>>, vector<1x1x16xf32>,
      %parallel_loop3A_589 = vector.shape_cast %parallel_loop3A_588 : vector<1x1x16xf32> to vector<16xf32>
      %parallel_loop3A_590 = vector.shape_cast %parallel_loop3A_583 : vector<16xf32> to vector<1x1x16xf32>
      tpu.vector_store %arg8[%parallel_loop3A_585, %parallel_loop3A_586, %parallel_loop3A_587], %parallel_loop3A_590 {strides = array<i32>} : memref<4x40x128xf32, #tpu.memory_space<vmem>>, vector<1x1x16xf32>,
      %parallel_loop3A_591 = arith.mulf %parallel_loop3A_534, %parallel_loop3A_464 : vector<16xf32>
      %parallel_loop3A_592 = arith.constant 1 : i32
      %parallel_loop3A_593 = arith.index_cast %parallel_loop3A_592 : i32 to index
      %parallel_loop3A_594 = arith.index_cast %parallel_loop3A_350 : i32 to index
      %parallel_loop3A_595 = arith.constant 112 : index
      %parallel_loop3A_596 = tpu.vector_load %arg8[%parallel_loop3A_593, %parallel_loop3A_594, %parallel_loop3A_595] {strides = array<i32>} : memref<4x40x128xf32, #tpu.memory_space<vmem>>, vector<1x1x16xf32>,
      %parallel_loop3A_597 = vector.shape_cast %parallel_loop3A_596 : vector<1x1x16xf32> to vector<16xf32>
      %parallel_loop3A_598 = vector.shape_cast %parallel_loop3A_591 : vector<16xf32> to vector<1x1x16xf32>
      tpu.vector_store %arg8[%parallel_loop3A_593, %parallel_loop3A_594, %parallel_loop3A_595], %parallel_loop3A_598 {strides = array<i32>} : memref<4x40x128xf32, #tpu.memory_space<vmem>>, vector<1x1x16xf32>,
    } {sc.loop_unroll_factor = 2 : i64, sc.parallel_access}
    %dma_start3A_302 = arith.constant 1 : i32
    %dma_start3A_303 = arith.constant 1 : i32
    %dma_start3A_304 = arith.constant 1 : i32
    %dma_start3A_305 = arith.constant 0 : i32
    %dma_start3A_306 = arith.constant 0 : i32
    %dma_start3A_307 = tpu.memref_slice %arg8[%dma_start3A_302, %dma_start3A_305, %dma_start3A_306] : memref<4x40x128xf32, #tpu.memory_space<vmem>> -> memref<1x40x128xf32, #tpu.memory_space<vmem>>
    %dma_start3A_308 = tpu.memref_squeeze %dma_start3A_307 : memref<1x40x128xf32, #tpu.memory_space<vmem>> -> memref<40x128xf32, #tpu.memory_space<vmem>>
    %dma_start3A_309 = arith.constant 0 : i32
    %dma_start3A_310 = tpu.memref_slice %arg6[%dma_start3A_303, %dma_start3A_309] : memref<4x40xi32, #tpu.memory_space<vmem>> -> memref<1x40xi32, #tpu.memory_space<vmem>>
    %dma_start3A_311 = tpu.memref_squeeze %dma_start3A_310 : memref<1x40xi32, #tpu.memory_space<vmem>> -> memref<40xi32, #tpu.memory_space<vmem>>
    %dma_start3A_312 = arith.constant 0 : i32
    %dma_start3A_313 = arith.constant 0 : i32
    %dma_start3A_314 = tpu.memref_slice %arg9[%dma_start3A_312, %dma_start3A_313] : memref<10000x128xf32, #tpu.memory_space<vmem_shared>> -> memref<10000x128xf32, #tpu.memory_space<vmem_shared>>
    %dma_start3A_315 = tpu.memref_slice %arg12[%dma_start3A_304] : memref<4x!tpu.dma_semaphore, #tpu.memory_space<semaphore_mem>> -> memref<1x!tpu.dma_semaphore, #tpu.memory_space<semaphore_mem>>
    %dma_start3A_316 = tpu.memref_squeeze %dma_start3A_315 : memref<1x!tpu.dma_semaphore, #tpu.memory_space<semaphore_mem>> -> memref<!tpu.dma_semaphore, #tpu.memory_space<semaphore_mem>>
    tpu.enqueue_indirect_dma source(%dma_start3A_308 : memref<40x128xf32, #tpu.memory_space<vmem>>) target(%dma_start3A_314 : memref<10000x128xf32, #tpu.memory_space<vmem_shared>>) offsets(%dma_start3A_311 : memref<40xi32, #tpu.memory_space<vmem>>) semaphore(%dma_start3A_316 : memref<!tpu.dma_semaphore, #tpu.memory_space<semaphore_mem>>) {add = true}
    %dma_wait3A_317 = arith.constant 1 : i32
    %dma_wait3A_318 = arith.constant 1 : i32
    %dma_wait3A_319 = arith.constant 1 : i32
    %dma_wait3A_320 = arith.constant 0 : i32
    %dma_wait3A_321 = arith.constant 0 : i32
    %dma_wait3A_322 = tpu.memref_slice %arg8[%dma_wait3A_317, %dma_wait3A_320, %dma_wait3A_321] : memref<4x40x128xf32, #tpu.memory_space<vmem>> -> memref<1x40x128xf32, #tpu.memory_space<vmem>>
    %dma_wait3A_323 = tpu.memref_squeeze %dma_wait3A_322 : memref<1x40x128xf32, #tpu.memory_space<vmem>> -> memref<40x128xf32, #tpu.memory_space<vmem>>
    %dma_wait3A_324 = arith.constant 0 : i32
    %dma_wait3A_325 = tpu.memref_slice %arg6[%dma_wait3A_318, %dma_wait3A_324] : memref<4x40xi32, #tpu.memory_space<vmem>> -> memref<1x40xi32, #tpu.memory_space<vmem>>
    %dma_wait3A_326 = tpu.memref_squeeze %dma_wait3A_325 : memref<1x40xi32, #tpu.memory_space<vmem>> -> memref<40xi32, #tpu.memory_space<vmem>>
    %dma_wait3A_327 = arith.constant 0 : i32
    %dma_wait3A_328 = arith.constant 0 : i32
    %dma_wait3A_329 = tpu.memref_slice %arg9[%dma_wait3A_327, %dma_wait3A_328] : memref<10000x128xf32, #tpu.memory_space<vmem_shared>> -> memref<10000x128xf32, #tpu.memory_space<vmem_shared>>
    %dma_wait3A_330 = tpu.memref_slice %arg12[%dma_wait3A_319] : memref<4x!tpu.dma_semaphore, #tpu.memory_space<semaphore_mem>> -> memref<1x!tpu.dma_semaphore, #tpu.memory_space<semaphore_mem>>
    %dma_wait3A_331 = tpu.memref_squeeze %dma_wait3A_330 : memref<1x!tpu.dma_semaphore, #tpu.memory_space<semaphore_mem>> -> memref<!tpu.dma_semaphore, #tpu.memory_space<semaphore_mem>>
    tpu.wait_indirect_dma semaphore(%dma_wait3A_331 : memref<!tpu.dma_semaphore, #tpu.memory_space<semaphore_mem>>) src(%dma_wait3A_323 : memref<40x128xf32, #tpu.memory_space<vmem>>) dst(%dma_wait3A_329 : memref<10000x128xf32, #tpu.memory_space<vmem_shared>>)
    %barrier3A_332 = arith.constant 0 : index
    tpu.barrier barrier_id(%barrier3A_332)
    %scan3A_333 = arith.constant 0 : i32
    %scan3A_334 = arith.constant 0 : i32
    %scan3A_335 = arith.constant 16 : i32
    %scan3A_336 = arith.addi %scan3A_334, %scan3A_335 : i32
    %scan3A_337 = arith.constant 1 : i32
    %scan3A_338 = scf.for %scan3A_350 = %scan3A_334 to %scan3A_336 step %scan3A_337 iter_args(%scan3A_351 = %scan3A_333) -> (i32)  : i32 {
      %mul3A_352 = arith.constant 16 : i32
      %mul3A_353 = arith.muli %scan3A_350, %mul3A_352 : i32
      %add3A_354 = arith.addi %arg1, %mul3A_353 : i32
      %lt3A = arith.constant 250 : i32
      %lt3A_355 = arith.cmpi slt, %add3A_354, %lt3A : i32
      %convert_element_type3A = arith.extui %lt3A_355 : i1 to i32
      %cond3A = arith.constant 0 : i32
      %cond3A_356 = arith.cmpi ne, %convert_element_type3A, %cond3A : i32
      scf.if %cond3A_356 {
        %mul3A_361 = arith.constant 40 : i32
        %mul3A_362 = arith.muli %add3A_354, %mul3A_361 : i32
        %mul3A_363 = arith.constant 10000 : i32
        %mul3A_364 = arith.muli %arg0, %mul3A_363 : i32
        %mul3A_365 = arith.constant 40 : i32
        %mul3A_366 = arith.muli %add3A_354, %mul3A_365 : i32
        %add3A_367 = arith.addi %mul3A_364, %mul3A_366 : i32
        %dma_start3A_368 = arith.constant 0 : i32
        %dma_start3A_369 = tpu.memref_slice %arg5[%add3A_367, %dma_start3A_368] : memref<20000x128xf32, #tpu.memory_space<hbm>> -> memref<40x128xf32, #tpu.memory_space<hbm>>
        %dma_start3A_370 = arith.constant 0 : i32
        %dma_start3A_371 = tpu.memref_slice %arg9[%mul3A_362, %dma_start3A_370] : memref<10000x128xf32, #tpu.memory_space<vmem_shared>> -> memref<40x128xf32, #tpu.memory_space<vmem_shared>>
        tpu.enqueue_dma source(%dma_start3A_371 : memref<40x128xf32, #tpu.memory_space<vmem_shared>>) target(%dma_start3A_369 : memref<40x128xf32, #tpu.memory_space<hbm>>) target_semaphore(%arg13 : memref<!tpu.dma_semaphore, #tpu.memory_space<semaphore_mem>>)
      } else {
      }
      %lt3A_357 = arith.constant 250 : i32
      %lt3A_358 = arith.cmpi slt, %add3A_354, %lt3A_357 : i32
      %jit3A = arith.constant 1 : i32
      %jit3A_359 = arith.constant 0 : i32
      %select_n3A = arith.select %lt3A_358, %jit3A, %jit3A_359 : i32
      %add3A_360 = arith.addi %scan3A_351, %select_n3A : i32
      scf.yield %add3A_360 : i32
    }
    %scan3A_339 = arith.constant 16 : i32
    %while3A_340 = arith.constant 0 : i32
    %while3A_341 = arith.constant 0 : i32
    %while3A_342 = arith.subi %scan3A_338, %while3A_341 : i32
    %while3A_343 = arith.addi %while3A_341, %while3A_342 : i32
    %while3A_344 = arith.constant 1 : i32
    %while3A_345 = arith.divsi %while3A_342, %while3A_344 : i32
    %while3A_346 = arith.muli %while3A_345, %while3A_344 : i32
    %while3A_347 = arith.addi %while3A_341, %while3A_346 : i32
    %while3A_348 = arith.constant 1 : i32
    scf.for %while3A_350 = %while3A_341 to %while3A_347 step %while3A_348  : i32 {
      %dma_wait3A_351 = arith.constant 0 : i32
      %dma_wait3A_352 = arith.constant 0 : i32
      %dma_wait3A_353 = tpu.memref_slice %arg5[%dma_wait3A_351, %dma_wait3A_352] : memref<20000x128xf32, #tpu.memory_space<hbm>> -> memref<40x128xf32, #tpu.memory_space<hbm>>
      %dma_wait3A_354 = arith.constant 0 : i32
      %dma_wait3A_355 = arith.constant 0 : i32
      %dma_wait3A_356 = tpu.memref_slice %arg9[%dma_wait3A_354, %dma_wait3A_355] : memref<10000x128xf32, #tpu.memory_space<vmem_shared>> -> memref<40x128xf32, #tpu.memory_space<vmem_shared>>
      tpu.wait_dma2 semaphore(%arg13 : memref<!tpu.dma_semaphore, #tpu.memory_space<semaphore_mem>>) src(%dma_wait3A_356 : memref<40x128xf32, #tpu.memory_space<vmem_shared>>) dst(%dma_wait3A_353 : memref<40x128xf32, #tpu.memory_space<hbm>>)
    }
    %while3A_349 = arith.constant 1 : i32
    scf.for %while3A_350 = %while3A_347 to %while3A_343 step %while3A_349  : i32 {
      %dma_wait3A_351 = arith.constant 0 : i32
      %dma_wait3A_352 = arith.constant 0 : i32
      %dma_wait3A_353 = tpu.memref_slice %arg5[%dma_wait3A_351, %dma_wait3A_352] : memref<20000x128xf32, #tpu.memory_space<hbm>> -> memref<40x128xf32, #tpu.memory_space<hbm>>
      %dma_wait3A_354 = arith.constant 0 : i32
      %dma_wait3A_355 = arith.constant 0 : i32
      %dma_wait3A_356 = tpu.memref_slice %arg9[%dma_wait3A_354, %dma_wait3A_355] : memref<10000x128xf32, #tpu.memory_space<vmem_shared>> -> memref<40x128xf32, #tpu.memory_space<vmem_shared>>
      tpu.wait_dma2 semaphore(%arg13 : memref<!tpu.dma_semaphore, #tpu.memory_space<semaphore_mem>>) src(%dma_wait3A_356 : memref<40x128xf32, #tpu.memory_space<vmem_shared>>) dst(%dma_wait3A_353 : memref<40x128xf32, #tpu.memory_space<hbm>>)
    }
    return
  }
}

module attributes {stable_mosaic.version = 14 : i64} {
  func.func @body(%arg0: memref<10000x128xf32, #tpu.memory_space<vmem>>, %arg1: memref<128x128xf32, #tpu.memory_space<vmem>>, %arg2: memref<1x128xf32, #tpu.memory_space<vmem>>, %arg3: memref<10000x128xf32, #tpu.memory_space<vmem>>) attributes {dimension_semantics = [], scalar_prefetch = 0 : i64, scratch_operands = 0 : i64, tpu.core_type = #tpu.core_type<tc>} {
    %get3A = arith.constant 0 : index
    %get3A_0 = arith.constant 0 : index
    %get3A_1 = vector.load %arg0[%get3A, %get3A_0] : memref<10000x128xf32, #tpu.memory_space<vmem>>, vector<10000x128xf32>
    %get3A_2 = arith.constant 0 : index
    %get3A_3 = arith.constant 0 : index
    %get3A_4 = vector.load %arg1[%get3A_2, %get3A_3] : memref<128x128xf32, #tpu.memory_space<vmem>>, vector<128x128xf32>
    %dot_general3A = arith.constant dense<0.000000e+00> : vector<10000x128xf32>
    %dot_general3A_5 = tpu.matmul %get3A_1, %get3A_4, %dot_general3A {dimension_numbers = #tpu.dot_dimension_numbers<[1], [0], [0], [1], [0, 0, 1, 1], [], []>, transpose_lhs_hint = false} : vector<10000x128xf32>, vector<128x128xf32>, vector<10000x128xf32> -> vector<10000x128xf32>
    %get3A_6 = arith.constant 0 : index
    %get3A_7 = arith.constant 0 : index
    %get3A_8 = vector.load %arg2[%get3A_6, %get3A_7] : memref<1x128xf32, #tpu.memory_space<vmem>>, vector<1x128xf32>
    %add3A = vector.broadcast %get3A_8 : vector<1x128xf32> to vector<10000x128xf32>
    %add3A_9 = arith.addf %dot_general3A_5, %add3A : vector<10000x128xf32>
    %tanh3A = math.tanh %add3A_9 : vector<10000x128xf32>
    %swap3A = arith.constant 0 : index
    %swap3A_10 = arith.constant 0 : index
    %swap3A_11 = vector.load %arg3[%swap3A, %swap3A_10] : memref<10000x128xf32, #tpu.memory_space<vmem>>, vector<10000x128xf32>
    tpu.vector_store %arg3[%swap3A, %swap3A_10], %tanh3A {strides = array<i32>} : memref<10000x128xf32, #tpu.memory_space<vmem>>, vector<10000x128xf32>,
    return
  }
}

module attributes {stable_mosaic.version = 14 : i64} {
  func.func @body(%arg0: memref<10000x128xf32, #tpu.memory_space<vmem>>, %arg1: memref<10000x128xf32, #tpu.memory_space<vmem>>, %arg2: memref<10000x128xf32, #tpu.memory_space<vmem>>) attributes {dimension_semantics = [], scalar_prefetch = 0 : i64, scratch_operands = 0 : i64, tpu.core_type = #tpu.core_type<tc>} {
    %get3A = arith.constant 0 : index
    %get3A_0 = arith.constant 0 : index
    %get3A_1 = vector.load %arg0[%get3A, %get3A_0] : memref<10000x128xf32, #tpu.memory_space<vmem>>, vector<10000x128xf32>
    %get3A_2 = arith.constant 0 : index
    %get3A_3 = arith.constant 0 : index
    %get3A_4 = vector.load %arg1[%get3A_2, %get3A_3] : memref<10000x128xf32, #tpu.memory_space<vmem>>, vector<10000x128xf32>
    %add3A = arith.addf %get3A_1, %get3A_4 : vector<10000x128xf32>
    %swap3A = arith.constant 0 : index
    %swap3A_5 = arith.constant 0 : index
    %swap3A_6 = vector.load %arg2[%swap3A, %swap3A_5] : memref<10000x128xf32, #tpu.memory_space<vmem>>, vector<10000x128xf32>
    tpu.vector_store %arg2[%swap3A, %swap3A_5], %add3A {strides = array<i32>} : memref<10000x128xf32, #tpu.memory_space<vmem>>, vector<10000x128xf32>,
    return
  }
}

</mosaic_0001>

<sc_bundles>
// kernel: kernel.5.cloned.1.call-start
scs
__scs_entry_jumppad:
0x0: {  	(pc) =	sbr.rel $0x88, $3  }
0x1: {  	(tag) =	ssettag $0x0;
	lr =	simm.s32 $0x1  }
0x2: {  	[smem:$0x3F9C] =	sst lr;
	_ =	strace $0xD0000000  }
0x3: {  	_ = 	snop  }
0x4: {  	_ = 	snop  }
0x5: {  	_ = 	snop  }
0x6: {  	_ = 	snop  }
0x7: {  	_ = 	snop  }
__scs_overlays_trampoline_lowered:
0x8: {  	[smem:$0x3FAB] =	sst s0  }
0x9: {  	[smem:$0x3FAC] =	sst s1  }
0xa: {  	[smem:$0x3FAD] =	sst s2  }
0xb: {  	[smem:$0x3FAE] =	sst s3  }
0xc: {  	[smem:$0x3FAF] =	sst s4  }
0xd: {  	[smem:$0x3FB0] =	sst s5  }
0xe: {  	[smem:$0x3FB1] =	sst s6  }
0xf: {  	[smem:$0x3FB2] =	sst s7  }
0x10: {  	[smem:$0x3FB3] =	sst s8  }
0x11: {  	[smem:$0x3FB4] =	sst s9;
	s0 =	simm.s32 @!p0 $0x0  }
0x12: {  	s1 =	sld [smem:$0x3F9A];
	s0 =	simm.s32 @p0 $0x1  }
0x13: {  	[smem:$0x3FB5] =	sst s0;
	s0 =	simm.s32 @!p1 $0x0  }
0x14: {  	s2 =	sld [smem:$0x3F99];
	s0 =	simm.s32 @p1 $0x1  }
0x15: {  	[smem:$0x3FB6] =	sst s0;
	s0 =	simm.s32 @!p2 $0x0  }
0x16: {  	s3 =	sld [smem:$0x3FDB];
	s0 =	simm.s32 @p2 $0x1  }
0x17: {  	s4 =	simm.s32 $0x1BF5;
	[smem:$0x3FB8] =	sst s0  }
0x18: {  	s0 =	sld [smem:$0x3F9B];
	_ =	swait.ge [sflag:s4], $0x0  }
0x19: {  	s7 =	sld [smem:$0x3F9C]  }
0x1a: {  	s8 =	sadd.s32 $0xFFFFE003, lr  }
0x1b: {  	s9 =	sadd.s32 $0xFFFFFEF7, lr;
	s5 =	simm.s32 $0xFFFFFFFF;
	p2 =	slt.u32 s8, $0xFFFFF086  }
0x1c: {  	p1 =	slt.u32 s9, $0xF7A;
	s5 =	simm.s32 @!p2 $0x0  }
0x1d: {  	s5 =	simm.s32 @p1 $0x1;
	p0 =	seq.s32 s7, s2  }
0x1e: {  	s7 =	smul.u32 @!p0 $0xF7A, s2;
	p2 =	seq.s32 @!p0 s5, $0x0  }
0x1f: {  	s9 =	smul.u32 $0xF7A, s1;
	s8 =	simm.s32 @!p0 $0x1BF5;
	p2 =	por !p2, p0  }
0x20: {  	[sflag:s8] =	ssyncset.s32 @!p0 $0xFFFFF086;
	s6 =	sadd.s32 @!p0 s3, s7;
	s7 =	simm.s32 @!p0 $0x108  }
0x21: {  	s3 =	sadd.s32 s3, s9;
	s6 =	sadd.s32 @!p0 $0x88, s6;
	s7 =	simm.s32 @p2 $0x1082  }
0x22: {  	[simem:s7], [sflag:s8] =	dma.local @!p0 [hbm:s6], $0xF7A  }
0x23: {  	s9 =	sor.u32 $0xD0000000, s2;
	s6 =	simm.s32 $0x108;
	_ =	swait.ge @!p0 [sflag:s8], $0x0  }
0x24: {  	s3 =	sadd.s32 $0x88, s3;
	s6 =	simm.s32 @!p1 $0x1082;
	[sflag:s4] =	ssyncset.s32 $0xFFFFF086  }
0x25: {  	[simem:s6], [sflag:s4] =	dma.local [hbm:s3], $0xF7A  }
0x26: {  	[smem:$0x3F9C] =	sst s1;
	(tag) =	ssettag s2;
	_ =	strace s9  }
0x27: {  	s1 =	sld [smem:$0x3FAC]  }
0x28: {  	s2 =	sld [smem:$0x3FAD]  }
0x29: {  	s4 =	sld [smem:$0x3FAF]  }
0x2a: {  	p0 =	seq.s32 s5, $0x0;
	s5 =	sld [smem:$0x3FB0]  }
0x2b: {  	s6 =	sld [smem:$0x3FB1]  }
0x2c: {  	s7 =	sld [smem:$0x3FB2]  }
0x2d: {  	s3 =	simm.s32 $0x108;
	s8 =	sld [smem:$0x3FB3]  }
0x2e: {  	s3 =	simm.s32 @!p0 $0x1082;
	s9 =	sld [smem:$0x3FB4]  }
0x2f: {  	lr =	sadd.s32 s0, s3;
	s0 =	sld [smem:$0x3FAB]  }
0x30: {  	s3 =	sld [smem:$0x3FAE]  }
0x31: {  	[smem:$0x3FB7] =	sst s10  }
0x32: {  	s10 =	sld [smem:$0x3FB5];
	_ =	sdelay $0x3  }
0x33: {  	p0 =	seq.s32 s10, $0x1;
	s10 =	sld [smem:$0x3FB7];
	_ =	sdelay $0x3  }
0x34: {  	[smem:$0x3FB7] =	sst s10  }
0x35: {  	s10 =	sld [smem:$0x3FB6];
	_ =	sdelay $0x3  }
0x36: {  	p1 =	seq.s32 s10, $0x1;
	s10 =	sld [smem:$0x3FB7];
	_ =	sdelay $0x3  }
0x37: {  	[smem:$0x3FB7] =	sst s10  }
0x38: {  	s10 =	sld [smem:$0x3FB8]  }
0x39: {  	_ = 	snop;
	(pc) =	sbr.ind lr, $3  }
0x3a: {  	_ = 	snop  }
0x3b: {  	_ = 	snop  }
0x3c: {  	p2 =	seq.s32 s10, $0x1;
	s10 =	sld [smem:$0x3FB7]  }
0x3d: {  	_ =	shalt  }
0x3e: {  	_ =	shalt  }
0x3f: {  	_ =	shalt  }
0x40: {  	_ =	shalt  }
0x41: {  	_ =	shalt  }
0x42: {  	_ =	shalt  }
0x43: {  	_ =	shalt  }
0x44: {  	_ =	shalt  }
0x45: {  	_ =	shalt  }
0x46: {  	_ =	shalt  }
0x47: {  	_ =	shalt  }
0x48: {  	_ =	shalt  }
0x49: {  	_ =	shalt  }
0x4a: {  	_ =	shalt  }
0x4b: {  	_ =	shalt  }
0x4c: {  	_ =	shalt  }
0x4d: {  	_ =	shalt  }
0x4e: {  	_ =	shalt  }
0x4f: {  	_ =	shalt  }
0x50: {  	_ =	shalt  }
0x51: {  	_ =	shalt  }
0x52: {  	_ =	shalt  }
0x53: {  	_ =	shalt  }
0x54: {  	_ =	shalt  }
0x55: {  	_ =	shalt  }
0x56: {  	_ =	shalt  }
0x57: {  	_ =	shalt  }
0x58: {  	_ =	shalt  }
0x59: {  	_ =	shalt  }
0x5a: {  	_ =	shalt  }
0x5b: {  	_ =	shalt  }
0x5c: {  	_ =	shalt  }
0x5d: {  	_ =	shalt  }
0x5e: {  	_ =	shalt  }
0x5f: {  	_ =	shalt  }
0x60: {  	_ =	shalt  }
0x61: {  	_ =	shalt  }
0x62: {  	_ =	shalt  }
0x63: {  	_ =	shalt  }
0x64: {  	_ =	shalt  }
0x65: {  	_ =	shalt  }
0x66: {  	_ =	shalt  }
0x67: {  	_ =	shalt  }
0x68: {  	_ =	shalt  }
0x69: {  	_ =	shalt  }
0x6a: {  	_ =	shalt  }
0x6b: {  	_ =	shalt  }
0x6c: {  	_ =	shalt  }
0x6d: {  	_ =	shalt  }
0x6e: {  	_ =	shalt  }
0x6f: {  	_ =	shalt  }
0x70: {  	_ =	shalt  }
0x71: {  	_ =	shalt  }
0x72: {  	_ =	shalt  }
0x73: {  	_ =	shalt  }
0x74: {  	_ =	shalt  }
0x75: {  	_ =	shalt  }
0x76: {  	_ =	shalt  }
0x77: {  	_ =	shalt  }
0x78: {  	_ =	shalt  }
0x79: {  	_ =	shalt  }
0x7a: {  	_ =	shalt  }
0x7b: {  	_ =	shalt  }
0x7c: {  	_ =	shalt  }
0x7d: {  	_ =	shalt  }
0x7e: {  	_ =	shalt  }
0x7f: {  	_ =	shalt  }
0x80: {  	_ =	shalt  }
0x81: {  	_ =	shalt  }
0x82: {  	_ =	shalt  }
0x83: {  	_ =	shalt  }
0x84: {  	_ =	shalt  }
0x85: {  	_ =	shalt  }
0x86: {  	_ =	shalt  }
0x87: {  	_ =	shalt  }
.Lfunc_end0:
.L_simem_size_0:
called_computation_lowered:
.L_overlay_start_0:
0x88: {  	s2 =	sld [smem:$0x3FD9]  }
0x89: {  	s3 =	sld [smem:$0x3FFE];
	_ =	sdelay $0x1  }
0x8a: {  	s1 =	srdreg.scid  }
0x8b: {  	s0 =	sand.u32 $0x1, s1  }
0x8c: {  	s17 =	sshll.u32 s0, $0xA;
	s2 =	sadd.s32 s3, s2  }
0x8d: {  	s2 =	sadd.s32 s2, s17  }
0x8e: {  	[smem:$0x3FC3] =	sst s2  }
0x8f: {  	_ = 	snop  }
0x90: {  	s2 =	sld [smem:$0x3FC8]  }
0x91: {  	s18 =	sld [smem:$0x3FD0];
	(tm) =	ssettm $0x1  }
0x92: {  	s4 =	sld [smem:$0x3FFB];
	_ =	sdelay $0x3  }
0x93: {  	_ =	strace s4  }
0x94: {  	s4 =	sld [smem:$0x3FFC];
	_ =	sdelay $0x3  }
0x95: {  	_ =	strace s4  }
0x96: {  	s4 =	sld [smem:$0x3FFD];
	_ =	sdelay $0x3  }
0x97: {  	_ =	strace s4  }
0x98: {  	_ =	strace $0x8FFFFFFF  }
0x99: {  	s19 =	sld [smem:$0x3FDB];
	_ =	sdelay $0x1  }
0x9a: {  	s5 =	simm.s32 $_scs_section_size  }
0x9b: {  	s6 =	simm.s32 $_size__tile_overlayer_lowered;
	s7 =	simm.s32 $_tile_overlayer_lowered  }
0x9c: {  	s22 =	simm.s32 $0x1BFF;
	s21 =	sshll.u32 s7, $0x1;
	s4 =	sadd.s32 s5, s19  }
0x9d: {  	s8 =	simm.s32 $0x0;
	s20 =	sshll.u32 s6, $0x1;
	s6 =	sadd.s32 s21, s4  }
0x9e: {  	[timem:s8], [sflag:s22] =	dma.local [hbm:s6], s20  }
0x9f: {  	_ =	swait.ge [sflag:s22], s20  }
0xa0: {  	s5 =	ssub.s32 $0x0, s20;
	[sflag:s22] =	ssyncset.done $0x0  }
0xa1: {  	[sflag:s22] =	ssyncadd.s32 s5;
	_ =	sdelay $0x1  }
0xa2: {  	s23 =	simm.s32 $0x1B8B  }
0xa3: {  	_ =	swait.ge [sflag:s23], $0x1  }
0xa4: {  	[sflag:s23] =	ssyncset.done $0x0  }
0xa5: {  	s25 =	simm.s32 $0x1B8E;
	s24 =	sld [smem:$0x3FFE];
	[sflag:s23] =	ssyncadd.s32 $0xFFFFFFFF  }
0xa6: {  	s26 =	simm.s32 $execute0_lowered;
	[smem:$0x3FD2] =	sst s25  }
0xa7: {  	s6 =	sshll.u32 s26, $0x1;
	_ =	strace $0x80000046;
	[dreg:$0x1] =	wrdreg $0xFFFFFFFF  }
0xa8: {  	s28 =	simm.s32 $_size_execute0_lowered;
	s4 =	sadd.s32 s4, s6;
	[dreg:$0x0] =	wrdreg $0x0  }
0xa9: {  	s6 =	sshll.u32 s28, $0x1;
	[dreg:$0x2] =	wrdreg s4  }
0xaa: {  	[dreg:$0x3] =	wrdreg s6  }
0xab: {  	[dreg:$0x4] =	wrdreg $0xC0  }
0xac: {  	_ =	task [dreg:s8], $0x5FFFF  }
0xad: {  	[dreg:$0x1] =	wrdreg $0xFFFFFFFF  }
0xae: {  	[dreg:$0x0] =	wrdreg $0x60  }
0xaf: {  	[dreg:$0x2] =	wrdreg s18  }
0xb0: {  	[dreg:$0x3] =	wrdreg s24  }
0xb1: {  	[dreg:$0x4] =	wrdreg s2  }
0xb2: {  	[dreg:$0x5] =	wrdreg $0xA2000  }
0xb3: {  	[dreg:$0x6] =	wrdreg $0x9  }
0xb4: {  	_ =	task.clear_ibuf [dreg:s8], $0x7FFFF;
	_ =	strace $0x90000046  }
0xb5: {  	s29 =	simm.s32 $0x9;
	_ =	strace $0x80000048  }
0xb6: {  	_ =	swait.ge [sflag:s29], $0x1  }
0xb7: {  	[sflag:s29] =	ssyncadd.s32 $0xFFFFFFFF  }
0xb8: {  	_ =	strace $0x90000048  }
0xb9: {  	_ =	sfence  }
0xba: {  	s30 =	sld [smem:$0x0];
	_ =	sdelay $0x2  }
0xbb: {  	s31 =	sshll.u32 s1, $0xD;
	s1 =	sshrl.u32 s1, $0x2  }
0xbc: {  	s3 =	sand.u32 $0x4000, s31;
	s1 =	sadd.s32 s1, s30  }
0xbd: {  	s0 =	sor.u32 s3, s0;
	s1 =	sshll.u32 s1, $0x11  }
0xbe: {  	s0 =	sor.u32 s1, s0  }
0xbf: {  	s0 =	sadd.s32 $0x8F2B, s0  }
0xc0: {  	[sflag:s0] =	ssyncadd.remote.s32 $0x1  }
0xc1: {  	_ =	sfence.sel $0xFFFF  }
0xc2: {  	[dreg:$0x0] =	wrdreg $0xFFFFFFFF;
	(pc) =	sbr.abs _section_cstart, $3  }
0xc3: {  	[dreg:$0x1] =	wrdreg $0xFFFFFFFF  }
0xc4: {  	_ =	task.clear_ibuf [dreg:s8], $0x2FFFF;
	_ =	strace $0x9FFFFFFF  }
0xc5: {  	(tm) =	ssettm $0x7FFFFFFF  }
tec
execute0_lowered:
.L_overlay_start_1:
0x0: {  	(tag) =	ssettag $0x1  }
0x1: {  	s1 =	rddreg [dreg:$0x0]  }
0x2: {  	s0 =	rddreg [dreg:$0x1]  }
0x3: {  	s2 =	rddreg [dreg:$0x2]  }
0x4: {  	s3 =	rddreg [dreg:$0x3];
	s4 =	simm.s32 $0x0;
	s5 =	srdreg.scid  }
0x5: {  	s18 =	simm.s32 $0xD;
	s30 =	simm.s32 $0x100;
	s28 =	simm.s32 $0x180  }
0x6: {  	s17 =	simm.s32 $0xA;
	s16 =	simm.s32 $0x7;
	s31 =	simm.s32 $0xB  }
0x7: {  	[smem:$0x7FF] =	sst s4;
	s7 =	sand.u32 $0x1, s5;
	s5 =	stileid.u32  }
0x8: {  	s6 =	sadd.s32 $0xE00, s0;
	s8 =	smul.u32 $0x27100, s7;
	_ =	strace $0x80000047  }
0x9: {  	s9 =	sshll.u32 s5, $0x1;
	s19 =	ssub.s32 $0x2, s7;
	s22 =	smul.u32 $0x5000, s5  }
0xa: {  	v0 =	vimm.s32 $0xFEDCBA98;
	s24 =	smul.u32 $0x280, s5;
	s10 =	sor.u32 s7, s9;
	s20 =	sshrl.u32 s19, $0x1  }
0xb: {  	v1 =	vimm.s32 $0x76543210;
	v2 =	vimm.s32 $0xBA98FEDC;
	s0 =	sadd.s32 s8, s0;
	s7 =	smul.u32 $0x2710, s10;
	s11 =	sshll.u32 s10, $0xC  }
0xc: {  	v3 =	vimm.s32 $0x32107654;
	s8 =	ssub.s32 s19, s20;
	s21 =	smul.u32 $0x138800, s10;
	s9 =	sshll.u32 s10, $0xF  }
0xd: {  	v4 =	vimm.s32 $0xDCFE98BA;
	v5 =	vimm.s32 $0x54761032;
	s10 =	smul.u32 $0x27100, s10;
	s26 =	sshrl.u32 s22, $0x2;
	s12 =	sadd.s32 s6, s11  }
0xe: {  	v6 =	vimm.s32 $0xEFCDAB89;
	v7 =	vimm.s32 $0x67452301;
	s19 =	simm.s32 $0x28;
	s8 =	smax.u32 s8, $0x1;
	[dreg:$0x5] =	wrdreg s12  }
0xf: {  	v0 =	vunpack.c.l.s4.s8 v0;
	v1 =	vunpack.c.l.s4.s8 v1;
	v2 =	vunpack.c.l.s4.s8 v2;
	s20 =	simm.s32 $0x1;
	s29 =	sadd.s32 s26, s3;
	[dreg:$0xb] =	wrdreg s8  }
0x10: {  	v3 =	vunpack.c.l.s4.s8 v3;
	v4 =	vunpack.c.l.s4.s8 v4;
	v5 =	vunpack.c.l.s4.s8 v5;
	s0 =	sadd.s32 s24, s0;
	s13 =	sadd.s32 $0x10, s12;
	[dreg:$0xc] =	wrdreg s29  }
0x11: {  	v6 =	vunpack.c.l.s4.s8 v6;
	v7 =	vunpack.c.l.s4.s8 v7;
	v0 =	vunpack.c.0.s8.s32 v0;
	s12 =	sadd.s32 $0x20, s12;
	s11 =	sshrl.u32 s21, $0x3;
	[dreg:$0x6] =	wrdreg s13  }
0x12: {  	v2 =	vunpack.c.0.s8.s32 v2;
	v3 =	vunpack.c.0.s8.s32 v3;
	v4 =	vunpack.c.0.s8.s32 v4;
	s10 =	sadd.s32 s2, s10;
	s25 =	sadd.s32 $0x50, s7;
	[dreg:$0x7] =	wrdreg s12  }
.Ltmp0:
0x13: {  	v5 =	vunpack.c.0.s8.s32 v5;
	v6 =	vunpack.c.0.s8.s32 v6;
	v7 =	vunpack.c.0.s8.s32 v7;
	s0 =	sadd.s32 $0x20E00, s0;
	[dreg:$0x8] =	wrdreg s10;
	(pc) =	sbr.rel .LBB2_1-.Ltmp0, $4  }
0x14: {  	v1 =	vunpack.c.0.s8.s32 v1;
	v2 =	vcombine.low v3, v2;
	s21 =	simm.s32 $0x80;
	s8 =	simm.s32 $0x6;
	[dreg:$0xa] =	wrdreg s25  }
0x15: {  	v3 =	vcombine.low v5, v4;
	v4 =	vand.u32 $0xF, v0;
	v5 =	vcombine.low v7, v6;
	s23 =	sadd.s32 s2, s11;
	[dreg:$0xd] =	wrdreg s0;
	s25 =	simm.s32 $0x2  }
0x16: {  	v0 =	vimm.f32 $0.0e+00;
	v1 =	vcombine.low v4, v1;
	s11 =	simm.s32 $0x9;
	s13 =	simm.s32 $0x8;
	s10 =	sadd.s32 $0x280, s23  }
0x17: {  	v2 =	vand.u32 $0xF, v2;
	v3 =	vand.u32 $0xF, v3;
	v4 =	vand.u32 $0xF, v5;
	s12 =	simm.s32 $0x0;
	[dreg:$0x9] =	wrdreg s10;
	s10 =	simm.s32 $0x5  }
.LBB2_28:
0x18: {  	[sflag:s18] =	ssyncadd.s32 $0xFFFFFD80  }
.LBB2_29:
0x19: {  	s12 =	sadd.s32 $0x1, s12;
	s0 =	rddreg [dreg:$0xb]  }
0x1a: {  	p0 =	sne.s32 s12, s0  }
.Ltmp1:
0x1b: {  	_ = 	snop;
	(pc) =	sbr.rel @!p0 .LBB2_30-.Ltmp1, $2  }
0x1c: {  	_ =	sdelay $0x2  }
0x1d: {  	s28 =	simm.s32 $0x180  }
.LBB2_1:
0x1e: {  	p0 =	por $0x0, $0x0  }
.Ltmp2:
0x1f: {  	_ = 	snop;
	(pc) =	sbr.rel @p0 .LBB2_3-.Ltmp2, $2  }
0x20: {  	_ =	sdelay $0x2  }
0x21: {  	s0 =	simm.s32 $0x0;
	s14 =	simm.s32 $0x200  }
.LBB2_2:
0x22: {  	p0 =	seq.s32 s14, $0x4E00;
	[tilespmem:s0+$0x270] =	vst v0  }
0x23: {  	[tilespmem:s0+$0x200] =	vst v0  }
0x24: {  	[tilespmem:s0+$0x210] =	vst v0  }
.Ltmp3:
0x25: {  	[tilespmem:s0+$0x220] =	vst v0;
	(pc) =	sbr.rel @!p0 .LBB2_2-.Ltmp3, $4  }
0x26: {  	[tilespmem:s0+$0x230] =	vst v0  }
0x27: {  	[tilespmem:s0+$0x240] =	vst v0  }
0x28: {  	[tilespmem:s0+$0x250] =	vst v0  }
0x29: {  	[tilespmem:s0+$0x260] =	vst v0;
	s0 =	sshra.s32 s14, $0x2;
	s14 =	sadd.s32 $0x200, s14  }
.LBB2_3:
0x2a: {  	[tilespmem:s0+$0x270] =	vst v0  }
0x2b: {  	[tilespmem:s0+$0x200] =	vst v0  }
0x2c: {  	[tilespmem:s0+$0x210] =	vst v0  }
0x2d: {  	[tilespmem:s0+$0x220] =	vst v0  }
0x2e: {  	[tilespmem:s0+$0x230] =	vst v0  }
0x2f: {  	[tilespmem:s0+$0x240] =	vst v0  }
0x30: {  	[tilespmem:s0+$0x250] =	vst v0  }
0x31: {  	[tilespmem:s0+$0x260] =	vst v0;
	s0 =	simm.s32 $0x0  }
0x32: {  	s14 =	simm.s32 $0x10;
	s15 =	sadd.s32 $0x0, s5;
	s22 =	simm.s32 $0x1  }
0x33: {  	s24 =	rddreg [dreg:$0xc];
	p0 =	sgt.u32 s15, $0xF9;
	p1 =	slt.u32 s15, $0xFA  }
0x34: {  	s23 =	sadd.s32 $0x14000, s24;
	s26 =	simm.s32 @!p0 $0x200;
	s22 =	simm.s32 @!p1 $0x0  }
.LBB2_4:
0x35: {  	s15 =	smov.u32 s0  }
0x36: {  	[spmem:s24] =	stream.linear.scatter @!p0 [tilespmem:s26], [sflag:$0xD], $0x1400, $0x38;
	[tilespmem:$0x1DA80] =	vst v63  }
0x37: {  	s26 =	smov.u32 s14;
	s14 =	sadd.s32 $0x10, s14  }
0x38: {  	s24 =	smov.u32 s23;
	p1 =	seq.s32 s14, $0x100  }
.Ltmp4:
0x39: {  	s0 =	sadd.s32 s22, s0;
	(pc) =	sbr.rel @!p1 .LBB2_4-.Ltmp4, $4  }
0x3a: {  	_ = 	snop  }
0x3b: {  	s22 =	sadd.s32 s26, s5  }
0x3c: {  	p0 =	sgt.u32 s22, $0xF9;
	p2 =	slt.u32 s22, $0xFA;
	s22 =	simm.s32 $0x1  }
0x3d: {  	s23 =	sadd.s32 $0x14000, s23;
	s26 =	simm.s32 @!p0 $0x200;
	s22 =	simm.s32 @!p2 $0x0  }
0x3e: {  	[spmem:s24] =	stream.linear.scatter @!p0 [tilespmem:s26], [sflag:$0xD], $0x1400, $0x38;
	[tilespmem:$0x1DA80] =	vst v63  }
0x3f: {  	s0 =	sadd.s32 s22, s0  }
0x40: {  	p0 =	slt.s32 s0, $0x1  }
.Ltmp5:
0x41: {  	_ = 	snop;
	(pc) =	sbr.rel @p0 .LBB2_9-.Ltmp5, $1  }
0x42: {  	_ =	sdelay $0x3  }
0x43: {  	s0 =	sadd.s32 s22, s15  }
0x44: {  	p0 =	sne.s32 s0, $0x1  }
.Ltmp6:
0x45: {  	_ = 	snop;
	(pc) =	sbr.rel @!p0 .LBB2_8-.Ltmp6, $3  }
0x46: {  	_ =	sdelay $0x1  }
0x47: {  	_ =	swait.ge [sflag:s18], $0x1400  }
0x48: {  	s0 =	sadd.s32 $0xFFFFFFFF, s0;
	[sflag:s18] =	ssyncset.done $0x0  }
.LBB2_7:
0x49: {  	p0 =	sne.s32 s0, $0x1;
	s0 =	sadd.s32 $0xFFFFFFFF, s0;
	[sflag:s18] =	ssyncadd.s32 $0xFFFFEC00  }
.Ltmp7:
0x4a: {  	(pc) =	sbr.rel @p0 .LBB2_7-.Ltmp7, $3  }
0x4b: {  	_ =	sdelay $0x1  }
0x4c: {  	_ =	swait.ge [sflag:s18], $0x1400  }
0x4d: {  	[sflag:s18] =	ssyncset.done $0x0  }
.LBB2_8:
0x4e: {  	[sflag:s18] =	ssyncadd.s32 $0xFFFFEC00  }
.LBB2_9:
0x4f: {  	[dreg:$0xe] =	wrdreg s12  }
0x50: {  	[bflag:$0x0] =	sbarrier.arrive $0xFFFF  }
0x51: {  	s23 =	simm.s32 $0x0;
	s0 =	rddreg [dreg:$0x5]  }
0x52: {  	[tilespmem:s23], [sflag:$0x1] =	stream.linear.gather [hbm4b:s0+s23], $0x80, $0x38;
	[tilespmem:$0x1DA80] =	vst v63  }
0x53: {  	s12 =	rddreg [dreg:$0x6]  }
0x54: {  	[tilespmem:s21], [sflag:$0x2] =	stream.linear.gather [hbm4b:s12+s23], $0x80, $0x38;
	[tilespmem:$0x1DA80] =	vst v63  }
0x55: {  	s14 =	rddreg [dreg:$0x7]  }
0x56: {  	[tilespmem:s30], [sflag:$0x3] =	stream.linear.gather [hbm4b:s14+s23], $0x80, $0x38;
	[tilespmem:$0x1DA80] =	vst v63  }
0x57: {  	_ =	swait.ge [sflag:s20], $0x80  }
0x58: {  	[sflag:s20] =	ssyncset.done $0x0  }
0x59: {  	s15 =	simm.s32 $0x200;
	[sflag:s20] =	ssyncadd.s32 $0xFFFFFF80  }
0x5a: {  	[tilespmem:s15], [sflag:$0x5] =	stream.indirect.gather [hbm4b:s1+s19], $0x80, s23, s19, $0xb8;
	[tilespmem:$0x1DA80] =	vst v63  }
0x5b: {  	s14 =	simm.s32 $0x5200;
	s22 =	rddreg [dreg:$0x8]  }
0x5c: {  	[tilespmem:s14], [sflag:$0x5] =	stream.linear.gather [hbm4b:s22+s23], $0x1400, $0x38;
	[tilespmem:$0x1DA80] =	vst v63  }
0x5d: {  	_ =	swait.ge [sflag:s25], $0x80  }
0x5e: {  	[sflag:s25] =	ssyncset.done $0x0  }
0x5f: {  	s24 =	simm.s32 $0x1600;
	[sflag:s25] =	ssyncadd.s32 $0xFFFFFF80  }
0x60: {  	[tilespmem:s24], [sflag:$0x6] =	stream.indirect.gather [hbm4b:s1+s19], $0x80, s21, s19, $0xb8;
	[tilespmem:$0x1DA80] =	vst v63  }
0x61: {  	s29 =	simm.s32 $0x6600;
	s26 =	rddreg [dreg:$0x9]  }
0x62: {  	[tilespmem:s29], [sflag:$0x6] =	stream.linear.gather [hbm4b:s26+s23], $0x1400, $0x38;
	[tilespmem:$0x1DA80] =	vst v63  }
.LBB2_10:
0x63: {  	s14 =	sshll.u32 s23, $0x2;
	p0 =	seq.s32 s23, $0x0  }
0x64: {  	s0 =	sor.u32 @!p0 $0x3, s14  }
0x65: {  	s0 =	simm.s32 @p0 $0x3  }
0x66: {  	s26 =	sshll.u32 s23, $0x9;
	s15 =	sshll.u32 s0, $0x7  }
0x67: {  	s22 =	sand.u32 $0x7C00, s26;
	s15 =	sand.u32 $0x380, s15  }
0x68: {  	s24 =	simm.s32 @!p0 $0xC;
	s15 =	sor.u32 s15, s22  }
0x69: {  	_ =	swait.ge @!p0 [sflag:s24], $0x1400;
	s15 =	sor.u32 s9, s15  }
0x6a: {  	[sflag:s24] =	ssyncset.done @!p0 $0x0;
	s15 =	sshrl.u32 s15, $0x3  }
0x6b: {  	[sflag:s24] =	ssyncadd.s32 @!p0 $0xFFFFEC00;
	s22 =	simm.s32 $0x3;
	s15 =	sadd.s32 s6, s15  }
0x6c: {  	[tilespmem:s28], [sflag:$0x4] =	stream.linear.gather [hbm4b:s15+s4], $0x80, $0x38;
	[tilespmem:$0x1DA80] =	vst v63  }
0x6d: {  	_ =	swait.ge [sflag:s22], $0x80  }
0x6e: {  	[sflag:s22] =	ssyncset.done $0x0  }
0x6f: {  	s24 =	simm.s32 $0x2A00;
	s15 =	smul.u32 $0xA0, s23;
	[sflag:s22] =	ssyncadd.s32 $0xFFFFFF80  }
0x70: {  	[tilespmem:s24], [sflag:$0x7] =	stream.indirect.gather [hbm4b:s1+s19], $0x80, s30, s19, $0xb8;
	[tilespmem:$0x1DA80] =	vst v63  }
0x71: {  	s24 =	rddreg [dreg:$0xa]  }
0x72: {  	s15 =	sadd.s32 s15, s24  }
0x73: {  	s15 =	sshll.u32 s15, $0x4  }
0x74: {  	s24 =	simm.s32 $0x7A00;
	s15 =	sadd.s32 s2, s15  }
0x75: {  	[tilespmem:s24], [sflag:$0x7] =	stream.linear.gather [hbm4b:s15+s4], $0x1400, $0x38;
	[tilespmem:$0x1DA80] =	vst v63  }
0x76: {  	_ =	swait.ge [sflag:s10], $0x1400  }
0x77: {  	[sflag:s10] =	ssyncset.done $0x0  }
0x78: {  	[sflag:s10] =	ssyncadd.s32 $0xFFFFEC00  }
0x79: {  	_ =	swait.ge [sflag:s10], $0x1400  }
0x7a: {  	[sflag:s10] =	ssyncset.done $0x0  }
0x7b: {  	s24 =	simm.s32 $0x280;
	[sflag:s10] =	ssyncadd.s32 $0xFFFFEC00  }
0x7c: {  	s15 =	simm.s32 $0x5280;
	v5 =	vld [tilespmem:s24+$0x60]  }
0x7d: {  	v30 =	vld [tilespmem:s15+$0x60]  }
0x7e: {  	v6 =	vld [tilespmem:s24+$0x40]  }
0x7f: {  	v26 =	vld [tilespmem:s15+$0x40]  }
0x80: {  	v7 =	vld [tilespmem:s24+$0x20]  }
0x81: {  	v24 =	vld [tilespmem:s15+$0x20]  }
0x82: {  	v8 =	vld [tilespmem:s24+$0x0]  }
0x83: {  	v28 =	vld [tilespmem:s15+$0x0]  }
0x84: {  	v9 =	vld [tilespmem:s24+$0x10]  }
0x85: {  	v34 =	vld [tilespmem:s15+$0x10]  }
0x86: {  	v10 =	vld [tilespmem:s24+$0x30]  }
0x87: {  	v27 =	vld [tilespmem:s15+$0x30]  }
0x88: {  	v11 =	vld [tilespmem:s24+$0x50]  }
0x89: {  	v29 =	vld [tilespmem:s15+$0x50]  }
0x8a: {  	v12 =	vld [tilespmem:s24+$0x70]  }
0x8b: {  	v40 =	vld [tilespmem:s15+$0x70]  }
0x8c: {  	v31 =	vld [tilespmem:s15+$0xFFFFFF80]  }
0x8d: {  	v13 =	vld [tilespmem:s24+$0xFFFFFF90]  }
0x8e: {  	v32 =	vld [tilespmem:s15+$0xFFFFFF90]  }
0x8f: {  	v39 =	vld [tilespmem:s15+$0xFFFFFFA0];
	v8 =	vmul.f32 v28, v8;
	v9 =	vmul.f32 v34, v9  }
0x90: {  	v38 =	vld [tilespmem:s15+$0xFFFFFFB0];
	v7 =	vmul.f32 v24, v7  }
0x91: {  	v37 =	vld [tilespmem:s15+$0xFFFFFFC0];
	v10 =	vmul.f32 v27, v10;
	v8 =	vadd.f32 $0.0e+00, v8;
	v9 =	vadd.f32 $0.0e+00, v9  }
0x92: {  	v36 =	vld [tilespmem:s15+$0xFFFFFFD0];
	v6 =	vmul.f32 v26, v6  }
0x93: {  	v33 =	vld [tilespmem:s15+$0xFFFFFFE0];
	v7 =	vadd.f32 v7, v8;
	v8 =	vadd.f32 v10, v9;
	v9 =	vmul.f32 v29, v11  }
0x94: {  	v35 =	vld [tilespmem:s15+$0xFFFFFFF0];
	v5 =	vmul.f32 v30, v5  }
0x95: {  	s22 =	simm.s32 $0x5380;
	v10 =	vld [tilespmem:s24+$0xFFFFFF80];
	v6 =	vadd.f32 v6, v7;
	v7 =	vadd.f32 v9, v8;
	v8 =	vmul.f32 v40, v12  }
0x96: {  	v19 =	vld [tilespmem:s22+$0x10]  }
0x97: {  	s28 =	simm.s32 $0x480;
	v11 =	vld [tilespmem:s24+$0xFFFFFFA0];
	v5 =	vadd.f32 v5, v6;
	v6 =	vadd.f32 v8, v7  }
0x98: {  	v48 =	vld [tilespmem:s28+$0x60]  }
0x99: {  	v7 =	vld [tilespmem:s24+$0xFFFFFFC0];
	v5 =	vadd.f32 v6, v5  }
0x9a: {  	v9 =	vld [tilespmem:s24+$0xFFFFFFB0];
	v10 =	vmul.f32 v31, v10  }
0x9b: {  	v49 =	vld [tilespmem:s28+$0x20];
	v8 =	vperm.xlane v5, v1  }
0x9c: {  	v11 =	vmul.f32 v39, v11;
	v6 =	vld [tilespmem:s24+$0xFFFFFFD0];
	v10 =	vadd.f32 $0.0e+00, v10  }
0x9d: {  	v12 =	vld [tilespmem:s24+$0xFFFFFFE0];
	v5 =	vadd.f32 v5, v8;
	v8 =	vmul.f32 v32, v13  }
0x9e: {  	v10 =	vadd.f32 v11, v10;
	v7 =	vmul.f32 v37, v7;
	v13 =	vld [tilespmem:s24+$0xFFFFFFF0];
	s24 =	simm.s32 $0x380  }
0x9f: {  	v9 =	vmul.f32 v38, v9;
	v15 =	vld [tilespmem:s24+$0x60];
	v14 =	vperm.xlane v5, v2;
	v8 =	vadd.f32 $0.0e+00, v8  }
0xa0: {  	v10 =	vadd.f32 v7, v10;
	v7 =	vld [tilespmem:s22+$0x20]  }
0xa1: {  	v17 =	vld [tilespmem:s24+$0x0];
	v11 =	vadd.f32 v5, v14;
	v8 =	vadd.f32 v9, v8;
	v9 =	vmul.f32 v36, v6  }
0xa2: {  	v12 =	vmul.f32 v33, v12;
	v18 =	vld [tilespmem:s24+$0x10]  }
0xa3: {  	v20 =	vld [tilespmem:s24+$0x50];
	v13 =	vmul.f32 v35, v13;
	v16 =	vperm.xlane v11, v3;
	v8 =	vadd.f32 v9, v8  }
0xa4: {  	v22 =	vld [tilespmem:s24+$0x70];
	v10 =	vadd.f32 v12, v10  }
0xa5: {  	v14 =	vld [tilespmem:s24+$0x40];
	v11 =	vadd.f32 v11, v16;
	v12 =	vadd.f32 v13, v8  }
0xa6: {  	v9 =	vld [tilespmem:s24+$0x20]  }
0xa7: {  	v8 =	vld [tilespmem:s22+$0x0];
	v13 =	vperm.xlane v11, v4;
	v10 =	vadd.f32 v12, v10  }
0xa8: {  	v16 =	vld [tilespmem:s22+$0x30]  }
0xa9: {  	v12 =	vld [tilespmem:s24+$0x30];
	v11 =	vadd.f32 v11, v13;
	v13 =	vperm.xlane v10, v1  }
0xaa: {  	v6 =	vld [tilespmem:s22+$0x40]  }
0xab: {  	v18 =	vmul.f32 v19, v18;
	v11 =	vsub.f32 $0.0e+00, v11;
	v21 =	vadd.f32 v10, v13;
	v13 =	vld [tilespmem:s22+$0x50]  }
0xac: {  	v5 =	vld [tilespmem:s22+$0x60];
	v17 =	vmul.f32 v8, v17  }
0xad: {  	v18 =	vadd.f32 $0.0e+00, v18;
	v10 =	vld [tilespmem:s22+$0x70];
	v11 =	vmul.f32 $1.442695020e+00, v11;
	v25 =	vperm.xlane v21, v2  }
0xae: {  	v62 =	vld [tilespmem:s28+$0x0];
	v23 =	vmul.f32 v7, v9;
	v17 =	vadd.f32 $0.0e+00, v17;
	v41 =	vmul.f32 v16, v12  }
0xaf: {  	v42 =	vld [tilespmem:s24+$0xFFFFFF90];
	(erf) = vpow2.f32 v11;
	v11 =	vmul.f32 v6, v14;
	v14 =	vadd.f32 v21, v25  }
0xb0: {  	v43 =	vld [tilespmem:s24+$0xFFFFFFD0];
	v17 =	vadd.f32 v23, v17;
	v18 =	vadd.f32 v41, v18;
	v20 =	vmul.f32 v13, v20  }
0xb1: {  	v45 =	vld [tilespmem:s24+$0xFFFFFFE0];
	v15 =	vmul.f32 v5, v15;
	v23 =	vperm.xlane v14, v3  }
0xb2: {  	v9 =	vld [tilespmem:s22+$0xFFFFFF80];
	v11 =	vadd.f32 v11, v17;
	v17 =	vadd.f32 v20, v18;
	v18 =	vmul.f32 v10, v22  }
0xb3: {  	v12 =	vld [tilespmem:s22+$0xFFFFFF90];
	v14 =	vadd.f32 v14, v23  }
0xb4: {  	v21 =	vld [tilespmem:s24+$0xFFFFFF80];
	v11 =	vadd.f32 v15, v11;
	v17 =	vadd.f32 v18, v17  }
0xb5: {  	v25 =	vld [tilespmem:s24+$0xFFFFFFA0]  }
0xb6: {  	v20 =	vld [tilespmem:s22+$0xFFFFFFA0];
	v18 =	vperm.xlane v14, v4;
	v59 =	vadd.f32 v17, v11  }
0xb7: {  	v22 =	vld [tilespmem:s24+$0xFFFFFFB0]  }
0xb8: {  	v15 =	vld [tilespmem:s22+$0xFFFFFFB0];
	v14 =	vadd.f32 v14, v18;
	v18 =	vperm.xlane v59, v1  }
0xb9: {  	v23 =	vld [tilespmem:s24+$0xFFFFFFC0]  }
0xba: {  	v42 =	vmul.f32 v12, v42;
	v11 =	vld [tilespmem:s22+$0xFFFFFFC0];
	v44 =	vpop (erf);
	v41 =	vadd.f32 v59, v18  }
0xbb: {  	v46 =	vmul.f32 v9, v21;
	v21 =	vld [tilespmem:s22+$0xFFFFFFE0];
	v14 =	vsub.f32 $0.0e+00, v14;
	v44 =	vadd.f32 $1.000000000e+00, v44  }
0xbc: {  	v17 =	vld [tilespmem:s22+$0xFFFFFFD0];
	v25 =	vmul.f32 v20, v25;
	v47 =	vperm.xlane v41, v2  }
0xbd: {  	v60 =	vld [tilespmem:s24+$0xFFFFFFF0];
	v46 =	vadd.f32 $0.0e+00, v46;
	v14 =	vmul.f32 $1.442695020e+00, v14;
	(erf) = vrcp.f32 v44  }
0xbe: {  	v42 =	vadd.f32 $0.0e+00, v42;
	v22 =	vmul.f32 v15, v22;
	v18 =	vld [tilespmem:s22+$0xFFFFFFF0];
	v41 =	vadd.f32 v41, v47  }
0xbf: {  	v63 =	vld [tilespmem:s28+$0x10];
	v25 =	vadd.f32 v25, v46;
	v23 =	vmul.f32 v11, v23;
	(erf) = vpow2.f32 v14  }
0xc0: {  	v53 =	vld [tilespmem:s28+$0x30];
	v61 =	vmul.f32 v21, v45;
	v47 =	vperm.xlane v41, v3  }
0xc1: {  	v54 =	vld [tilespmem:s28+$0x50];
	s24 =	simm.s32 $0x5480;
	v42 =	vadd.f32 v22, v42;
	v43 =	vmul.f32 v17, v43;
	v23 =	vadd.f32 v23, v25  }
0xc2: {  	v25 =	vld [tilespmem:s24+$0x20];
	v41 =	vadd.f32 v41, v47  }
0xc3: {  	v42 =	vadd.f32 v43, v42;
	v44 =	vmul.f32 v18, v60;
	v43 =	vadd.f32 v61, v23;
	v23 =	vld [tilespmem:s24+$0x0]  }
0xc4: {  	v46 =	vld [tilespmem:s28+$0x40];
	v47 =	vperm.xlane v41, v4  }
0xc5: {  	v22 =	vld [tilespmem:s24+$0x40];
	v42 =	vadd.f32 v44, v42  }
0xc6: {  	v14 =	vld [tilespmem:s24+$0x60];
	v50 =	vpop (erf);
	v41 =	vadd.f32 v41, v47  }
0xc7: {  	v49 =	vmul.f32 v25, v49;
	v42 =	vadd.f32 v42, v43;
	v51 =	vmul.f32 v50, v28;
	v28 =	vld [tilespmem:s24+$0x10]  }
0xc8: {  	v61 =	vmul.f32 v23, v62;
	v62 =	vld [tilespmem:s28+$0x70];
	v52 =	vmul.f32 v50, v24;
	v56 =	vpop (erf);
	v58 =	vsub.f32 $0.0e+00, v41  }
0xc9: {  	v59 =	vperm.xlane v42, v1;
	v24 =	vld [tilespmem:s24+$0x30];
	v60 =	vmul.f32 v50, v27;
	v57 =	vadd.f32 $1.000000000e+00, v56  }
0xca: {  	v27 =	vld [tilespmem:s24+$0x50];
	v47 =	vmul.f32 v50, v34;
	v34 =	vmul.f32 $1.442695020e+00, v58  }
0xcb: {  	v55 =	vmul.f32 v50, v26;
	v26 =	vld [tilespmem:s24+$0xFFFFFF80];
	v41 =	vadd.f32 v42, v59;
	(erf) = vrcp.f32 v57  }
0xcc: {  	[tilespmem:s15+$0x10] =	vst v47;
	v47 =	vld [tilespmem:s28+$0xFFFFFF80];
	v44 =	vmul.f32 v28, v63;
	(erf) = vpow2.f32 v34  }
0xcd: {  	v40 =	vmul.f32 v50, v40;
	v42 =	vadd.f32 $0.0e+00, v61;
	v56 =	vperm.xlane v41, v2;
	v34 =	vld [tilespmem:s24+$0x70]  }
0xce: {  	v53 =	vmul.f32 v24, v53;
	v63 =	vmul.f32 v50, v29;
	v29 =	vld [tilespmem:s24+$0xFFFFFF90];
	v44 =	vadd.f32 $0.0e+00, v44  }
0xcf: {  	v46 =	vmul.f32 v22, v46;
	v42 =	vadd.f32 v49, v42;
	v41 =	vadd.f32 v41, v56;
	v56 =	vld [tilespmem:s28+$0xFFFFFF90]  }
0xd0: {  	[tilespmem:s15+$0x70] =	vst v40;
	v54 =	vmul.f32 v27, v54;
	v44 =	vadd.f32 v53, v44  }
0xd1: {  	v48 =	vmul.f32 v14, v48;
	[tilespmem:s15+$0x0] =	vst v51;
	v42 =	vadd.f32 v46, v42;
	v57 =	vperm.xlane v41, v3  }
0xd2: {  	[tilespmem:s15+$0x20] =	vst v52;
	v52 =	vld [tilespmem:s28+$0xFFFFFFB0];
	v44 =	vadd.f32 v54, v44;
	v45 =	vmul.f32 v34, v62  }
0xd3: {  	[tilespmem:s15+$0x30] =	vst v60;
	v50 =	vmul.f32 v50, v30;
	v30 =	vld [tilespmem:s24+$0xFFFFFFA0];
	v60 =	vadd.f32 v48, v42;
	v41 =	vadd.f32 v41, v57  }
0xd4: {  	[tilespmem:s15+$0x40] =	vst v55;
	v46 =	vld [tilespmem:s28+$0xFFFFFFA0];
	v54 =	vmul.f32 v26, v47;
	v55 =	vmul.f32 v29, v56;
	v49 =	vpop (erf);
	v61 =	vadd.f32 v45, v44  }
0xd5: {  	[tilespmem:s15+$0x50] =	vst v63;
	v47 =	vld [tilespmem:s28+$0xFFFFFFC0];
	v63 =	vperm.xlane v41, v4;
	v58 =	vmul.f32 v49, v31;
	v53 =	vpop (erf)  }
0xd6: {  	[tilespmem:s15+$0x60] =	vst v50;
	v59 =	vmul.f32 v49, v32;
	v31 =	vld [tilespmem:s24+$0xFFFFFFB0];
	v42 =	vadd.f32 v61, v60;
	v44 =	vadd.f32 $1.000000000e+00, v53  }
0xd7: {  	v62 =	vmul.f32 v49, v39;
	v32 =	vld [tilespmem:s24+$0xFFFFFFC0];
	v56 =	vmul.f32 v49, v38;
	v41 =	vadd.f32 v41, v63;
	[tilespmem:s15+$0xFFFFFF80] =	vst v58  }
0xd8: {  	v45 =	vadd.f32 $0.0e+00, v54;
	v39 =	vld [tilespmem:s28+$0xFFFFFFD0];
	[tilespmem:s15+$0xFFFFFF90] =	vst v59;
	v57 =	vperm.xlane v42, v1;
	(erf) = vrcp.f32 v44  }
0xd9: {  	v38 =	vld [tilespmem:s24+$0xFFFFFFD0];
	v63 =	vmul.f32 v49, v33;
	[tilespmem:s15+$0xFFFFFFA0] =	vst v62;
	v58 =	vmul.f32 v30, v46;
	v41 =	vsub.f32 $0.0e+00, v41  }
0xda: {  	v40 =	vld [tilespmem:s28+$0xFFFFFFE0];
	v59 =	vmul.f32 v49, v37;
	[tilespmem:s15+$0xFFFFFFB0] =	vst v56;
	v61 =	vmul.f32 v49, v36;
	v42 =	vadd.f32 v42, v57  }
0xdb: {  	v48 =	vadd.f32 $0.0e+00, v55;
	v37 =	vld [tilespmem:s24+$0xFFFFFFE0];
	[tilespmem:s15+$0xFFFFFFE0] =	vst v63;
	v60 =	vmul.f32 v31, v52;
	v62 =	vmul.f32 $1.442695020e+00, v41  }
0xdc: {  	s12 =	simm.s32 $0x180;
	v33 =	vld [tilespmem:s24+$0xFFFFFFF0];
	[tilespmem:s15+$0xFFFFFFC0] =	vst v59;
	v45 =	vadd.f32 v58, v45;
	v36 =	vmul.f32 v32, v47;
	v46 =	vperm.xlane v42, v2  }
0xdd: {  	s29 =	simm.s32 $0x4;
	s30 =	simm.s32 $0x580;
	v43 =	vmul.f32 v49, v35;
	[tilespmem:s15+$0xFFFFFFD0] =	vst v61;
	v41 =	vld [tilespmem:s28+$0xFFFFFFF0];
	s28 =	simm.s32 $0x5480;
	v44 =	vadd.f32 v60, v48;
	(erf) = vpow2.f32 v62  }
.LBB2_11:
0xde: {  	v47 =	vld [tilespmem:s30+$0x60];
	v45 =	vadd.f32 v36, v45;
	v48 =	vmul.f32 v38, v39;
	v39 =	vadd.f32 v42, v46;
	s24 =	sadd.s32 $0x100, s24;
	v36 =	vmovc v38  }
0xdf: {  	v38 =	vld [tilespmem:s24+$0x60];
	[tilespmem:s15+$0xFFFFFFF0] =	vst v43;
	s15 =	smov.u32 s22;
	s22 =	smov.u32 s28;
	s28 =	smov.u32 s24  }
0xe0: {  	v42 =	vld [tilespmem:s30+$0x40];
	v43 =	vadd.f32 v48, v44;
	v40 =	vmul.f32 v37, v40;
	v44 =	vperm.xlane v39, v3;
	v35 =	vmovc v37  }
0xe1: {  	v37 =	vld [tilespmem:s24+$0x40];
	v46 =	vpop (erf)  }
0xe2: {  	v48 =	vld [tilespmem:s30+$0x20];
	v41 =	vmul.f32 v33, v41;
	v39 =	vadd.f32 v39, v44;
	v44 =	vmul.f32 v46, v10;
	v10 =	vmovc v34  }
0xe3: {  	v40 =	vadd.f32 v40, v45;
	v45 =	vmul.f32 v46, v8;
	v19 =	vmul.f32 v46, v19;
	v8 =	vmovc v23;
	v34 =	vld [tilespmem:s24+$0x20]  }
0xe4: {  	v50 =	vmul.f32 v46, v7;
	v49 =	vld [tilespmem:s30+$0x0];
	v41 =	vadd.f32 v41, v43;
	v43 =	vperm.xlane v39, v4;
	[tilespmem:s15+$0x70] =	vst v44  }
0xe5: {  	v52 =	vmul.f32 v46, v16;
	v7 =	vmovc v25;
	v44 =	vmul.f32 v46, v6;
	v6 =	vmov v22;
	v23 =	vld [tilespmem:s24+$0x0];
	[tilespmem:s15+$0x0] =	vst v45  }
0xe6: {  	v45 =	vld [tilespmem:s30+$0x10];
	v40 =	vadd.f32 v41, v40;
	v51 =	vadd.f32 v39, v43;
	[tilespmem:s15+$0x10] =	vst v19;
	v39 =	vmul.f32 v46, v13;
	v13 =	vpop (erf)  }
0xe7: {  	s29 =	sadd.s32 $0x2, s29;
	v43 =	vmul.f32 v46, v5;
	v5 =	vmovc v14;
	v14 =	vmovc v38;
	v22 =	vmov v37;
	v41 =	vld [tilespmem:s24+$0x10];
	v53 =	vadd.f32 $1.000000000e+00, v13;
	[tilespmem:s15+$0x20] =	vst v50  }
0xe8: {  	p0 =	slt.u32 s29, $0x26;
	v16 =	vmovc v24;
	v19 =	vmovc v28;
	v37 =	vld [tilespmem:s30+$0x30];
	v38 =	vperm.xlane v40, v1;
	v46 =	vsub.f32 $0.0e+00, v51;
	[tilespmem:s15+$0x30] =	vst v52;
	v25 =	vmov v34  }
0xe9: {  	v13 =	vmov v27;
	v24 =	vld [tilespmem:s24+$0x30];
	[tilespmem:s15+$0x40] =	vst v44;
	(erf) = vrcp.f32 v53  }
0xea: {  	v44 =	vld [tilespmem:s30+$0x50];
	v38 =	vadd.f32 v40, v38;
	v34 =	vmul.f32 $1.442695020e+00, v46;
	[tilespmem:s15+$0x50] =	vst v39  }
0xeb: {  	v39 =	vmul.f32 v23, v49;
	v27 =	vld [tilespmem:s24+$0x50];
	[tilespmem:s15+$0x60] =	vst v43  }
0xec: {  	v40 =	vmul.f32 v41, v45;
	v43 =	vld [tilespmem:s30+$0x70];
	(erf) = vpow2.f32 v34;
	v28 =	vmov v41  }
0xed: {  	v41 =	vmul.f32 v25, v48;
	v45 =	vperm.xlane v38, v2;
	v34 =	vld [tilespmem:s24+$0x70]  }
0xee: {  	v39 =	vadd.f32 $0.0e+00, v39;
	v46 =	vld [tilespmem:s24+$0xFFFFFF80];
	v40 =	vadd.f32 $0.0e+00, v40;
	v37 =	vmul.f32 v24, v37  }
0xef: {  	v42 =	vmul.f32 v22, v42;
	v38 =	vadd.f32 v38, v45;
	v48 =	vld [tilespmem:s30+$0xFFFFFF90]  }
0xf0: {  	v39 =	vadd.f32 v41, v39;
	v45 =	vld [tilespmem:s24+$0xFFFFFF90];
	v37 =	vadd.f32 v37, v40;
	v40 =	vmul.f32 v27, v44  }
0xf1: {  	v44 =	vmul.f32 v14, v47;
	v47 =	vperm.xlane v38, v3;
	v41 =	vld [tilespmem:s30+$0xFFFFFF80]  }
0xf2: {  	v39 =	vadd.f32 v42, v39;
	v49 =	vld [tilespmem:s30+$0xFFFFFFA0];
	v37 =	vadd.f32 v40, v37;
	v40 =	vmul.f32 v34, v43;
	v43 =	vpop (erf)  }
0xf3: {  	v38 =	vadd.f32 v38, v47;
	v42 =	vld [tilespmem:s24+$0xFFFFFFA0];
	v47 =	vmul.f32 v43, v9;
	v50 =	vmul.f32 v43, v12;
	v9 =	vmovc v26  }
0xf4: {  	v39 =	vadd.f32 v44, v39;
	v53 =	vmul.f32 v43, v20;
	v26 =	vmovc v46;
	v51 =	vld [tilespmem:s30+$0xFFFFFFB0];
	v37 =	vadd.f32 v40, v37  }
0xf5: {  	v12 =	vmov v29;
	v46 =	vperm.xlane v38, v4;
	v40 =	vmul.f32 v45, v48;
	v44 =	vld [tilespmem:s24+$0xFFFFFFB0];
	v48 =	vpop (erf);
	[tilespmem:s15+$0xFFFFFF80] =	vst v47  }
0xf6: {  	v29 =	vmovc v45;
	v41 =	vmul.f32 v26, v41;
	v47 =	vld [tilespmem:s30+$0xFFFFFFC0];
	v37 =	vadd.f32 v37, v39;
	v48 =	vadd.f32 $1.000000000e+00, v48;
	[tilespmem:s15+$0xFFFFFF90] =	vst v50  }
0xf7: {  	v20 =	vmovc v30;
	v45 =	vmul.f32 v43, v15;
	v50 =	vadd.f32 $0.0e+00, v40;
	v52 =	vld [tilespmem:s24+$0xFFFFFFC0];
	v40 =	vadd.f32 v38, v46;
	[tilespmem:s15+$0xFFFFFFA0] =	vst v53  }
0xf8: {  	v15 =	vmovc v31;
	v41 =	vadd.f32 $0.0e+00, v41;
	v39 =	vld [tilespmem:s30+$0xFFFFFFD0];
	v46 =	vperm.xlane v37, v1;
	(erf) = vrcp.f32 v48;
	v30 =	vmovc v42  }
.Ltmp8:
0xf9: {  	v53 =	vmul.f32 v43, v11;
	v11 =	vmovc v32;
	v48 =	vmul.f32 v30, v49;
	v38 =	vld [tilespmem:s24+$0xFFFFFFD0];
	v49 =	vsub.f32 $0.0e+00, v40;
	[tilespmem:s15+$0xFFFFFFB0] =	vst v45;
	(pc) =	sbr.rel @p0 .LBB2_11-.Ltmp8, $4  }
0xfa: {  	v54 =	vmul.f32 v44, v51;
	v40 =	vld [tilespmem:s30+$0xFFFFFFE0];
	v42 =	vadd.f32 v37, v46;
	v51 =	vmul.f32 v43, v17;
	v31 =	vmovc v44  }
0xfb: {  	v17 =	vmovc v36;
	v45 =	vadd.f32 v48, v41;
	v37 =	vld [tilespmem:s24+$0xFFFFFFE0];
	v48 =	vmul.f32 $1.442695020e+00, v49;
	[tilespmem:s15+$0xFFFFFFC0] =	vst v53;
	v49 =	vmul.f32 v43, v21  }
0xfc: {  	v44 =	vadd.f32 v54, v50;
	v36 =	vmul.f32 v52, v47;
	v41 =	vld [tilespmem:s30+$0xFFFFFFF0];
	v46 =	vperm.xlane v42, v2;
	[tilespmem:s15+$0xFFFFFFD0] =	vst v51  }
0xfd: {  	v43 =	vmul.f32 v43, v18;
	v21 =	vmovc v35;
	v18 =	vmovc v33;
	s30 =	sadd.s32 $0x100, s30;
	v32 =	vmov v52;
	(erf) = vpow2.f32 v48;
	[tilespmem:s15+$0xFFFFFFE0] =	vst v49;
	v33 =	vld [tilespmem:s24+$0xFFFFFFF0]  }
0xfe: {  	_ =	sdelay $0x1  }
0xff: {  	v35 =	vmul.f32 v38, v39  }
0x100: {  	v36 =	vadd.f32 v36, v45;
	v63 =	vadd.f32 v42, v46  }
0x101: {  	v35 =	vadd.f32 v35, v44;
	v40 =	vmul.f32 v37, v40;
	v41 =	vmul.f32 v33, v41  }
0x102: {  	v42 =	vperm.xlane v63, v3  }
0x103: {  	v36 =	vadd.f32 v40, v36;
	v35 =	vadd.f32 v41, v35  }
0x104: {  	v39 =	vadd.f32 v63, v42  }
0x105: {  	v35 =	vadd.f32 v35, v36  }
0x106: {  	v44 =	vperm.xlane v39, v4  }
0x107: {  	v45 =	vperm.xlane v35, v1  }
0x108: {  	v36 =	vadd.f32 v39, v44  }
0x109: {  	v46 =	vpop (erf);
	v35 =	vadd.f32 v35, v45  }
0x10a: {  	v47 =	vpop (erf);
	v36 =	vsub.f32 $0.0e+00, v36  }
0x10b: {  	v40 =	vadd.f32 $1.000000000e+00, v47;
	v48 =	vperm.xlane v35, v2  }
0x10c: {  	v36 =	vmul.f32 $1.442695020e+00, v36  }
0x10d: {  	(erf) = vrcp.f32 v40;
	v35 =	vadd.f32 v35, v48  }
0x10e: {  	(erf) = vpow2.f32 v36  }
0x10f: {  	v49 =	vperm.xlane v35, v3;
	_ =	sdelay $0x1  }
0x110: {  	v35 =	vadd.f32 v35, v49;
	_ =	sdelay $0x1  }
0x111: {  	v36 =	vperm.xlane v35, v4;
	_ =	sdelay $0x1  }
0x112: {  	v35 =	vadd.f32 v35, v36  }
0x113: {  	v50 =	vpop (erf)  }
0x114: {  	v51 =	vpop (erf);
	v35 =	vsub.f32 $0.0e+00, v35  }
0x115: {  	v40 =	vadd.f32 $1.000000000e+00, v51  }
0x116: {  	v10 =	vmul.f32 v46, v10;
	v35 =	vmul.f32 $1.442695020e+00, v35  }
0x117: {  	[tilespmem:s15+$0xFFFFFFF0] =	vst v43;
	v8 =	vmul.f32 v46, v8;
	(erf) = vrcp.f32 v40  }
0x118: {  	v19 =	vmul.f32 v46, v19;
	[tilespmem:s22+$0x70] =	vst v10;
	(erf) = vpow2.f32 v35  }
0x119: {  	v7 =	vmul.f32 v46, v7;
	[tilespmem:s22+$0x0] =	vst v8  }
0x11a: {  	v6 =	vmul.f32 v46, v6;
	[tilespmem:s22+$0x10] =	vst v19  }
0x11b: {  	v5 =	vmul.f32 v46, v5;
	[tilespmem:s22+$0x20] =	vst v7  }
0x11c: {  	v8 =	vmul.f32 v46, v16;
	[tilespmem:s22+$0x40] =	vst v6;
	v6 =	vmul.f32 v50, v9  }
0x11d: {  	v7 =	vmul.f32 v46, v13;
	[tilespmem:s22+$0x60] =	vst v5  }
0x11e: {  	[tilespmem:s22+$0x30] =	vst v8  }
0x11f: {  	[tilespmem:s22+$0x50] =	vst v7;
	v5 =	vmul.f32 v50, v12  }
0x120: {  	v7 =	vmul.f32 v50, v20;
	[tilespmem:s22+$0xFFFFFF80] =	vst v6;
	v6 =	vpop (erf)  }
0x121: {  	[tilespmem:s22+$0xFFFFFF90] =	vst v5;
	v5 =	vmul.f32 v50, v15;
	v8 =	vpop (erf)  }
0x122: {  	[tilespmem:s22+$0xFFFFFFA0] =	vst v7;
	v7 =	vmul.f32 v50, v11;
	v8 =	vadd.f32 $1.000000000e+00, v8  }
0x123: {  	[tilespmem:s22+$0xFFFFFFB0] =	vst v5;
	v5 =	vmul.f32 v50, v17  }
0x124: {  	[tilespmem:s22+$0xFFFFFFC0] =	vst v7;
	v7 =	vmul.f32 v50, v21;
	(erf) = vrcp.f32 v8  }
0x125: {  	[tilespmem:s22+$0xFFFFFFD0] =	vst v5;
	v5 =	vmul.f32 v50, v18  }
0x126: {  	[tilespmem:s22+$0xFFFFFFE0] =	vst v7;
	v7 =	vmul.f32 v6, v34  }
0x127: {  	[tilespmem:s22+$0xFFFFFFF0] =	vst v5;
	v5 =	vmul.f32 v6, v23  }
0x128: {  	[tilespmem:s28+$0x70] =	vst v7;
	v7 =	vmul.f32 v6, v25  }
0x129: {  	[tilespmem:s28+$0x0] =	vst v5;
	v5 =	vmul.f32 v6, v24  }
0x12a: {  	[tilespmem:s28+$0x20] =	vst v7;
	v7 =	vmul.f32 v6, v27  }
0x12b: {  	[tilespmem:s28+$0x30] =	vst v5;
	v8 =	vmul.f32 v6, v28  }
0x12c: {  	v5 =	vmul.f32 v6, v14;
	[tilespmem:s28+$0x50] =	vst v7  }
0x12d: {  	[tilespmem:s28+$0x10] =	vst v8;
	v8 =	vmul.f32 v6, v22;
	v6 =	vpop (erf)  }
0x12e: {  	[tilespmem:s28+$0x60] =	vst v5;
	v7 =	vmul.f32 v6, v26  }
0x12f: {  	[tilespmem:s28+$0x40] =	vst v8;
	v5 =	vmul.f32 v6, v29  }
0x130: {  	v8 =	vmul.f32 v6, v30;
	[tilespmem:s28+$0xFFFFFF80] =	vst v7  }
0x131: {  	[tilespmem:s28+$0xFFFFFF90] =	vst v5;
	v5 =	vmul.f32 v6, v31  }
0x132: {  	[tilespmem:s28+$0xFFFFFFA0] =	vst v8;
	v7 =	vmul.f32 v6, v32  }
0x133: {  	[tilespmem:s28+$0xFFFFFFB0] =	vst v5;
	v5 =	vmul.f32 v6, v38  }
0x134: {  	[tilespmem:s28+$0xFFFFFFC0] =	vst v7;
	v7 =	vmul.f32 v6, v37  }
0x135: {  	[tilespmem:s28+$0xFFFFFFD0] =	vst v5;
	v5 =	vmul.f32 v6, v33  }
0x136: {  	[tilespmem:s28+$0xFFFFFFE0] =	vst v7  }
0x137: {  	s15 =	sadd.s32 $0x4, s14;
	s22 =	simm.s32 $0x5200;
	[tilespmem:s28+$0xFFFFFFF0] =	vst v5  }
0x138: {  	[spmem:s3] =	stream.indirect.scatter.add.f32 [tilespmem:s22], [sflag:$0x9], $0x80, s4, s19, $0xb8;
	[tilespmem:$0x1DA80] =	vst v63  }
0x139: {  	s22 =	sshll.u32 s15, $0x7  }
0x13a: {  	s24 =	sand.u32 $0xFC00, s22  }
0x13b: {  	s22 =	sand.u32 $0x200, s22;
	s24 =	sadd.s32 s9, s24  }
0x13c: {  	_ =	swait.ge [sflag:s11], $0x1400;
	s22 =	sor.u32 s22, s24  }
0x13d: {  	s0 =	smul.u32 $0x28, s0;
	[sflag:s11] =	ssyncset.done $0x0;
	s22 =	sshrl.u32 s22, $0x3  }
0x13e: {  	[sflag:s11] =	ssyncadd.s32 $0xFFFFEC00;
	s24 =	simm.s32 $0x4;
	s22 =	sadd.s32 s6, s22  }
0x13f: {  	[tilespmem:s4], [sflag:$0x1] =	stream.linear.gather [hbm4b:s22+s4], $0x80, $0x38;
	[tilespmem:$0x1DA80] =	vst v63  }
0x140: {  	_ =	swait.ge [sflag:s24], $0x80  }
0x141: {  	s0 =	sadd.s32 s7, s0;
	[sflag:s24] =	ssyncset.done $0x0  }
0x142: {  	s0 =	sshll.u32 s0, $0x4;
	[sflag:s24] =	ssyncadd.s32 $0xFFFFFF80;
	s24 =	simm.s32 $0x3E00  }
0x143: {  	[tilespmem:s24], [sflag:$0x8] =	stream.indirect.gather [hbm4b:s1+s19], $0x80, s12, s19, $0xb8;
	[tilespmem:$0x1DA80] =	vst v63  }
0x144: {  	s0 =	sadd.s32 s2, s0;
	s22 =	simm.s32 $0x8E00  }
0x145: {  	[tilespmem:s22], [sflag:$0x8] =	stream.linear.gather [hbm4b:s0+s4], $0x1400, $0x38;
	[tilespmem:$0x1DA80] =	vst v63  }
0x146: {  	_ =	swait.ge [sflag:s8], $0x1400  }
0x147: {  	[sflag:s8] =	ssyncset.done $0x0  }
0x148: {  	[sflag:s8] =	ssyncadd.s32 $0xFFFFEC00  }
0x149: {  	_ =	swait.ge [sflag:s8], $0x1400  }
0x14a: {  	[sflag:s8] =	ssyncset.done $0x0  }
0x14b: {  	s24 =	simm.s32 $0x16F0;
	[sflag:s8] =	ssyncadd.s32 $0xFFFFEC00  }
0x14c: {  	s0 =	simm.s32 $0x66F0;
	v5 =	vld [tilespmem:s24+$0xFFFFFFF0]  }
0x14d: {  	v30 =	vld [tilespmem:s0+$0xFFFFFFF0]  }
0x14e: {  	v6 =	vld [tilespmem:s24+$0xFFFFFFD0]  }
0x14f: {  	v26 =	vld [tilespmem:s0+$0xFFFFFFD0]  }
0x150: {  	v7 =	vld [tilespmem:s24+$0xFFFFFFB0]  }
0x151: {  	v24 =	vld [tilespmem:s0+$0xFFFFFFB0]  }
0x152: {  	v8 =	vld [tilespmem:s24+$0xFFFFFF90]  }
0x153: {  	v28 =	vld [tilespmem:s0+$0xFFFFFF90]  }
0x154: {  	v9 =	vld [tilespmem:s24+$0xFFFFFFA0]  }
0x155: {  	v34 =	vld [tilespmem:s0+$0xFFFFFFA0]  }
0x156: {  	v10 =	vld [tilespmem:s24+$0xFFFFFFC0]  }
0x157: {  	v27 =	vld [tilespmem:s0+$0xFFFFFFC0]  }
0x158: {  	v11 =	vld [tilespmem:s24+$0xFFFFFFE0]  }
0x159: {  	v29 =	vld [tilespmem:s0+$0xFFFFFFE0]  }
0x15a: {  	v12 =	vld [tilespmem:s24+$0x0]  }
0x15b: {  	v52 =	vld [tilespmem:s0+$0x0]  }
0x15c: {  	v31 =	vld [tilespmem:s0+$0xFFFFFF10]  }
0x15d: {  	v13 =	vld [tilespmem:s24+$0xFFFFFF20]  }
0x15e: {  	v32 =	vld [tilespmem:s0+$0xFFFFFF20]  }
0x15f: {  	v39 =	vld [tilespmem:s0+$0xFFFFFF30];
	v8 =	vmul.f32 v28, v8;
	v9 =	vmul.f32 v34, v9  }
0x160: {  	v38 =	vld [tilespmem:s0+$0xFFFFFF40];
	v7 =	vmul.f32 v24, v7  }
0x161: {  	v37 =	vld [tilespmem:s0+$0xFFFFFF50];
	v10 =	vmul.f32 v27, v10;
	v8 =	vadd.f32 $0.0e+00, v8;
	v9 =	vadd.f32 $0.0e+00, v9  }
0x162: {  	v36 =	vld [tilespmem:s0+$0xFFFFFF60];
	v6 =	vmul.f32 v26, v6  }
0x163: {  	v33 =	vld [tilespmem:s0+$0xFFFFFF70];
	v7 =	vadd.f32 v7, v8;
	v8 =	vadd.f32 v10, v9;
	v9 =	vmul.f32 v29, v11  }
0x164: {  	s12 =	simm.s32 $0x17F0;
	v35 =	vld [tilespmem:s0+$0xFFFFFF80];
	v5 =	vmul.f32 v30, v5  }
0x165: {  	v15 =	vld [tilespmem:s12+$0xFFFFFFF0];
	v6 =	vadd.f32 v6, v7;
	v7 =	vadd.f32 v9, v8;
	v8 =	vmul.f32 v52, v12  }
0x166: {  	v17 =	vld [tilespmem:s12+$0xFFFFFF90]  }
0x167: {  	v10 =	vld [tilespmem:s24+$0xFFFFFF10];
	v5 =	vadd.f32 v5, v6;
	v6 =	vadd.f32 v8, v7  }
0x168: {  	v18 =	vld [tilespmem:s12+$0xFFFFFFA0]  }
0x169: {  	v11 =	vld [tilespmem:s24+$0xFFFFFF30];
	v5 =	vadd.f32 v6, v5  }
0x16a: {  	v9 =	vld [tilespmem:s24+$0xFFFFFF40]  }
0x16b: {  	v7 =	vld [tilespmem:s24+$0xFFFFFF50];
	v8 =	vperm.xlane v5, v1  }
0x16c: {  	v10 =	vmul.f32 v31, v10;
	v6 =	vld [tilespmem:s24+$0xFFFFFF60]  }
0x16d: {  	v12 =	vld [tilespmem:s24+$0xFFFFFF70];
	v5 =	vadd.f32 v5, v8;
	v8 =	vmul.f32 v32, v13  }
0x16e: {  	s22 =	simm.s32 $0x67F0;
	v11 =	vmul.f32 v39, v11;
	v10 =	vadd.f32 $0.0e+00, v10;
	v13 =	vld [tilespmem:s24+$0xFFFFFF80]  }
0x16f: {  	v19 =	vld [tilespmem:s22+$0xFFFFFFA0];
	v9 =	vmul.f32 v38, v9;
	v14 =	vperm.xlane v5, v2;
	v8 =	vadd.f32 $0.0e+00, v8  }
0x170: {  	v20 =	vld [tilespmem:s12+$0xFFFFFFE0];
	v10 =	vadd.f32 v11, v10;
	v7 =	vmul.f32 v37, v7  }
0x171: {  	v22 =	vld [tilespmem:s12+$0x0];
	v11 =	vadd.f32 v5, v14;
	v8 =	vadd.f32 v9, v8;
	v9 =	vmul.f32 v36, v6  }
0x172: {  	v54 =	vld [tilespmem:s12+$0xFFFFFF20];
	v12 =	vmul.f32 v33, v12;
	v10 =	vadd.f32 v7, v10  }
0x173: {  	v56 =	vld [tilespmem:s12+$0xFFFFFF60];
	v13 =	vmul.f32 v35, v13;
	v16 =	vperm.xlane v11, v3;
	v8 =	vadd.f32 v9, v8  }
0x174: {  	v7 =	vld [tilespmem:s22+$0xFFFFFFB0];
	v10 =	vadd.f32 v12, v10  }
0x175: {  	v14 =	vld [tilespmem:s12+$0xFFFFFFD0];
	v11 =	vadd.f32 v11, v16;
	v12 =	vadd.f32 v13, v8  }
0x176: {  	v9 =	vld [tilespmem:s12+$0xFFFFFFB0]  }
0x177: {  	v8 =	vld [tilespmem:s22+$0xFFFFFF90];
	v13 =	vperm.xlane v11, v4;
	v10 =	vadd.f32 v12, v10  }
0x178: {  	v16 =	vld [tilespmem:s22+$0xFFFFFFC0]  }
0x179: {  	v12 =	vld [tilespmem:s12+$0xFFFFFFC0];
	v11 =	vadd.f32 v11, v13;
	v13 =	vperm.xlane v10, v1  }
0x17a: {  	v6 =	vld [tilespmem:s22+$0xFFFFFFD0]  }
0x17b: {  	v18 =	vmul.f32 v19, v18;
	v11 =	vsub.f32 $0.0e+00, v11;
	v21 =	vadd.f32 v10, v13;
	v13 =	vld [tilespmem:s22+$0xFFFFFFE0]  }
0x17c: {  	v5 =	vld [tilespmem:s22+$0xFFFFFFF0];
	v17 =	vmul.f32 v8, v17  }
0x17d: {  	v18 =	vadd.f32 $0.0e+00, v18;
	v10 =	vld [tilespmem:s22+$0x0];
	v11 =	vmul.f32 $1.442695020e+00, v11;
	v25 =	vperm.xlane v21, v2  }
0x17e: {  	v58 =	vld [tilespmem:s12+$0xFFFFFF70];
	v23 =	vmul.f32 v7, v9;
	v17 =	vadd.f32 $0.0e+00, v17;
	v53 =	vmul.f32 v16, v12  }
0x17f: {  	s28 =	simm.s32 $0x18F0;
	v60 =	vld [tilespmem:s12+$0xFFFFFF80];
	(erf) = vpow2.f32 v11;
	v11 =	vmul.f32 v6, v14;
	v14 =	vadd.f32 v21, v25  }
0x180: {  	v48 =	vld [tilespmem:s28+$0xFFFFFFF0];
	v17 =	vadd.f32 v23, v17;
	v18 =	vadd.f32 v53, v18;
	v20 =	vmul.f32 v13, v20  }
0x181: {  	v15 =	vmul.f32 v5, v15;
	v9 =	vld [tilespmem:s22+$0xFFFFFF10];
	v23 =	vperm.xlane v14, v3  }
0x182: {  	v12 =	vld [tilespmem:s22+$0xFFFFFF20];
	v11 =	vadd.f32 v11, v17;
	v17 =	vadd.f32 v20, v18;
	v18 =	vmul.f32 v10, v22  }
0x183: {  	v21 =	vld [tilespmem:s12+$0xFFFFFF10];
	v14 =	vadd.f32 v14, v23  }
0x184: {  	v25 =	vld [tilespmem:s12+$0xFFFFFF30];
	v11 =	vadd.f32 v15, v11;
	v17 =	vadd.f32 v18, v17  }
0x185: {  	v20 =	vld [tilespmem:s22+$0xFFFFFF30]  }
0x186: {  	v22 =	vld [tilespmem:s12+$0xFFFFFF40];
	v18 =	vperm.xlane v14, v4;
	v55 =	vadd.f32 v17, v11  }
0x187: {  	v15 =	vld [tilespmem:s22+$0xFFFFFF40]  }
0x188: {  	v23 =	vld [tilespmem:s12+$0xFFFFFF50];
	v14 =	vadd.f32 v14, v18;
	v18 =	vperm.xlane v55, v1  }
0x189: {  	v11 =	vld [tilespmem:s22+$0xFFFFFF50]  }
0x18a: {  	v42 =	vmul.f32 v12, v54;
	v59 =	vmul.f32 v9, v21;
	v17 =	vld [tilespmem:s22+$0xFFFFFF60];
	v57 =	vpop (erf);
	v41 =	vadd.f32 v55, v18  }
0x18b: {  	v21 =	vld [tilespmem:s22+$0xFFFFFF70];
	v25 =	vmul.f32 v20, v25;
	v14 =	vsub.f32 $0.0e+00, v14;
	v44 =	vadd.f32 $1.000000000e+00, v57  }
0x18c: {  	v49 =	vld [tilespmem:s28+$0xFFFFFFB0];
	v46 =	vadd.f32 $0.0e+00, v59;
	v22 =	vmul.f32 v15, v22;
	v47 =	vperm.xlane v41, v2  }
0x18d: {  	v62 =	vld [tilespmem:s28+$0xFFFFFF90];
	v42 =	vadd.f32 $0.0e+00, v42;
	v14 =	vmul.f32 $1.442695020e+00, v14;
	(erf) = vrcp.f32 v44  }
0x18e: {  	v25 =	vadd.f32 v25, v46;
	v18 =	vld [tilespmem:s22+$0xFFFFFF80];
	v23 =	vmul.f32 v11, v23;
	v41 =	vadd.f32 v41, v47  }
0x18f: {  	v63 =	vld [tilespmem:s28+$0xFFFFFFA0];
	v42 =	vadd.f32 v22, v42;
	v43 =	vmul.f32 v17, v56;
	(erf) = vpow2.f32 v14  }
0x190: {  	v53 =	vld [tilespmem:s28+$0xFFFFFFC0];
	v61 =	vmul.f32 v21, v58;
	v23 =	vadd.f32 v23, v25;
	v47 =	vperm.xlane v41, v3  }
0x191: {  	s24 =	simm.s32 $0x68F0;
	v54 =	vld [tilespmem:s28+$0xFFFFFFE0];
	v42 =	vadd.f32 v43, v42  }
0x192: {  	v43 =	vadd.f32 v61, v23;
	v23 =	vld [tilespmem:s24+$0xFFFFFF90];
	v41 =	vadd.f32 v41, v47  }
0x193: {  	v46 =	vld [tilespmem:s28+$0xFFFFFFD0];
	v44 =	vmul.f32 v18, v60  }
0x194: {  	v22 =	vld [tilespmem:s24+$0xFFFFFFD0];
	v47 =	vperm.xlane v41, v4  }
0x195: {  	v14 =	vld [tilespmem:s24+$0xFFFFFFF0];
	v42 =	vadd.f32 v44, v42  }
0x196: {  	v25 =	vld [tilespmem:s24+$0xFFFFFFB0];
	v50 =	vpop (erf);
	v41 =	vadd.f32 v41, v47  }
0x197: {  	v42 =	vadd.f32 v42, v43;
	v61 =	vmul.f32 v23, v62;
	v51 =	vmul.f32 v50, v28;
	v28 =	vld [tilespmem:s24+$0xFFFFFFA0]  }
0x198: {  	v62 =	vld [tilespmem:s28+$0x0];
	v40 =	vmul.f32 v50, v52;
	v52 =	vmul.f32 v50, v24;
	v56 =	vpop (erf);
	v58 =	vsub.f32 $0.0e+00, v41  }
0x199: {  	v59 =	vperm.xlane v42, v1;
	v24 =	vld [tilespmem:s24+$0xFFFFFFC0];
	v60 =	vmul.f32 v50, v27;
	v57 =	vadd.f32 $1.000000000e+00, v56  }
0x19a: {  	v27 =	vld [tilespmem:s24+$0xFFFFFFE0];
	v47 =	vmul.f32 v50, v34;
	v34 =	vmul.f32 $1.442695020e+00, v58  }
0x19b: {  	v55 =	vmul.f32 v50, v26;
	v26 =	vld [tilespmem:s24+$0xFFFFFF10];
	v41 =	vadd.f32 v42, v59;
	(erf) = vrcp.f32 v57  }
0x19c: {  	[tilespmem:s0+$0xFFFFFFA0] =	vst v47;
	v47 =	vld [tilespmem:s28+$0xFFFFFF10];
	v44 =	vmul.f32 v28, v63;
	(erf) = vpow2.f32 v34  }
0x19d: {  	v49 =	vmul.f32 v25, v49;
	v42 =	vadd.f32 $0.0e+00, v61;
	v56 =	vperm.xlane v41, v2;
	v34 =	vld [tilespmem:s24+$0x0]  }
0x19e: {  	v53 =	vmul.f32 v24, v53;
	v63 =	vmul.f32 v50, v29;
	v29 =	vld [tilespmem:s24+$0xFFFFFF20];
	v44 =	vadd.f32 $0.0e+00, v44  }
0x19f: {  	v46 =	vmul.f32 v22, v46;
	v42 =	vadd.f32 v49, v42;
	v41 =	vadd.f32 v41, v56;
	v56 =	vld [tilespmem:s28+$0xFFFFFF20]  }
0x1a0: {  	[tilespmem:s0+$0x0] =	vst v40;
	v54 =	vmul.f32 v27, v54;
	v44 =	vadd.f32 v53, v44  }
0x1a1: {  	v48 =	vmul.f32 v14, v48;
	[tilespmem:s0+$0xFFFFFF90] =	vst v51;
	v42 =	vadd.f32 v46, v42;
	v57 =	vperm.xlane v41, v3  }
0x1a2: {  	[tilespmem:s0+$0xFFFFFFB0] =	vst v52;
	v52 =	vld [tilespmem:s28+$0xFFFFFF40];
	v44 =	vadd.f32 v54, v44;
	v45 =	vmul.f32 v34, v62  }
0x1a3: {  	[tilespmem:s0+$0xFFFFFFC0] =	vst v60;
	v50 =	vmul.f32 v50, v30;
	v30 =	vld [tilespmem:s24+$0xFFFFFF30];
	v60 =	vadd.f32 v48, v42;
	v41 =	vadd.f32 v41, v57  }
0x1a4: {  	[tilespmem:s0+$0xFFFFFFD0] =	vst v55;
	v46 =	vld [tilespmem:s28+$0xFFFFFF30];
	v54 =	vmul.f32 v26, v47;
	v55 =	vmul.f32 v29, v56;
	v49 =	vpop (erf);
	v61 =	vadd.f32 v45, v44  }
0x1a5: {  	[tilespmem:s0+$0xFFFFFFE0] =	vst v63;
	v47 =	vld [tilespmem:s28+$0xFFFFFF50];
	v63 =	vperm.xlane v41, v4;
	v58 =	vmul.f32 v49, v31;
	v53 =	vpop (erf)  }
0x1a6: {  	[tilespmem:s0+$0xFFFFFFF0] =	vst v50;
	v59 =	vmul.f32 v49, v32;
	v31 =	vld [tilespmem:s24+$0xFFFFFF40];
	v42 =	vadd.f32 v61, v60;
	v44 =	vadd.f32 $1.000000000e+00, v53  }
0x1a7: {  	v62 =	vmul.f32 v49, v39;
	v32 =	vld [tilespmem:s24+$0xFFFFFF50];
	v56 =	vmul.f32 v49, v38;
	v41 =	vadd.f32 v41, v63;
	[tilespmem:s0+$0xFFFFFF10] =	vst v58  }
0x1a8: {  	v45 =	vadd.f32 $0.0e+00, v54;
	v39 =	vld [tilespmem:s28+$0xFFFFFF60];
	[tilespmem:s0+$0xFFFFFF20] =	vst v59;
	v57 =	vperm.xlane v42, v1;
	(erf) = vrcp.f32 v44  }
0x1a9: {  	v38 =	vld [tilespmem:s24+$0xFFFFFF60];
	v63 =	vmul.f32 v49, v33;
	[tilespmem:s0+$0xFFFFFF30] =	vst v62;
	v58 =	vmul.f32 v30, v46;
	v41 =	vsub.f32 $0.0e+00, v41  }
0x1aa: {  	v40 =	vld [tilespmem:s28+$0xFFFFFF70];
	v59 =	vmul.f32 v49, v37;
	[tilespmem:s0+$0xFFFFFF40] =	vst v56;
	v61 =	vmul.f32 v49, v36;
	v42 =	vadd.f32 v42, v57  }
0x1ab: {  	v48 =	vadd.f32 $0.0e+00, v55;
	v37 =	vld [tilespmem:s24+$0xFFFFFF70];
	[tilespmem:s0+$0xFFFFFF70] =	vst v63;
	v60 =	vmul.f32 v31, v52;
	v62 =	vmul.f32 $1.442695020e+00, v41  }
0x1ac: {  	v33 =	vld [tilespmem:s24+$0xFFFFFF80];
	[tilespmem:s0+$0xFFFFFF50] =	vst v59;
	v45 =	vadd.f32 v58, v45;
	v36 =	vmul.f32 v32, v47;
	v46 =	vperm.xlane v42, v2  }
0x1ad: {  	s29 =	simm.s32 $0x4;
	s30 =	simm.s32 $0x19F0;
	v43 =	vmul.f32 v49, v35;
	[tilespmem:s0+$0xFFFFFF60] =	vst v61;
	v41 =	vld [tilespmem:s28+$0xFFFFFF80];
	s28 =	simm.s32 $0x68F0;
	v44 =	vadd.f32 v60, v48;
	(erf) = vpow2.f32 v62  }
.LBB2_13:
0x1ae: {  	v47 =	vld [tilespmem:s30+$0xFFFFFFF0];
	v45 =	vadd.f32 v36, v45;
	v48 =	vmul.f32 v38, v39;
	v39 =	vadd.f32 v42, v46;
	s24 =	sadd.s32 $0x100, s24;
	v36 =	vmovc v38  }
0x1af: {  	v38 =	vld [tilespmem:s24+$0xFFFFFFF0];
	[tilespmem:s0+$0xFFFFFF80] =	vst v43;
	s0 =	smov.u32 s22;
	s22 =	smov.u32 s28;
	s28 =	smov.u32 s24  }
0x1b0: {  	v42 =	vld [tilespmem:s30+$0xFFFFFFD0];
	v43 =	vadd.f32 v48, v44;
	v40 =	vmul.f32 v37, v40;
	v44 =	vperm.xlane v39, v3;
	v35 =	vmovc v37  }
0x1b1: {  	v37 =	vld [tilespmem:s24+$0xFFFFFFD0];
	v46 =	vpop (erf)  }
0x1b2: {  	v48 =	vld [tilespmem:s30+$0xFFFFFFB0];
	v41 =	vmul.f32 v33, v41;
	v39 =	vadd.f32 v39, v44;
	v44 =	vmul.f32 v46, v10;
	v10 =	vmovc v34  }
0x1b3: {  	v40 =	vadd.f32 v40, v45;
	v45 =	vmul.f32 v46, v8;
	v19 =	vmul.f32 v46, v19;
	v8 =	vmovc v23;
	v34 =	vld [tilespmem:s24+$0xFFFFFFB0]  }
0x1b4: {  	v50 =	vmul.f32 v46, v7;
	v49 =	vld [tilespmem:s30+$0xFFFFFF90];
	v41 =	vadd.f32 v41, v43;
	v43 =	vperm.xlane v39, v4;
	[tilespmem:s0+$0x0] =	vst v44  }
0x1b5: {  	v52 =	vmul.f32 v46, v16;
	v7 =	vmovc v25;
	v44 =	vmul.f32 v46, v6;
	v6 =	vmov v22;
	v23 =	vld [tilespmem:s24+$0xFFFFFF90];
	[tilespmem:s0+$0xFFFFFF90] =	vst v45  }
0x1b6: {  	v45 =	vld [tilespmem:s30+$0xFFFFFFA0];
	v40 =	vadd.f32 v41, v40;
	v51 =	vadd.f32 v39, v43;
	[tilespmem:s0+$0xFFFFFFA0] =	vst v19;
	v39 =	vmul.f32 v46, v13;
	v13 =	vpop (erf)  }
0x1b7: {  	s29 =	sadd.s32 $0x2, s29;
	v43 =	vmul.f32 v46, v5;
	v5 =	vmovc v14;
	v14 =	vmovc v38;
	v22 =	vmov v37;
	v41 =	vld [tilespmem:s24+$0xFFFFFFA0];
	v53 =	vadd.f32 $1.000000000e+00, v13;
	[tilespmem:s0+$0xFFFFFFB0] =	vst v50  }
0x1b8: {  	p0 =	slt.u32 s29, $0x26;
	v16 =	vmovc v24;
	v19 =	vmovc v28;
	v37 =	vld [tilespmem:s30+$0xFFFFFFC0];
	v38 =	vperm.xlane v40, v1;
	v46 =	vsub.f32 $0.0e+00, v51;
	[tilespmem:s0+$0xFFFFFFC0] =	vst v52;
	v25 =	vmov v34  }
0x1b9: {  	v13 =	vmov v27;
	v24 =	vld [tilespmem:s24+$0xFFFFFFC0];
	[tilespmem:s0+$0xFFFFFFD0] =	vst v44;
	(erf) = vrcp.f32 v53  }
0x1ba: {  	v44 =	vld [tilespmem:s30+$0xFFFFFFE0];
	v38 =	vadd.f32 v40, v38;
	v34 =	vmul.f32 $1.442695020e+00, v46;
	[tilespmem:s0+$0xFFFFFFE0] =	vst v39  }
0x1bb: {  	v39 =	vmul.f32 v23, v49;
	v27 =	vld [tilespmem:s24+$0xFFFFFFE0];
	[tilespmem:s0+$0xFFFFFFF0] =	vst v43  }
0x1bc: {  	v40 =	vmul.f32 v41, v45;
	v43 =	vld [tilespmem:s30+$0x0];
	(erf) = vpow2.f32 v34;
	v28 =	vmov v41  }
0x1bd: {  	v41 =	vmul.f32 v25, v48;
	v45 =	vperm.xlane v38, v2;
	v34 =	vld [tilespmem:s24+$0x0]  }
0x1be: {  	v39 =	vadd.f32 $0.0e+00, v39;
	v46 =	vld [tilespmem:s24+$0xFFFFFF10];
	v40 =	vadd.f32 $0.0e+00, v40;
	v37 =	vmul.f32 v24, v37  }
0x1bf: {  	v42 =	vmul.f32 v22, v42;
	v38 =	vadd.f32 v38, v45;
	v48 =	vld [tilespmem:s30+$0xFFFFFF20]  }
0x1c0: {  	v39 =	vadd.f32 v41, v39;
	v45 =	vld [tilespmem:s24+$0xFFFFFF20];
	v37 =	vadd.f32 v37, v40;
	v40 =	vmul.f32 v27, v44  }
0x1c1: {  	v44 =	vmul.f32 v14, v47;
	v47 =	vperm.xlane v38, v3;
	v41 =	vld [tilespmem:s30+$0xFFFFFF10]  }
0x1c2: {  	v39 =	vadd.f32 v42, v39;
	v49 =	vld [tilespmem:s30+$0xFFFFFF30];
	v37 =	vadd.f32 v40, v37;
	v40 =	vmul.f32 v34, v43;
	v43 =	vpop (erf)  }
0x1c3: {  	v38 =	vadd.f32 v38, v47;
	v42 =	vld [tilespmem:s24+$0xFFFFFF30];
	v47 =	vmul.f32 v43, v9;
	v50 =	vmul.f32 v43, v12;
	v9 =	vmovc v26  }
0x1c4: {  	v39 =	vadd.f32 v44, v39;
	v53 =	vmul.f32 v43, v20;
	v26 =	vmovc v46;
	v51 =	vld [tilespmem:s30+$0xFFFFFF40];
	v37 =	vadd.f32 v40, v37  }
0x1c5: {  	v12 =	vmov v29;
	v46 =	vperm.xlane v38, v4;
	v40 =	vmul.f32 v45, v48;
	v44 =	vld [tilespmem:s24+$0xFFFFFF40];
	v48 =	vpop (erf);
	[tilespmem:s0+$0xFFFFFF10] =	vst v47  }
0x1c6: {  	v29 =	vmovc v45;
	v41 =	vmul.f32 v26, v41;
	v47 =	vld [tilespmem:s30+$0xFFFFFF50];
	v37 =	vadd.f32 v37, v39;
	v48 =	vadd.f32 $1.000000000e+00, v48;
	[tilespmem:s0+$0xFFFFFF20] =	vst v50  }
0x1c7: {  	v20 =	vmovc v30;
	v45 =	vmul.f32 v43, v15;
	v50 =	vadd.f32 $0.0e+00, v40;
	v52 =	vld [tilespmem:s24+$0xFFFFFF50];
	v40 =	vadd.f32 v38, v46;
	[tilespmem:s0+$0xFFFFFF30] =	vst v53  }
0x1c8: {  	v15 =	vmovc v31;
	v41 =	vadd.f32 $0.0e+00, v41;
	v39 =	vld [tilespmem:s30+$0xFFFFFF60];
	v46 =	vperm.xlane v37, v1;
	(erf) = vrcp.f32 v48;
	v30 =	vmovc v42  }
.Ltmp9:
0x1c9: {  	v53 =	vmul.f32 v43, v11;
	v11 =	vmovc v32;
	v48 =	vmul.f32 v30, v49;
	v38 =	vld [tilespmem:s24+$0xFFFFFF60];
	v49 =	vsub.f32 $0.0e+00, v40;
	[tilespmem:s0+$0xFFFFFF40] =	vst v45;
	(pc) =	sbr.rel @p0 .LBB2_13-.Ltmp9, $4  }
0x1ca: {  	v54 =	vmul.f32 v44, v51;
	v40 =	vld [tilespmem:s30+$0xFFFFFF70];
	v42 =	vadd.f32 v37, v46;
	v51 =	vmul.f32 v43, v17;
	v31 =	vmovc v44  }
0x1cb: {  	v17 =	vmovc v36;
	v45 =	vadd.f32 v48, v41;
	v37 =	vld [tilespmem:s24+$0xFFFFFF70];
	v48 =	vmul.f32 $1.442695020e+00, v49;
	[tilespmem:s0+$0xFFFFFF50] =	vst v53;
	v49 =	vmul.f32 v43, v21  }
0x1cc: {  	v44 =	vadd.f32 v54, v50;
	v36 =	vmul.f32 v52, v47;
	v41 =	vld [tilespmem:s30+$0xFFFFFF80];
	v46 =	vperm.xlane v42, v2;
	[tilespmem:s0+$0xFFFFFF60] =	vst v51  }
0x1cd: {  	v43 =	vmul.f32 v43, v18;
	v21 =	vmovc v35;
	v18 =	vmovc v33;
	s30 =	sadd.s32 $0x100, s30;
	v32 =	vmov v52;
	(erf) = vpow2.f32 v48;
	[tilespmem:s0+$0xFFFFFF70] =	vst v49;
	v33 =	vld [tilespmem:s24+$0xFFFFFF80]  }
0x1ce: {  	_ =	sdelay $0x1  }
0x1cf: {  	v35 =	vmul.f32 v38, v39  }
0x1d0: {  	v36 =	vadd.f32 v36, v45;
	v63 =	vadd.f32 v42, v46  }
0x1d1: {  	v35 =	vadd.f32 v35, v44;
	v40 =	vmul.f32 v37, v40;
	v41 =	vmul.f32 v33, v41  }
0x1d2: {  	v42 =	vperm.xlane v63, v3  }
0x1d3: {  	v36 =	vadd.f32 v40, v36;
	v35 =	vadd.f32 v41, v35  }
0x1d4: {  	v39 =	vadd.f32 v63, v42  }
0x1d5: {  	v35 =	vadd.f32 v35, v36  }
0x1d6: {  	v44 =	vperm.xlane v39, v4  }
0x1d7: {  	v45 =	vperm.xlane v35, v1  }
0x1d8: {  	v36 =	vadd.f32 v39, v44  }
0x1d9: {  	v46 =	vpop (erf);
	v35 =	vadd.f32 v35, v45  }
0x1da: {  	v47 =	vpop (erf);
	v36 =	vsub.f32 $0.0e+00, v36  }
0x1db: {  	v40 =	vadd.f32 $1.000000000e+00, v47;
	v48 =	vperm.xlane v35, v2  }
0x1dc: {  	v36 =	vmul.f32 $1.442695020e+00, v36  }
0x1dd: {  	(erf) = vrcp.f32 v40;
	v35 =	vadd.f32 v35, v48  }
0x1de: {  	(erf) = vpow2.f32 v36  }
0x1df: {  	v49 =	vperm.xlane v35, v3;
	_ =	sdelay $0x1  }
0x1e0: {  	v35 =	vadd.f32 v35, v49;
	_ =	sdelay $0x1  }
0x1e1: {  	v36 =	vperm.xlane v35, v4;
	_ =	sdelay $0x1  }
0x1e2: {  	v35 =	vadd.f32 v35, v36  }
0x1e3: {  	v50 =	vpop (erf)  }
0x1e4: {  	v51 =	vpop (erf);
	v35 =	vsub.f32 $0.0e+00, v35  }
0x1e5: {  	v40 =	vadd.f32 $1.000000000e+00, v51  }
0x1e6: {  	v10 =	vmul.f32 v46, v10;
	v35 =	vmul.f32 $1.442695020e+00, v35  }
0x1e7: {  	[tilespmem:s0+$0xFFFFFF80] =	vst v43;
	v8 =	vmul.f32 v46, v8;
	(erf) = vrcp.f32 v40  }
0x1e8: {  	v19 =	vmul.f32 v46, v19;
	[tilespmem:s22+$0x0] =	vst v10;
	(erf) = vpow2.f32 v35  }
0x1e9: {  	v7 =	vmul.f32 v46, v7;
	[tilespmem:s22+$0xFFFFFF90] =	vst v8  }
0x1ea: {  	v6 =	vmul.f32 v46, v6;
	[tilespmem:s22+$0xFFFFFFA0] =	vst v19  }
0x1eb: {  	v5 =	vmul.f32 v46, v5;
	[tilespmem:s22+$0xFFFFFFB0] =	vst v7  }
0x1ec: {  	v8 =	vmul.f32 v46, v16;
	[tilespmem:s22+$0xFFFFFFD0] =	vst v6;
	v6 =	vmul.f32 v50, v9  }
0x1ed: {  	v7 =	vmul.f32 v46, v13;
	[tilespmem:s22+$0xFFFFFFF0] =	vst v5  }
0x1ee: {  	[tilespmem:s22+$0xFFFFFFC0] =	vst v8  }
0x1ef: {  	[tilespmem:s22+$0xFFFFFFE0] =	vst v7;
	v5 =	vmul.f32 v50, v12  }
0x1f0: {  	v7 =	vmul.f32 v50, v20;
	[tilespmem:s22+$0xFFFFFF10] =	vst v6;
	v6 =	vpop (erf)  }
0x1f1: {  	[tilespmem:s22+$0xFFFFFF20] =	vst v5;
	v5 =	vmul.f32 v50, v15;
	v8 =	vpop (erf)  }
0x1f2: {  	[tilespmem:s22+$0xFFFFFF30] =	vst v7;
	v7 =	vmul.f32 v50, v11;
	v8 =	vadd.f32 $1.000000000e+00, v8  }
0x1f3: {  	[tilespmem:s22+$0xFFFFFF40] =	vst v5;
	v5 =	vmul.f32 v50, v17  }
0x1f4: {  	[tilespmem:s22+$0xFFFFFF50] =	vst v7;
	v7 =	vmul.f32 v50, v21;
	(erf) = vrcp.f32 v8  }
0x1f5: {  	[tilespmem:s22+$0xFFFFFF60] =	vst v5;
	v5 =	vmul.f32 v50, v18  }
0x1f6: {  	[tilespmem:s22+$0xFFFFFF70] =	vst v7;
	v7 =	vmul.f32 v6, v34  }
0x1f7: {  	[tilespmem:s22+$0xFFFFFF80] =	vst v5;
	v5 =	vmul.f32 v6, v23  }
0x1f8: {  	[tilespmem:s28+$0x0] =	vst v7;
	v7 =	vmul.f32 v6, v25  }
0x1f9: {  	[tilespmem:s28+$0xFFFFFF90] =	vst v5;
	v5 =	vmul.f32 v6, v24  }
0x1fa: {  	[tilespmem:s28+$0xFFFFFFB0] =	vst v7;
	v7 =	vmul.f32 v6, v27  }
0x1fb: {  	[tilespmem:s28+$0xFFFFFFC0] =	vst v5;
	v8 =	vmul.f32 v6, v28  }
0x1fc: {  	v5 =	vmul.f32 v6, v14;
	[tilespmem:s28+$0xFFFFFFE0] =	vst v7  }
0x1fd: {  	[tilespmem:s28+$0xFFFFFFA0] =	vst v8;
	v8 =	vmul.f32 v6, v22;
	v6 =	vpop (erf)  }
0x1fe: {  	[tilespmem:s28+$0xFFFFFFF0] =	vst v5;
	v7 =	vmul.f32 v6, v26  }
0x1ff: {  	[tilespmem:s28+$0xFFFFFFD0] =	vst v8;
	v5 =	vmul.f32 v6, v29  }
0x200: {  	v8 =	vmul.f32 v6, v30;
	[tilespmem:s28+$0xFFFFFF10] =	vst v7  }
0x201: {  	[tilespmem:s28+$0xFFFFFF20] =	vst v5;
	v5 =	vmul.f32 v6, v31  }
0x202: {  	[tilespmem:s28+$0xFFFFFF30] =	vst v8;
	v7 =	vmul.f32 v6, v32  }
0x203: {  	[tilespmem:s28+$0xFFFFFF40] =	vst v5;
	v5 =	vmul.f32 v6, v38  }
0x204: {  	[tilespmem:s28+$0xFFFFFF50] =	vst v7;
	v7 =	vmul.f32 v6, v37  }
0x205: {  	s0 =	sadd.s32 $0x5, s14;
	[tilespmem:s28+$0xFFFFFF60] =	vst v5;
	v5 =	vmul.f32 v6, v33  }
0x206: {  	s14 =	sshll.u32 s0, $0x7;
	[tilespmem:s28+$0xFFFFFF70] =	vst v7  }
0x207: {  	s24 =	sand.u32 $0xFC00, s14;
	s22 =	simm.s32 $0x6600;
	[tilespmem:s28+$0xFFFFFF80] =	vst v5  }
0x208: {  	[spmem:s3] =	stream.indirect.scatter.add.f32 [tilespmem:s22], [sflag:$0xA], $0x80, s21, s19, $0xb8;
	[tilespmem:$0x1DA80] =	vst v63  }
0x209: {  	s14 =	sand.u32 $0x280, s14;
	s22 =	sadd.s32 s9, s24  }
0x20a: {  	_ =	swait.ge [sflag:s17], $0x1400;
	s14 =	sor.u32 s14, s22  }
0x20b: {  	[sflag:s17] =	ssyncset.done $0x0;
	s14 =	sshrl.u32 s14, $0x3  }
0x20c: {  	s30 =	smul.u32 $0x28, s15;
	[sflag:s17] =	ssyncadd.s32 $0xFFFFEC00;
	s14 =	sadd.s32 s6, s14  }
0x20d: {  	[tilespmem:s21], [sflag:$0x2] =	stream.linear.gather [hbm4b:s14+s4], $0x80, $0x38;
	[tilespmem:$0x1DA80] =	vst v63  }
0x20e: {  	_ =	swait.ge [sflag:s20], $0x80  }
0x20f: {  	s14 =	sadd.s32 s7, s30;
	[sflag:s20] =	ssyncset.done $0x0  }
0x210: {  	s12 =	simm.s32 $0x200;
	s14 =	sshll.u32 s14, $0x4;
	[sflag:s20] =	ssyncadd.s32 $0xFFFFFF80  }
0x211: {  	[tilespmem:s12], [sflag:$0x5] =	stream.indirect.gather [hbm4b:s1+s19], $0x80, s4, s19, $0xb8;
	[tilespmem:$0x1DA80] =	vst v63  }
0x212: {  	s22 =	simm.s32 $0x5200;
	s14 =	sadd.s32 s2, s14  }
0x213: {  	[tilespmem:s22], [sflag:$0x5] =	stream.linear.gather [hbm4b:s14+s4], $0x1400, $0x38;
	[tilespmem:$0x1DA80] =	vst v63  }
0x214: {  	_ =	swait.ge [sflag:s16], $0x1400  }
0x215: {  	[sflag:s16] =	ssyncset.done $0x0  }
0x216: {  	[sflag:s16] =	ssyncadd.s32 $0xFFFFEC00  }
0x217: {  	_ =	swait.ge [sflag:s16], $0x1400  }
0x218: {  	[sflag:s16] =	ssyncset.done $0x0  }
0x219: {  	s24 =	simm.s32 $0x2AF0;
	[sflag:s16] =	ssyncadd.s32 $0xFFFFEC00  }
0x21a: {  	s14 =	simm.s32 $0x7AF0;
	v5 =	vld [tilespmem:s24+$0xFFFFFFF0]  }
0x21b: {  	v30 =	vld [tilespmem:s14+$0xFFFFFFF0]  }
0x21c: {  	v6 =	vld [tilespmem:s24+$0xFFFFFFD0]  }
0x21d: {  	v26 =	vld [tilespmem:s14+$0xFFFFFFD0]  }
0x21e: {  	v7 =	vld [tilespmem:s24+$0xFFFFFFB0]  }
0x21f: {  	v24 =	vld [tilespmem:s14+$0xFFFFFFB0]  }
0x220: {  	v8 =	vld [tilespmem:s24+$0xFFFFFF90]  }
0x221: {  	v28 =	vld [tilespmem:s14+$0xFFFFFF90]  }
0x222: {  	v9 =	vld [tilespmem:s24+$0xFFFFFFA0]  }
0x223: {  	v34 =	vld [tilespmem:s14+$0xFFFFFFA0]  }
0x224: {  	v10 =	vld [tilespmem:s24+$0xFFFFFFC0]  }
0x225: {  	v27 =	vld [tilespmem:s14+$0xFFFFFFC0]  }
0x226: {  	v11 =	vld [tilespmem:s24+$0xFFFFFFE0]  }
0x227: {  	v29 =	vld [tilespmem:s14+$0xFFFFFFE0]  }
0x228: {  	v12 =	vld [tilespmem:s24+$0x0]  }
0x229: {  	v52 =	vld [tilespmem:s14+$0x0]  }
0x22a: {  	v31 =	vld [tilespmem:s14+$0xFFFFFF10]  }
0x22b: {  	v13 =	vld [tilespmem:s24+$0xFFFFFF20]  }
0x22c: {  	v32 =	vld [tilespmem:s14+$0xFFFFFF20]  }
0x22d: {  	v39 =	vld [tilespmem:s14+$0xFFFFFF30];
	v8 =	vmul.f32 v28, v8;
	v9 =	vmul.f32 v34, v9  }
0x22e: {  	v38 =	vld [tilespmem:s14+$0xFFFFFF40];
	v7 =	vmul.f32 v24, v7  }
0x22f: {  	v37 =	vld [tilespmem:s14+$0xFFFFFF50];
	v10 =	vmul.f32 v27, v10;
	v8 =	vadd.f32 $0.0e+00, v8;
	v9 =	vadd.f32 $0.0e+00, v9  }
0x230: {  	v36 =	vld [tilespmem:s14+$0xFFFFFF60];
	v6 =	vmul.f32 v26, v6  }
0x231: {  	v33 =	vld [tilespmem:s14+$0xFFFFFF70];
	v7 =	vadd.f32 v7, v8;
	v8 =	vadd.f32 v10, v9;
	v9 =	vmul.f32 v29, v11  }
0x232: {  	s30 =	simm.s32 $0x2BF0;
	v35 =	vld [tilespmem:s14+$0xFFFFFF80];
	v5 =	vmul.f32 v30, v5  }
0x233: {  	v15 =	vld [tilespmem:s30+$0xFFFFFFF0];
	v6 =	vadd.f32 v6, v7;
	v7 =	vadd.f32 v9, v8;
	v8 =	vmul.f32 v52, v12  }
0x234: {  	v17 =	vld [tilespmem:s30+$0xFFFFFF90]  }
0x235: {  	v10 =	vld [tilespmem:s24+$0xFFFFFF10];
	v5 =	vadd.f32 v5, v6;
	v6 =	vadd.f32 v8, v7  }
0x236: {  	v18 =	vld [tilespmem:s30+$0xFFFFFFA0]  }
0x237: {  	v11 =	vld [tilespmem:s24+$0xFFFFFF30];
	v5 =	vadd.f32 v6, v5  }
0x238: {  	v9 =	vld [tilespmem:s24+$0xFFFFFF40]  }
0x239: {  	v7 =	vld [tilespmem:s24+$0xFFFFFF50];
	v8 =	vperm.xlane v5, v1  }
0x23a: {  	v10 =	vmul.f32 v31, v10;
	v6 =	vld [tilespmem:s24+$0xFFFFFF60]  }
0x23b: {  	v12 =	vld [tilespmem:s24+$0xFFFFFF70];
	v5 =	vadd.f32 v5, v8;
	v8 =	vmul.f32 v32, v13  }
0x23c: {  	s15 =	simm.s32 $0x7BF0;
	v11 =	vmul.f32 v39, v11;
	v10 =	vadd.f32 $0.0e+00, v10;
	v13 =	vld [tilespmem:s24+$0xFFFFFF80]  }
0x23d: {  	v19 =	vld [tilespmem:s15+$0xFFFFFFA0];
	v9 =	vmul.f32 v38, v9;
	v14 =	vperm.xlane v5, v2;
	v8 =	vadd.f32 $0.0e+00, v8  }
0x23e: {  	v20 =	vld [tilespmem:s30+$0xFFFFFFE0];
	v10 =	vadd.f32 v11, v10;
	v7 =	vmul.f32 v37, v7  }
0x23f: {  	v22 =	vld [tilespmem:s30+$0x0];
	v11 =	vadd.f32 v5, v14;
	v8 =	vadd.f32 v9, v8;
	v9 =	vmul.f32 v36, v6  }
0x240: {  	v54 =	vld [tilespmem:s30+$0xFFFFFF20];
	v12 =	vmul.f32 v33, v12;
	v10 =	vadd.f32 v7, v10  }
0x241: {  	v56 =	vld [tilespmem:s30+$0xFFFFFF60];
	v13 =	vmul.f32 v35, v13;
	v16 =	vperm.xlane v11, v3;
	v8 =	vadd.f32 v9, v8  }
0x242: {  	v7 =	vld [tilespmem:s15+$0xFFFFFFB0];
	v10 =	vadd.f32 v12, v10  }
0x243: {  	v14 =	vld [tilespmem:s30+$0xFFFFFFD0];
	v11 =	vadd.f32 v11, v16;
	v12 =	vadd.f32 v13, v8  }
0x244: {  	v9 =	vld [tilespmem:s30+$0xFFFFFFB0]  }
0x245: {  	v8 =	vld [tilespmem:s15+$0xFFFFFF90];
	v13 =	vperm.xlane v11, v4;
	v10 =	vadd.f32 v12, v10  }
0x246: {  	v16 =	vld [tilespmem:s15+$0xFFFFFFC0]  }
0x247: {  	v12 =	vld [tilespmem:s30+$0xFFFFFFC0];
	v11 =	vadd.f32 v11, v13;
	v13 =	vperm.xlane v10, v1  }
0x248: {  	v6 =	vld [tilespmem:s15+$0xFFFFFFD0]  }
0x249: {  	v18 =	vmul.f32 v19, v18;
	v11 =	vsub.f32 $0.0e+00, v11;
	v21 =	vadd.f32 v10, v13;
	v13 =	vld [tilespmem:s15+$0xFFFFFFE0]  }
0x24a: {  	v5 =	vld [tilespmem:s15+$0xFFFFFFF0];
	v17 =	vmul.f32 v8, v17  }
0x24b: {  	v18 =	vadd.f32 $0.0e+00, v18;
	v10 =	vld [tilespmem:s15+$0x0];
	v11 =	vmul.f32 $1.442695020e+00, v11;
	v25 =	vperm.xlane v21, v2  }
0x24c: {  	v58 =	vld [tilespmem:s30+$0xFFFFFF70];
	v23 =	vmul.f32 v7, v9;
	v17 =	vadd.f32 $0.0e+00, v17;
	v53 =	vmul.f32 v16, v12  }
0x24d: {  	v60 =	vld [tilespmem:s30+$0xFFFFFF80];
	s24 =	simm.s32 $0x2CF0;
	(erf) = vpow2.f32 v11;
	v11 =	vmul.f32 v6, v14;
	v14 =	vadd.f32 v21, v25  }
0x24e: {  	v48 =	vld [tilespmem:s24+$0xFFFFFFF0];
	v17 =	vadd.f32 v23, v17;
	v18 =	vadd.f32 v53, v18;
	v20 =	vmul.f32 v13, v20  }
0x24f: {  	v15 =	vmul.f32 v5, v15;
	v9 =	vld [tilespmem:s15+$0xFFFFFF10];
	v23 =	vperm.xlane v14, v3  }
0x250: {  	v12 =	vld [tilespmem:s15+$0xFFFFFF20];
	v11 =	vadd.f32 v11, v17;
	v17 =	vadd.f32 v20, v18;
	v18 =	vmul.f32 v10, v22  }
0x251: {  	v21 =	vld [tilespmem:s30+$0xFFFFFF10];
	v14 =	vadd.f32 v14, v23  }
0x252: {  	v25 =	vld [tilespmem:s30+$0xFFFFFF30];
	v11 =	vadd.f32 v15, v11;
	v17 =	vadd.f32 v18, v17  }
0x253: {  	v20 =	vld [tilespmem:s15+$0xFFFFFF30]  }
0x254: {  	v22 =	vld [tilespmem:s30+$0xFFFFFF40];
	v18 =	vperm.xlane v14, v4;
	v55 =	vadd.f32 v17, v11  }
0x255: {  	v15 =	vld [tilespmem:s15+$0xFFFFFF40]  }
0x256: {  	v23 =	vld [tilespmem:s30+$0xFFFFFF50];
	v14 =	vadd.f32 v14, v18;
	v18 =	vperm.xlane v55, v1  }
0x257: {  	v11 =	vld [tilespmem:s15+$0xFFFFFF50]  }
0x258: {  	v42 =	vmul.f32 v12, v54;
	v59 =	vmul.f32 v9, v21;
	v17 =	vld [tilespmem:s15+$0xFFFFFF60];
	v57 =	vpop (erf);
	v41 =	vadd.f32 v55, v18  }
0x259: {  	v21 =	vld [tilespmem:s15+$0xFFFFFF70];
	v25 =	vmul.f32 v20, v25;
	v14 =	vsub.f32 $0.0e+00, v14;
	v44 =	vadd.f32 $1.000000000e+00, v57  }
0x25a: {  	v49 =	vld [tilespmem:s24+$0xFFFFFFB0];
	v46 =	vadd.f32 $0.0e+00, v59;
	v22 =	vmul.f32 v15, v22;
	v47 =	vperm.xlane v41, v2  }
0x25b: {  	v62 =	vld [tilespmem:s24+$0xFFFFFF90];
	v42 =	vadd.f32 $0.0e+00, v42;
	v14 =	vmul.f32 $1.442695020e+00, v14;
	(erf) = vrcp.f32 v44  }
0x25c: {  	v25 =	vadd.f32 v25, v46;
	v18 =	vld [tilespmem:s15+$0xFFFFFF80];
	v23 =	vmul.f32 v11, v23;
	v41 =	vadd.f32 v41, v47  }
0x25d: {  	v63 =	vld [tilespmem:s24+$0xFFFFFFA0];
	v42 =	vadd.f32 v22, v42;
	v43 =	vmul.f32 v17, v56;
	(erf) = vpow2.f32 v14  }
0x25e: {  	v53 =	vld [tilespmem:s24+$0xFFFFFFC0];
	v61 =	vmul.f32 v21, v58;
	v23 =	vadd.f32 v23, v25;
	v47 =	vperm.xlane v41, v3  }
0x25f: {  	s22 =	simm.s32 $0x7CF0;
	v54 =	vld [tilespmem:s24+$0xFFFFFFE0];
	v42 =	vadd.f32 v43, v42  }
0x260: {  	v43 =	vadd.f32 v61, v23;
	v23 =	vld [tilespmem:s22+$0xFFFFFF90];
	v41 =	vadd.f32 v41, v47  }
0x261: {  	v46 =	vld [tilespmem:s24+$0xFFFFFFD0];
	v44 =	vmul.f32 v18, v60  }
0x262: {  	v22 =	vld [tilespmem:s22+$0xFFFFFFD0];
	v47 =	vperm.xlane v41, v4  }
0x263: {  	v14 =	vld [tilespmem:s22+$0xFFFFFFF0];
	v42 =	vadd.f32 v44, v42  }
0x264: {  	v25 =	vld [tilespmem:s22+$0xFFFFFFB0];
	v50 =	vpop (erf);
	v41 =	vadd.f32 v41, v47  }
0x265: {  	v42 =	vadd.f32 v42, v43;
	v61 =	vmul.f32 v23, v62;
	v51 =	vmul.f32 v50, v28;
	v28 =	vld [tilespmem:s22+$0xFFFFFFA0]  }
0x266: {  	v62 =	vld [tilespmem:s24+$0x0];
	v40 =	vmul.f32 v50, v52;
	v52 =	vmul.f32 v50, v24;
	v56 =	vpop (erf);
	v58 =	vsub.f32 $0.0e+00, v41  }
0x267: {  	v59 =	vperm.xlane v42, v1;
	v24 =	vld [tilespmem:s22+$0xFFFFFFC0];
	v60 =	vmul.f32 v50, v27;
	v57 =	vadd.f32 $1.000000000e+00, v56  }
0x268: {  	v27 =	vld [tilespmem:s22+$0xFFFFFFE0];
	v47 =	vmul.f32 v50, v34;
	v34 =	vmul.f32 $1.442695020e+00, v58  }
0x269: {  	v55 =	vmul.f32 v50, v26;
	v26 =	vld [tilespmem:s22+$0xFFFFFF10];
	v41 =	vadd.f32 v42, v59;
	(erf) = vrcp.f32 v57  }
0x26a: {  	[tilespmem:s14+$0xFFFFFFA0] =	vst v47;
	v47 =	vld [tilespmem:s24+$0xFFFFFF10];
	v44 =	vmul.f32 v28, v63;
	(erf) = vpow2.f32 v34  }
0x26b: {  	v49 =	vmul.f32 v25, v49;
	v42 =	vadd.f32 $0.0e+00, v61;
	v56 =	vperm.xlane v41, v2;
	v34 =	vld [tilespmem:s22+$0x0]  }
0x26c: {  	v53 =	vmul.f32 v24, v53;
	v63 =	vmul.f32 v50, v29;
	v29 =	vld [tilespmem:s22+$0xFFFFFF20];
	v44 =	vadd.f32 $0.0e+00, v44  }
0x26d: {  	v46 =	vmul.f32 v22, v46;
	v42 =	vadd.f32 v49, v42;
	v41 =	vadd.f32 v41, v56;
	v56 =	vld [tilespmem:s24+$0xFFFFFF20]  }
0x26e: {  	[tilespmem:s14+$0x0] =	vst v40;
	v54 =	vmul.f32 v27, v54;
	v44 =	vadd.f32 v53, v44  }
0x26f: {  	v48 =	vmul.f32 v14, v48;
	[tilespmem:s14+$0xFFFFFF90] =	vst v51;
	v42 =	vadd.f32 v46, v42;
	v57 =	vperm.xlane v41, v3  }
0x270: {  	[tilespmem:s14+$0xFFFFFFB0] =	vst v52;
	v52 =	vld [tilespmem:s24+$0xFFFFFF40];
	v44 =	vadd.f32 v54, v44;
	v45 =	vmul.f32 v34, v62  }
0x271: {  	[tilespmem:s14+$0xFFFFFFC0] =	vst v60;
	v50 =	vmul.f32 v50, v30;
	v30 =	vld [tilespmem:s22+$0xFFFFFF30];
	v60 =	vadd.f32 v48, v42;
	v41 =	vadd.f32 v41, v57  }
0x272: {  	[tilespmem:s14+$0xFFFFFFD0] =	vst v55;
	v46 =	vld [tilespmem:s24+$0xFFFFFF30];
	v54 =	vmul.f32 v26, v47;
	v55 =	vmul.f32 v29, v56;
	v49 =	vpop (erf);
	v61 =	vadd.f32 v45, v44  }
0x273: {  	[tilespmem:s14+$0xFFFFFFE0] =	vst v63;
	v47 =	vld [tilespmem:s24+$0xFFFFFF50];
	v63 =	vperm.xlane v41, v4;
	v58 =	vmul.f32 v49, v31;
	v53 =	vpop (erf)  }
0x274: {  	[tilespmem:s14+$0xFFFFFFF0] =	vst v50;
	v59 =	vmul.f32 v49, v32;
	v31 =	vld [tilespmem:s22+$0xFFFFFF40];
	v42 =	vadd.f32 v61, v60;
	v44 =	vadd.f32 $1.000000000e+00, v53  }
0x275: {  	v62 =	vmul.f32 v49, v39;
	v32 =	vld [tilespmem:s22+$0xFFFFFF50];
	v56 =	vmul.f32 v49, v38;
	v41 =	vadd.f32 v41, v63;
	[tilespmem:s14+$0xFFFFFF10] =	vst v58  }
0x276: {  	v45 =	vadd.f32 $0.0e+00, v54;
	v39 =	vld [tilespmem:s24+$0xFFFFFF60];
	[tilespmem:s14+$0xFFFFFF20] =	vst v59;
	v57 =	vperm.xlane v42, v1;
	(erf) = vrcp.f32 v44  }
0x277: {  	v38 =	vld [tilespmem:s22+$0xFFFFFF60];
	v63 =	vmul.f32 v49, v33;
	[tilespmem:s14+$0xFFFFFF30] =	vst v62;
	v58 =	vmul.f32 v30, v46;
	v41 =	vsub.f32 $0.0e+00, v41  }
0x278: {  	v40 =	vld [tilespmem:s24+$0xFFFFFF70];
	v59 =	vmul.f32 v49, v37;
	[tilespmem:s14+$0xFFFFFF40] =	vst v56;
	v61 =	vmul.f32 v49, v36;
	v42 =	vadd.f32 v42, v57  }
0x279: {  	v48 =	vadd.f32 $0.0e+00, v55;
	v37 =	vld [tilespmem:s22+$0xFFFFFF70];
	[tilespmem:s14+$0xFFFFFF70] =	vst v63;
	v60 =	vmul.f32 v31, v52;
	v62 =	vmul.f32 $1.442695020e+00, v41  }
0x27a: {  	v33 =	vld [tilespmem:s22+$0xFFFFFF80];
	[tilespmem:s14+$0xFFFFFF50] =	vst v59;
	v45 =	vadd.f32 v58, v45;
	v36 =	vmul.f32 v32, v47;
	v46 =	vperm.xlane v42, v2  }
0x27b: {  	s29 =	simm.s32 $0x2DF0;
	s28 =	simm.s32 $0x4;
	v43 =	vmul.f32 v49, v35;
	[tilespmem:s14+$0xFFFFFF60] =	vst v61;
	v41 =	vld [tilespmem:s24+$0xFFFFFF80];
	s24 =	simm.s32 $0x7CF0;
	v44 =	vadd.f32 v60, v48;
	(erf) = vpow2.f32 v62  }
.LBB2_15:
0x27c: {  	v47 =	vld [tilespmem:s29+$0xFFFFFFF0];
	v45 =	vadd.f32 v36, v45;
	v48 =	vmul.f32 v38, v39;
	v39 =	vadd.f32 v42, v46;
	s22 =	sadd.s32 $0x100, s22;
	v36 =	vmovc v38  }
0x27d: {  	v38 =	vld [tilespmem:s22+$0xFFFFFFF0];
	[tilespmem:s14+$0xFFFFFF80] =	vst v43;
	s14 =	smov.u32 s15;
	s15 =	smov.u32 s24;
	s24 =	smov.u32 s22  }
0x27e: {  	v42 =	vld [tilespmem:s29+$0xFFFFFFD0];
	v43 =	vadd.f32 v48, v44;
	v40 =	vmul.f32 v37, v40;
	v44 =	vperm.xlane v39, v3;
	v35 =	vmovc v37  }
0x27f: {  	v37 =	vld [tilespmem:s22+$0xFFFFFFD0];
	v46 =	vpop (erf)  }
0x280: {  	v48 =	vld [tilespmem:s29+$0xFFFFFFB0];
	v41 =	vmul.f32 v33, v41;
	v39 =	vadd.f32 v39, v44;
	v44 =	vmul.f32 v46, v10;
	v10 =	vmovc v34  }
0x281: {  	v40 =	vadd.f32 v40, v45;
	v45 =	vmul.f32 v46, v8;
	v19 =	vmul.f32 v46, v19;
	v8 =	vmovc v23;
	v34 =	vld [tilespmem:s22+$0xFFFFFFB0]  }
0x282: {  	v50 =	vmul.f32 v46, v7;
	v49 =	vld [tilespmem:s29+$0xFFFFFF90];
	v41 =	vadd.f32 v41, v43;
	v43 =	vperm.xlane v39, v4;
	[tilespmem:s14+$0x0] =	vst v44  }
0x283: {  	v52 =	vmul.f32 v46, v16;
	v7 =	vmovc v25;
	v44 =	vmul.f32 v46, v6;
	v6 =	vmov v22;
	v23 =	vld [tilespmem:s22+$0xFFFFFF90];
	[tilespmem:s14+$0xFFFFFF90] =	vst v45  }
0x284: {  	v45 =	vld [tilespmem:s29+$0xFFFFFFA0];
	v40 =	vadd.f32 v41, v40;
	v51 =	vadd.f32 v39, v43;
	[tilespmem:s14+$0xFFFFFFA0] =	vst v19;
	v39 =	vmul.f32 v46, v13;
	v13 =	vpop (erf)  }
0x285: {  	s28 =	sadd.s32 $0x2, s28;
	v43 =	vmul.f32 v46, v5;
	v5 =	vmovc v14;
	v14 =	vmovc v38;
	v22 =	vmov v37;
	v41 =	vld [tilespmem:s22+$0xFFFFFFA0];
	v53 =	vadd.f32 $1.000000000e+00, v13;
	[tilespmem:s14+$0xFFFFFFB0] =	vst v50  }
0x286: {  	p0 =	slt.u32 s28, $0x26;
	v16 =	vmovc v24;
	v19 =	vmovc v28;
	v37 =	vld [tilespmem:s29+$0xFFFFFFC0];
	v38 =	vperm.xlane v40, v1;
	v46 =	vsub.f32 $0.0e+00, v51;
	[tilespmem:s14+$0xFFFFFFC0] =	vst v52;
	v25 =	vmov v34  }
0x287: {  	v13 =	vmov v27;
	v24 =	vld [tilespmem:s22+$0xFFFFFFC0];
	[tilespmem:s14+$0xFFFFFFD0] =	vst v44;
	(erf) = vrcp.f32 v53  }
0x288: {  	v44 =	vld [tilespmem:s29+$0xFFFFFFE0];
	v38 =	vadd.f32 v40, v38;
	v34 =	vmul.f32 $1.442695020e+00, v46;
	[tilespmem:s14+$0xFFFFFFE0] =	vst v39  }
0x289: {  	v39 =	vmul.f32 v23, v49;
	v27 =	vld [tilespmem:s22+$0xFFFFFFE0];
	[tilespmem:s14+$0xFFFFFFF0] =	vst v43  }
0x28a: {  	v40 =	vmul.f32 v41, v45;
	v43 =	vld [tilespmem:s29+$0x0];
	(erf) = vpow2.f32 v34;
	v28 =	vmov v41  }
0x28b: {  	v41 =	vmul.f32 v25, v48;
	v45 =	vperm.xlane v38, v2;
	v34 =	vld [tilespmem:s22+$0x0]  }
0x28c: {  	v39 =	vadd.f32 $0.0e+00, v39;
	v46 =	vld [tilespmem:s22+$0xFFFFFF10];
	v40 =	vadd.f32 $0.0e+00, v40;
	v37 =	vmul.f32 v24, v37  }
0x28d: {  	v42 =	vmul.f32 v22, v42;
	v38 =	vadd.f32 v38, v45;
	v48 =	vld [tilespmem:s29+$0xFFFFFF20]  }
0x28e: {  	v39 =	vadd.f32 v41, v39;
	v45 =	vld [tilespmem:s22+$0xFFFFFF20];
	v37 =	vadd.f32 v37, v40;
	v40 =	vmul.f32 v27, v44  }
0x28f: {  	v44 =	vmul.f32 v14, v47;
	v47 =	vperm.xlane v38, v3;
	v41 =	vld [tilespmem:s29+$0xFFFFFF10]  }
0x290: {  	v39 =	vadd.f32 v42, v39;
	v49 =	vld [tilespmem:s29+$0xFFFFFF30];
	v37 =	vadd.f32 v40, v37;
	v40 =	vmul.f32 v34, v43;
	v43 =	vpop (erf)  }
0x291: {  	v38 =	vadd.f32 v38, v47;
	v42 =	vld [tilespmem:s22+$0xFFFFFF30];
	v47 =	vmul.f32 v43, v9;
	v50 =	vmul.f32 v43, v12;
	v9 =	vmovc v26  }
0x292: {  	v39 =	vadd.f32 v44, v39;
	v53 =	vmul.f32 v43, v20;
	v26 =	vmovc v46;
	v51 =	vld [tilespmem:s29+$0xFFFFFF40];
	v37 =	vadd.f32 v40, v37  }
0x293: {  	v12 =	vmov v29;
	v46 =	vperm.xlane v38, v4;
	v40 =	vmul.f32 v45, v48;
	v44 =	vld [tilespmem:s22+$0xFFFFFF40];
	v48 =	vpop (erf);
	[tilespmem:s14+$0xFFFFFF10] =	vst v47  }
0x294: {  	v29 =	vmovc v45;
	v41 =	vmul.f32 v26, v41;
	v47 =	vld [tilespmem:s29+$0xFFFFFF50];
	v37 =	vadd.f32 v37, v39;
	v48 =	vadd.f32 $1.000000000e+00, v48;
	[tilespmem:s14+$0xFFFFFF20] =	vst v50  }
0x295: {  	v20 =	vmovc v30;
	v45 =	vmul.f32 v43, v15;
	v50 =	vadd.f32 $0.0e+00, v40;
	v52 =	vld [tilespmem:s22+$0xFFFFFF50];
	v40 =	vadd.f32 v38, v46;
	[tilespmem:s14+$0xFFFFFF30] =	vst v53  }
0x296: {  	v15 =	vmovc v31;
	v41 =	vadd.f32 $0.0e+00, v41;
	v39 =	vld [tilespmem:s29+$0xFFFFFF60];
	v46 =	vperm.xlane v37, v1;
	(erf) = vrcp.f32 v48;
	v30 =	vmovc v42  }
.Ltmp10:
0x297: {  	v53 =	vmul.f32 v43, v11;
	v11 =	vmovc v32;
	v48 =	vmul.f32 v30, v49;
	v38 =	vld [tilespmem:s22+$0xFFFFFF60];
	v49 =	vsub.f32 $0.0e+00, v40;
	[tilespmem:s14+$0xFFFFFF40] =	vst v45;
	(pc) =	sbr.rel @p0 .LBB2_15-.Ltmp10, $4  }
0x298: {  	v54 =	vmul.f32 v44, v51;
	v40 =	vld [tilespmem:s29+$0xFFFFFF70];
	v42 =	vadd.f32 v37, v46;
	v51 =	vmul.f32 v43, v17;
	v31 =	vmovc v44  }
0x299: {  	v17 =	vmovc v36;
	v45 =	vadd.f32 v48, v41;
	v37 =	vld [tilespmem:s22+$0xFFFFFF70];
	v48 =	vmul.f32 $1.442695020e+00, v49;
	[tilespmem:s14+$0xFFFFFF50] =	vst v53;
	v49 =	vmul.f32 v43, v21  }
0x29a: {  	v44 =	vadd.f32 v54, v50;
	v36 =	vmul.f32 v52, v47;
	v41 =	vld [tilespmem:s29+$0xFFFFFF80];
	v46 =	vperm.xlane v42, v2;
	[tilespmem:s14+$0xFFFFFF60] =	vst v51  }
0x29b: {  	v43 =	vmul.f32 v43, v18;
	v21 =	vmovc v35;
	v18 =	vmovc v33;
	s29 =	sadd.s32 $0x100, s29;
	v32 =	vmov v52;
	(erf) = vpow2.f32 v48;
	[tilespmem:s14+$0xFFFFFF70] =	vst v49;
	v33 =	vld [tilespmem:s22+$0xFFFFFF80]  }
0x29c: {  	_ =	sdelay $0x1  }
0x29d: {  	v35 =	vmul.f32 v38, v39  }
0x29e: {  	v36 =	vadd.f32 v36, v45;
	v63 =	vadd.f32 v42, v46  }
0x29f: {  	v35 =	vadd.f32 v35, v44;
	v40 =	vmul.f32 v37, v40;
	v41 =	vmul.f32 v33, v41  }
0x2a0: {  	v42 =	vperm.xlane v63, v3  }
0x2a1: {  	v36 =	vadd.f32 v40, v36;
	v35 =	vadd.f32 v41, v35  }
0x2a2: {  	v39 =	vadd.f32 v63, v42  }
0x2a3: {  	v35 =	vadd.f32 v35, v36  }
0x2a4: {  	v44 =	vperm.xlane v39, v4  }
0x2a5: {  	v45 =	vperm.xlane v35, v1  }
0x2a6: {  	v36 =	vadd.f32 v39, v44  }
0x2a7: {  	v46 =	vpop (erf);
	v35 =	vadd.f32 v35, v45  }
0x2a8: {  	v47 =	vpop (erf);
	v36 =	vsub.f32 $0.0e+00, v36  }
0x2a9: {  	v40 =	vadd.f32 $1.000000000e+00, v47;
	v48 =	vperm.xlane v35, v2  }
0x2aa: {  	v36 =	vmul.f32 $1.442695020e+00, v36  }
0x2ab: {  	(erf) = vrcp.f32 v40;
	v35 =	vadd.f32 v35, v48  }
0x2ac: {  	(erf) = vpow2.f32 v36  }
0x2ad: {  	v49 =	vperm.xlane v35, v3;
	_ =	sdelay $0x1  }
0x2ae: {  	v35 =	vadd.f32 v35, v49;
	_ =	sdelay $0x1  }
0x2af: {  	v36 =	vperm.xlane v35, v4;
	_ =	sdelay $0x1  }
0x2b0: {  	v35 =	vadd.f32 v35, v36  }
0x2b1: {  	v50 =	vpop (erf)  }
0x2b2: {  	v51 =	vpop (erf);
	v35 =	vsub.f32 $0.0e+00, v35  }
0x2b3: {  	v40 =	vadd.f32 $1.000000000e+00, v51  }
0x2b4: {  	v10 =	vmul.f32 v46, v10;
	v35 =	vmul.f32 $1.442695020e+00, v35  }
0x2b5: {  	[tilespmem:s14+$0xFFFFFF80] =	vst v43;
	v8 =	vmul.f32 v46, v8;
	(erf) = vrcp.f32 v40  }
0x2b6: {  	v19 =	vmul.f32 v46, v19;
	[tilespmem:s15+$0x0] =	vst v10;
	(erf) = vpow2.f32 v35  }
0x2b7: {  	v7 =	vmul.f32 v46, v7;
	[tilespmem:s15+$0xFFFFFF90] =	vst v8  }
0x2b8: {  	v6 =	vmul.f32 v46, v6;
	[tilespmem:s15+$0xFFFFFFA0] =	vst v19  }
0x2b9: {  	v5 =	vmul.f32 v46, v5;
	[tilespmem:s15+$0xFFFFFFB0] =	vst v7  }
0x2ba: {  	v8 =	vmul.f32 v46, v16;
	[tilespmem:s15+$0xFFFFFFD0] =	vst v6;
	v6 =	vmul.f32 v50, v9  }
0x2bb: {  	v7 =	vmul.f32 v46, v13;
	[tilespmem:s15+$0xFFFFFFF0] =	vst v5  }
0x2bc: {  	[tilespmem:s15+$0xFFFFFFC0] =	vst v8  }
0x2bd: {  	[tilespmem:s15+$0xFFFFFFE0] =	vst v7;
	v5 =	vmul.f32 v50, v12  }
0x2be: {  	v7 =	vmul.f32 v50, v20;
	[tilespmem:s15+$0xFFFFFF10] =	vst v6;
	v6 =	vpop (erf)  }
0x2bf: {  	[tilespmem:s15+$0xFFFFFF20] =	vst v5;
	v5 =	vmul.f32 v50, v15;
	v8 =	vpop (erf)  }
0x2c0: {  	[tilespmem:s15+$0xFFFFFF30] =	vst v7;
	v7 =	vmul.f32 v50, v11;
	v8 =	vadd.f32 $1.000000000e+00, v8  }
0x2c1: {  	[tilespmem:s15+$0xFFFFFF40] =	vst v5;
	v5 =	vmul.f32 v50, v17  }
0x2c2: {  	[tilespmem:s15+$0xFFFFFF50] =	vst v7;
	v7 =	vmul.f32 v50, v21;
	(erf) = vrcp.f32 v8  }
0x2c3: {  	[tilespmem:s15+$0xFFFFFF60] =	vst v5;
	v5 =	vmul.f32 v50, v18  }
0x2c4: {  	[tilespmem:s15+$0xFFFFFF70] =	vst v7;
	v7 =	vmul.f32 v6, v34  }
0x2c5: {  	[tilespmem:s15+$0xFFFFFF80] =	vst v5;
	v5 =	vmul.f32 v6, v23  }
0x2c6: {  	[tilespmem:s24+$0x0] =	vst v7;
	v7 =	vmul.f32 v6, v25  }
0x2c7: {  	[tilespmem:s24+$0xFFFFFF90] =	vst v5;
	v5 =	vmul.f32 v6, v24  }
0x2c8: {  	[tilespmem:s24+$0xFFFFFFB0] =	vst v7;
	v7 =	vmul.f32 v6, v27  }
0x2c9: {  	[tilespmem:s24+$0xFFFFFFC0] =	vst v5;
	v8 =	vmul.f32 v6, v28  }
0x2ca: {  	v5 =	vmul.f32 v6, v14;
	[tilespmem:s24+$0xFFFFFFE0] =	vst v7  }
0x2cb: {  	[tilespmem:s24+$0xFFFFFFA0] =	vst v8;
	v8 =	vmul.f32 v6, v22;
	v6 =	vpop (erf)  }
0x2cc: {  	[tilespmem:s24+$0xFFFFFFF0] =	vst v5;
	v7 =	vmul.f32 v6, v26  }
0x2cd: {  	[tilespmem:s24+$0xFFFFFFD0] =	vst v8;
	v5 =	vmul.f32 v6, v29  }
0x2ce: {  	v8 =	vmul.f32 v6, v30;
	[tilespmem:s24+$0xFFFFFF10] =	vst v7  }
0x2cf: {  	[tilespmem:s24+$0xFFFFFF20] =	vst v5;
	v5 =	vmul.f32 v6, v31  }
0x2d0: {  	[tilespmem:s24+$0xFFFFFF30] =	vst v8;
	v7 =	vmul.f32 v6, v32  }
0x2d1: {  	[tilespmem:s24+$0xFFFFFF40] =	vst v5;
	v5 =	vmul.f32 v6, v38  }
0x2d2: {  	p0 =	seq.s32 s23, $0x3D;
	[tilespmem:s24+$0xFFFFFF50] =	vst v7;
	v7 =	vmul.f32 v6, v37  }
0x2d3: {  	s14 =	sadd.s32 @!p0 $0x300, s26;
	[tilespmem:s24+$0xFFFFFF60] =	vst v5;
	v5 =	vmul.f32 v6, v33  }
0x2d4: {  	s30 =	simm.s32 $0x100;
	s15 =	sand.u32 @!p0 $0xFC00, s14;
	[tilespmem:s24+$0xFFFFFF70] =	vst v7  }
0x2d5: {  	s12 =	simm.s32 $0x7A00;
	s14 =	sand.u32 @!p0 $0x300, s14;
	s15 =	sadd.s32 @!p0 s9, s15;
	[tilespmem:s24+$0xFFFFFF80] =	vst v5  }
0x2d6: {  	[spmem:s3] =	stream.indirect.scatter.add.f32 [tilespmem:s12], [sflag:$0xB], $0x80, s30, s19, $0xb8;
	[tilespmem:$0x1DA80] =	vst v63  }
0x2d7: {  	s0 =	smul.u32 $0x28, s0;
	s14 =	sor.u32 @!p0 s14, s15;
	_ =	swait.ge [sflag:s31], $0x1400  }
0x2d8: {  	s22 =	simm.s32 @!p0 $0x100;
	s14 =	sshrl.u32 @!p0 s14, $0x3;
	[sflag:s31] =	ssyncset.done $0x0  }
0x2d9: {  	s15 =	simm.s32 @!p0 $0x0;
	s14 =	sadd.s32 @!p0 s6, s14;
	[sflag:s31] =	ssyncadd.s32 $0xFFFFEC00  }
0x2da: {  	[tilespmem:s22], [sflag:$0x3] =	stream.linear.gather @!p0 [hbm4b:s14+s15], $0x80, $0x38;
	[tilespmem:$0x1DA80] =	vst v63  }
0x2db: {  	_ =	swait.ge [sflag:s25], $0x80  }
0x2dc: {  	s0 =	sadd.s32 s7, s0;
	[sflag:s25] =	ssyncset.done $0x0  }
0x2dd: {  	s0 =	sshll.u32 s0, $0x4;
	s22 =	simm.s32 $0x1600;
	[sflag:s25] =	ssyncadd.s32 $0xFFFFFF80  }
0x2de: {  	[tilespmem:s22], [sflag:$0x6] =	stream.indirect.gather [hbm4b:s1+s19], $0x80, s21, s19, $0xb8;
	[tilespmem:$0x1DA80] =	vst v63  }
0x2df: {  	s0 =	sadd.s32 s2, s0;
	s24 =	simm.s32 $0x6600  }
0x2e0: {  	[tilespmem:s24], [sflag:$0x6] =	stream.linear.gather [hbm4b:s0+s4], $0x1400, $0x38;
	[tilespmem:$0x1DA80] =	vst v63  }
0x2e1: {  	_ =	swait.ge [sflag:s13], $0x1400  }
0x2e2: {  	[sflag:s13] =	ssyncset.done $0x0  }
0x2e3: {  	[sflag:s13] =	ssyncadd.s32 $0xFFFFEC00  }
0x2e4: {  	_ =	swait.ge [sflag:s13], $0x1400  }
0x2e5: {  	[sflag:s13] =	ssyncset.done $0x0  }
0x2e6: {  	s26 =	simm.s32 $0x3EF0;
	[sflag:s13] =	ssyncadd.s32 $0xFFFFEC00  }
0x2e7: {  	s0 =	simm.s32 $0x8EF0;
	v5 =	vld [tilespmem:s26+$0xFFFFFFF0]  }
0x2e8: {  	v30 =	vld [tilespmem:s0+$0xFFFFFFF0]  }
0x2e9: {  	v6 =	vld [tilespmem:s26+$0xFFFFFFD0]  }
0x2ea: {  	v26 =	vld [tilespmem:s0+$0xFFFFFFD0]  }
0x2eb: {  	v7 =	vld [tilespmem:s26+$0xFFFFFFB0]  }
0x2ec: {  	v24 =	vld [tilespmem:s0+$0xFFFFFFB0]  }
0x2ed: {  	v8 =	vld [tilespmem:s26+$0xFFFFFF90]  }
0x2ee: {  	v28 =	vld [tilespmem:s0+$0xFFFFFF90]  }
0x2ef: {  	v9 =	vld [tilespmem:s26+$0xFFFFFFA0]  }
0x2f0: {  	v34 =	vld [tilespmem:s0+$0xFFFFFFA0]  }
0x2f1: {  	v10 =	vld [tilespmem:s26+$0xFFFFFFC0]  }
0x2f2: {  	v27 =	vld [tilespmem:s0+$0xFFFFFFC0]  }
0x2f3: {  	v11 =	vld [tilespmem:s26+$0xFFFFFFE0]  }
0x2f4: {  	v29 =	vld [tilespmem:s0+$0xFFFFFFE0]  }
0x2f5: {  	v12 =	vld [tilespmem:s26+$0x0]  }
0x2f6: {  	v52 =	vld [tilespmem:s0+$0x0]  }
0x2f7: {  	v31 =	vld [tilespmem:s0+$0xFFFFFF10]  }
0x2f8: {  	v13 =	vld [tilespmem:s26+$0xFFFFFF20]  }
0x2f9: {  	v32 =	vld [tilespmem:s0+$0xFFFFFF20]  }
0x2fa: {  	v39 =	vld [tilespmem:s0+$0xFFFFFF30];
	v8 =	vmul.f32 v28, v8;
	v9 =	vmul.f32 v34, v9  }
0x2fb: {  	v38 =	vld [tilespmem:s0+$0xFFFFFF40];
	v7 =	vmul.f32 v24, v7  }
0x2fc: {  	v37 =	vld [tilespmem:s0+$0xFFFFFF50];
	v10 =	vmul.f32 v27, v10;
	v8 =	vadd.f32 $0.0e+00, v8;
	v9 =	vadd.f32 $0.0e+00, v9  }
0x2fd: {  	v36 =	vld [tilespmem:s0+$0xFFFFFF60];
	v6 =	vmul.f32 v26, v6  }
0x2fe: {  	v33 =	vld [tilespmem:s0+$0xFFFFFF70];
	v7 =	vadd.f32 v7, v8;
	v8 =	vadd.f32 v10, v9;
	v9 =	vmul.f32 v29, v11  }
0x2ff: {  	s28 =	simm.s32 $0x3FF0;
	v35 =	vld [tilespmem:s0+$0xFFFFFF80];
	v5 =	vmul.f32 v30, v5  }
0x300: {  	v15 =	vld [tilespmem:s28+$0xFFFFFFF0];
	v6 =	vadd.f32 v6, v7;
	v7 =	vadd.f32 v9, v8;
	v8 =	vmul.f32 v52, v12  }
0x301: {  	v17 =	vld [tilespmem:s28+$0xFFFFFF90]  }
0x302: {  	v10 =	vld [tilespmem:s26+$0xFFFFFF10];
	v5 =	vadd.f32 v5, v6;
	v6 =	vadd.f32 v8, v7  }
0x303: {  	v18 =	vld [tilespmem:s28+$0xFFFFFFA0]  }
0x304: {  	v11 =	vld [tilespmem:s26+$0xFFFFFF30];
	v5 =	vadd.f32 v6, v5  }
0x305: {  	v9 =	vld [tilespmem:s26+$0xFFFFFF40]  }
0x306: {  	v7 =	vld [tilespmem:s26+$0xFFFFFF50];
	v8 =	vperm.xlane v5, v1  }
0x307: {  	v10 =	vmul.f32 v31, v10;
	v6 =	vld [tilespmem:s26+$0xFFFFFF60]  }
0x308: {  	v12 =	vld [tilespmem:s26+$0xFFFFFF70];
	v5 =	vadd.f32 v5, v8;
	v8 =	vmul.f32 v32, v13  }
0x309: {  	s14 =	simm.s32 $0x8FF0;
	v11 =	vmul.f32 v39, v11;
	v10 =	vadd.f32 $0.0e+00, v10;
	v13 =	vld [tilespmem:s26+$0xFFFFFF80]  }
0x30a: {  	v19 =	vld [tilespmem:s14+$0xFFFFFFA0];
	v9 =	vmul.f32 v38, v9;
	v14 =	vperm.xlane v5, v2;
	v8 =	vadd.f32 $0.0e+00, v8  }
0x30b: {  	v20 =	vld [tilespmem:s28+$0xFFFFFFE0];
	v10 =	vadd.f32 v11, v10;
	v7 =	vmul.f32 v37, v7  }
0x30c: {  	v22 =	vld [tilespmem:s28+$0x0];
	v11 =	vadd.f32 v5, v14;
	v8 =	vadd.f32 v9, v8;
	v9 =	vmul.f32 v36, v6  }
0x30d: {  	v54 =	vld [tilespmem:s28+$0xFFFFFF20];
	v12 =	vmul.f32 v33, v12;
	v10 =	vadd.f32 v7, v10  }
0x30e: {  	v56 =	vld [tilespmem:s28+$0xFFFFFF60];
	v13 =	vmul.f32 v35, v13;
	v16 =	vperm.xlane v11, v3;
	v8 =	vadd.f32 v9, v8  }
0x30f: {  	v7 =	vld [tilespmem:s14+$0xFFFFFFB0];
	v10 =	vadd.f32 v12, v10  }
0x310: {  	v14 =	vld [tilespmem:s28+$0xFFFFFFD0];
	v11 =	vadd.f32 v11, v16;
	v12 =	vadd.f32 v13, v8  }
0x311: {  	v9 =	vld [tilespmem:s28+$0xFFFFFFB0]  }
0x312: {  	v8 =	vld [tilespmem:s14+$0xFFFFFF90];
	v13 =	vperm.xlane v11, v4;
	v10 =	vadd.f32 v12, v10  }
0x313: {  	v16 =	vld [tilespmem:s14+$0xFFFFFFC0]  }
0x314: {  	v12 =	vld [tilespmem:s28+$0xFFFFFFC0];
	v11 =	vadd.f32 v11, v13;
	v13 =	vperm.xlane v10, v1  }
0x315: {  	v6 =	vld [tilespmem:s14+$0xFFFFFFD0]  }
0x316: {  	v18 =	vmul.f32 v19, v18;
	v11 =	vsub.f32 $0.0e+00, v11;
	v21 =	vadd.f32 v10, v13;
	v13 =	vld [tilespmem:s14+$0xFFFFFFE0]  }
0x317: {  	v5 =	vld [tilespmem:s14+$0xFFFFFFF0];
	v17 =	vmul.f32 v8, v17  }
0x318: {  	v18 =	vadd.f32 $0.0e+00, v18;
	v10 =	vld [tilespmem:s14+$0x0];
	v11 =	vmul.f32 $1.442695020e+00, v11;
	v25 =	vperm.xlane v21, v2  }
0x319: {  	v58 =	vld [tilespmem:s28+$0xFFFFFF70];
	v23 =	vmul.f32 v7, v9;
	v17 =	vadd.f32 $0.0e+00, v17;
	v53 =	vmul.f32 v16, v12  }
0x31a: {  	s29 =	simm.s32 $0x40F0;
	v60 =	vld [tilespmem:s28+$0xFFFFFF80];
	(erf) = vpow2.f32 v11;
	v11 =	vmul.f32 v6, v14;
	v14 =	vadd.f32 v21, v25  }
0x31b: {  	v48 =	vld [tilespmem:s29+$0xFFFFFFF0];
	v17 =	vadd.f32 v23, v17;
	v18 =	vadd.f32 v53, v18;
	v20 =	vmul.f32 v13, v20  }
0x31c: {  	v15 =	vmul.f32 v5, v15;
	v9 =	vld [tilespmem:s14+$0xFFFFFF10];
	v23 =	vperm.xlane v14, v3  }
0x31d: {  	v12 =	vld [tilespmem:s14+$0xFFFFFF20];
	v11 =	vadd.f32 v11, v17;
	v17 =	vadd.f32 v20, v18;
	v18 =	vmul.f32 v10, v22  }
0x31e: {  	v21 =	vld [tilespmem:s28+$0xFFFFFF10];
	v14 =	vadd.f32 v14, v23  }
0x31f: {  	v25 =	vld [tilespmem:s28+$0xFFFFFF30];
	v11 =	vadd.f32 v15, v11;
	v17 =	vadd.f32 v18, v17  }
0x320: {  	v20 =	vld [tilespmem:s14+$0xFFFFFF30]  }
0x321: {  	v22 =	vld [tilespmem:s28+$0xFFFFFF40];
	v18 =	vperm.xlane v14, v4;
	v55 =	vadd.f32 v17, v11  }
0x322: {  	v15 =	vld [tilespmem:s14+$0xFFFFFF40]  }
0x323: {  	v23 =	vld [tilespmem:s28+$0xFFFFFF50];
	v14 =	vadd.f32 v14, v18;
	v18 =	vperm.xlane v55, v1  }
0x324: {  	v11 =	vld [tilespmem:s14+$0xFFFFFF50]  }
0x325: {  	v42 =	vmul.f32 v12, v54;
	v59 =	vmul.f32 v9, v21;
	v17 =	vld [tilespmem:s14+$0xFFFFFF60];
	v57 =	vpop (erf);
	v41 =	vadd.f32 v55, v18  }
0x326: {  	v21 =	vld [tilespmem:s14+$0xFFFFFF70];
	v25 =	vmul.f32 v20, v25;
	v14 =	vsub.f32 $0.0e+00, v14;
	v44 =	vadd.f32 $1.000000000e+00, v57  }
0x327: {  	v49 =	vld [tilespmem:s29+$0xFFFFFFB0];
	v46 =	vadd.f32 $0.0e+00, v59;
	v22 =	vmul.f32 v15, v22;
	v47 =	vperm.xlane v41, v2  }
0x328: {  	v62 =	vld [tilespmem:s29+$0xFFFFFF90];
	v42 =	vadd.f32 $0.0e+00, v42;
	v14 =	vmul.f32 $1.442695020e+00, v14;
	(erf) = vrcp.f32 v44  }
0x329: {  	v25 =	vadd.f32 v25, v46;
	v18 =	vld [tilespmem:s14+$0xFFFFFF80];
	v23 =	vmul.f32 v11, v23;
	v41 =	vadd.f32 v41, v47  }
0x32a: {  	v63 =	vld [tilespmem:s29+$0xFFFFFFA0];
	v42 =	vadd.f32 v22, v42;
	v43 =	vmul.f32 v17, v56;
	(erf) = vpow2.f32 v14  }
0x32b: {  	v53 =	vld [tilespmem:s29+$0xFFFFFFC0];
	v61 =	vmul.f32 v21, v58;
	v23 =	vadd.f32 v23, v25;
	v47 =	vperm.xlane v41, v3  }
0x32c: {  	s15 =	simm.s32 $0x90F0;
	v54 =	vld [tilespmem:s29+$0xFFFFFFE0];
	v42 =	vadd.f32 v43, v42  }
0x32d: {  	v43 =	vadd.f32 v61, v23;
	v23 =	vld [tilespmem:s15+$0xFFFFFF90];
	v41 =	vadd.f32 v41, v47  }
0x32e: {  	v46 =	vld [tilespmem:s29+$0xFFFFFFD0];
	v44 =	vmul.f32 v18, v60  }
0x32f: {  	v22 =	vld [tilespmem:s15+$0xFFFFFFD0];
	v47 =	vperm.xlane v41, v4  }
0x330: {  	v14 =	vld [tilespmem:s15+$0xFFFFFFF0];
	v42 =	vadd.f32 v44, v42  }
0x331: {  	v25 =	vld [tilespmem:s15+$0xFFFFFFB0];
	v50 =	vpop (erf);
	v41 =	vadd.f32 v41, v47  }
0x332: {  	v42 =	vadd.f32 v42, v43;
	v61 =	vmul.f32 v23, v62;
	v51 =	vmul.f32 v50, v28;
	v28 =	vld [tilespmem:s15+$0xFFFFFFA0]  }
0x333: {  	v62 =	vld [tilespmem:s29+$0x0];
	v40 =	vmul.f32 v50, v52;
	v52 =	vmul.f32 v50, v24;
	v56 =	vpop (erf);
	v58 =	vsub.f32 $0.0e+00, v41  }
0x334: {  	v59 =	vperm.xlane v42, v1;
	v24 =	vld [tilespmem:s15+$0xFFFFFFC0];
	v60 =	vmul.f32 v50, v27;
	v57 =	vadd.f32 $1.000000000e+00, v56  }
0x335: {  	v27 =	vld [tilespmem:s15+$0xFFFFFFE0];
	v47 =	vmul.f32 v50, v34;
	v34 =	vmul.f32 $1.442695020e+00, v58  }
0x336: {  	v55 =	vmul.f32 v50, v26;
	v26 =	vld [tilespmem:s15+$0xFFFFFF10];
	v41 =	vadd.f32 v42, v59;
	(erf) = vrcp.f32 v57  }
0x337: {  	[tilespmem:s0+$0xFFFFFFA0] =	vst v47;
	v47 =	vld [tilespmem:s29+$0xFFFFFF10];
	v44 =	vmul.f32 v28, v63;
	(erf) = vpow2.f32 v34  }
0x338: {  	v49 =	vmul.f32 v25, v49;
	v42 =	vadd.f32 $0.0e+00, v61;
	v56 =	vperm.xlane v41, v2;
	v34 =	vld [tilespmem:s15+$0x0]  }
0x339: {  	v53 =	vmul.f32 v24, v53;
	v63 =	vmul.f32 v50, v29;
	v29 =	vld [tilespmem:s15+$0xFFFFFF20];
	v44 =	vadd.f32 $0.0e+00, v44  }
0x33a: {  	v46 =	vmul.f32 v22, v46;
	v42 =	vadd.f32 v49, v42;
	v41 =	vadd.f32 v41, v56;
	v56 =	vld [tilespmem:s29+$0xFFFFFF20]  }
0x33b: {  	[tilespmem:s0+$0x0] =	vst v40;
	v54 =	vmul.f32 v27, v54;
	v44 =	vadd.f32 v53, v44  }
0x33c: {  	v48 =	vmul.f32 v14, v48;
	[tilespmem:s0+$0xFFFFFF90] =	vst v51;
	v42 =	vadd.f32 v46, v42;
	v57 =	vperm.xlane v41, v3  }
0x33d: {  	[tilespmem:s0+$0xFFFFFFB0] =	vst v52;
	v52 =	vld [tilespmem:s29+$0xFFFFFF40];
	v44 =	vadd.f32 v54, v44;
	v45 =	vmul.f32 v34, v62  }
0x33e: {  	[tilespmem:s0+$0xFFFFFFC0] =	vst v60;
	v50 =	vmul.f32 v50, v30;
	v30 =	vld [tilespmem:s15+$0xFFFFFF30];
	v60 =	vadd.f32 v48, v42;
	v41 =	vadd.f32 v41, v57  }
0x33f: {  	[tilespmem:s0+$0xFFFFFFD0] =	vst v55;
	v46 =	vld [tilespmem:s29+$0xFFFFFF30];
	v54 =	vmul.f32 v26, v47;
	v55 =	vmul.f32 v29, v56;
	v49 =	vpop (erf);
	v61 =	vadd.f32 v45, v44  }
0x340: {  	[tilespmem:s0+$0xFFFFFFE0] =	vst v63;
	v47 =	vld [tilespmem:s29+$0xFFFFFF50];
	v63 =	vperm.xlane v41, v4;
	v58 =	vmul.f32 v49, v31;
	v53 =	vpop (erf)  }
0x341: {  	[tilespmem:s0+$0xFFFFFFF0] =	vst v50;
	v59 =	vmul.f32 v49, v32;
	v31 =	vld [tilespmem:s15+$0xFFFFFF40];
	v42 =	vadd.f32 v61, v60;
	v44 =	vadd.f32 $1.000000000e+00, v53  }
0x342: {  	v62 =	vmul.f32 v49, v39;
	v32 =	vld [tilespmem:s15+$0xFFFFFF50];
	v56 =	vmul.f32 v49, v38;
	v41 =	vadd.f32 v41, v63;
	[tilespmem:s0+$0xFFFFFF10] =	vst v58  }
0x343: {  	v45 =	vadd.f32 $0.0e+00, v54;
	v39 =	vld [tilespmem:s29+$0xFFFFFF60];
	[tilespmem:s0+$0xFFFFFF20] =	vst v59;
	v57 =	vperm.xlane v42, v1;
	(erf) = vrcp.f32 v44  }
0x344: {  	v38 =	vld [tilespmem:s15+$0xFFFFFF60];
	v63 =	vmul.f32 v49, v33;
	[tilespmem:s0+$0xFFFFFF30] =	vst v62;
	v58 =	vmul.f32 v30, v46;
	v41 =	vsub.f32 $0.0e+00, v41  }
0x345: {  	v40 =	vld [tilespmem:s29+$0xFFFFFF70];
	v59 =	vmul.f32 v49, v37;
	[tilespmem:s0+$0xFFFFFF40] =	vst v56;
	v61 =	vmul.f32 v49, v36;
	v42 =	vadd.f32 v42, v57  }
0x346: {  	v48 =	vadd.f32 $0.0e+00, v55;
	v37 =	vld [tilespmem:s15+$0xFFFFFF70];
	[tilespmem:s0+$0xFFFFFF70] =	vst v63;
	v60 =	vmul.f32 v31, v52;
	v62 =	vmul.f32 $1.442695020e+00, v41  }
0x347: {  	v33 =	vld [tilespmem:s15+$0xFFFFFF80];
	[tilespmem:s0+$0xFFFFFF50] =	vst v59;
	v45 =	vadd.f32 v58, v45;
	v36 =	vmul.f32 v32, v47;
	v46 =	vperm.xlane v42, v2  }
0x348: {  	s22 =	simm.s32 $0x90F0;
	s24 =	simm.s32 $0x4;
	s26 =	simm.s32 $0x41F0;
	v43 =	vmul.f32 v49, v35;
	[tilespmem:s0+$0xFFFFFF60] =	vst v61;
	v41 =	vld [tilespmem:s29+$0xFFFFFF80];
	v44 =	vadd.f32 v60, v48;
	(erf) = vpow2.f32 v62  }
.LBB2_17:
0x349: {  	v47 =	vld [tilespmem:s26+$0xFFFFFFF0];
	v45 =	vadd.f32 v36, v45;
	v48 =	vmul.f32 v38, v39;
	v39 =	vadd.f32 v42, v46;
	s15 =	sadd.s32 $0x100, s15;
	v36 =	vmovc v38  }
0x34a: {  	v38 =	vld [tilespmem:s15+$0xFFFFFFF0];
	[tilespmem:s0+$0xFFFFFF80] =	vst v43;
	s0 =	smov.u32 s14;
	s14 =	smov.u32 s22;
	s22 =	smov.u32 s15  }
0x34b: {  	v42 =	vld [tilespmem:s26+$0xFFFFFFD0];
	v43 =	vadd.f32 v48, v44;
	v40 =	vmul.f32 v37, v40;
	v44 =	vperm.xlane v39, v3;
	v35 =	vmovc v37  }
0x34c: {  	v37 =	vld [tilespmem:s15+$0xFFFFFFD0];
	v46 =	vpop (erf)  }
0x34d: {  	v48 =	vld [tilespmem:s26+$0xFFFFFFB0];
	v41 =	vmul.f32 v33, v41;
	v39 =	vadd.f32 v39, v44;
	v44 =	vmul.f32 v46, v10;
	v10 =	vmovc v34  }
0x34e: {  	v40 =	vadd.f32 v40, v45;
	v45 =	vmul.f32 v46, v8;
	v19 =	vmul.f32 v46, v19;
	v8 =	vmovc v23;
	v34 =	vld [tilespmem:s15+$0xFFFFFFB0]  }
0x34f: {  	v50 =	vmul.f32 v46, v7;
	v49 =	vld [tilespmem:s26+$0xFFFFFF90];
	v41 =	vadd.f32 v41, v43;
	v43 =	vperm.xlane v39, v4;
	[tilespmem:s0+$0x0] =	vst v44  }
0x350: {  	v52 =	vmul.f32 v46, v16;
	v7 =	vmovc v25;
	v44 =	vmul.f32 v46, v6;
	v6 =	vmov v22;
	v23 =	vld [tilespmem:s15+$0xFFFFFF90];
	[tilespmem:s0+$0xFFFFFF90] =	vst v45  }
0x351: {  	v45 =	vld [tilespmem:s26+$0xFFFFFFA0];
	v40 =	vadd.f32 v41, v40;
	v51 =	vadd.f32 v39, v43;
	[tilespmem:s0+$0xFFFFFFA0] =	vst v19;
	v39 =	vmul.f32 v46, v13;
	v13 =	vpop (erf)  }
0x352: {  	s24 =	sadd.s32 $0x2, s24;
	v43 =	vmul.f32 v46, v5;
	v5 =	vmovc v14;
	v14 =	vmovc v38;
	v22 =	vmov v37;
	v41 =	vld [tilespmem:s15+$0xFFFFFFA0];
	v53 =	vadd.f32 $1.000000000e+00, v13;
	[tilespmem:s0+$0xFFFFFFB0] =	vst v50  }
0x353: {  	p0 =	slt.u32 s24, $0x26;
	v16 =	vmovc v24;
	v19 =	vmovc v28;
	v37 =	vld [tilespmem:s26+$0xFFFFFFC0];
	v38 =	vperm.xlane v40, v1;
	v46 =	vsub.f32 $0.0e+00, v51;
	[tilespmem:s0+$0xFFFFFFC0] =	vst v52;
	v25 =	vmov v34  }
0x354: {  	v13 =	vmov v27;
	v24 =	vld [tilespmem:s15+$0xFFFFFFC0];
	[tilespmem:s0+$0xFFFFFFD0] =	vst v44;
	(erf) = vrcp.f32 v53  }
0x355: {  	v44 =	vld [tilespmem:s26+$0xFFFFFFE0];
	v38 =	vadd.f32 v40, v38;
	v34 =	vmul.f32 $1.442695020e+00, v46;
	[tilespmem:s0+$0xFFFFFFE0] =	vst v39  }
0x356: {  	v39 =	vmul.f32 v23, v49;
	v27 =	vld [tilespmem:s15+$0xFFFFFFE0];
	[tilespmem:s0+$0xFFFFFFF0] =	vst v43  }
0x357: {  	v40 =	vmul.f32 v41, v45;
	v43 =	vld [tilespmem:s26+$0x0];
	(erf) = vpow2.f32 v34;
	v28 =	vmov v41  }
0x358: {  	v41 =	vmul.f32 v25, v48;
	v45 =	vperm.xlane v38, v2;
	v34 =	vld [tilespmem:s15+$0x0]  }
0x359: {  	v39 =	vadd.f32 $0.0e+00, v39;
	v46 =	vld [tilespmem:s15+$0xFFFFFF10];
	v40 =	vadd.f32 $0.0e+00, v40;
	v37 =	vmul.f32 v24, v37  }
0x35a: {  	v42 =	vmul.f32 v22, v42;
	v38 =	vadd.f32 v38, v45;
	v48 =	vld [tilespmem:s26+$0xFFFFFF20]  }
0x35b: {  	v39 =	vadd.f32 v41, v39;
	v45 =	vld [tilespmem:s15+$0xFFFFFF20];
	v37 =	vadd.f32 v37, v40;
	v40 =	vmul.f32 v27, v44  }
0x35c: {  	v44 =	vmul.f32 v14, v47;
	v47 =	vperm.xlane v38, v3;
	v41 =	vld [tilespmem:s26+$0xFFFFFF10]  }
0x35d: {  	v39 =	vadd.f32 v42, v39;
	v49 =	vld [tilespmem:s26+$0xFFFFFF30];
	v37 =	vadd.f32 v40, v37;
	v40 =	vmul.f32 v34, v43;
	v43 =	vpop (erf)  }
0x35e: {  	v38 =	vadd.f32 v38, v47;
	v42 =	vld [tilespmem:s15+$0xFFFFFF30];
	v47 =	vmul.f32 v43, v9;
	v50 =	vmul.f32 v43, v12;
	v9 =	vmovc v26  }
0x35f: {  	v39 =	vadd.f32 v44, v39;
	v53 =	vmul.f32 v43, v20;
	v26 =	vmovc v46;
	v51 =	vld [tilespmem:s26+$0xFFFFFF40];
	v37 =	vadd.f32 v40, v37  }
0x360: {  	v12 =	vmov v29;
	v46 =	vperm.xlane v38, v4;
	v40 =	vmul.f32 v45, v48;
	v44 =	vld [tilespmem:s15+$0xFFFFFF40];
	v48 =	vpop (erf);
	[tilespmem:s0+$0xFFFFFF10] =	vst v47  }
0x361: {  	v29 =	vmovc v45;
	v41 =	vmul.f32 v26, v41;
	v47 =	vld [tilespmem:s26+$0xFFFFFF50];
	v37 =	vadd.f32 v37, v39;
	v48 =	vadd.f32 $1.000000000e+00, v48;
	[tilespmem:s0+$0xFFFFFF20] =	vst v50  }
0x362: {  	v20 =	vmovc v30;
	v45 =	vmul.f32 v43, v15;
	v50 =	vadd.f32 $0.0e+00, v40;
	v52 =	vld [tilespmem:s15+$0xFFFFFF50];
	v40 =	vadd.f32 v38, v46;
	[tilespmem:s0+$0xFFFFFF30] =	vst v53  }
0x363: {  	v15 =	vmovc v31;
	v41 =	vadd.f32 $0.0e+00, v41;
	v39 =	vld [tilespmem:s26+$0xFFFFFF60];
	v46 =	vperm.xlane v37, v1;
	(erf) = vrcp.f32 v48;
	v30 =	vmovc v42  }
.Ltmp11:
0x364: {  	v53 =	vmul.f32 v43, v11;
	v11 =	vmovc v32;
	v48 =	vmul.f32 v30, v49;
	v38 =	vld [tilespmem:s15+$0xFFFFFF60];
	v49 =	vsub.f32 $0.0e+00, v40;
	[tilespmem:s0+$0xFFFFFF40] =	vst v45;
	(pc) =	sbr.rel @p0 .LBB2_17-.Ltmp11, $4  }
0x365: {  	v54 =	vmul.f32 v44, v51;
	v40 =	vld [tilespmem:s26+$0xFFFFFF70];
	v42 =	vadd.f32 v37, v46;
	v51 =	vmul.f32 v43, v17;
	v31 =	vmovc v44  }
0x366: {  	v17 =	vmovc v36;
	v45 =	vadd.f32 v48, v41;
	v37 =	vld [tilespmem:s15+$0xFFFFFF70];
	v48 =	vmul.f32 $1.442695020e+00, v49;
	[tilespmem:s0+$0xFFFFFF50] =	vst v53;
	v49 =	vmul.f32 v43, v21  }
0x367: {  	v44 =	vadd.f32 v54, v50;
	v36 =	vmul.f32 v52, v47;
	v41 =	vld [tilespmem:s26+$0xFFFFFF80];
	v46 =	vperm.xlane v42, v2;
	[tilespmem:s0+$0xFFFFFF60] =	vst v51  }
0x368: {  	v43 =	vmul.f32 v43, v18;
	v21 =	vmovc v35;
	v18 =	vmovc v33;
	s26 =	sadd.s32 $0x100, s26;
	v32 =	vmov v52;
	(erf) = vpow2.f32 v48;
	[tilespmem:s0+$0xFFFFFF70] =	vst v49;
	v33 =	vld [tilespmem:s15+$0xFFFFFF80]  }
0x369: {  	_ =	sdelay $0x1  }
0x36a: {  	v35 =	vmul.f32 v38, v39  }
0x36b: {  	v36 =	vadd.f32 v36, v45;
	v50 =	vadd.f32 v42, v46  }
0x36c: {  	v35 =	vadd.f32 v35, v44;
	v40 =	vmul.f32 v37, v40;
	v41 =	vmul.f32 v33, v41  }
0x36d: {  	v42 =	vperm.xlane v50, v3  }
0x36e: {  	v36 =	vadd.f32 v40, v36;
	v35 =	vadd.f32 v41, v35  }
0x36f: {  	v39 =	vadd.f32 v50, v42  }
0x370: {  	v35 =	vadd.f32 v35, v36  }
0x371: {  	v51 =	vperm.xlane v39, v4  }
0x372: {  	v52 =	vperm.xlane v35, v1  }
0x373: {  	v36 =	vadd.f32 v39, v51  }
0x374: {  	v53 =	vpop (erf);
	v35 =	vadd.f32 v35, v52  }
0x375: {  	v54 =	vpop (erf);
	v36 =	vsub.f32 $0.0e+00, v36  }
0x376: {  	v40 =	vadd.f32 $1.000000000e+00, v54;
	v55 =	vperm.xlane v35, v2  }
0x377: {  	v36 =	vmul.f32 $1.442695020e+00, v36  }
0x378: {  	(erf) = vrcp.f32 v40;
	v35 =	vadd.f32 v35, v55  }
0x379: {  	(erf) = vpow2.f32 v36  }
0x37a: {  	v56 =	vperm.xlane v35, v3;
	_ =	sdelay $0x1  }
0x37b: {  	v35 =	vadd.f32 v35, v56;
	_ =	sdelay $0x1  }
0x37c: {  	v36 =	vperm.xlane v35, v4;
	_ =	sdelay $0x1  }
0x37d: {  	v35 =	vadd.f32 v35, v36  }
0x37e: {  	v57 =	vpop (erf)  }
0x37f: {  	v58 =	vpop (erf);
	v35 =	vsub.f32 $0.0e+00, v35  }
0x380: {  	v40 =	vadd.f32 $1.000000000e+00, v58  }
0x381: {  	v10 =	vmul.f32 v53, v10;
	v35 =	vmul.f32 $1.442695020e+00, v35  }
0x382: {  	[tilespmem:s0+$0xFFFFFF80] =	vst v43;
	v8 =	vmul.f32 v53, v8;
	(erf) = vrcp.f32 v40  }
0x383: {  	v19 =	vmul.f32 v53, v19;
	[tilespmem:s14+$0x0] =	vst v10;
	(erf) = vpow2.f32 v35  }
0x384: {  	v7 =	vmul.f32 v53, v7;
	[tilespmem:s14+$0xFFFFFF90] =	vst v8  }
0x385: {  	v6 =	vmul.f32 v53, v6;
	[tilespmem:s14+$0xFFFFFFA0] =	vst v19  }
0x386: {  	v59 =	vmul.f32 v53, v16;
	[tilespmem:s14+$0xFFFFFFB0] =	vst v7  }
0x387: {  	v5 =	vmul.f32 v53, v5;
	[tilespmem:s14+$0xFFFFFFD0] =	vst v6;
	v6 =	vmul.f32 v57, v9  }
0x388: {  	v7 =	vmul.f32 v53, v13;
	[tilespmem:s14+$0xFFFFFFC0] =	vst v59  }
0x389: {  	[tilespmem:s14+$0xFFFFFFF0] =	vst v5  }
0x38a: {  	[tilespmem:s14+$0xFFFFFFE0] =	vst v7;
	v5 =	vmul.f32 v57, v12  }
0x38b: {  	v7 =	vmul.f32 v57, v20;
	[tilespmem:s14+$0xFFFFFF10] =	vst v6;
	v6 =	vpop (erf)  }
0x38c: {  	[tilespmem:s14+$0xFFFFFF20] =	vst v5;
	v5 =	vmul.f32 v57, v15;
	v60 =	vpop (erf)  }
0x38d: {  	[tilespmem:s14+$0xFFFFFF30] =	vst v7;
	v7 =	vmul.f32 v57, v11;
	v8 =	vadd.f32 $1.000000000e+00, v60  }
0x38e: {  	[tilespmem:s14+$0xFFFFFF40] =	vst v5;
	v5 =	vmul.f32 v57, v17  }
0x38f: {  	[tilespmem:s14+$0xFFFFFF50] =	vst v7;
	v7 =	vmul.f32 v57, v21;
	(erf) = vrcp.f32 v8  }
0x390: {  	[tilespmem:s14+$0xFFFFFF60] =	vst v5;
	v5 =	vmul.f32 v57, v18  }
0x391: {  	[tilespmem:s14+$0xFFFFFF70] =	vst v7;
	v7 =	vmul.f32 v6, v34  }
0x392: {  	[tilespmem:s14+$0xFFFFFF80] =	vst v5;
	v5 =	vmul.f32 v6, v23  }
0x393: {  	v61 =	vmul.f32 v6, v28;
	[tilespmem:s22+$0x0] =	vst v7  }
0x394: {  	v62 =	vmul.f32 v6, v22;
	[tilespmem:s22+$0xFFFFFF90] =	vst v5  }
0x395: {  	v7 =	vmul.f32 v6, v25;
	[tilespmem:s22+$0xFFFFFFA0] =	vst v61  }
0x396: {  	v5 =	vmul.f32 v6, v24;
	[tilespmem:s22+$0xFFFFFFD0] =	vst v62  }
0x397: {  	[tilespmem:s22+$0xFFFFFFB0] =	vst v7;
	v7 =	vmul.f32 v6, v27  }
0x398: {  	[tilespmem:s22+$0xFFFFFFC0] =	vst v5;
	v5 =	vmul.f32 v6, v14;
	v6 =	vpop (erf)  }
0x399: {  	[tilespmem:s22+$0xFFFFFFE0] =	vst v7;
	v7 =	vmul.f32 v6, v26  }
0x39a: {  	[tilespmem:s22+$0xFFFFFFF0] =	vst v5;
	v5 =	vmul.f32 v6, v29  }
0x39b: {  	v63 =	vmul.f32 v6, v30;
	[tilespmem:s22+$0xFFFFFF10] =	vst v7  }
0x39c: {  	[tilespmem:s22+$0xFFFFFF20] =	vst v5;
	v5 =	vmul.f32 v6, v31  }
0x39d: {  	s23 =	sadd.s32 $0x1, s23;
	[tilespmem:s22+$0xFFFFFF30] =	vst v63;
	v7 =	vmul.f32 v6, v32  }
0x39e: {  	p0 =	sne.s32 s23, $0x3E;
	[tilespmem:s22+$0xFFFFFF40] =	vst v5;
	v5 =	vmul.f32 v6, v38  }
.Ltmp12:
0x39f: {  	[tilespmem:s22+$0xFFFFFF50] =	vst v7;
	v7 =	vmul.f32 v6, v37;
	(pc) =	sbr.rel @p0 .LBB2_10-.Ltmp12, $4  }
0x3a0: {  	[tilespmem:s22+$0xFFFFFF60] =	vst v5;
	v5 =	vmul.f32 v6, v33  }
0x3a1: {  	[tilespmem:s22+$0xFFFFFF70] =	vst v7  }
0x3a2: {  	s28 =	simm.s32 $0x180;
	s29 =	simm.s32 $0x8E00;
	[tilespmem:s22+$0xFFFFFF80] =	vst v5  }
0x3a3: {  	[spmem:s3] =	stream.indirect.scatter.add.f32 [tilespmem:s29], [sflag:$0xC], $0x80, s28, s19, $0xb8;
	[tilespmem:$0x1DA80] =	vst v63  }
0x3a4: {  	s0 =	simm.s32 $0xC  }
0x3a5: {  	_ =	swait.ge [sflag:s0], $0x1400  }
0x3a6: {  	[sflag:s0] =	ssyncset.done $0x0  }
0x3a7: {  	[sflag:s0] =	ssyncadd.s32 $0xFFFFEC00  }
0x3a8: {  	_ =	swait.ge [sflag:s10], $0x1400  }
0x3a9: {  	[sflag:s10] =	ssyncset.done $0x0  }
0x3aa: {  	[sflag:s10] =	ssyncadd.s32 $0xFFFFEC00  }
0x3ab: {  	_ =	swait.ge [sflag:s10], $0x1400  }
0x3ac: {  	[sflag:s10] =	ssyncset.done $0x0  }
0x3ad: {  	s14 =	simm.s32 $0x280;
	[sflag:s10] =	ssyncadd.s32 $0xFFFFEC00  }
0x3ae: {  	s0 =	simm.s32 $0x5280;
	v5 =	vld [tilespmem:s14+$0x60]  }
0x3af: {  	v30 =	vld [tilespmem:s0+$0x60]  }
0x3b0: {  	v6 =	vld [tilespmem:s14+$0x40]  }
0x3b1: {  	v26 =	vld [tilespmem:s0+$0x40]  }
0x3b2: {  	v7 =	vld [tilespmem:s14+$0x20]  }
0x3b3: {  	v24 =	vld [tilespmem:s0+$0x20]  }
0x3b4: {  	v8 =	vld [tilespmem:s14+$0x0]  }
0x3b5: {  	v28 =	vld [tilespmem:s0+$0x0]  }
0x3b6: {  	v9 =	vld [tilespmem:s14+$0x10]  }
0x3b7: {  	v34 =	vld [tilespmem:s0+$0x10]  }
0x3b8: {  	v10 =	vld [tilespmem:s14+$0x30]  }
0x3b9: {  	v27 =	vld [tilespmem:s0+$0x30]  }
0x3ba: {  	v11 =	vld [tilespmem:s14+$0x50]  }
0x3bb: {  	v29 =	vld [tilespmem:s0+$0x50]  }
0x3bc: {  	v12 =	vld [tilespmem:s14+$0x70]  }
0x3bd: {  	v40 =	vld [tilespmem:s0+$0x70]  }
0x3be: {  	v31 =	vld [tilespmem:s0+$0xFFFFFF80]  }
0x3bf: {  	v13 =	vld [tilespmem:s14+$0xFFFFFF90]  }
0x3c0: {  	v32 =	vld [tilespmem:s0+$0xFFFFFF90]  }
0x3c1: {  	v39 =	vld [tilespmem:s0+$0xFFFFFFA0];
	v8 =	vmul.f32 v28, v8;
	v9 =	vmul.f32 v34, v9  }
0x3c2: {  	v38 =	vld [tilespmem:s0+$0xFFFFFFB0];
	v7 =	vmul.f32 v24, v7  }
0x3c3: {  	v37 =	vld [tilespmem:s0+$0xFFFFFFC0];
	v10 =	vmul.f32 v27, v10;
	v8 =	vadd.f32 $0.0e+00, v8;
	v9 =	vadd.f32 $0.0e+00, v9  }
0x3c4: {  	v36 =	vld [tilespmem:s0+$0xFFFFFFD0];
	v6 =	vmul.f32 v26, v6  }
0x3c5: {  	v33 =	vld [tilespmem:s0+$0xFFFFFFE0];
	v7 =	vadd.f32 v7, v8;
	v8 =	vadd.f32 v10, v9;
	v9 =	vmul.f32 v29, v11  }
0x3c6: {  	s15 =	simm.s32 $0x380;
	v35 =	vld [tilespmem:s0+$0xFFFFFFF0];
	v5 =	vmul.f32 v30, v5  }
0x3c7: {  	v15 =	vld [tilespmem:s15+$0x60];
	v6 =	vadd.f32 v6, v7;
	v7 =	vadd.f32 v9, v8;
	v8 =	vmul.f32 v40, v12  }
0x3c8: {  	v17 =	vld [tilespmem:s15+$0x0]  }
0x3c9: {  	v10 =	vld [tilespmem:s14+$0xFFFFFF80];
	v5 =	vadd.f32 v5, v6;
	v6 =	vadd.f32 v8, v7  }
0x3ca: {  	v18 =	vld [tilespmem:s15+$0x10]  }
0x3cb: {  	v11 =	vld [tilespmem:s14+$0xFFFFFFA0];
	v5 =	vadd.f32 v6, v5  }
0x3cc: {  	v9 =	vld [tilespmem:s14+$0xFFFFFFB0]  }
0x3cd: {  	v7 =	vld [tilespmem:s14+$0xFFFFFFC0];
	v8 =	vperm.xlane v5, v1  }
0x3ce: {  	v10 =	vmul.f32 v31, v10;
	v6 =	vld [tilespmem:s14+$0xFFFFFFD0]  }
0x3cf: {  	v12 =	vld [tilespmem:s14+$0xFFFFFFE0];
	v5 =	vadd.f32 v5, v8;
	v8 =	vmul.f32 v32, v13  }
0x3d0: {  	v11 =	vmul.f32 v39, v11;
	v10 =	vadd.f32 $0.0e+00, v10;
	v13 =	vld [tilespmem:s14+$0xFFFFFFF0]  }
0x3d1: {  	v20 =	vld [tilespmem:s15+$0x50];
	v9 =	vmul.f32 v38, v9;
	v14 =	vperm.xlane v5, v2;
	v8 =	vadd.f32 $0.0e+00, v8  }
0x3d2: {  	v22 =	vld [tilespmem:s15+$0x70];
	v10 =	vadd.f32 v11, v10;
	v7 =	vmul.f32 v37, v7  }
0x3d3: {  	v42 =	vld [tilespmem:s15+$0xFFFFFF90];
	v11 =	vadd.f32 v5, v14;
	v8 =	vadd.f32 v9, v8;
	v9 =	vmul.f32 v36, v6  }
0x3d4: {  	v43 =	vld [tilespmem:s15+$0xFFFFFFD0];
	v12 =	vmul.f32 v33, v12;
	s14 =	simm.s32 $0x5380;
	v10 =	vadd.f32 v7, v10  }
0x3d5: {  	v7 =	vld [tilespmem:s14+$0x20];
	v13 =	vmul.f32 v35, v13;
	v16 =	vperm.xlane v11, v3;
	v8 =	vadd.f32 v9, v8  }
0x3d6: {  	v19 =	vld [tilespmem:s14+$0x10];
	v10 =	vadd.f32 v12, v10  }
0x3d7: {  	v14 =	vld [tilespmem:s15+$0x40];
	v11 =	vadd.f32 v11, v16;
	v12 =	vadd.f32 v13, v8  }
0x3d8: {  	v9 =	vld [tilespmem:s15+$0x20]  }
0x3d9: {  	v8 =	vld [tilespmem:s14+$0x0];
	v13 =	vperm.xlane v11, v4;
	v10 =	vadd.f32 v12, v10  }
0x3da: {  	v16 =	vld [tilespmem:s14+$0x30]  }
0x3db: {  	v12 =	vld [tilespmem:s15+$0x30];
	v11 =	vadd.f32 v11, v13;
	v13 =	vperm.xlane v10, v1  }
0x3dc: {  	v6 =	vld [tilespmem:s14+$0x40]  }
0x3dd: {  	v18 =	vmul.f32 v19, v18;
	v11 =	vsub.f32 $0.0e+00, v11;
	v21 =	vadd.f32 v10, v13;
	v13 =	vld [tilespmem:s14+$0x50]  }
0x3de: {  	v5 =	vld [tilespmem:s14+$0x60];
	v17 =	vmul.f32 v8, v17  }
0x3df: {  	v18 =	vadd.f32 $0.0e+00, v18;
	v10 =	vld [tilespmem:s14+$0x70];
	v11 =	vmul.f32 $1.442695020e+00, v11;
	v25 =	vperm.xlane v21, v2  }
0x3e0: {  	v45 =	vld [tilespmem:s15+$0xFFFFFFE0];
	v23 =	vmul.f32 v7, v9;
	v17 =	vadd.f32 $0.0e+00, v17;
	v41 =	vmul.f32 v16, v12  }
0x3e1: {  	s22 =	simm.s32 $0x480;
	v60 =	vld [tilespmem:s15+$0xFFFFFFF0];
	(erf) = vpow2.f32 v11;
	v11 =	vmul.f32 v6, v14;
	v14 =	vadd.f32 v21, v25  }
0x3e2: {  	v48 =	vld [tilespmem:s22+$0x60];
	v17 =	vadd.f32 v23, v17;
	v18 =	vadd.f32 v41, v18;
	v20 =	vmul.f32 v13, v20  }
0x3e3: {  	v49 =	vld [tilespmem:s22+$0x20];
	v15 =	vmul.f32 v5, v15;
	v23 =	vperm.xlane v14, v3  }
0x3e4: {  	v9 =	vld [tilespmem:s14+$0xFFFFFF80];
	v11 =	vadd.f32 v11, v17;
	v17 =	vadd.f32 v20, v18;
	v18 =	vmul.f32 v10, v22  }
0x3e5: {  	v12 =	vld [tilespmem:s14+$0xFFFFFF90];
	v14 =	vadd.f32 v14, v23  }
0x3e6: {  	v21 =	vld [tilespmem:s15+$0xFFFFFF80];
	v11 =	vadd.f32 v15, v11;
	v17 =	vadd.f32 v18, v17  }
0x3e7: {  	v25 =	vld [tilespmem:s15+$0xFFFFFFA0]  }
0x3e8: {  	v20 =	vld [tilespmem:s14+$0xFFFFFFA0];
	v18 =	vperm.xlane v14, v4;
	v59 =	vadd.f32 v17, v11  }
0x3e9: {  	v22 =	vld [tilespmem:s15+$0xFFFFFFB0]  }
0x3ea: {  	v15 =	vld [tilespmem:s14+$0xFFFFFFB0];
	v14 =	vadd.f32 v14, v18;
	v18 =	vperm.xlane v59, v1  }
0x3eb: {  	v23 =	vld [tilespmem:s15+$0xFFFFFFC0]  }
0x3ec: {  	v42 =	vmul.f32 v12, v42;
	v11 =	vld [tilespmem:s14+$0xFFFFFFC0];
	v44 =	vpop (erf);
	v41 =	vadd.f32 v59, v18  }
0x3ed: {  	v46 =	vmul.f32 v9, v21;
	v21 =	vld [tilespmem:s14+$0xFFFFFFE0];
	v14 =	vsub.f32 $0.0e+00, v14;
	v44 =	vadd.f32 $1.000000000e+00, v44  }
0x3ee: {  	v17 =	vld [tilespmem:s14+$0xFFFFFFD0];
	v25 =	vmul.f32 v20, v25;
	v47 =	vperm.xlane v41, v2  }
0x3ef: {  	v62 =	vld [tilespmem:s22+$0x0];
	v46 =	vadd.f32 $0.0e+00, v46;
	v14 =	vmul.f32 $1.442695020e+00, v14;
	(erf) = vrcp.f32 v44  }
0x3f0: {  	v42 =	vadd.f32 $0.0e+00, v42;
	v22 =	vmul.f32 v15, v22;
	v18 =	vld [tilespmem:s14+$0xFFFFFFF0];
	v41 =	vadd.f32 v41, v47  }
0x3f1: {  	v63 =	vld [tilespmem:s22+$0x10];
	v25 =	vadd.f32 v25, v46;
	v23 =	vmul.f32 v11, v23;
	(erf) = vpow2.f32 v14  }
0x3f2: {  	v53 =	vld [tilespmem:s22+$0x30];
	v61 =	vmul.f32 v21, v45;
	v47 =	vperm.xlane v41, v3  }
0x3f3: {  	v54 =	vld [tilespmem:s22+$0x50];
	s15 =	simm.s32 $0x5480;
	v42 =	vadd.f32 v22, v42;
	v43 =	vmul.f32 v17, v43;
	v23 =	vadd.f32 v23, v25  }
0x3f4: {  	v25 =	vld [tilespmem:s15+$0x20];
	v41 =	vadd.f32 v41, v47  }
0x3f5: {  	v42 =	vadd.f32 v43, v42;
	v44 =	vmul.f32 v18, v60;
	v43 =	vadd.f32 v61, v23;
	v23 =	vld [tilespmem:s15+$0x0]  }
0x3f6: {  	v46 =	vld [tilespmem:s22+$0x40];
	v47 =	vperm.xlane v41, v4  }
0x3f7: {  	v22 =	vld [tilespmem:s15+$0x40];
	v42 =	vadd.f32 v44, v42  }
0x3f8: {  	v14 =	vld [tilespmem:s15+$0x60];
	v50 =	vpop (erf);
	v41 =	vadd.f32 v41, v47  }
0x3f9: {  	v49 =	vmul.f32 v25, v49;
	v42 =	vadd.f32 v42, v43;
	v51 =	vmul.f32 v50, v28;
	v28 =	vld [tilespmem:s15+$0x10]  }
0x3fa: {  	v61 =	vmul.f32 v23, v62;
	v62 =	vld [tilespmem:s22+$0x70];
	v52 =	vmul.f32 v50, v24;
	v56 =	vpop (erf);
	v58 =	vsub.f32 $0.0e+00, v41  }
0x3fb: {  	v59 =	vperm.xlane v42, v1;
	v24 =	vld [tilespmem:s15+$0x30];
	v60 =	vmul.f32 v50, v27;
	v57 =	vadd.f32 $1.000000000e+00, v56  }
0x3fc: {  	v27 =	vld [tilespmem:s15+$0x50];
	v47 =	vmul.f32 v50, v34;
	v34 =	vmul.f32 $1.442695020e+00, v58  }
0x3fd: {  	v55 =	vmul.f32 v50, v26;
	v26 =	vld [tilespmem:s15+$0xFFFFFF80];
	v41 =	vadd.f32 v42, v59;
	(erf) = vrcp.f32 v57  }
0x3fe: {  	[tilespmem:s0+$0x10] =	vst v47;
	v47 =	vld [tilespmem:s22+$0xFFFFFF80];
	v44 =	vmul.f32 v28, v63;
	(erf) = vpow2.f32 v34  }
0x3ff: {  	v40 =	vmul.f32 v50, v40;
	v42 =	vadd.f32 $0.0e+00, v61;
	v56 =	vperm.xlane v41, v2;
	v34 =	vld [tilespmem:s15+$0x70]  }
0x400: {  	v53 =	vmul.f32 v24, v53;
	v63 =	vmul.f32 v50, v29;
	v29 =	vld [tilespmem:s15+$0xFFFFFF90];
	v44 =	vadd.f32 $0.0e+00, v44  }
0x401: {  	v46 =	vmul.f32 v22, v46;
	v42 =	vadd.f32 v49, v42;
	v41 =	vadd.f32 v41, v56;
	v56 =	vld [tilespmem:s22+$0xFFFFFF90]  }
0x402: {  	[tilespmem:s0+$0x70] =	vst v40;
	v54 =	vmul.f32 v27, v54;
	v44 =	vadd.f32 v53, v44  }
0x403: {  	v48 =	vmul.f32 v14, v48;
	[tilespmem:s0+$0x0] =	vst v51;
	v42 =	vadd.f32 v46, v42;
	v57 =	vperm.xlane v41, v3  }
0x404: {  	[tilespmem:s0+$0x20] =	vst v52;
	v52 =	vld [tilespmem:s22+$0xFFFFFFB0];
	v44 =	vadd.f32 v54, v44;
	v45 =	vmul.f32 v34, v62  }
0x405: {  	[tilespmem:s0+$0x30] =	vst v60;
	v50 =	vmul.f32 v50, v30;
	v30 =	vld [tilespmem:s15+$0xFFFFFFA0];
	v60 =	vadd.f32 v48, v42;
	v41 =	vadd.f32 v41, v57  }
0x406: {  	[tilespmem:s0+$0x40] =	vst v55;
	v46 =	vld [tilespmem:s22+$0xFFFFFFA0];
	v54 =	vmul.f32 v26, v47;
	v55 =	vmul.f32 v29, v56;
	v49 =	vpop (erf);
	v61 =	vadd.f32 v45, v44  }
0x407: {  	[tilespmem:s0+$0x50] =	vst v63;
	v47 =	vld [tilespmem:s22+$0xFFFFFFC0];
	v63 =	vperm.xlane v41, v4;
	v58 =	vmul.f32 v49, v31;
	v53 =	vpop (erf)  }
0x408: {  	[tilespmem:s0+$0x60] =	vst v50;
	v59 =	vmul.f32 v49, v32;
	v31 =	vld [tilespmem:s15+$0xFFFFFFB0];
	v42 =	vadd.f32 v61, v60;
	v44 =	vadd.f32 $1.000000000e+00, v53  }
0x409: {  	v62 =	vmul.f32 v49, v39;
	v32 =	vld [tilespmem:s15+$0xFFFFFFC0];
	v56 =	vmul.f32 v49, v38;
	v41 =	vadd.f32 v41, v63;
	[tilespmem:s0+$0xFFFFFF80] =	vst v58  }
0x40a: {  	v45 =	vadd.f32 $0.0e+00, v54;
	v39 =	vld [tilespmem:s22+$0xFFFFFFD0];
	[tilespmem:s0+$0xFFFFFF90] =	vst v59;
	v57 =	vperm.xlane v42, v1;
	(erf) = vrcp.f32 v44  }
0x40b: {  	v38 =	vld [tilespmem:s15+$0xFFFFFFD0];
	v63 =	vmul.f32 v49, v33;
	[tilespmem:s0+$0xFFFFFFA0] =	vst v62;
	v58 =	vmul.f32 v30, v46;
	v41 =	vsub.f32 $0.0e+00, v41  }
0x40c: {  	v40 =	vld [tilespmem:s22+$0xFFFFFFE0];
	v59 =	vmul.f32 v49, v37;
	[tilespmem:s0+$0xFFFFFFB0] =	vst v56;
	v61 =	vmul.f32 v49, v36;
	v42 =	vadd.f32 v42, v57  }
0x40d: {  	v48 =	vadd.f32 $0.0e+00, v55;
	v37 =	vld [tilespmem:s15+$0xFFFFFFE0];
	[tilespmem:s0+$0xFFFFFFE0] =	vst v63;
	v60 =	vmul.f32 v31, v52;
	v62 =	vmul.f32 $1.442695020e+00, v41  }
0x40e: {  	v33 =	vld [tilespmem:s15+$0xFFFFFFF0];
	[tilespmem:s0+$0xFFFFFFC0] =	vst v59;
	v45 =	vadd.f32 v58, v45;
	v36 =	vmul.f32 v32, v47;
	v46 =	vperm.xlane v42, v2  }
0x40f: {  	s23 =	simm.s32 $0x4;
	s24 =	simm.s32 $0x580;
	v43 =	vmul.f32 v49, v35;
	[tilespmem:s0+$0xFFFFFFD0] =	vst v61;
	v41 =	vld [tilespmem:s22+$0xFFFFFFF0];
	s22 =	simm.s32 $0x5480;
	v44 =	vadd.f32 v60, v48;
	(erf) = vpow2.f32 v62  }
.LBB2_20:
0x410: {  	v47 =	vld [tilespmem:s24+$0x60];
	v45 =	vadd.f32 v36, v45;
	v48 =	vmul.f32 v38, v39;
	v39 =	vadd.f32 v42, v46;
	s15 =	sadd.s32 $0x100, s15;
	v36 =	vmovc v38  }
0x411: {  	v38 =	vld [tilespmem:s15+$0x60];
	[tilespmem:s0+$0xFFFFFFF0] =	vst v43;
	s0 =	smov.u32 s14;
	s14 =	smov.u32 s22;
	s22 =	smov.u32 s15  }
0x412: {  	v42 =	vld [tilespmem:s24+$0x40];
	v43 =	vadd.f32 v48, v44;
	v40 =	vmul.f32 v37, v40;
	v44 =	vperm.xlane v39, v3;
	v35 =	vmovc v37  }
0x413: {  	v37 =	vld [tilespmem:s15+$0x40];
	v46 =	vpop (erf)  }
0x414: {  	v48 =	vld [tilespmem:s24+$0x20];
	v41 =	vmul.f32 v33, v41;
	v39 =	vadd.f32 v39, v44;
	v44 =	vmul.f32 v46, v10;
	v10 =	vmovc v34  }
0x415: {  	v40 =	vadd.f32 v40, v45;
	v45 =	vmul.f32 v46, v8;
	v19 =	vmul.f32 v46, v19;
	v8 =	vmovc v23;
	v34 =	vld [tilespmem:s15+$0x20]  }
0x416: {  	v50 =	vmul.f32 v46, v7;
	v49 =	vld [tilespmem:s24+$0x0];
	v41 =	vadd.f32 v41, v43;
	v43 =	vperm.xlane v39, v4;
	[tilespmem:s0+$0x70] =	vst v44  }
0x417: {  	v52 =	vmul.f32 v46, v16;
	v7 =	vmovc v25;
	v44 =	vmul.f32 v46, v6;
	v6 =	vmov v22;
	v23 =	vld [tilespmem:s15+$0x0];
	[tilespmem:s0+$0x0] =	vst v45  }
0x418: {  	v45 =	vld [tilespmem:s24+$0x10];
	v40 =	vadd.f32 v41, v40;
	v51 =	vadd.f32 v39, v43;
	[tilespmem:s0+$0x10] =	vst v19;
	v39 =	vmul.f32 v46, v13;
	v13 =	vpop (erf)  }
0x419: {  	s23 =	sadd.s32 $0x2, s23;
	v43 =	vmul.f32 v46, v5;
	v5 =	vmovc v14;
	v14 =	vmovc v38;
	v22 =	vmov v37;
	v41 =	vld [tilespmem:s15+$0x10];
	v53 =	vadd.f32 $1.000000000e+00, v13;
	[tilespmem:s0+$0x20] =	vst v50  }
0x41a: {  	p0 =	slt.u32 s23, $0x26;
	v16 =	vmovc v24;
	v19 =	vmovc v28;
	v37 =	vld [tilespmem:s24+$0x30];
	v38 =	vperm.xlane v40, v1;
	v46 =	vsub.f32 $0.0e+00, v51;
	[tilespmem:s0+$0x30] =	vst v52;
	v25 =	vmov v34  }
0x41b: {  	v13 =	vmov v27;
	v24 =	vld [tilespmem:s15+$0x30];
	[tilespmem:s0+$0x40] =	vst v44;
	(erf) = vrcp.f32 v53  }
0x41c: {  	v44 =	vld [tilespmem:s24+$0x50];
	v38 =	vadd.f32 v40, v38;
	v34 =	vmul.f32 $1.442695020e+00, v46;
	[tilespmem:s0+$0x50] =	vst v39  }
0x41d: {  	v39 =	vmul.f32 v23, v49;
	v27 =	vld [tilespmem:s15+$0x50];
	[tilespmem:s0+$0x60] =	vst v43  }
0x41e: {  	v40 =	vmul.f32 v41, v45;
	v43 =	vld [tilespmem:s24+$0x70];
	(erf) = vpow2.f32 v34;
	v28 =	vmov v41  }
0x41f: {  	v41 =	vmul.f32 v25, v48;
	v45 =	vperm.xlane v38, v2;
	v34 =	vld [tilespmem:s15+$0x70]  }
0x420: {  	v39 =	vadd.f32 $0.0e+00, v39;
	v46 =	vld [tilespmem:s15+$0xFFFFFF80];
	v40 =	vadd.f32 $0.0e+00, v40;
	v37 =	vmul.f32 v24, v37  }
0x421: {  	v42 =	vmul.f32 v22, v42;
	v38 =	vadd.f32 v38, v45;
	v48 =	vld [tilespmem:s24+$0xFFFFFF90]  }
0x422: {  	v39 =	vadd.f32 v41, v39;
	v45 =	vld [tilespmem:s15+$0xFFFFFF90];
	v37 =	vadd.f32 v37, v40;
	v40 =	vmul.f32 v27, v44  }
0x423: {  	v44 =	vmul.f32 v14, v47;
	v47 =	vperm.xlane v38, v3;
	v41 =	vld [tilespmem:s24+$0xFFFFFF80]  }
0x424: {  	v39 =	vadd.f32 v42, v39;
	v49 =	vld [tilespmem:s24+$0xFFFFFFA0];
	v37 =	vadd.f32 v40, v37;
	v40 =	vmul.f32 v34, v43;
	v43 =	vpop (erf)  }
0x425: {  	v38 =	vadd.f32 v38, v47;
	v42 =	vld [tilespmem:s15+$0xFFFFFFA0];
	v47 =	vmul.f32 v43, v9;
	v50 =	vmul.f32 v43, v12;
	v9 =	vmovc v26  }
0x426: {  	v39 =	vadd.f32 v44, v39;
	v53 =	vmul.f32 v43, v20;
	v26 =	vmovc v46;
	v51 =	vld [tilespmem:s24+$0xFFFFFFB0];
	v37 =	vadd.f32 v40, v37  }
0x427: {  	v12 =	vmov v29;
	v46 =	vperm.xlane v38, v4;
	v40 =	vmul.f32 v45, v48;
	v44 =	vld [tilespmem:s15+$0xFFFFFFB0];
	v48 =	vpop (erf);
	[tilespmem:s0+$0xFFFFFF80] =	vst v47  }
0x428: {  	v29 =	vmovc v45;
	v41 =	vmul.f32 v26, v41;
	v47 =	vld [tilespmem:s24+$0xFFFFFFC0];
	v37 =	vadd.f32 v37, v39;
	v48 =	vadd.f32 $1.000000000e+00, v48;
	[tilespmem:s0+$0xFFFFFF90] =	vst v50  }
0x429: {  	v20 =	vmovc v30;
	v45 =	vmul.f32 v43, v15;
	v50 =	vadd.f32 $0.0e+00, v40;
	v52 =	vld [tilespmem:s15+$0xFFFFFFC0];
	v40 =	vadd.f32 v38, v46;
	[tilespmem:s0+$0xFFFFFFA0] =	vst v53  }
0x42a: {  	v15 =	vmovc v31;
	v41 =	vadd.f32 $0.0e+00, v41;
	v39 =	vld [tilespmem:s24+$0xFFFFFFD0];
	v46 =	vperm.xlane v37, v1;
	(erf) = vrcp.f32 v48;
	v30 =	vmovc v42  }
.Ltmp13:
0x42b: {  	v53 =	vmul.f32 v43, v11;
	v11 =	vmovc v32;
	v48 =	vmul.f32 v30, v49;
	v38 =	vld [tilespmem:s15+$0xFFFFFFD0];
	v49 =	vsub.f32 $0.0e+00, v40;
	[tilespmem:s0+$0xFFFFFFB0] =	vst v45;
	(pc) =	sbr.rel @p0 .LBB2_20-.Ltmp13, $4  }
0x42c: {  	v54 =	vmul.f32 v44, v51;
	v40 =	vld [tilespmem:s24+$0xFFFFFFE0];
	v42 =	vadd.f32 v37, v46;
	v51 =	vmul.f32 v43, v17;
	v31 =	vmovc v44  }
0x42d: {  	v17 =	vmovc v36;
	v45 =	vadd.f32 v48, v41;
	v37 =	vld [tilespmem:s15+$0xFFFFFFE0];
	v48 =	vmul.f32 $1.442695020e+00, v49;
	[tilespmem:s0+$0xFFFFFFC0] =	vst v53;
	v49 =	vmul.f32 v43, v21  }
0x42e: {  	v44 =	vadd.f32 v54, v50;
	v36 =	vmul.f32 v52, v47;
	v41 =	vld [tilespmem:s24+$0xFFFFFFF0];
	v46 =	vperm.xlane v42, v2;
	[tilespmem:s0+$0xFFFFFFD0] =	vst v51  }
0x42f: {  	v43 =	vmul.f32 v43, v18;
	v21 =	vmovc v35;
	v18 =	vmovc v33;
	s24 =	sadd.s32 $0x100, s24;
	v32 =	vmov v52;
	(erf) = vpow2.f32 v48;
	[tilespmem:s0+$0xFFFFFFE0] =	vst v49;
	v33 =	vld [tilespmem:s15+$0xFFFFFFF0]  }
0x430: {  	_ =	sdelay $0x1  }
0x431: {  	v35 =	vmul.f32 v38, v39  }
0x432: {  	v36 =	vadd.f32 v36, v45;
	v63 =	vadd.f32 v42, v46  }
0x433: {  	v35 =	vadd.f32 v35, v44;
	v40 =	vmul.f32 v37, v40;
	v41 =	vmul.f32 v33, v41  }
0x434: {  	v42 =	vperm.xlane v63, v3  }
0x435: {  	v36 =	vadd.f32 v40, v36;
	v35 =	vadd.f32 v41, v35  }
0x436: {  	v39 =	vadd.f32 v63, v42  }
0x437: {  	v35 =	vadd.f32 v35, v36  }
0x438: {  	v44 =	vperm.xlane v39, v4  }
0x439: {  	v45 =	vperm.xlane v35, v1  }
0x43a: {  	v36 =	vadd.f32 v39, v44  }
0x43b: {  	v46 =	vpop (erf);
	v35 =	vadd.f32 v35, v45  }
0x43c: {  	v47 =	vpop (erf);
	v36 =	vsub.f32 $0.0e+00, v36  }
0x43d: {  	v40 =	vadd.f32 $1.000000000e+00, v47;
	v48 =	vperm.xlane v35, v2  }
0x43e: {  	v36 =	vmul.f32 $1.442695020e+00, v36  }
0x43f: {  	(erf) = vrcp.f32 v40;
	v35 =	vadd.f32 v35, v48  }
0x440: {  	(erf) = vpow2.f32 v36  }
0x441: {  	v49 =	vperm.xlane v35, v3;
	_ =	sdelay $0x1  }
0x442: {  	v35 =	vadd.f32 v35, v49;
	_ =	sdelay $0x1  }
0x443: {  	v36 =	vperm.xlane v35, v4;
	_ =	sdelay $0x1  }
0x444: {  	v35 =	vadd.f32 v35, v36  }
0x445: {  	v50 =	vpop (erf)  }
0x446: {  	v51 =	vpop (erf);
	v35 =	vsub.f32 $0.0e+00, v35  }
0x447: {  	v40 =	vadd.f32 $1.000000000e+00, v51  }
0x448: {  	v10 =	vmul.f32 v46, v10;
	v35 =	vmul.f32 $1.442695020e+00, v35  }
0x449: {  	[tilespmem:s0+$0xFFFFFFF0] =	vst v43;
	v8 =	vmul.f32 v46, v8;
	(erf) = vrcp.f32 v40  }
0x44a: {  	v19 =	vmul.f32 v46, v19;
	[tilespmem:s14+$0x70] =	vst v10;
	(erf) = vpow2.f32 v35  }
0x44b: {  	v7 =	vmul.f32 v46, v7;
	[tilespmem:s14+$0x0] =	vst v8  }
0x44c: {  	v6 =	vmul.f32 v46, v6;
	[tilespmem:s14+$0x10] =	vst v19  }
0x44d: {  	v5 =	vmul.f32 v46, v5;
	[tilespmem:s14+$0x20] =	vst v7  }
0x44e: {  	v8 =	vmul.f32 v46, v16;
	[tilespmem:s14+$0x40] =	vst v6;
	v6 =	vmul.f32 v50, v9  }
0x44f: {  	v7 =	vmul.f32 v46, v13;
	[tilespmem:s14+$0x60] =	vst v5  }
0x450: {  	[tilespmem:s14+$0x30] =	vst v8  }
0x451: {  	[tilespmem:s14+$0x50] =	vst v7;
	v5 =	vmul.f32 v50, v12  }
0x452: {  	v7 =	vmul.f32 v50, v20;
	[tilespmem:s14+$0xFFFFFF80] =	vst v6;
	v6 =	vpop (erf)  }
0x453: {  	[tilespmem:s14+$0xFFFFFF90] =	vst v5;
	v5 =	vmul.f32 v50, v15;
	v8 =	vpop (erf)  }
0x454: {  	[tilespmem:s14+$0xFFFFFFA0] =	vst v7;
	v7 =	vmul.f32 v50, v11;
	v8 =	vadd.f32 $1.000000000e+00, v8  }
0x455: {  	[tilespmem:s14+$0xFFFFFFB0] =	vst v5;
	v5 =	vmul.f32 v50, v17  }
0x456: {  	[tilespmem:s14+$0xFFFFFFC0] =	vst v7;
	v7 =	vmul.f32 v50, v21;
	(erf) = vrcp.f32 v8  }
0x457: {  	[tilespmem:s14+$0xFFFFFFD0] =	vst v5;
	v5 =	vmul.f32 v50, v18  }
0x458: {  	[tilespmem:s14+$0xFFFFFFE0] =	vst v7;
	v7 =	vmul.f32 v6, v34  }
0x459: {  	[tilespmem:s14+$0xFFFFFFF0] =	vst v5;
	v5 =	vmul.f32 v6, v23  }
0x45a: {  	[tilespmem:s22+$0x70] =	vst v7;
	v7 =	vmul.f32 v6, v25  }
0x45b: {  	[tilespmem:s22+$0x0] =	vst v5;
	v5 =	vmul.f32 v6, v24  }
0x45c: {  	[tilespmem:s22+$0x20] =	vst v7;
	v7 =	vmul.f32 v6, v27  }
0x45d: {  	[tilespmem:s22+$0x30] =	vst v5;
	v8 =	vmul.f32 v6, v28  }
0x45e: {  	v5 =	vmul.f32 v6, v14;
	[tilespmem:s22+$0x50] =	vst v7  }
0x45f: {  	[tilespmem:s22+$0x10] =	vst v8;
	v8 =	vmul.f32 v6, v22;
	v6 =	vpop (erf)  }
0x460: {  	[tilespmem:s22+$0x60] =	vst v5;
	v7 =	vmul.f32 v6, v26  }
0x461: {  	[tilespmem:s22+$0x40] =	vst v8;
	v5 =	vmul.f32 v6, v29  }
0x462: {  	v8 =	vmul.f32 v6, v30;
	[tilespmem:s22+$0xFFFFFF80] =	vst v7  }
0x463: {  	[tilespmem:s22+$0xFFFFFF90] =	vst v5;
	v5 =	vmul.f32 v6, v31  }
0x464: {  	[tilespmem:s22+$0xFFFFFFA0] =	vst v8;
	v7 =	vmul.f32 v6, v32  }
0x465: {  	[tilespmem:s22+$0xFFFFFFB0] =	vst v5;
	v5 =	vmul.f32 v6, v38  }
0x466: {  	[tilespmem:s22+$0xFFFFFFC0] =	vst v7;
	v7 =	vmul.f32 v6, v37  }
0x467: {  	[tilespmem:s22+$0xFFFFFFD0] =	vst v5;
	v5 =	vmul.f32 v6, v33  }
0x468: {  	[tilespmem:s22+$0xFFFFFFE0] =	vst v7  }
0x469: {  	s26 =	simm.s32 $0x5200;
	[tilespmem:s22+$0xFFFFFFF0] =	vst v5  }
0x46a: {  	[spmem:s3] =	stream.indirect.scatter.add.f32 [tilespmem:s26], [sflag:$0x9], $0x80, s4, s19, $0xb8;
	[tilespmem:$0x1DA80] =	vst v63  }
0x46b: {  	_ =	swait.ge [sflag:s11], $0x1400  }
0x46c: {  	[sflag:s11] =	ssyncset.done $0x0  }
0x46d: {  	[sflag:s11] =	ssyncadd.s32 $0xFFFFEC00  }
0x46e: {  	_ =	swait.ge [sflag:s8], $0x1400  }
0x46f: {  	[sflag:s8] =	ssyncset.done $0x0  }
0x470: {  	[sflag:s8] =	ssyncadd.s32 $0xFFFFEC00  }
0x471: {  	_ =	swait.ge [sflag:s8], $0x1400  }
0x472: {  	[sflag:s8] =	ssyncset.done $0x0  }
0x473: {  	s28 =	simm.s32 $0x16F0;
	[sflag:s8] =	ssyncadd.s32 $0xFFFFEC00  }
0x474: {  	s0 =	simm.s32 $0x66F0;
	v5 =	vld [tilespmem:s28+$0xFFFFFFF0]  }
0x475: {  	v30 =	vld [tilespmem:s0+$0xFFFFFFF0]  }
0x476: {  	v6 =	vld [tilespmem:s28+$0xFFFFFFD0]  }
0x477: {  	v26 =	vld [tilespmem:s0+$0xFFFFFFD0]  }
0x478: {  	v7 =	vld [tilespmem:s28+$0xFFFFFFB0]  }
0x479: {  	v24 =	vld [tilespmem:s0+$0xFFFFFFB0]  }
0x47a: {  	v8 =	vld [tilespmem:s28+$0xFFFFFF90]  }
0x47b: {  	v28 =	vld [tilespmem:s0+$0xFFFFFF90]  }
0x47c: {  	v9 =	vld [tilespmem:s28+$0xFFFFFFA0]  }
0x47d: {  	v34 =	vld [tilespmem:s0+$0xFFFFFFA0]  }
0x47e: {  	v10 =	vld [tilespmem:s28+$0xFFFFFFC0]  }
0x47f: {  	v27 =	vld [tilespmem:s0+$0xFFFFFFC0]  }
0x480: {  	v11 =	vld [tilespmem:s28+$0xFFFFFFE0]  }
0x481: {  	v29 =	vld [tilespmem:s0+$0xFFFFFFE0]  }
0x482: {  	v12 =	vld [tilespmem:s28+$0x0]  }
0x483: {  	v52 =	vld [tilespmem:s0+$0x0]  }
0x484: {  	v31 =	vld [tilespmem:s0+$0xFFFFFF10]  }
0x485: {  	v13 =	vld [tilespmem:s28+$0xFFFFFF20]  }
0x486: {  	v32 =	vld [tilespmem:s0+$0xFFFFFF20]  }
0x487: {  	v39 =	vld [tilespmem:s0+$0xFFFFFF30];
	v8 =	vmul.f32 v28, v8;
	v9 =	vmul.f32 v34, v9  }
0x488: {  	v38 =	vld [tilespmem:s0+$0xFFFFFF40];
	v7 =	vmul.f32 v24, v7  }
0x489: {  	v37 =	vld [tilespmem:s0+$0xFFFFFF50];
	v10 =	vmul.f32 v27, v10;
	v8 =	vadd.f32 $0.0e+00, v8;
	v9 =	vadd.f32 $0.0e+00, v9  }
0x48a: {  	v36 =	vld [tilespmem:s0+$0xFFFFFF60];
	v6 =	vmul.f32 v26, v6  }
0x48b: {  	v33 =	vld [tilespmem:s0+$0xFFFFFF70];
	v7 =	vadd.f32 v7, v8;
	v8 =	vadd.f32 v10, v9;
	v9 =	vmul.f32 v29, v11  }
0x48c: {  	s15 =	simm.s32 $0x17F0;
	v35 =	vld [tilespmem:s0+$0xFFFFFF80];
	v5 =	vmul.f32 v30, v5  }
0x48d: {  	v15 =	vld [tilespmem:s15+$0xFFFFFFF0];
	v6 =	vadd.f32 v6, v7;
	v7 =	vadd.f32 v9, v8;
	v8 =	vmul.f32 v52, v12  }
0x48e: {  	v17 =	vld [tilespmem:s15+$0xFFFFFF90]  }
0x48f: {  	v10 =	vld [tilespmem:s28+$0xFFFFFF10];
	v5 =	vadd.f32 v5, v6;
	v6 =	vadd.f32 v8, v7  }
0x490: {  	v18 =	vld [tilespmem:s15+$0xFFFFFFA0]  }
0x491: {  	v11 =	vld [tilespmem:s28+$0xFFFFFF30];
	v5 =	vadd.f32 v6, v5  }
0x492: {  	v9 =	vld [tilespmem:s28+$0xFFFFFF40]  }
0x493: {  	v7 =	vld [tilespmem:s28+$0xFFFFFF50];
	v8 =	vperm.xlane v5, v1  }
0x494: {  	v10 =	vmul.f32 v31, v10;
	v6 =	vld [tilespmem:s28+$0xFFFFFF60]  }
0x495: {  	v12 =	vld [tilespmem:s28+$0xFFFFFF70];
	v5 =	vadd.f32 v5, v8;
	v8 =	vmul.f32 v32, v13  }
0x496: {  	s14 =	simm.s32 $0x67F0;
	v11 =	vmul.f32 v39, v11;
	v10 =	vadd.f32 $0.0e+00, v10;
	v13 =	vld [tilespmem:s28+$0xFFFFFF80]  }
0x497: {  	v19 =	vld [tilespmem:s14+$0xFFFFFFA0];
	v9 =	vmul.f32 v38, v9;
	v14 =	vperm.xlane v5, v2;
	v8 =	vadd.f32 $0.0e+00, v8  }
0x498: {  	v20 =	vld [tilespmem:s15+$0xFFFFFFE0];
	v10 =	vadd.f32 v11, v10;
	v7 =	vmul.f32 v37, v7  }
0x499: {  	v22 =	vld [tilespmem:s15+$0x0];
	v11 =	vadd.f32 v5, v14;
	v8 =	vadd.f32 v9, v8;
	v9 =	vmul.f32 v36, v6  }
0x49a: {  	v54 =	vld [tilespmem:s15+$0xFFFFFF20];
	v12 =	vmul.f32 v33, v12;
	v10 =	vadd.f32 v7, v10  }
0x49b: {  	v56 =	vld [tilespmem:s15+$0xFFFFFF60];
	v13 =	vmul.f32 v35, v13;
	v16 =	vperm.xlane v11, v3;
	v8 =	vadd.f32 v9, v8  }
0x49c: {  	v7 =	vld [tilespmem:s14+$0xFFFFFFB0];
	v10 =	vadd.f32 v12, v10  }
0x49d: {  	v14 =	vld [tilespmem:s15+$0xFFFFFFD0];
	v11 =	vadd.f32 v11, v16;
	v12 =	vadd.f32 v13, v8  }
0x49e: {  	v9 =	vld [tilespmem:s15+$0xFFFFFFB0]  }
0x49f: {  	v8 =	vld [tilespmem:s14+$0xFFFFFF90];
	v13 =	vperm.xlane v11, v4;
	v10 =	vadd.f32 v12, v10  }
0x4a0: {  	v16 =	vld [tilespmem:s14+$0xFFFFFFC0]  }
0x4a1: {  	v12 =	vld [tilespmem:s15+$0xFFFFFFC0];
	v11 =	vadd.f32 v11, v13;
	v13 =	vperm.xlane v10, v1  }
0x4a2: {  	v6 =	vld [tilespmem:s14+$0xFFFFFFD0]  }
0x4a3: {  	v18 =	vmul.f32 v19, v18;
	v11 =	vsub.f32 $0.0e+00, v11;
	v21 =	vadd.f32 v10, v13;
	v13 =	vld [tilespmem:s14+$0xFFFFFFE0]  }
0x4a4: {  	v5 =	vld [tilespmem:s14+$0xFFFFFFF0];
	v17 =	vmul.f32 v8, v17  }
0x4a5: {  	v18 =	vadd.f32 $0.0e+00, v18;
	v10 =	vld [tilespmem:s14+$0x0];
	v11 =	vmul.f32 $1.442695020e+00, v11;
	v25 =	vperm.xlane v21, v2  }
0x4a6: {  	v58 =	vld [tilespmem:s15+$0xFFFFFF70];
	v23 =	vmul.f32 v7, v9;
	v17 =	vadd.f32 $0.0e+00, v17;
	v53 =	vmul.f32 v16, v12  }
0x4a7: {  	v60 =	vld [tilespmem:s15+$0xFFFFFF80];
	(erf) = vpow2.f32 v11;
	v11 =	vmul.f32 v6, v14;
	v14 =	vadd.f32 v21, v25  }
0x4a8: {  	v9 =	vld [tilespmem:s14+$0xFFFFFF10];
	v17 =	vadd.f32 v23, v17;
	v18 =	vadd.f32 v53, v18;
	v20 =	vmul.f32 v13, v20  }
0x4a9: {  	v15 =	vmul.f32 v5, v15;
	v12 =	vld [tilespmem:s14+$0xFFFFFF20];
	v23 =	vperm.xlane v14, v3  }
0x4aa: {  	v21 =	vld [tilespmem:s15+$0xFFFFFF10];
	v11 =	vadd.f32 v11, v17;
	v17 =	vadd.f32 v20, v18;
	v18 =	vmul.f32 v10, v22  }
0x4ab: {  	v25 =	vld [tilespmem:s15+$0xFFFFFF30];
	v14 =	vadd.f32 v14, v23  }
0x4ac: {  	v20 =	vld [tilespmem:s14+$0xFFFFFF30];
	v11 =	vadd.f32 v15, v11;
	v17 =	vadd.f32 v18, v17  }
0x4ad: {  	v22 =	vld [tilespmem:s15+$0xFFFFFF40];
	v18 =	vperm.xlane v14, v4  }
0x4ae: {  	v15 =	vld [tilespmem:s14+$0xFFFFFF40];
	v55 =	vadd.f32 v17, v11  }
0x4af: {  	v23 =	vld [tilespmem:s15+$0xFFFFFF50];
	v14 =	vadd.f32 v14, v18  }
0x4b0: {  	v11 =	vld [tilespmem:s14+$0xFFFFFF50];
	v18 =	vperm.xlane v55, v1  }
0x4b1: {  	v59 =	vmul.f32 v9, v21;
	v21 =	vld [tilespmem:s14+$0xFFFFFF70];
	v57 =	vpop (erf);
	v14 =	vsub.f32 $0.0e+00, v14  }
0x4b2: {  	s29 =	simm.s32 $0x18F0;
	v42 =	vmul.f32 v12, v54;
	v17 =	vld [tilespmem:s14+$0xFFFFFF60];
	v44 =	vadd.f32 $1.000000000e+00, v57;
	v41 =	vadd.f32 v55, v18  }
0x4b3: {  	v48 =	vld [tilespmem:s29+$0xFFFFFFF0];
	v46 =	vadd.f32 $0.0e+00, v59;
	v25 =	vmul.f32 v20, v25;
	v14 =	vmul.f32 $1.442695020e+00, v14  }
0x4b4: {  	v42 =	vadd.f32 $0.0e+00, v42;
	v18 =	vld [tilespmem:s14+$0xFFFFFF80];
	(erf) = vrcp.f32 v44;
	v47 =	vperm.xlane v41, v2  }
0x4b5: {  	v49 =	vld [tilespmem:s29+$0xFFFFFFB0];
	v22 =	vmul.f32 v15, v22;
	v25 =	vadd.f32 v25, v46;
	v23 =	vmul.f32 v11, v23  }
0x4b6: {  	v62 =	vld [tilespmem:s29+$0xFFFFFF90];
	v61 =	vmul.f32 v21, v58;
	(erf) = vpow2.f32 v14;
	v41 =	vadd.f32 v41, v47  }
0x4b7: {  	v63 =	vld [tilespmem:s29+$0xFFFFFFA0];
	v42 =	vadd.f32 v22, v42;
	v43 =	vmul.f32 v17, v56;
	v23 =	vadd.f32 v23, v25  }
0x4b8: {  	v53 =	vld [tilespmem:s29+$0xFFFFFFC0];
	s15 =	simm.s32 $0x68F0;
	v47 =	vperm.xlane v41, v3  }
0x4b9: {  	v42 =	vadd.f32 v43, v42;
	v44 =	vmul.f32 v18, v60;
	v43 =	vadd.f32 v61, v23;
	v23 =	vld [tilespmem:s15+$0xFFFFFF90]  }
0x4ba: {  	v54 =	vld [tilespmem:s29+$0xFFFFFFE0];
	v41 =	vadd.f32 v41, v47  }
0x4bb: {  	v46 =	vld [tilespmem:s29+$0xFFFFFFD0];
	v42 =	vadd.f32 v44, v42  }
0x4bc: {  	v22 =	vld [tilespmem:s15+$0xFFFFFFD0];
	v47 =	vperm.xlane v41, v4  }
0x4bd: {  	v14 =	vld [tilespmem:s15+$0xFFFFFFF0];
	v42 =	vadd.f32 v42, v43;
	v50 =	vpop (erf)  }
0x4be: {  	v25 =	vld [tilespmem:s15+$0xFFFFFFB0];
	v61 =	vmul.f32 v23, v62;
	v40 =	vmul.f32 v50, v52;
	v41 =	vadd.f32 v41, v47  }
0x4bf: {  	v51 =	vmul.f32 v50, v28;
	v28 =	vld [tilespmem:s15+$0xFFFFFFA0];
	v52 =	vmul.f32 v50, v24;
	v56 =	vpop (erf)  }
0x4c0: {  	v62 =	vld [tilespmem:s29+$0x0];
	v59 =	vperm.xlane v42, v1;
	v57 =	vadd.f32 $1.000000000e+00, v56;
	v58 =	vsub.f32 $0.0e+00, v41  }
0x4c1: {  	v24 =	vld [tilespmem:s15+$0xFFFFFFC0];
	v60 =	vmul.f32 v50, v27;
	v47 =	vmul.f32 v50, v34  }
0x4c2: {  	v27 =	vld [tilespmem:s15+$0xFFFFFFE0];
	(erf) = vrcp.f32 v57;
	v34 =	vmul.f32 $1.442695020e+00, v58  }
0x4c3: {  	v55 =	vmul.f32 v50, v26;
	v26 =	vld [tilespmem:s15+$0xFFFFFF10];
	v41 =	vadd.f32 v42, v59  }
0x4c4: {  	[tilespmem:s0+$0xFFFFFFA0] =	vst v47;
	v47 =	vld [tilespmem:s29+$0xFFFFFF10];
	v44 =	vmul.f32 v28, v63;
	(erf) = vpow2.f32 v34  }
0x4c5: {  	v49 =	vmul.f32 v25, v49;
	v42 =	vadd.f32 $0.0e+00, v61;
	v56 =	vperm.xlane v41, v2;
	v34 =	vld [tilespmem:s15+$0x0]  }
0x4c6: {  	v53 =	vmul.f32 v24, v53;
	v63 =	vmul.f32 v50, v29;
	v29 =	vld [tilespmem:s15+$0xFFFFFF20];
	v44 =	vadd.f32 $0.0e+00, v44  }
0x4c7: {  	v46 =	vmul.f32 v22, v46;
	[tilespmem:s0+$0x0] =	vst v40;
	v42 =	vadd.f32 v49, v42;
	v41 =	vadd.f32 v41, v56;
	v56 =	vld [tilespmem:s29+$0xFFFFFF20]  }
0x4c8: {  	[tilespmem:s0+$0xFFFFFF90] =	vst v51;
	v54 =	vmul.f32 v27, v54;
	v44 =	vadd.f32 v53, v44  }
0x4c9: {  	v48 =	vmul.f32 v14, v48;
	[tilespmem:s0+$0xFFFFFFB0] =	vst v52;
	v42 =	vadd.f32 v46, v42;
	v57 =	vperm.xlane v41, v3  }
0x4ca: {  	[tilespmem:s0+$0xFFFFFFC0] =	vst v60;
	v52 =	vld [tilespmem:s29+$0xFFFFFF40];
	v50 =	vmul.f32 v50, v30;
	v44 =	vadd.f32 v54, v44;
	v45 =	vmul.f32 v34, v62  }
0x4cb: {  	[tilespmem:s0+$0xFFFFFFD0] =	vst v55;
	v30 =	vld [tilespmem:s15+$0xFFFFFF30];
	v60 =	vadd.f32 v48, v42;
	v41 =	vadd.f32 v41, v57;
	v54 =	vmul.f32 v26, v47;
	v49 =	vpop (erf)  }
0x4cc: {  	v46 =	vld [tilespmem:s29+$0xFFFFFF30];
	[tilespmem:s0+$0xFFFFFFE0] =	vst v63;
	v55 =	vmul.f32 v29, v56;
	v58 =	vmul.f32 v49, v31;
	v61 =	vadd.f32 v45, v44  }
0x4cd: {  	[tilespmem:s0+$0xFFFFFFF0] =	vst v50;
	v47 =	vld [tilespmem:s29+$0xFFFFFF50];
	v63 =	vperm.xlane v41, v4;
	v59 =	vmul.f32 v49, v32;
	v53 =	vpop (erf)  }
0x4ce: {  	v62 =	vmul.f32 v49, v39;
	v31 =	vld [tilespmem:s15+$0xFFFFFF40];
	v42 =	vadd.f32 v61, v60;
	[tilespmem:s0+$0xFFFFFF10] =	vst v58;
	v44 =	vadd.f32 $1.000000000e+00, v53  }
0x4cf: {  	v32 =	vld [tilespmem:s15+$0xFFFFFF50];
	v56 =	vmul.f32 v49, v38;
	v41 =	vadd.f32 v41, v63;
	v63 =	vmul.f32 v49, v33;
	[tilespmem:s0+$0xFFFFFF20] =	vst v59  }
0x4d0: {  	v39 =	vld [tilespmem:s29+$0xFFFFFF60];
	[tilespmem:s0+$0xFFFFFF30] =	vst v62;
	v57 =	vperm.xlane v42, v1;
	(erf) = vrcp.f32 v44  }
0x4d1: {  	v45 =	vadd.f32 $0.0e+00, v54;
	v38 =	vld [tilespmem:s15+$0xFFFFFF60];
	v59 =	vmul.f32 v49, v37;
	[tilespmem:s0+$0xFFFFFF40] =	vst v56;
	v41 =	vsub.f32 $0.0e+00, v41  }
0x4d2: {  	v40 =	vld [tilespmem:s29+$0xFFFFFF70];
	v58 =	vmul.f32 v30, v46;
	v61 =	vmul.f32 v49, v36;
	[tilespmem:s0+$0xFFFFFF70] =	vst v63;
	v42 =	vadd.f32 v42, v57  }
0x4d3: {  	v48 =	vadd.f32 $0.0e+00, v55;
	v37 =	vld [tilespmem:s15+$0xFFFFFF70];
	[tilespmem:s0+$0xFFFFFF50] =	vst v59;
	v60 =	vmul.f32 v31, v52;
	v62 =	vmul.f32 $1.442695020e+00, v41  }
0x4d4: {  	s23 =	simm.s32 $0x4;
	v33 =	vld [tilespmem:s15+$0xFFFFFF80];
	v45 =	vadd.f32 v58, v45;
	[tilespmem:s0+$0xFFFFFF60] =	vst v61;
	v36 =	vmul.f32 v32, v47;
	v46 =	vperm.xlane v42, v2  }
0x4d5: {  	s24 =	simm.s32 $0x19F0;
	s22 =	simm.s32 $0x68F0;
	v43 =	vmul.f32 v49, v35;
	v41 =	vld [tilespmem:s29+$0xFFFFFF80];
	s12 =	rddreg [dreg:$0xe];
	v44 =	vadd.f32 v60, v48;
	(erf) = vpow2.f32 v62  }
.LBB2_22:
0x4d6: {  	v47 =	vld [tilespmem:s24+$0xFFFFFFF0];
	v45 =	vadd.f32 v36, v45;
	v48 =	vmul.f32 v38, v39;
	v39 =	vadd.f32 v42, v46;
	s15 =	sadd.s32 $0x100, s15;
	v36 =	vmovc v38  }
0x4d7: {  	v38 =	vld [tilespmem:s15+$0xFFFFFFF0];
	[tilespmem:s0+$0xFFFFFF80] =	vst v43;
	s0 =	smov.u32 s14;
	s14 =	smov.u32 s22;
	s22 =	smov.u32 s15  }
0x4d8: {  	v42 =	vld [tilespmem:s24+$0xFFFFFFD0];
	v43 =	vadd.f32 v48, v44;
	v40 =	vmul.f32 v37, v40;
	v44 =	vperm.xlane v39, v3;
	v35 =	vmovc v37  }
0x4d9: {  	v37 =	vld [tilespmem:s15+$0xFFFFFFD0];
	v46 =	vpop (erf)  }
0x4da: {  	v48 =	vld [tilespmem:s24+$0xFFFFFFB0];
	v41 =	vmul.f32 v33, v41;
	v39 =	vadd.f32 v39, v44;
	v44 =	vmul.f32 v46, v10;
	v10 =	vmovc v34  }
0x4db: {  	v40 =	vadd.f32 v40, v45;
	v45 =	vmul.f32 v46, v8;
	v19 =	vmul.f32 v46, v19;
	v8 =	vmovc v23;
	v34 =	vld [tilespmem:s15+$0xFFFFFFB0]  }
0x4dc: {  	v50 =	vmul.f32 v46, v7;
	v49 =	vld [tilespmem:s24+$0xFFFFFF90];
	v41 =	vadd.f32 v41, v43;
	v43 =	vperm.xlane v39, v4;
	[tilespmem:s0+$0x0] =	vst v44  }
0x4dd: {  	v52 =	vmul.f32 v46, v16;
	v7 =	vmovc v25;
	v44 =	vmul.f32 v46, v6;
	v6 =	vmov v22;
	v23 =	vld [tilespmem:s15+$0xFFFFFF90];
	[tilespmem:s0+$0xFFFFFF90] =	vst v45  }
0x4de: {  	v45 =	vld [tilespmem:s24+$0xFFFFFFA0];
	v40 =	vadd.f32 v41, v40;
	v51 =	vadd.f32 v39, v43;
	[tilespmem:s0+$0xFFFFFFA0] =	vst v19;
	v39 =	vmul.f32 v46, v13;
	v13 =	vpop (erf)  }
0x4df: {  	s23 =	sadd.s32 $0x2, s23;
	v43 =	vmul.f32 v46, v5;
	v5 =	vmovc v14;
	v14 =	vmovc v38;
	v22 =	vmov v37;
	v41 =	vld [tilespmem:s15+$0xFFFFFFA0];
	v53 =	vadd.f32 $1.000000000e+00, v13;
	[tilespmem:s0+$0xFFFFFFB0] =	vst v50  }
0x4e0: {  	p0 =	slt.u32 s23, $0x26;
	v16 =	vmovc v24;
	v19 =	vmovc v28;
	v37 =	vld [tilespmem:s24+$0xFFFFFFC0];
	v38 =	vperm.xlane v40, v1;
	v46 =	vsub.f32 $0.0e+00, v51;
	[tilespmem:s0+$0xFFFFFFC0] =	vst v52;
	v25 =	vmov v34  }
0x4e1: {  	v13 =	vmov v27;
	v24 =	vld [tilespmem:s15+$0xFFFFFFC0];
	[tilespmem:s0+$0xFFFFFFD0] =	vst v44;
	(erf) = vrcp.f32 v53  }
0x4e2: {  	v44 =	vld [tilespmem:s24+$0xFFFFFFE0];
	v38 =	vadd.f32 v40, v38;
	v34 =	vmul.f32 $1.442695020e+00, v46;
	[tilespmem:s0+$0xFFFFFFE0] =	vst v39  }
0x4e3: {  	v39 =	vmul.f32 v23, v49;
	v27 =	vld [tilespmem:s15+$0xFFFFFFE0];
	[tilespmem:s0+$0xFFFFFFF0] =	vst v43  }
0x4e4: {  	v40 =	vmul.f32 v41, v45;
	v43 =	vld [tilespmem:s24+$0x0];
	(erf) = vpow2.f32 v34;
	v28 =	vmov v41  }
0x4e5: {  	v41 =	vmul.f32 v25, v48;
	v45 =	vperm.xlane v38, v2;
	v34 =	vld [tilespmem:s15+$0x0]  }
0x4e6: {  	v39 =	vadd.f32 $0.0e+00, v39;
	v46 =	vld [tilespmem:s15+$0xFFFFFF10];
	v40 =	vadd.f32 $0.0e+00, v40;
	v37 =	vmul.f32 v24, v37  }
0x4e7: {  	v42 =	vmul.f32 v22, v42;
	v38 =	vadd.f32 v38, v45;
	v48 =	vld [tilespmem:s24+$0xFFFFFF20]  }
0x4e8: {  	v39 =	vadd.f32 v41, v39;
	v45 =	vld [tilespmem:s15+$0xFFFFFF20];
	v37 =	vadd.f32 v37, v40;
	v40 =	vmul.f32 v27, v44  }
0x4e9: {  	v44 =	vmul.f32 v14, v47;
	v47 =	vperm.xlane v38, v3;
	v41 =	vld [tilespmem:s24+$0xFFFFFF10]  }
0x4ea: {  	v39 =	vadd.f32 v42, v39;
	v49 =	vld [tilespmem:s24+$0xFFFFFF30];
	v37 =	vadd.f32 v40, v37;
	v40 =	vmul.f32 v34, v43;
	v43 =	vpop (erf)  }
0x4eb: {  	v38 =	vadd.f32 v38, v47;
	v42 =	vld [tilespmem:s15+$0xFFFFFF30];
	v47 =	vmul.f32 v43, v9;
	v50 =	vmul.f32 v43, v12;
	v9 =	vmovc v26  }
0x4ec: {  	v39 =	vadd.f32 v44, v39;
	v53 =	vmul.f32 v43, v20;
	v26 =	vmovc v46;
	v51 =	vld [tilespmem:s24+$0xFFFFFF40];
	v37 =	vadd.f32 v40, v37  }
0x4ed: {  	v12 =	vmov v29;
	v46 =	vperm.xlane v38, v4;
	v40 =	vmul.f32 v45, v48;
	v44 =	vld [tilespmem:s15+$0xFFFFFF40];
	v48 =	vpop (erf);
	[tilespmem:s0+$0xFFFFFF10] =	vst v47  }
0x4ee: {  	v29 =	vmovc v45;
	v41 =	vmul.f32 v26, v41;
	v47 =	vld [tilespmem:s24+$0xFFFFFF50];
	v37 =	vadd.f32 v37, v39;
	v48 =	vadd.f32 $1.000000000e+00, v48;
	[tilespmem:s0+$0xFFFFFF20] =	vst v50  }
0x4ef: {  	v20 =	vmovc v30;
	v45 =	vmul.f32 v43, v15;
	v50 =	vadd.f32 $0.0e+00, v40;
	v52 =	vld [tilespmem:s15+$0xFFFFFF50];
	v40 =	vadd.f32 v38, v46;
	[tilespmem:s0+$0xFFFFFF30] =	vst v53  }
0x4f0: {  	v15 =	vmovc v31;
	v41 =	vadd.f32 $0.0e+00, v41;
	v39 =	vld [tilespmem:s24+$0xFFFFFF60];
	v46 =	vperm.xlane v37, v1;
	(erf) = vrcp.f32 v48;
	v30 =	vmovc v42  }
.Ltmp14:
0x4f1: {  	v53 =	vmul.f32 v43, v11;
	v11 =	vmovc v32;
	v48 =	vmul.f32 v30, v49;
	v38 =	vld [tilespmem:s15+$0xFFFFFF60];
	v49 =	vsub.f32 $0.0e+00, v40;
	[tilespmem:s0+$0xFFFFFF40] =	vst v45;
	(pc) =	sbr.rel @p0 .LBB2_22-.Ltmp14, $4  }
0x4f2: {  	v54 =	vmul.f32 v44, v51;
	v40 =	vld [tilespmem:s24+$0xFFFFFF70];
	v42 =	vadd.f32 v37, v46;
	v51 =	vmul.f32 v43, v17;
	v31 =	vmovc v44  }
0x4f3: {  	v17 =	vmovc v36;
	v45 =	vadd.f32 v48, v41;
	v37 =	vld [tilespmem:s15+$0xFFFFFF70];
	v48 =	vmul.f32 $1.442695020e+00, v49;
	[tilespmem:s0+$0xFFFFFF50] =	vst v53;
	v49 =	vmul.f32 v43, v21  }
0x4f4: {  	v44 =	vadd.f32 v54, v50;
	v36 =	vmul.f32 v52, v47;
	v41 =	vld [tilespmem:s24+$0xFFFFFF80];
	v46 =	vperm.xlane v42, v2;
	[tilespmem:s0+$0xFFFFFF60] =	vst v51  }
0x4f5: {  	v43 =	vmul.f32 v43, v18;
	v21 =	vmovc v35;
	v18 =	vmovc v33;
	s24 =	sadd.s32 $0x100, s24;
	v32 =	vmov v52;
	(erf) = vpow2.f32 v48;
	[tilespmem:s0+$0xFFFFFF70] =	vst v49;
	v33 =	vld [tilespmem:s15+$0xFFFFFF80]  }
0x4f6: {  	_ =	sdelay $0x1  }
0x4f7: {  	v35 =	vmul.f32 v38, v39  }
0x4f8: {  	v36 =	vadd.f32 v36, v45;
	v50 =	vadd.f32 v42, v46  }
0x4f9: {  	v35 =	vadd.f32 v35, v44;
	v40 =	vmul.f32 v37, v40;
	v41 =	vmul.f32 v33, v41  }
0x4fa: {  	v42 =	vperm.xlane v50, v3  }
0x4fb: {  	v36 =	vadd.f32 v40, v36;
	v35 =	vadd.f32 v41, v35  }
0x4fc: {  	v39 =	vadd.f32 v50, v42  }
0x4fd: {  	v35 =	vadd.f32 v35, v36  }
0x4fe: {  	v51 =	vperm.xlane v39, v4  }
0x4ff: {  	v52 =	vperm.xlane v35, v1  }
0x500: {  	v36 =	vadd.f32 v39, v51  }
0x501: {  	v53 =	vpop (erf);
	v35 =	vadd.f32 v35, v52  }
0x502: {  	v54 =	vpop (erf);
	v36 =	vsub.f32 $0.0e+00, v36  }
0x503: {  	v40 =	vadd.f32 $1.000000000e+00, v54;
	v55 =	vperm.xlane v35, v2  }
0x504: {  	v36 =	vmul.f32 $1.442695020e+00, v36  }
0x505: {  	(erf) = vrcp.f32 v40;
	v35 =	vadd.f32 v35, v55  }
0x506: {  	(erf) = vpow2.f32 v36  }
0x507: {  	v56 =	vperm.xlane v35, v3;
	_ =	sdelay $0x1  }
0x508: {  	v35 =	vadd.f32 v35, v56;
	_ =	sdelay $0x1  }
0x509: {  	v36 =	vperm.xlane v35, v4;
	_ =	sdelay $0x1  }
0x50a: {  	v35 =	vadd.f32 v35, v36  }
0x50b: {  	v57 =	vpop (erf)  }
0x50c: {  	v58 =	vpop (erf);
	v35 =	vsub.f32 $0.0e+00, v35  }
0x50d: {  	v40 =	vadd.f32 $1.000000000e+00, v58  }
0x50e: {  	v10 =	vmul.f32 v53, v10;
	v35 =	vmul.f32 $1.442695020e+00, v35  }
0x50f: {  	[tilespmem:s0+$0xFFFFFF80] =	vst v43;
	v8 =	vmul.f32 v53, v8;
	(erf) = vrcp.f32 v40  }
0x510: {  	v19 =	vmul.f32 v53, v19;
	[tilespmem:s14+$0x0] =	vst v10;
	(erf) = vpow2.f32 v35  }
0x511: {  	v7 =	vmul.f32 v53, v7;
	[tilespmem:s14+$0xFFFFFF90] =	vst v8  }
0x512: {  	v6 =	vmul.f32 v53, v6;
	[tilespmem:s14+$0xFFFFFFA0] =	vst v19  }
0x513: {  	v59 =	vmul.f32 v53, v16;
	[tilespmem:s14+$0xFFFFFFB0] =	vst v7  }
0x514: {  	v5 =	vmul.f32 v53, v5;
	[tilespmem:s14+$0xFFFFFFD0] =	vst v6;
	v6 =	vmul.f32 v57, v9  }
0x515: {  	v7 =	vmul.f32 v53, v13;
	[tilespmem:s14+$0xFFFFFFC0] =	vst v59  }
0x516: {  	[tilespmem:s14+$0xFFFFFFF0] =	vst v5  }
0x517: {  	[tilespmem:s14+$0xFFFFFFE0] =	vst v7;
	v5 =	vmul.f32 v57, v12  }
0x518: {  	v7 =	vmul.f32 v57, v20;
	[tilespmem:s14+$0xFFFFFF10] =	vst v6;
	v6 =	vpop (erf)  }
0x519: {  	[tilespmem:s14+$0xFFFFFF20] =	vst v5;
	v5 =	vmul.f32 v57, v15;
	v60 =	vpop (erf)  }
0x51a: {  	[tilespmem:s14+$0xFFFFFF30] =	vst v7;
	v7 =	vmul.f32 v57, v11;
	v8 =	vadd.f32 $1.000000000e+00, v60  }
0x51b: {  	[tilespmem:s14+$0xFFFFFF40] =	vst v5;
	v5 =	vmul.f32 v57, v17  }
0x51c: {  	[tilespmem:s14+$0xFFFFFF50] =	vst v7;
	v7 =	vmul.f32 v57, v21;
	(erf) = vrcp.f32 v8  }
0x51d: {  	[tilespmem:s14+$0xFFFFFF60] =	vst v5;
	v5 =	vmul.f32 v57, v18  }
0x51e: {  	[tilespmem:s14+$0xFFFFFF70] =	vst v7;
	v7 =	vmul.f32 v6, v34  }
0x51f: {  	[tilespmem:s14+$0xFFFFFF80] =	vst v5;
	v5 =	vmul.f32 v6, v23  }
0x520: {  	v61 =	vmul.f32 v6, v28;
	[tilespmem:s22+$0x0] =	vst v7  }
0x521: {  	v62 =	vmul.f32 v6, v22;
	[tilespmem:s22+$0xFFFFFF90] =	vst v5  }
0x522: {  	v7 =	vmul.f32 v6, v25;
	[tilespmem:s22+$0xFFFFFFA0] =	vst v61  }
0x523: {  	v5 =	vmul.f32 v6, v24;
	[tilespmem:s22+$0xFFFFFFD0] =	vst v62  }
0x524: {  	[tilespmem:s22+$0xFFFFFFB0] =	vst v7;
	v7 =	vmul.f32 v6, v27  }
0x525: {  	[tilespmem:s22+$0xFFFFFFC0] =	vst v5;
	v5 =	vmul.f32 v6, v14;
	v6 =	vpop (erf)  }
0x526: {  	[tilespmem:s22+$0xFFFFFFE0] =	vst v7;
	v7 =	vmul.f32 v6, v26  }
0x527: {  	[tilespmem:s22+$0xFFFFFFF0] =	vst v5;
	v5 =	vmul.f32 v6, v29  }
0x528: {  	v63 =	vmul.f32 v6, v30;
	[tilespmem:s22+$0xFFFFFF10] =	vst v7  }
0x529: {  	[tilespmem:s22+$0xFFFFFF20] =	vst v5;
	v5 =	vmul.f32 v6, v31  }
0x52a: {  	[tilespmem:s22+$0xFFFFFF30] =	vst v63;
	v7 =	vmul.f32 v6, v32  }
0x52b: {  	[tilespmem:s22+$0xFFFFFF40] =	vst v5;
	v5 =	vmul.f32 v6, v38  }
0x52c: {  	[tilespmem:s22+$0xFFFFFF50] =	vst v7;
	v7 =	vmul.f32 v6, v37  }
0x52d: {  	[tilespmem:s22+$0xFFFFFF60] =	vst v5;
	v5 =	vmul.f32 v6, v33  }
0x52e: {  	[tilespmem:s22+$0xFFFFFF70] =	vst v7  }
0x52f: {  	s26 =	simm.s32 $0x6600;
	[tilespmem:s22+$0xFFFFFF80] =	vst v5  }
0x530: {  	[spmem:s3] =	stream.indirect.scatter.add.f32 [tilespmem:s26], [sflag:$0xA], $0x80, s21, s19, $0xb8;
	[tilespmem:$0x1DA80] =	vst v63  }
0x531: {  	_ =	swait.ge [sflag:s17], $0x1400  }
0x532: {  	s28 =	sadd.s32 $0x0, s5;
	[sflag:s17] =	ssyncset.done $0x0  }
0x533: {  	s15 =	simm.s32 $0x1;
	s0 =	simm.s32 $0x10;
	[sflag:s17] =	ssyncadd.s32 $0xFFFFEC00  }
0x534: {  	p0 =	sgt.u32 s28, $0xF9;
	p1 =	slt.u32 s28, $0xFA;
	[bflag:$0x0] =	sbarrier.arrive $0xFFFF  }
0x535: {  	s15 =	simm.s32 @!p1 $0x0;
	s22 =	sshll.u32 @!p0 s5, $0x6;
	s24 =	rddreg [dreg:$0xd]  }
0x536: {  	s29 =	sor.u32 @!p0 $0x1C0D, s22;
	s22 =	sadd.s32 $0x0, s15;
	s23 =	rddreg [dreg:$0xc]  }
0x537: {  	s14 =	sadd.s32 $0x2800, s24;
	s26 =	sshrl.u32 @!p0 s23, $0x3;
	s23 =	sadd.s32 $0x14000, s23  }
.LBB2_24:
0x538: {  	s15 =	smov.u32 s22  }
0x539: {  	[hbm:s24], [sflag:s29] =	dma.local @!p0 [spmem:s26], $0x280  }
0x53a: {  	s24 =	smov.u32 s0;
	s0 =	sadd.s32 $0x10, s0  }
0x53b: {  	p1 =	seq.s32 s0, $0x100  }
.Ltmp15:
0x53c: {  	(pc) =	sbr.rel @!p1 .LBB2_24-.Ltmp15, $4  }
0x53d: {  	s28 =	simm.s32 $0x1;
	s26 =	sadd.s32 s24, s5;
	s24 =	smov.u32 s14  }
0x53e: {  	s14 =	sadd.s32 $0x2800, s14;
	p0 =	sgt.u32 s26, $0xF9;
	p2 =	slt.u32 s26, $0xFA  }
0x53f: {  	s29 =	sshll.u32 @!p0 s5, $0x6;
	s26 =	sshrl.u32 @!p0 s23, $0x3;
	s28 =	simm.s32 @!p2 $0x0  }
0x540: {  	s23 =	sadd.s32 $0x14000, s23;
	s29 =	sor.u32 @!p0 $0x1C0D, s29;
	s22 =	sadd.s32 s28, s22  }
0x541: {  	[hbm:s24], [sflag:s29] =	dma.local @!p0 [spmem:s26], $0x280  }
0x542: {  	p0 =	slt.s32 s22, $0x1  }
.Ltmp16:
0x543: {  	_ = 	snop;
	(pc) =	sbr.rel @p0 .LBB2_29-.Ltmp16, $1  }
0x544: {  	_ =	sdelay $0x3  }
0x545: {  	s0 =	sadd.s32 s28, s15  }
0x546: {  	p0 =	sne.s32 s0, $0x1  }
.Ltmp17:
0x547: {  	_ = 	snop;
	(pc) =	sbr.rel @!p0 .LBB2_28-.Ltmp17, $3  }
0x548: {  	_ =	sdelay $0x1  }
0x549: {  	_ =	swait.ge [sflag:s18], $0x280  }
0x54a: {  	s0 =	sadd.s32 $0xFFFFFFFF, s0;
	[sflag:s18] =	ssyncset.done $0x0  }
.LBB2_27:
0x54b: {  	p0 =	sne.s32 s0, $0x1;
	s0 =	sadd.s32 $0xFFFFFFFF, s0;
	[sflag:s18] =	ssyncadd.s32 $0xFFFFFD80  }
.Ltmp18:
0x54c: {  	(pc) =	sbr.rel @p0 .LBB2_27-.Ltmp18, $3  }
0x54d: {  	_ =	sdelay $0x1  }
0x54e: {  	_ =	swait.ge [sflag:s18], $0x280  }
0x54f: {  	[sflag:s18] =	ssyncset.done $0x0  }
.Ltmp19:
0x550: {  	_ = 	snop;
	(pc) =	sbr.rel .LBB2_28-.Ltmp19, $1  }
0x551: {  	_ =	sdelay $0x3  }
.LBB2_30:
0x552: {  	_ =	sfence.sel $0x180000  }
0x553: {  	[bflag:$0x0] =	sbarrier.arrive $0xFFFF  }
0x554: {  	_ =	strace $0x90000047  }
0x555: {  	[bflag:$0x2] =	sbarrier.arrive $0xFFFF  }
0x556: {  	p0 =	sne.s32 s5, $0x0;
	s0 =	rddreg [dreg:$0x4]  }
0x557: {  	s0 =	sadd.s32 @!p0 $0x100000, s0  }
0x558: {  	[sflag:s0] =	ssyncadd.tile.s32 @!p0 $0x1;
	_ =	shalt  }
.Lfunc_end2:
_tile_overlayer_lowered:
.L_overlay_start_2:
0x559: {  	(tag) =	ssettag $0x2  }
0x55a: {  	s0 =	rddreg [dreg:$0x0];
	s2 =	stileid.u32  }
0x55b: {  	s1 =	rddreg [dreg:$0x1];
	p0 =	sne.s32 s2, $0x0  }
0x55c: {  	s3 =	rddreg [dreg:$0x2];
	[bflag:$0x3] =	sbarrier.arrive $0xFFFF;
	s2 =	simm.s32 @!p0 $0x1C0E  }
0x55d: {  	[timem:s3], [sflag:s2] =	dma.local @!p0 [hbm:s0], s1  }
0x55e: {  	s0 =	simm.s32 @!p0 $0xE  }
0x55f: {  	_ =	swait.ge @!p0 [sflag:s0], s1  }
0x560: {  	s1 =	ssub.s32 @!p0 $0x0, s1;
	[sflag:s0] =	ssyncset.done @!p0 $0x0  }
0x561: {  	[sflag:s0] =	ssyncadd.s32 @!p0 s1  }
0x562: {  	[bflag:$0x3] =	sbarrier.arrive $0xFFFF  }
0x563: {  	_ =	shalt  }

</sc_bundles>
